<compile_context>
chip_gen: v7x
topology: tpu7x:2x2x1
jax: 0.10.2.dev20260603
libtpu: 0.0.44.dev20260713+nightly
codegen_flags: <defaults>
</compile_context>

<pallas_src>
import functools

import jax
import jax.numpy as jnp
from jax import lax
from jax.experimental import pallas as pl
from jax.experimental.pallas import tpu as pltpu
from jax.experimental.pallas import tpu_sc as plsc

F, B, L = 26, 4096, 20
VOCAB, DIM = 100000, 32
LANES = 16
NC, NS = 2, 16
NW = NC * NS

BAGS = F * B
BAGS_PER_W = BAGS // NW
CHUNK_BAGS = 64
N_CHUNKS = BAGS_PER_W // CHUNK_BAGS
N_PAIRS = N_CHUNKS // 2
CHUNKS_PER_F = B // CHUNK_BAGS
VPB = CHUNK_BAGS // LANES


def _pool_body(idx_hbm, tbl_hbm, out_hbm,
               raw_v, idx_v0, idx_v1, rows_v0, rows_v1, out_v,
               sem0, sem1):
    wid = lax.axis_index("s") * NC + lax.axis_index("c")
    lane_iota = lax.iota(jnp.int32, LANES)

    def coords(k):
        g = wid * N_CHUNKS + k
        f = g // CHUNKS_PER_F
        b0 = (g % CHUNKS_PER_F) * CHUNK_BAGS
        return f, b0

    def launch(k, idx_v, rows_v, sem):
        f, b0 = coords(k)
        pltpu.sync_copy(idx_hbm.at[f, :, pl.ds(b0, CHUNK_BAGS)], raw_v)
        off_vec = jnp.full((LANES,), f * VOCAB, dtype=jnp.int32)

        def remap_body(t, _):
            r = t // VPB
            c = (t % VPB) * LANES
            idx_v[r, pl.ds(c, LANES)] = lax.rem(raw_v[r, pl.ds(c, LANES)],
                                                VOCAB) + off_vec
            return 0

        lax.fori_loop(0, L * VPB, remap_body, 0)
        for l in range(L):
            pltpu.async_copy(tbl_hbm.at[idx_v.at[l]], rows_v.at[l], sem)

    def finish(k, idx_v, rows_v, sem):
        f, b0 = coords(k)
        for l in range(L):
            pltpu.make_async_copy(tbl_hbm.at[idx_v.at[l]], rows_v.at[l],
                                  sem).wait()

        def bag_body(b, _):
            a0 = rows_v[0, b, pl.ds(0, LANES)]
            a1 = rows_v[0, b, pl.ds(LANES, LANES)]
            for l in range(1, L):
                a0 = a0 + rows_v[l, b, pl.ds(0, LANES)]
                a1 = a1 + rows_v[l, b, pl.ds(LANES, LANES)]
            b_vec = jnp.full((LANES,), b, dtype=jnp.int32)
            plsc.store_scatter(out_v, [lane_iota, b_vec], a0)
            plsc.store_scatter(out_v, [lane_iota + LANES, b_vec], a1)
            return 0

        lax.fori_loop(0, CHUNK_BAGS, bag_body, 0)
        pltpu.sync_copy(out_v.at[:, pl.ds(0, CHUNK_BAGS)],
                        out_hbm.at[f, :, pl.ds(b0, CHUNK_BAGS)])

    launch(0, idx_v0, rows_v0, sem0)

    def pair_body(p, _):
        c0 = 2 * p
        launch(c0 + 1, idx_v1, rows_v1, sem1)
        finish(c0, idx_v0, rows_v0, sem0)

        @pl.when(c0 + 2 < N_CHUNKS)
        def _():
            launch(c0 + 2, idx_v0, rows_v0, sem0)

        finish(c0 + 1, idx_v1, rows_v1, sem1)
        return 0

    lax.fori_loop(0, N_PAIRS, pair_body, 0)


@jax.jit
def kernel(indices, tables):
    idx_t = indices.transpose(0, 2, 1)
    tbl_flat = tables.reshape(F * VOCAB, DIM)

    mesh = plsc.VectorSubcoreMesh(core_axis_name="c", subcore_axis_name="s",
                                  num_cores=NC, num_subcores=NS)
    run = functools.partial(
        pl.kernel,
        out_type=jax.ShapeDtypeStruct((F, DIM, B), jnp.float32),
        mesh=mesh,
        scratch_types=[
            pltpu.VMEM((L, CHUNK_BAGS), jnp.int32),
            pltpu.VMEM((L, CHUNK_BAGS), jnp.int32),
            pltpu.VMEM((L, CHUNK_BAGS), jnp.int32),
            pltpu.VMEM((L, CHUNK_BAGS, DIM), jnp.float32),
            pltpu.VMEM((L, CHUNK_BAGS, DIM), jnp.float32),
            pltpu.VMEM((DIM, CHUNK_BAGS + 1), jnp.float32),
            pltpu.SemaphoreType.DMA,
            pltpu.SemaphoreType.DMA,
        ],
        compiler_params=pltpu.CompilerParams(use_tc_tiling_on_sc=False,
                                             needs_layout_passes=False),
    )(_pool_body)
    out_t = run(idx_t, tbl_flat)
    return out_t.transpose(0, 2, 1)

# --- scband reference (transcript-rebuilt; emitter-appended) ---
"""Pipeline reference for scband-mc-embedding-bag-collection-adapter-74672301408694 (READ-ONLY COPY).

The authoritative reference and input builder live on the scoring server;
editing this copy changes nothing except your own understanding.
"""

import jax, jax.numpy as jnp
import numpy as np

# Shapes: F sparse features (one table each), batch B, bag length L
F, B, L = 26, 4096, 20
VOCAB, DIM = 100000, 32       # zch_size (num_embeddings) and embedding_dim per table
INPUT_HASH_SIZE = 2147483647  # upper bound of raw input feature values


def setup_inputs(seed: int = 0) -> dict:
    key = jax.random.key(seed)
    k1, k2 = jax.random.split(key)
    # Raw (un-remapped) sparse ids in [0, INPUT_HASH_SIZE) -- KJT of form [F x B x L]
    indices = jax.random.randint(k1, (F, B, L), 0, INPUT_HASH_SIZE, dtype=jnp.int32)
    # Stacked embedding tables for the EmbeddingBagCollection: [F, VOCAB, DIM]
    tables = jax.random.normal(k2, (F, VOCAB, DIM), dtype=jnp.float32) * 0.01
    return {"indices": indices, "tables": tables}


def reference(indices, tables):
    """Managed-collision (ZCH hash remap) + EmbeddingBagCollection (sum pooling).

    1. ManagedCollisionCollection: remap raw ids from [0, input_hash_size)
       into the zch table range [0, zch_size) via a hash (modulo) mapping.
    2. EmbeddingBagCollection: per-feature table gather + sum pooling over the bag dim.
    Returns pooled embeddings [F, B, DIM] (one pooled JaggedTensor per feature).
    """
    zch_size = tables.shape[1]
    # HashZchManagedCollisionModule: hash raw id into zch bucket range
    remapped = jnp.mod(indices, zch_size)  # [F, B, L], values in [0, zch_size)
    # Per-feature embedding gather: [F, B, L, DIM]
    gathered = jax.vmap(lambda t, idx: jnp.take(t, idx, axis=0))(tables, remapped)
    # EmbeddingBag default 'sum' pooling over bag/list dimension L
    pooled = jnp.sum(gathered, axis=2)  # [F, B, DIM]
    return pooled

if __name__ == "__main__":
    import jax
    _d = setup_inputs()
    print(jax.jit(kernel)(*tuple(_d.values())))

</pallas_src>

<mosaic_0001>
#map = affine_map<(d0, d1) -> (0, 0, 0)>
#map1 = affine_map<(d0, d1) -> (0, 0)>
module attributes {stable_mosaic.version = 14 : i64} {
  func.func @_pool_body(%arg0: i32, %arg1: i32, %arg2: memref<26x20x4096xi32, #tpu.memory_space<hbm>>, %arg3: memref<2600000x32xf32, #tpu.memory_space<hbm>>, %arg4: memref<26x32x4096xf32, #tpu.memory_space<hbm>>, %arg5: memref<20x64xi32, #tpu.memory_space<vmem>>, %arg6: memref<20x64xi32, #tpu.memory_space<vmem>>, %arg7: memref<20x64xi32, #tpu.memory_space<vmem>>, %arg8: memref<20x64x32xf32, #tpu.memory_space<vmem>>, %arg9: memref<20x64x32xf32, #tpu.memory_space<vmem>>, %arg10: memref<32x65xf32, #tpu.memory_space<vmem>>, %arg11: memref<!tpu.dma_semaphore, #tpu.memory_space<semaphore_mem>>, %arg12: memref<!tpu.dma_semaphore, #tpu.memory_space<semaphore_mem>>) attributes {dimension_semantics = [#tpu.dimension_semantics<core_parallel>, #tpu.dimension_semantics<subcore_parallel>], iteration_bounds = array<i64: 2, 16>, scalar_prefetch = 0 : i64, scratch_operands = 8 : i64, tpu.core_type = #tpu.core_type<sc_vector_subcore>, window_params = [{transform_indices = #map}, {transform_indices = #map1}, {transform_indices = #map}]} {
    %mul3A = arith.constant 2 : i32
    %mul3A_0 = arith.muli %arg1, %mul3A : i32
    %add3A = arith.addi %mul3A_0, %arg0 : i32
    %iota3A = tpu.iota {dimensions = array<i32: 0>} : vector<16xi32>
    %mul3A_1 = arith.constant 52 : i32
    %mul3A_2 = arith.muli %add3A, %mul3A_1 : i32
    %add3A_3 = arith.constant 0 : i32
    %add3A_4 = arith.addi %mul3A_2, %add3A_3 : i32
    %jit3A = arith.constant 64 : i32
    %div3A = arith.divsi %add3A_4, %jit3A : i32
    %sign3A = arith.constant 0 : i32
    %sign3A_5 = arith.cmpi sgt, %add3A_4, %sign3A : i32
    %sign3A_6 = arith.extui %sign3A_5 : i1 to i32
    %sign3A_7 = arith.constant 0 : i32
    %sign3A_8 = arith.cmpi slt, %add3A_4, %sign3A_7 : i32
    %sign3A_9 = arith.extui %sign3A_8 : i1 to i32
    %sign3A_10 = arith.subi %sign3A_6, %sign3A_9 : i32
    %sign3A_11 = arith.constant 0 : i32
    %sign3A_12 = arith.cmpi sgt, %jit3A, %sign3A_11 : i32
    %sign3A_13 = arith.extui %sign3A_12 : i1 to i32
    %sign3A_14 = arith.constant 0 : i32
    %sign3A_15 = arith.cmpi slt, %jit3A, %sign3A_14 : i32
    %sign3A_16 = arith.extui %sign3A_15 : i1 to i32
    %sign3A_17 = arith.subi %sign3A_13, %sign3A_16 : i32
    %ne3A = arith.cmpi ne, %sign3A_10, %sign3A_17 : i32
    %rem3A = arith.remsi %add3A_4, %jit3A : i32
    %ne3A_18 = arith.constant 0 : i32
    %ne3A_19 = arith.cmpi ne, %rem3A, %ne3A_18 : i32
    %and3A = arith.andi %ne3A, %ne3A_19 : i1
    %sub3A = arith.constant 1 : i32
    %sub3A_20 = arith.subi %div3A, %sub3A : i32
    %select_n3A = arith.select %and3A, %sub3A_20, %div3A : i32
    %jit3A_21 = arith.constant 64 : i32
    %eq3A = arith.constant 0 : i32
    %eq3A_22 = arith.cmpi eq, %jit3A_21, %eq3A : i32
    %jit3A_23 = arith.constant 1 : i32
    %select_n3A_24 = arith.select %eq3A_22, %jit3A_23, %jit3A_21 : i32
    %rem3A_25 = arith.remsi %add3A_4, %select_n3A_24 : i32
    %ne3A_26 = arith.constant 0 : i32
    %ne3A_27 = arith.cmpi ne, %rem3A_25, %ne3A_26 : i32
    %lt3A = arith.constant 0 : i32
    %lt3A_28 = arith.cmpi slt, %rem3A_25, %lt3A : i32
    %lt3A_29 = arith.constant 0 : i32
    %lt3A_30 = arith.cmpi slt, %select_n3A_24, %lt3A_29 : i32
    %ne3A_31 = arith.xori %lt3A_28, %lt3A_30 : i1
    %and3A_32 = arith.andi %ne3A_31, %ne3A_27 : i1
    %add3A_33 = arith.addi %rem3A_25, %select_n3A_24 : i32
    %select_n3A_34 = arith.select %and3A_32, %add3A_33, %rem3A_25 : i32
    %mul3A_35 = arith.constant 64 : i32
    %mul3A_36 = arith.muli %select_n3A_34, %mul3A_35 : i32
    "tpu.region"() ({
      %run_scoped3A = tpu.sem_alloc : memref<!tpu.dma_semaphore, #tpu.memory_space<semaphore_mem>>
      %dma_start3A_291 = arith.constant 0 : i32
      %dma_start3A_292 = tpu.memref_slice %arg2[%select_n3A, %dma_start3A_291, %mul3A_36] : memref<26x20x4096xi32, #tpu.memory_space<hbm>> -> memref<1x20x64xi32, #tpu.memory_space<hbm>>
      %dma_start3A_293 = tpu.memref_squeeze %dma_start3A_292 : memref<1x20x64xi32, #tpu.memory_space<hbm>> -> memref<20x64xi32, #tpu.memory_space<hbm>>
      %dma_start3A_294 = arith.constant 0 : i32
      %dma_start3A_295 = tpu.memref_slice %arg2[%select_n3A, %dma_start3A_294, %mul3A_36] : memref<26x20x4096xi32, #tpu.memory_space<hbm>> -> memref<1x20x64xi32, #tpu.memory_space<hbm>>
      %dma_start3A_296 = tpu.memref_squeeze %dma_start3A_295 : memref<1x20x64xi32, #tpu.memory_space<hbm>> -> memref<20x64xi32, #tpu.memory_space<hbm>>
      tpu.enqueue_dma source(%dma_start3A_296 : memref<20x64xi32, #tpu.memory_space<hbm>>) target(%arg5 : memref<20x64xi32, #tpu.memory_space<vmem>>) target_semaphore(%run_scoped3A : memref<!tpu.dma_semaphore, #tpu.memory_space<semaphore_mem>>)
      %dma_wait3A = arith.constant 0 : i32
      %dma_wait3A_297 = tpu.memref_slice %arg2[%select_n3A, %dma_wait3A, %mul3A_36] : memref<26x20x4096xi32, #tpu.memory_space<hbm>> -> memref<1x20x64xi32, #tpu.memory_space<hbm>>
      %dma_wait3A_298 = tpu.memref_squeeze %dma_wait3A_297 : memref<1x20x64xi32, #tpu.memory_space<hbm>> -> memref<20x64xi32, #tpu.memory_space<hbm>>
      %dma_wait3A_299 = arith.constant 0 : i32
      %dma_wait3A_300 = tpu.memref_slice %arg2[%select_n3A, %dma_wait3A_299, %mul3A_36] : memref<26x20x4096xi32, #tpu.memory_space<hbm>> -> memref<1x20x64xi32, #tpu.memory_space<hbm>>
      %dma_wait3A_301 = tpu.memref_squeeze %dma_wait3A_300 : memref<1x20x64xi32, #tpu.memory_space<hbm>> -> memref<20x64xi32, #tpu.memory_space<hbm>>
      tpu.wait_dma2 semaphore(%run_scoped3A : memref<!tpu.dma_semaphore, #tpu.memory_space<semaphore_mem>>) src(%dma_wait3A_301 : memref<20x64xi32, #tpu.memory_space<hbm>>) dst(%arg5 : memref<20x64xi32, #tpu.memory_space<vmem>>)
      tpu.yield
    }) : () -> ()
    %mul3A_37 = arith.constant 100000 : i32
    %mul3A_38 = arith.muli %select_n3A, %mul3A_37 : i32
    %broadcast_in_dim3A = vector.broadcast %mul3A_38 : i32 to vector<16xi32>
    %scan3A = arith.constant 0 : i32
    %scan3A_39 = arith.constant 0 : i32
    %scan3A_40 = arith.constant 80 : i32
    %scan3A_41 = arith.addi %scan3A_39, %scan3A_40 : i32
    %scan3A_42 = arith.constant 1 : i32
    %scan3A_43 = scf.for %scan3A_291 = %scan3A_39 to %scan3A_41 step %scan3A_42 iter_args(%scan3A_292 = %scan3A) -> (i32)  : i32 {
      %jit3A_293 = arith.constant 4 : i32
      %div3A_294 = arith.divsi %scan3A_291, %jit3A_293 : i32
      %sign3A_295 = arith.constant 0 : i32
      %sign3A_296 = arith.cmpi sgt, %scan3A_291, %sign3A_295 : i32
      %sign3A_297 = arith.extui %sign3A_296 : i1 to i32
      %sign3A_298 = arith.constant 0 : i32
      %sign3A_299 = arith.cmpi slt, %scan3A_291, %sign3A_298 : i32
      %sign3A_300 = arith.extui %sign3A_299 : i1 to i32
      %sign3A_301 = arith.subi %sign3A_297, %sign3A_300 : i32
      %sign3A_302 = arith.constant 0 : i32
      %sign3A_303 = arith.cmpi sgt, %jit3A_293, %sign3A_302 : i32
      %sign3A_304 = arith.extui %sign3A_303 : i1 to i32
      %sign3A_305 = arith.constant 0 : i32
      %sign3A_306 = arith.cmpi slt, %jit3A_293, %sign3A_305 : i32
      %sign3A_307 = arith.extui %sign3A_306 : i1 to i32
      %sign3A_308 = arith.subi %sign3A_304, %sign3A_307 : i32
      %ne3A_309 = arith.cmpi ne, %sign3A_301, %sign3A_308 : i32
      %rem3A_310 = arith.remsi %scan3A_291, %jit3A_293 : i32
      %ne3A_311 = arith.constant 0 : i32
      %ne3A_312 = arith.cmpi ne, %rem3A_310, %ne3A_311 : i32
      %and3A_313 = arith.andi %ne3A_309, %ne3A_312 : i1
      %sub3A_314 = arith.constant 1 : i32
      %sub3A_315 = arith.subi %div3A_294, %sub3A_314 : i32
      %select_n3A_316 = arith.select %and3A_313, %sub3A_315, %div3A_294 : i32
      %jit3A_317 = arith.constant 4 : i32
      %eq3A_318 = arith.constant 0 : i32
      %eq3A_319 = arith.cmpi eq, %jit3A_317, %eq3A_318 : i32
      %jit3A_320 = arith.constant 1 : i32
      %select_n3A_321 = arith.select %eq3A_319, %jit3A_320, %jit3A_317 : i32
      %rem3A_322 = arith.remsi %scan3A_291, %select_n3A_321 : i32
      %ne3A_323 = arith.constant 0 : i32
      %ne3A_324 = arith.cmpi ne, %rem3A_322, %ne3A_323 : i32
      %lt3A_325 = arith.constant 0 : i32
      %lt3A_326 = arith.cmpi slt, %rem3A_322, %lt3A_325 : i32
      %lt3A_327 = arith.constant 0 : i32
      %lt3A_328 = arith.cmpi slt, %select_n3A_321, %lt3A_327 : i32
      %ne3A_329 = arith.xori %lt3A_326, %lt3A_328 : i1
      %and3A_330 = arith.andi %ne3A_329, %ne3A_324 : i1
      %add3A_331 = arith.addi %rem3A_322, %select_n3A_321 : i32
      %select_n3A_332 = arith.select %and3A_330, %add3A_331, %rem3A_322 : i32
      %mul3A_333 = arith.constant 16 : i32
      %mul3A_334 = arith.muli %select_n3A_332, %mul3A_333 : i32
      %get3A = arith.index_cast %select_n3A_316 : i32 to index
      %get3A_335 = arith.index_cast %mul3A_334 : i32 to index
      %get3A_336 = tpu.vector_load %arg5[%get3A, %get3A_335] {strides = array<i32>} : memref<20x64xi32, #tpu.memory_space<vmem>>, vector<16xi32>,
      %rem3A_337 = arith.constant 100000 : i32
      %rem3A_338 = vector.broadcast %rem3A_337 : i32 to vector<16xi32>
      %rem3A_339 = arith.remsi %get3A_336, %rem3A_338 : vector<16xi32>
      %add3A_340 = arith.addi %rem3A_339, %broadcast_in_dim3A : vector<16xi32>
      %swap3A = arith.index_cast %select_n3A_316 : i32 to index
      %swap3A_341 = arith.index_cast %mul3A_334 : i32 to index
      %swap3A_342 = tpu.vector_load %arg6[%swap3A, %swap3A_341] {strides = array<i32>} : memref<20x64xi32, #tpu.memory_space<vmem>>, vector<16xi32>,
      tpu.vector_store %arg6[%swap3A, %swap3A_341], %add3A_340 {strides = array<i32>} : memref<20x64xi32, #tpu.memory_space<vmem>>, vector<16xi32>,
      %scan3A_343 = arith.constant 0 : i32
      scf.yield %scan3A_343 : i32
    }
    %scan3A_44 = arith.constant 80 : i32
    %dma_start3A = arith.constant 0 : i32
    %dma_start3A_45 = arith.constant 0 : i32
    %dma_start3A_46 = arith.constant 0 : i32
    %dma_start3A_47 = arith.constant 0 : i32
    %dma_start3A_48 = tpu.memref_slice %arg8[%dma_start3A_45, %dma_start3A_46, %dma_start3A_47] : memref<20x64x32xf32, #tpu.memory_space<vmem>> -> memref<1x64x32xf32, #tpu.memory_space<vmem>>
    %dma_start3A_49 = tpu.memref_squeeze %dma_start3A_48 : memref<1x64x32xf32, #tpu.memory_space<vmem>> -> memref<64x32xf32, #tpu.memory_space<vmem>>
    %dma_start3A_50 = arith.constant 0 : i32
    %dma_start3A_51 = tpu.memref_slice %arg6[%dma_start3A, %dma_start3A_50] : memref<20x64xi32, #tpu.memory_space<vmem>> -> memref<1x64xi32, #tpu.memory_space<vmem>>
    %dma_start3A_52 = tpu.memref_squeeze %dma_start3A_51 : memref<1x64xi32, #tpu.memory_space<vmem>> -> memref<64xi32, #tpu.memory_space<vmem>>
    %dma_start3A_53 = arith.constant 0 : i32
    %dma_start3A_54 = arith.constant 0 : i32
    %dma_start3A_55 = tpu.memref_slice %arg3[%dma_start3A_53, %dma_start3A_54] : memref<2600000x32xf32, #tpu.memory_space<hbm>> -> memref<2600000x32xf32, #tpu.memory_space<hbm>>
    tpu.enqueue_indirect_dma source(%dma_start3A_55 : memref<2600000x32xf32, #tpu.memory_space<hbm>>) target(%dma_start3A_49 : memref<64x32xf32, #tpu.memory_space<vmem>>) offsets(%dma_start3A_52 : memref<64xi32, #tpu.memory_space<vmem>>) semaphore(%arg11 : memref<!tpu.dma_semaphore, #tpu.memory_space<semaphore_mem>>)
    %dma_start3A_56 = arith.constant 1 : i32
    %dma_start3A_57 = arith.constant 1 : i32
    %dma_start3A_58 = arith.constant 0 : i32
    %dma_start3A_59 = arith.constant 0 : i32
    %dma_start3A_60 = tpu.memref_slice %arg8[%dma_start3A_57, %dma_start3A_58, %dma_start3A_59] : memref<20x64x32xf32, #tpu.memory_space<vmem>> -> memref<1x64x32xf32, #tpu.memory_space<vmem>>
    %dma_start3A_61 = tpu.memref_squeeze %dma_start3A_60 : memref<1x64x32xf32, #tpu.memory_space<vmem>> -> memref<64x32xf32, #tpu.memory_space<vmem>>
    %dma_start3A_62 = arith.constant 0 : i32
    %dma_start3A_63 = tpu.memref_slice %arg6[%dma_start3A_56, %dma_start3A_62] : memref<20x64xi32, #tpu.memory_space<vmem>> -> memref<1x64xi32, #tpu.memory_space<vmem>>
    %dma_start3A_64 = tpu.memref_squeeze %dma_start3A_63 : memref<1x64xi32, #tpu.memory_space<vmem>> -> memref<64xi32, #tpu.memory_space<vmem>>
    %dma_start3A_65 = arith.constant 0 : i32
    %dma_start3A_66 = arith.constant 0 : i32
    %dma_start3A_67 = tpu.memref_slice %arg3[%dma_start3A_65, %dma_start3A_66] : memref<2600000x32xf32, #tpu.memory_space<hbm>> -> memref<2600000x32xf32, #tpu.memory_space<hbm>>
    tpu.enqueue_indirect_dma source(%dma_start3A_67 : memref<2600000x32xf32, #tpu.memory_space<hbm>>) target(%dma_start3A_61 : memref<64x32xf32, #tpu.memory_space<vmem>>) offsets(%dma_start3A_64 : memref<64xi32, #tpu.memory_space<vmem>>) semaphore(%arg11 : memref<!tpu.dma_semaphore, #tpu.memory_space<semaphore_mem>>)
    %dma_start3A_68 = arith.constant 2 : i32
    %dma_start3A_69 = arith.constant 2 : i32
    %dma_start3A_70 = arith.constant 0 : i32
    %dma_start3A_71 = arith.constant 0 : i32
    %dma_start3A_72 = tpu.memref_slice %arg8[%dma_start3A_69, %dma_start3A_70, %dma_start3A_71] : memref<20x64x32xf32, #tpu.memory_space<vmem>> -> memref<1x64x32xf32, #tpu.memory_space<vmem>>
    %dma_start3A_73 = tpu.memref_squeeze %dma_start3A_72 : memref<1x64x32xf32, #tpu.memory_space<vmem>> -> memref<64x32xf32, #tpu.memory_space<vmem>>
    %dma_start3A_74 = arith.constant 0 : i32
    %dma_start3A_75 = tpu.memref_slice %arg6[%dma_start3A_68, %dma_start3A_74] : memref<20x64xi32, #tpu.memory_space<vmem>> -> memref<1x64xi32, #tpu.memory_space<vmem>>
    %dma_start3A_76 = tpu.memref_squeeze %dma_start3A_75 : memref<1x64xi32, #tpu.memory_space<vmem>> -> memref<64xi32, #tpu.memory_space<vmem>>
    %dma_start3A_77 = arith.constant 0 : i32
    %dma_start3A_78 = arith.constant 0 : i32
    %dma_start3A_79 = tpu.memref_slice %arg3[%dma_start3A_77, %dma_start3A_78] : memref<2600000x32xf32, #tpu.memory_space<hbm>> -> memref<2600000x32xf32, #tpu.memory_space<hbm>>
    tpu.enqueue_indirect_dma source(%dma_start3A_79 : memref<2600000x32xf32, #tpu.memory_space<hbm>>) target(%dma_start3A_73 : memref<64x32xf32, #tpu.memory_space<vmem>>) offsets(%dma_start3A_76 : memref<64xi32, #tpu.memory_space<vmem>>) semaphore(%arg11 : memref<!tpu.dma_semaphore, #tpu.memory_space<semaphore_mem>>)
    %dma_start3A_80 = arith.constant 3 : i32
    %dma_start3A_81 = arith.constant 3 : i32
    %dma_start3A_82 = arith.constant 0 : i32
    %dma_start3A_83 = arith.constant 0 : i32
    %dma_start3A_84 = tpu.memref_slice %arg8[%dma_start3A_81, %dma_start3A_82, %dma_start3A_83] : memref<20x64x32xf32, #tpu.memory_space<vmem>> -> memref<1x64x32xf32, #tpu.memory_space<vmem>>
    %dma_start3A_85 = tpu.memref_squeeze %dma_start3A_84 : memref<1x64x32xf32, #tpu.memory_space<vmem>> -> memref<64x32xf32, #tpu.memory_space<vmem>>
    %dma_start3A_86 = arith.constant 0 : i32
    %dma_start3A_87 = tpu.memref_slice %arg6[%dma_start3A_80, %dma_start3A_86] : memref<20x64xi32, #tpu.memory_space<vmem>> -> memref<1x64xi32, #tpu.memory_space<vmem>>
    %dma_start3A_88 = tpu.memref_squeeze %dma_start3A_87 : memref<1x64xi32, #tpu.memory_space<vmem>> -> memref<64xi32, #tpu.memory_space<vmem>>
    %dma_start3A_89 = arith.constant 0 : i32
    %dma_start3A_90 = arith.constant 0 : i32
    %dma_start3A_91 = tpu.memref_slice %arg3[%dma_start3A_89, %dma_start3A_90] : memref<2600000x32xf32, #tpu.memory_space<hbm>> -> memref<2600000x32xf32, #tpu.memory_space<hbm>>
    tpu.enqueue_indirect_dma source(%dma_start3A_91 : memref<2600000x32xf32, #tpu.memory_space<hbm>>) target(%dma_start3A_85 : memref<64x32xf32, #tpu.memory_space<vmem>>) offsets(%dma_start3A_88 : memref<64xi32, #tpu.memory_space<vmem>>) semaphore(%arg11 : memref<!tpu.dma_semaphore, #tpu.memory_space<semaphore_mem>>)
    %dma_start3A_92 = arith.constant 4 : i32
    %dma_start3A_93 = arith.constant 4 : i32
    %dma_start3A_94 = arith.constant 0 : i32
    %dma_start3A_95 = arith.constant 0 : i32
    %dma_start3A_96 = tpu.memref_slice %arg8[%dma_start3A_93, %dma_start3A_94, %dma_start3A_95] : memref<20x64x32xf32, #tpu.memory_space<vmem>> -> memref<1x64x32xf32, #tpu.memory_space<vmem>>
    %dma_start3A_97 = tpu.memref_squeeze %dma_start3A_96 : memref<1x64x32xf32, #tpu.memory_space<vmem>> -> memref<64x32xf32, #tpu.memory_space<vmem>>
    %dma_start3A_98 = arith.constant 0 : i32
    %dma_start3A_99 = tpu.memref_slice %arg6[%dma_start3A_92, %dma_start3A_98] : memref<20x64xi32, #tpu.memory_space<vmem>> -> memref<1x64xi32, #tpu.memory_space<vmem>>
    %dma_start3A_100 = tpu.memref_squeeze %dma_start3A_99 : memref<1x64xi32, #tpu.memory_space<vmem>> -> memref<64xi32, #tpu.memory_space<vmem>>
    %dma_start3A_101 = arith.constant 0 : i32
    %dma_start3A_102 = arith.constant 0 : i32
    %dma_start3A_103 = tpu.memref_slice %arg3[%dma_start3A_101, %dma_start3A_102] : memref<2600000x32xf32, #tpu.memory_space<hbm>> -> memref<2600000x32xf32, #tpu.memory_space<hbm>>
    tpu.enqueue_indirect_dma source(%dma_start3A_103 : memref<2600000x32xf32, #tpu.memory_space<hbm>>) target(%dma_start3A_97 : memref<64x32xf32, #tpu.memory_space<vmem>>) offsets(%dma_start3A_100 : memref<64xi32, #tpu.memory_space<vmem>>) semaphore(%arg11 : memref<!tpu.dma_semaphore, #tpu.memory_space<semaphore_mem>>)
    %dma_start3A_104 = arith.constant 5 : i32
    %dma_start3A_105 = arith.constant 5 : i32
    %dma_start3A_106 = arith.constant 0 : i32
    %dma_start3A_107 = arith.constant 0 : i32
    %dma_start3A_108 = tpu.memref_slice %arg8[%dma_start3A_105, %dma_start3A_106, %dma_start3A_107] : memref<20x64x32xf32, #tpu.memory_space<vmem>> -> memref<1x64x32xf32, #tpu.memory_space<vmem>>
    %dma_start3A_109 = tpu.memref_squeeze %dma_start3A_108 : memref<1x64x32xf32, #tpu.memory_space<vmem>> -> memref<64x32xf32, #tpu.memory_space<vmem>>
    %dma_start3A_110 = arith.constant 0 : i32
    %dma_start3A_111 = tpu.memref_slice %arg6[%dma_start3A_104, %dma_start3A_110] : memref<20x64xi32, #tpu.memory_space<vmem>> -> memref<1x64xi32, #tpu.memory_space<vmem>>
    %dma_start3A_112 = tpu.memref_squeeze %dma_start3A_111 : memref<1x64xi32, #tpu.memory_space<vmem>> -> memref<64xi32, #tpu.memory_space<vmem>>
    %dma_start3A_113 = arith.constant 0 : i32
    %dma_start3A_114 = arith.constant 0 : i32
    %dma_start3A_115 = tpu.memref_slice %arg3[%dma_start3A_113, %dma_start3A_114] : memref<2600000x32xf32, #tpu.memory_space<hbm>> -> memref<2600000x32xf32, #tpu.memory_space<hbm>>
    tpu.enqueue_indirect_dma source(%dma_start3A_115 : memref<2600000x32xf32, #tpu.memory_space<hbm>>) target(%dma_start3A_109 : memref<64x32xf32, #tpu.memory_space<vmem>>) offsets(%dma_start3A_112 : memref<64xi32, #tpu.memory_space<vmem>>) semaphore(%arg11 : memref<!tpu.dma_semaphore, #tpu.memory_space<semaphore_mem>>)
    %dma_start3A_116 = arith.constant 6 : i32
    %dma_start3A_117 = arith.constant 6 : i32
    %dma_start3A_118 = arith.constant 0 : i32
    %dma_start3A_119 = arith.constant 0 : i32
    %dma_start3A_120 = tpu.memref_slice %arg8[%dma_start3A_117, %dma_start3A_118, %dma_start3A_119] : memref<20x64x32xf32, #tpu.memory_space<vmem>> -> memref<1x64x32xf32, #tpu.memory_space<vmem>>
    %dma_start3A_121 = tpu.memref_squeeze %dma_start3A_120 : memref<1x64x32xf32, #tpu.memory_space<vmem>> -> memref<64x32xf32, #tpu.memory_space<vmem>>
    %dma_start3A_122 = arith.constant 0 : i32
    %dma_start3A_123 = tpu.memref_slice %arg6[%dma_start3A_116, %dma_start3A_122] : memref<20x64xi32, #tpu.memory_space<vmem>> -> memref<1x64xi32, #tpu.memory_space<vmem>>
    %dma_start3A_124 = tpu.memref_squeeze %dma_start3A_123 : memref<1x64xi32, #tpu.memory_space<vmem>> -> memref<64xi32, #tpu.memory_space<vmem>>
    %dma_start3A_125 = arith.constant 0 : i32
    %dma_start3A_126 = arith.constant 0 : i32
    %dma_start3A_127 = tpu.memref_slice %arg3[%dma_start3A_125, %dma_start3A_126] : memref<2600000x32xf32, #tpu.memory_space<hbm>> -> memref<2600000x32xf32, #tpu.memory_space<hbm>>
    tpu.enqueue_indirect_dma source(%dma_start3A_127 : memref<2600000x32xf32, #tpu.memory_space<hbm>>) target(%dma_start3A_121 : memref<64x32xf32, #tpu.memory_space<vmem>>) offsets(%dma_start3A_124 : memref<64xi32, #tpu.memory_space<vmem>>) semaphore(%arg11 : memref<!tpu.dma_semaphore, #tpu.memory_space<semaphore_mem>>)
    %dma_start3A_128 = arith.constant 7 : i32
    %dma_start3A_129 = arith.constant 7 : i32
    %dma_start3A_130 = arith.constant 0 : i32
    %dma_start3A_131 = arith.constant 0 : i32
    %dma_start3A_132 = tpu.memref_slice %arg8[%dma_start3A_129, %dma_start3A_130, %dma_start3A_131] : memref<20x64x32xf32, #tpu.memory_space<vmem>> -> memref<1x64x32xf32, #tpu.memory_space<vmem>>
    %dma_start3A_133 = tpu.memref_squeeze %dma_start3A_132 : memref<1x64x32xf32, #tpu.memory_space<vmem>> -> memref<64x32xf32, #tpu.memory_space<vmem>>
    %dma_start3A_134 = arith.constant 0 : i32
    %dma_start3A_135 = tpu.memref_slice %arg6[%dma_start3A_128, %dma_start3A_134] : memref<20x64xi32, #tpu.memory_space<vmem>> -> memref<1x64xi32, #tpu.memory_space<vmem>>
    %dma_start3A_136 = tpu.memref_squeeze %dma_start3A_135 : memref<1x64xi32, #tpu.memory_space<vmem>> -> memref<64xi32, #tpu.memory_space<vmem>>
    %dma_start3A_137 = arith.constant 0 : i32
    %dma_start3A_138 = arith.constant 0 : i32
    %dma_start3A_139 = tpu.memref_slice %arg3[%dma_start3A_137, %dma_start3A_138] : memref<2600000x32xf32, #tpu.memory_space<hbm>> -> memref<2600000x32xf32, #tpu.memory_space<hbm>>
    tpu.enqueue_indirect_dma source(%dma_start3A_139 : memref<2600000x32xf32, #tpu.memory_space<hbm>>) target(%dma_start3A_133 : memref<64x32xf32, #tpu.memory_space<vmem>>) offsets(%dma_start3A_136 : memref<64xi32, #tpu.memory_space<vmem>>) semaphore(%arg11 : memref<!tpu.dma_semaphore, #tpu.memory_space<semaphore_mem>>)
    %dma_start3A_140 = arith.constant 8 : i32
    %dma_start3A_141 = arith.constant 8 : i32
    %dma_start3A_142 = arith.constant 0 : i32
    %dma_start3A_143 = arith.constant 0 : i32
    %dma_start3A_144 = tpu.memref_slice %arg8[%dma_start3A_141, %dma_start3A_142, %dma_start3A_143] : memref<20x64x32xf32, #tpu.memory_space<vmem>> -> memref<1x64x32xf32, #tpu.memory_space<vmem>>
    %dma_start3A_145 = tpu.memref_squeeze %dma_start3A_144 : memref<1x64x32xf32, #tpu.memory_space<vmem>> -> memref<64x32xf32, #tpu.memory_space<vmem>>
    %dma_start3A_146 = arith.constant 0 : i32
    %dma_start3A_147 = tpu.memref_slice %arg6[%dma_start3A_140, %dma_start3A_146] : memref<20x64xi32, #tpu.memory_space<vmem>> -> memref<1x64xi32, #tpu.memory_space<vmem>>
    %dma_start3A_148 = tpu.memref_squeeze %dma_start3A_147 : memref<1x64xi32, #tpu.memory_space<vmem>> -> memref<64xi32, #tpu.memory_space<vmem>>
    %dma_start3A_149 = arith.constant 0 : i32
    %dma_start3A_150 = arith.constant 0 : i32
    %dma_start3A_151 = tpu.memref_slice %arg3[%dma_start3A_149, %dma_start3A_150] : memref<2600000x32xf32, #tpu.memory_space<hbm>> -> memref<2600000x32xf32, #tpu.memory_space<hbm>>
    tpu.enqueue_indirect_dma source(%dma_start3A_151 : memref<2600000x32xf32, #tpu.memory_space<hbm>>) target(%dma_start3A_145 : memref<64x32xf32, #tpu.memory_space<vmem>>) offsets(%dma_start3A_148 : memref<64xi32, #tpu.memory_space<vmem>>) semaphore(%arg11 : memref<!tpu.dma_semaphore, #tpu.memory_space<semaphore_mem>>)
    %dma_start3A_152 = arith.constant 9 : i32
    %dma_start3A_153 = arith.constant 9 : i32
    %dma_start3A_154 = arith.constant 0 : i32
    %dma_start3A_155 = arith.constant 0 : i32
    %dma_start3A_156 = tpu.memref_slice %arg8[%dma_start3A_153, %dma_start3A_154, %dma_start3A_155] : memref<20x64x32xf32, #tpu.memory_space<vmem>> -> memref<1x64x32xf32, #tpu.memory_space<vmem>>
    %dma_start3A_157 = tpu.memref_squeeze %dma_start3A_156 : memref<1x64x32xf32, #tpu.memory_space<vmem>> -> memref<64x32xf32, #tpu.memory_space<vmem>>
    %dma_start3A_158 = arith.constant 0 : i32
    %dma_start3A_159 = tpu.memref_slice %arg6[%dma_start3A_152, %dma_start3A_158] : memref<20x64xi32, #tpu.memory_space<vmem>> -> memref<1x64xi32, #tpu.memory_space<vmem>>
    %dma_start3A_160 = tpu.memref_squeeze %dma_start3A_159 : memref<1x64xi32, #tpu.memory_space<vmem>> -> memref<64xi32, #tpu.memory_space<vmem>>
    %dma_start3A_161 = arith.constant 0 : i32
    %dma_start3A_162 = arith.constant 0 : i32
    %dma_start3A_163 = tpu.memref_slice %arg3[%dma_start3A_161, %dma_start3A_162] : memref<2600000x32xf32, #tpu.memory_space<hbm>> -> memref<2600000x32xf32, #tpu.memory_space<hbm>>
    tpu.enqueue_indirect_dma source(%dma_start3A_163 : memref<2600000x32xf32, #tpu.memory_space<hbm>>) target(%dma_start3A_157 : memref<64x32xf32, #tpu.memory_space<vmem>>) offsets(%dma_start3A_160 : memref<64xi32, #tpu.memory_space<vmem>>) semaphore(%arg11 : memref<!tpu.dma_semaphore, #tpu.memory_space<semaphore_mem>>)
    %dma_start3A_164 = arith.constant 10 : i32
    %dma_start3A_165 = arith.constant 10 : i32
    %dma_start3A_166 = arith.constant 0 : i32
    %dma_start3A_167 = arith.constant 0 : i32
    %dma_start3A_168 = tpu.memref_slice %arg8[%dma_start3A_165, %dma_start3A_166, %dma_start3A_167] : memref<20x64x32xf32, #tpu.memory_space<vmem>> -> memref<1x64x32xf32, #tpu.memory_space<vmem>>
    %dma_start3A_169 = tpu.memref_squeeze %dma_start3A_168 : memref<1x64x32xf32, #tpu.memory_space<vmem>> -> memref<64x32xf32, #tpu.memory_space<vmem>>
    %dma_start3A_170 = arith.constant 0 : i32
    %dma_start3A_171 = tpu.memref_slice %arg6[%dma_start3A_164, %dma_start3A_170] : memref<20x64xi32, #tpu.memory_space<vmem>> -> memref<1x64xi32, #tpu.memory_space<vmem>>
    %dma_start3A_172 = tpu.memref_squeeze %dma_start3A_171 : memref<1x64xi32, #tpu.memory_space<vmem>> -> memref<64xi32, #tpu.memory_space<vmem>>
    %dma_start3A_173 = arith.constant 0 : i32
    %dma_start3A_174 = arith.constant 0 : i32
    %dma_start3A_175 = tpu.memref_slice %arg3[%dma_start3A_173, %dma_start3A_174] : memref<2600000x32xf32, #tpu.memory_space<hbm>> -> memref<2600000x32xf32, #tpu.memory_space<hbm>>
    tpu.enqueue_indirect_dma source(%dma_start3A_175 : memref<2600000x32xf32, #tpu.memory_space<hbm>>) target(%dma_start3A_169 : memref<64x32xf32, #tpu.memory_space<vmem>>) offsets(%dma_start3A_172 : memref<64xi32, #tpu.memory_space<vmem>>) semaphore(%arg11 : memref<!tpu.dma_semaphore, #tpu.memory_space<semaphore_mem>>)
    %dma_start3A_176 = arith.constant 11 : i32
    %dma_start3A_177 = arith.constant 11 : i32
    %dma_start3A_178 = arith.constant 0 : i32
    %dma_start3A_179 = arith.constant 0 : i32
    %dma_start3A_180 = tpu.memref_slice %arg8[%dma_start3A_177, %dma_start3A_178, %dma_start3A_179] : memref<20x64x32xf32, #tpu.memory_space<vmem>> -> memref<1x64x32xf32, #tpu.memory_space<vmem>>
    %dma_start3A_181 = tpu.memref_squeeze %dma_start3A_180 : memref<1x64x32xf32, #tpu.memory_space<vmem>> -> memref<64x32xf32, #tpu.memory_space<vmem>>
    %dma_start3A_182 = arith.constant 0 : i32
    %dma_start3A_183 = tpu.memref_slice %arg6[%dma_start3A_176, %dma_start3A_182] : memref<20x64xi32, #tpu.memory_space<vmem>> -> memref<1x64xi32, #tpu.memory_space<vmem>>
    %dma_start3A_184 = tpu.memref_squeeze %dma_start3A_183 : memref<1x64xi32, #tpu.memory_space<vmem>> -> memref<64xi32, #tpu.memory_space<vmem>>
    %dma_start3A_185 = arith.constant 0 : i32
    %dma_start3A_186 = arith.constant 0 : i32
    %dma_start3A_187 = tpu.memref_slice %arg3[%dma_start3A_185, %dma_start3A_186] : memref<2600000x32xf32, #tpu.memory_space<hbm>> -> memref<2600000x32xf32, #tpu.memory_space<hbm>>
    tpu.enqueue_indirect_dma source(%dma_start3A_187 : memref<2600000x32xf32, #tpu.memory_space<hbm>>) target(%dma_start3A_181 : memref<64x32xf32, #tpu.memory_space<vmem>>) offsets(%dma_start3A_184 : memref<64xi32, #tpu.memory_space<vmem>>) semaphore(%arg11 : memref<!tpu.dma_semaphore, #tpu.memory_space<semaphore_mem>>)
    %dma_start3A_188 = arith.constant 12 : i32
    %dma_start3A_189 = arith.constant 12 : i32
    %dma_start3A_190 = arith.constant 0 : i32
    %dma_start3A_191 = arith.constant 0 : i32
    %dma_start3A_192 = tpu.memref_slice %arg8[%dma_start3A_189, %dma_start3A_190, %dma_start3A_191] : memref<20x64x32xf32, #tpu.memory_space<vmem>> -> memref<1x64x32xf32, #tpu.memory_space<vmem>>
    %dma_start3A_193 = tpu.memref_squeeze %dma_start3A_192 : memref<1x64x32xf32, #tpu.memory_space<vmem>> -> memref<64x32xf32, #tpu.memory_space<vmem>>
    %dma_start3A_194 = arith.constant 0 : i32
    %dma_start3A_195 = tpu.memref_slice %arg6[%dma_start3A_188, %dma_start3A_194] : memref<20x64xi32, #tpu.memory_space<vmem>> -> memref<1x64xi32, #tpu.memory_space<vmem>>
    %dma_start3A_196 = tpu.memref_squeeze %dma_start3A_195 : memref<1x64xi32, #tpu.memory_space<vmem>> -> memref<64xi32, #tpu.memory_space<vmem>>
    %dma_start3A_197 = arith.constant 0 : i32
    %dma_start3A_198 = arith.constant 0 : i32
    %dma_start3A_199 = tpu.memref_slice %arg3[%dma_start3A_197, %dma_start3A_198] : memref<2600000x32xf32, #tpu.memory_space<hbm>> -> memref<2600000x32xf32, #tpu.memory_space<hbm>>
    tpu.enqueue_indirect_dma source(%dma_start3A_199 : memref<2600000x32xf32, #tpu.memory_space<hbm>>) target(%dma_start3A_193 : memref<64x32xf32, #tpu.memory_space<vmem>>) offsets(%dma_start3A_196 : memref<64xi32, #tpu.memory_space<vmem>>) semaphore(%arg11 : memref<!tpu.dma_semaphore, #tpu.memory_space<semaphore_mem>>)
    %dma_start3A_200 = arith.constant 13 : i32
    %dma_start3A_201 = arith.constant 13 : i32
    %dma_start3A_202 = arith.constant 0 : i32
    %dma_start3A_203 = arith.constant 0 : i32
    %dma_start3A_204 = tpu.memref_slice %arg8[%dma_start3A_201, %dma_start3A_202, %dma_start3A_203] : memref<20x64x32xf32, #tpu.memory_space<vmem>> -> memref<1x64x32xf32, #tpu.memory_space<vmem>>
    %dma_start3A_205 = tpu.memref_squeeze %dma_start3A_204 : memref<1x64x32xf32, #tpu.memory_space<vmem>> -> memref<64x32xf32, #tpu.memory_space<vmem>>
    %dma_start3A_206 = arith.constant 0 : i32
    %dma_start3A_207 = tpu.memref_slice %arg6[%dma_start3A_200, %dma_start3A_206] : memref<20x64xi32, #tpu.memory_space<vmem>> -> memref<1x64xi32, #tpu.memory_space<vmem>>
    %dma_start3A_208 = tpu.memref_squeeze %dma_start3A_207 : memref<1x64xi32, #tpu.memory_space<vmem>> -> memref<64xi32, #tpu.memory_space<vmem>>
    %dma_start3A_209 = arith.constant 0 : i32
    %dma_start3A_210 = arith.constant 0 : i32
    %dma_start3A_211 = tpu.memref_slice %arg3[%dma_start3A_209, %dma_start3A_210] : memref<2600000x32xf32, #tpu.memory_space<hbm>> -> memref<2600000x32xf32, #tpu.memory_space<hbm>>
    tpu.enqueue_indirect_dma source(%dma_start3A_211 : memref<2600000x32xf32, #tpu.memory_space<hbm>>) target(%dma_start3A_205 : memref<64x32xf32, #tpu.memory_space<vmem>>) offsets(%dma_start3A_208 : memref<64xi32, #tpu.memory_space<vmem>>) semaphore(%arg11 : memref<!tpu.dma_semaphore, #tpu.memory_space<semaphore_mem>>)
    %dma_start3A_212 = arith.constant 14 : i32
    %dma_start3A_213 = arith.constant 14 : i32
    %dma_start3A_214 = arith.constant 0 : i32
    %dma_start3A_215 = arith.constant 0 : i32
    %dma_start3A_216 = tpu.memref_slice %arg8[%dma_start3A_213, %dma_start3A_214, %dma_start3A_215] : memref<20x64x32xf32, #tpu.memory_space<vmem>> -> memref<1x64x32xf32, #tpu.memory_space<vmem>>
    %dma_start3A_217 = tpu.memref_squeeze %dma_start3A_216 : memref<1x64x32xf32, #tpu.memory_space<vmem>> -> memref<64x32xf32, #tpu.memory_space<vmem>>
    %dma_start3A_218 = arith.constant 0 : i32
    %dma_start3A_219 = tpu.memref_slice %arg6[%dma_start3A_212, %dma_start3A_218] : memref<20x64xi32, #tpu.memory_space<vmem>> -> memref<1x64xi32, #tpu.memory_space<vmem>>
    %dma_start3A_220 = tpu.memref_squeeze %dma_start3A_219 : memref<1x64xi32, #tpu.memory_space<vmem>> -> memref<64xi32, #tpu.memory_space<vmem>>
    %dma_start3A_221 = arith.constant 0 : i32
    %dma_start3A_222 = arith.constant 0 : i32
    %dma_start3A_223 = tpu.memref_slice %arg3[%dma_start3A_221, %dma_start3A_222] : memref<2600000x32xf32, #tpu.memory_space<hbm>> -> memref<2600000x32xf32, #tpu.memory_space<hbm>>
    tpu.enqueue_indirect_dma source(%dma_start3A_223 : memref<2600000x32xf32, #tpu.memory_space<hbm>>) target(%dma_start3A_217 : memref<64x32xf32, #tpu.memory_space<vmem>>) offsets(%dma_start3A_220 : memref<64xi32, #tpu.memory_space<vmem>>) semaphore(%arg11 : memref<!tpu.dma_semaphore, #tpu.memory_space<semaphore_mem>>)
    %dma_start3A_224 = arith.constant 15 : i32
    %dma_start3A_225 = arith.constant 15 : i32
    %dma_start3A_226 = arith.constant 0 : i32
    %dma_start3A_227 = arith.constant 0 : i32
    %dma_start3A_228 = tpu.memref_slice %arg8[%dma_start3A_225, %dma_start3A_226, %dma_start3A_227] : memref<20x64x32xf32, #tpu.memory_space<vmem>> -> memref<1x64x32xf32, #tpu.memory_space<vmem>>
    %dma_start3A_229 = tpu.memref_squeeze %dma_start3A_228 : memref<1x64x32xf32, #tpu.memory_space<vmem>> -> memref<64x32xf32, #tpu.memory_space<vmem>>
    %dma_start3A_230 = arith.constant 0 : i32
    %dma_start3A_231 = tpu.memref_slice %arg6[%dma_start3A_224, %dma_start3A_230] : memref<20x64xi32, #tpu.memory_space<vmem>> -> memref<1x64xi32, #tpu.memory_space<vmem>>
    %dma_start3A_232 = tpu.memref_squeeze %dma_start3A_231 : memref<1x64xi32, #tpu.memory_space<vmem>> -> memref<64xi32, #tpu.memory_space<vmem>>
    %dma_start3A_233 = arith.constant 0 : i32
    %dma_start3A_234 = arith.constant 0 : i32
    %dma_start3A_235 = tpu.memref_slice %arg3[%dma_start3A_233, %dma_start3A_234] : memref<2600000x32xf32, #tpu.memory_space<hbm>> -> memref<2600000x32xf32, #tpu.memory_space<hbm>>
    tpu.enqueue_indirect_dma source(%dma_start3A_235 : memref<2600000x32xf32, #tpu.memory_space<hbm>>) target(%dma_start3A_229 : memref<64x32xf32, #tpu.memory_space<vmem>>) offsets(%dma_start3A_232 : memref<64xi32, #tpu.memory_space<vmem>>) semaphore(%arg11 : memref<!tpu.dma_semaphore, #tpu.memory_space<semaphore_mem>>)
    %dma_start3A_236 = arith.constant 16 : i32
    %dma_start3A_237 = arith.constant 16 : i32
    %dma_start3A_238 = arith.constant 0 : i32
    %dma_start3A_239 = arith.constant 0 : i32
    %dma_start3A_240 = tpu.memref_slice %arg8[%dma_start3A_237, %dma_start3A_238, %dma_start3A_239] : memref<20x64x32xf32, #tpu.memory_space<vmem>> -> memref<1x64x32xf32, #tpu.memory_space<vmem>>
    %dma_start3A_241 = tpu.memref_squeeze %dma_start3A_240 : memref<1x64x32xf32, #tpu.memory_space<vmem>> -> memref<64x32xf32, #tpu.memory_space<vmem>>
    %dma_start3A_242 = arith.constant 0 : i32
    %dma_start3A_243 = tpu.memref_slice %arg6[%dma_start3A_236, %dma_start3A_242] : memref<20x64xi32, #tpu.memory_space<vmem>> -> memref<1x64xi32, #tpu.memory_space<vmem>>
    %dma_start3A_244 = tpu.memref_squeeze %dma_start3A_243 : memref<1x64xi32, #tpu.memory_space<vmem>> -> memref<64xi32, #tpu.memory_space<vmem>>
    %dma_start3A_245 = arith.constant 0 : i32
    %dma_start3A_246 = arith.constant 0 : i32
    %dma_start3A_247 = tpu.memref_slice %arg3[%dma_start3A_245, %dma_start3A_246] : memref<2600000x32xf32, #tpu.memory_space<hbm>> -> memref<2600000x32xf32, #tpu.memory_space<hbm>>
    tpu.enqueue_indirect_dma source(%dma_start3A_247 : memref<2600000x32xf32, #tpu.memory_space<hbm>>) target(%dma_start3A_241 : memref<64x32xf32, #tpu.memory_space<vmem>>) offsets(%dma_start3A_244 : memref<64xi32, #tpu.memory_space<vmem>>) semaphore(%arg11 : memref<!tpu.dma_semaphore, #tpu.memory_space<semaphore_mem>>)
    %dma_start3A_248 = arith.constant 17 : i32
    %dma_start3A_249 = arith.constant 17 : i32
    %dma_start3A_250 = arith.constant 0 : i32
    %dma_start3A_251 = arith.constant 0 : i32
    %dma_start3A_252 = tpu.memref_slice %arg8[%dma_start3A_249, %dma_start3A_250, %dma_start3A_251] : memref<20x64x32xf32, #tpu.memory_space<vmem>> -> memref<1x64x32xf32, #tpu.memory_space<vmem>>
    %dma_start3A_253 = tpu.memref_squeeze %dma_start3A_252 : memref<1x64x32xf32, #tpu.memory_space<vmem>> -> memref<64x32xf32, #tpu.memory_space<vmem>>
    %dma_start3A_254 = arith.constant 0 : i32
    %dma_start3A_255 = tpu.memref_slice %arg6[%dma_start3A_248, %dma_start3A_254] : memref<20x64xi32, #tpu.memory_space<vmem>> -> memref<1x64xi32, #tpu.memory_space<vmem>>
    %dma_start3A_256 = tpu.memref_squeeze %dma_start3A_255 : memref<1x64xi32, #tpu.memory_space<vmem>> -> memref<64xi32, #tpu.memory_space<vmem>>
    %dma_start3A_257 = arith.constant 0 : i32
    %dma_start3A_258 = arith.constant 0 : i32
    %dma_start3A_259 = tpu.memref_slice %arg3[%dma_start3A_257, %dma_start3A_258] : memref<2600000x32xf32, #tpu.memory_space<hbm>> -> memref<2600000x32xf32, #tpu.memory_space<hbm>>
    tpu.enqueue_indirect_dma source(%dma_start3A_259 : memref<2600000x32xf32, #tpu.memory_space<hbm>>) target(%dma_start3A_253 : memref<64x32xf32, #tpu.memory_space<vmem>>) offsets(%dma_start3A_256 : memref<64xi32, #tpu.memory_space<vmem>>) semaphore(%arg11 : memref<!tpu.dma_semaphore, #tpu.memory_space<semaphore_mem>>)
    %dma_start3A_260 = arith.constant 18 : i32
    %dma_start3A_261 = arith.constant 18 : i32
    %dma_start3A_262 = arith.constant 0 : i32
    %dma_start3A_263 = arith.constant 0 : i32
    %dma_start3A_264 = tpu.memref_slice %arg8[%dma_start3A_261, %dma_start3A_262, %dma_start3A_263] : memref<20x64x32xf32, #tpu.memory_space<vmem>> -> memref<1x64x32xf32, #tpu.memory_space<vmem>>
    %dma_start3A_265 = tpu.memref_squeeze %dma_start3A_264 : memref<1x64x32xf32, #tpu.memory_space<vmem>> -> memref<64x32xf32, #tpu.memory_space<vmem>>
    %dma_start3A_266 = arith.constant 0 : i32
    %dma_start3A_267 = tpu.memref_slice %arg6[%dma_start3A_260, %dma_start3A_266] : memref<20x64xi32, #tpu.memory_space<vmem>> -> memref<1x64xi32, #tpu.memory_space<vmem>>
    %dma_start3A_268 = tpu.memref_squeeze %dma_start3A_267 : memref<1x64xi32, #tpu.memory_space<vmem>> -> memref<64xi32, #tpu.memory_space<vmem>>
    %dma_start3A_269 = arith.constant 0 : i32
    %dma_start3A_270 = arith.constant 0 : i32
    %dma_start3A_271 = tpu.memref_slice %arg3[%dma_start3A_269, %dma_start3A_270] : memref<2600000x32xf32, #tpu.memory_space<hbm>> -> memref<2600000x32xf32, #tpu.memory_space<hbm>>
    tpu.enqueue_indirect_dma source(%dma_start3A_271 : memref<2600000x32xf32, #tpu.memory_space<hbm>>) target(%dma_start3A_265 : memref<64x32xf32, #tpu.memory_space<vmem>>) offsets(%dma_start3A_268 : memref<64xi32, #tpu.memory_space<vmem>>) semaphore(%arg11 : memref<!tpu.dma_semaphore, #tpu.memory_space<semaphore_mem>>)
    %dma_start3A_272 = arith.constant 19 : i32
    %dma_start3A_273 = arith.constant 19 : i32
    %dma_start3A_274 = arith.constant 0 : i32
    %dma_start3A_275 = arith.constant 0 : i32
    %dma_start3A_276 = tpu.memref_slice %arg8[%dma_start3A_273, %dma_start3A_274, %dma_start3A_275] : memref<20x64x32xf32, #tpu.memory_space<vmem>> -> memref<1x64x32xf32, #tpu.memory_space<vmem>>
    %dma_start3A_277 = tpu.memref_squeeze %dma_start3A_276 : memref<1x64x32xf32, #tpu.memory_space<vmem>> -> memref<64x32xf32, #tpu.memory_space<vmem>>
    %dma_start3A_278 = arith.constant 0 : i32
    %dma_start3A_279 = tpu.memref_slice %arg6[%dma_start3A_272, %dma_start3A_278] : memref<20x64xi32, #tpu.memory_space<vmem>> -> memref<1x64xi32, #tpu.memory_space<vmem>>
    %dma_start3A_280 = tpu.memref_squeeze %dma_start3A_279 : memref<1x64xi32, #tpu.memory_space<vmem>> -> memref<64xi32, #tpu.memory_space<vmem>>
    %dma_start3A_281 = arith.constant 0 : i32
    %dma_start3A_282 = arith.constant 0 : i32
    %dma_start3A_283 = tpu.memref_slice %arg3[%dma_start3A_281, %dma_start3A_282] : memref<2600000x32xf32, #tpu.memory_space<hbm>> -> memref<2600000x32xf32, #tpu.memory_space<hbm>>
    tpu.enqueue_indirect_dma source(%dma_start3A_283 : memref<2600000x32xf32, #tpu.memory_space<hbm>>) target(%dma_start3A_277 : memref<64x32xf32, #tpu.memory_space<vmem>>) offsets(%dma_start3A_280 : memref<64xi32, #tpu.memory_space<vmem>>) semaphore(%arg11 : memref<!tpu.dma_semaphore, #tpu.memory_space<semaphore_mem>>)
    %scan3A_284 = arith.constant 0 : i32
    %scan3A_285 = arith.constant 0 : i32
    %scan3A_286 = arith.constant 26 : i32
    %scan3A_287 = arith.addi %scan3A_285, %scan3A_286 : i32
    %scan3A_288 = arith.constant 1 : i32
    %scan3A_289 = scf.for %scan3A_291 = %scan3A_285 to %scan3A_287 step %scan3A_288 iter_args(%scan3A_292 = %scan3A_284) -> (i32)  : i32 {
      %mul3A_293 = arith.constant 2 : i32
      %mul3A_294 = arith.muli %mul3A_293, %scan3A_291 : i32
      %add3A_295 = arith.constant 1 : i32
      %add3A_296 = arith.addi %mul3A_294, %add3A_295 : i32
      %mul3A_297 = arith.constant 52 : i32
      %mul3A_298 = arith.muli %add3A, %mul3A_297 : i32
      %add3A_299 = arith.addi %mul3A_298, %add3A_296 : i32
      %jit3A_300 = arith.constant 64 : i32
      %div3A_301 = arith.divsi %add3A_299, %jit3A_300 : i32
      %sign3A_302 = arith.constant 0 : i32
      %sign3A_303 = arith.cmpi sgt, %add3A_299, %sign3A_302 : i32
      %sign3A_304 = arith.extui %sign3A_303 : i1 to i32
      %sign3A_305 = arith.constant 0 : i32
      %sign3A_306 = arith.cmpi slt, %add3A_299, %sign3A_305 : i32
      %sign3A_307 = arith.extui %sign3A_306 : i1 to i32
      %sign3A_308 = arith.subi %sign3A_304, %sign3A_307 : i32
      %sign3A_309 = arith.constant 0 : i32
      %sign3A_310 = arith.cmpi sgt, %jit3A_300, %sign3A_309 : i32
      %sign3A_311 = arith.extui %sign3A_310 : i1 to i32
      %sign3A_312 = arith.constant 0 : i32
      %sign3A_313 = arith.cmpi slt, %jit3A_300, %sign3A_312 : i32
      %sign3A_314 = arith.extui %sign3A_313 : i1 to i32
      %sign3A_315 = arith.subi %sign3A_311, %sign3A_314 : i32
      %ne3A_316 = arith.cmpi ne, %sign3A_308, %sign3A_315 : i32
      %rem3A_317 = arith.remsi %add3A_299, %jit3A_300 : i32
      %ne3A_318 = arith.constant 0 : i32
      %ne3A_319 = arith.cmpi ne, %rem3A_317, %ne3A_318 : i32
      %and3A_320 = arith.andi %ne3A_316, %ne3A_319 : i1
      %sub3A_321 = arith.constant 1 : i32
      %sub3A_322 = arith.subi %div3A_301, %sub3A_321 : i32
      %select_n3A_323 = arith.select %and3A_320, %sub3A_322, %div3A_301 : i32
      %jit3A_324 = arith.constant 64 : i32
      %eq3A_325 = arith.constant 0 : i32
      %eq3A_326 = arith.cmpi eq, %jit3A_324, %eq3A_325 : i32
      %jit3A_327 = arith.constant 1 : i32
      %select_n3A_328 = arith.select %eq3A_326, %jit3A_327, %jit3A_324 : i32
      %rem3A_329 = arith.remsi %add3A_299, %select_n3A_328 : i32
      %ne3A_330 = arith.constant 0 : i32
      %ne3A_331 = arith.cmpi ne, %rem3A_329, %ne3A_330 : i32
      %lt3A_332 = arith.constant 0 : i32
      %lt3A_333 = arith.cmpi slt, %rem3A_329, %lt3A_332 : i32
      %lt3A_334 = arith.constant 0 : i32
      %lt3A_335 = arith.cmpi slt, %select_n3A_328, %lt3A_334 : i32
      %ne3A_336 = arith.xori %lt3A_333, %lt3A_335 : i1
      %and3A_337 = arith.andi %ne3A_336, %ne3A_331 : i1
      %add3A_338 = arith.addi %rem3A_329, %select_n3A_328 : i32
      %select_n3A_339 = arith.select %and3A_337, %add3A_338, %rem3A_329 : i32
      %mul3A_340 = arith.constant 64 : i32
      %mul3A_341 = arith.muli %select_n3A_339, %mul3A_340 : i32
      "tpu.region"() ({
        %run_scoped3A = tpu.sem_alloc : memref<!tpu.dma_semaphore, #tpu.memory_space<semaphore_mem>>
        %dma_start3A_1183 = arith.constant 0 : i32
        %dma_start3A_1184 = tpu.memref_slice %arg2[%select_n3A_323, %dma_start3A_1183, %mul3A_341] : memref<26x20x4096xi32, #tpu.memory_space<hbm>> -> memref<1x20x64xi32, #tpu.memory_space<hbm>>
        %dma_start3A_1185 = tpu.memref_squeeze %dma_start3A_1184 : memref<1x20x64xi32, #tpu.memory_space<hbm>> -> memref<20x64xi32, #tpu.memory_space<hbm>>
        %dma_start3A_1186 = arith.constant 0 : i32
        %dma_start3A_1187 = tpu.memref_slice %arg2[%select_n3A_323, %dma_start3A_1186, %mul3A_341] : memref<26x20x4096xi32, #tpu.memory_space<hbm>> -> memref<1x20x64xi32, #tpu.memory_space<hbm>>
        %dma_start3A_1188 = tpu.memref_squeeze %dma_start3A_1187 : memref<1x20x64xi32, #tpu.memory_space<hbm>> -> memref<20x64xi32, #tpu.memory_space<hbm>>
        tpu.enqueue_dma source(%dma_start3A_1188 : memref<20x64xi32, #tpu.memory_space<hbm>>) target(%arg5 : memref<20x64xi32, #tpu.memory_space<vmem>>) target_semaphore(%run_scoped3A : memref<!tpu.dma_semaphore, #tpu.memory_space<semaphore_mem>>)
        %dma_wait3A_1189 = arith.constant 0 : i32
        %dma_wait3A_1190 = tpu.memref_slice %arg2[%select_n3A_323, %dma_wait3A_1189, %mul3A_341] : memref<26x20x4096xi32, #tpu.memory_space<hbm>> -> memref<1x20x64xi32, #tpu.memory_space<hbm>>
        %dma_wait3A_1191 = tpu.memref_squeeze %dma_wait3A_1190 : memref<1x20x64xi32, #tpu.memory_space<hbm>> -> memref<20x64xi32, #tpu.memory_space<hbm>>
        %dma_wait3A_1192 = arith.constant 0 : i32
        %dma_wait3A_1193 = tpu.memref_slice %arg2[%select_n3A_323, %dma_wait3A_1192, %mul3A_341] : memref<26x20x4096xi32, #tpu.memory_space<hbm>> -> memref<1x20x64xi32, #tpu.memory_space<hbm>>
        %dma_wait3A_1194 = tpu.memref_squeeze %dma_wait3A_1193 : memref<1x20x64xi32, #tpu.memory_space<hbm>> -> memref<20x64xi32, #tpu.memory_space<hbm>>
        tpu.wait_dma2 semaphore(%run_scoped3A : memref<!tpu.dma_semaphore, #tpu.memory_space<semaphore_mem>>) src(%dma_wait3A_1194 : memref<20x64xi32, #tpu.memory_space<hbm>>) dst(%arg5 : memref<20x64xi32, #tpu.memory_space<vmem>>)
        tpu.yield
      }) : () -> ()
      %mul3A_342 = arith.constant 100000 : i32
      %mul3A_343 = arith.muli %select_n3A_323, %mul3A_342 : i32
      %broadcast_in_dim3A_344 = vector.broadcast %mul3A_343 : i32 to vector<16xi32>
      %scan3A_345 = arith.constant 0 : i32
      %scan3A_346 = arith.constant 0 : i32
      %scan3A_347 = arith.constant 80 : i32
      %scan3A_348 = arith.addi %scan3A_346, %scan3A_347 : i32
      %scan3A_349 = arith.constant 1 : i32
      %scan3A_350 = scf.for %scan3A_1183 = %scan3A_346 to %scan3A_348 step %scan3A_349 iter_args(%scan3A_1184 = %scan3A_345) -> (i32)  : i32 {
        %jit3A_1185 = arith.constant 4 : i32
        %div3A_1186 = arith.divsi %scan3A_1183, %jit3A_1185 : i32
        %sign3A_1187 = arith.constant 0 : i32
        %sign3A_1188 = arith.cmpi sgt, %scan3A_1183, %sign3A_1187 : i32
        %sign3A_1189 = arith.extui %sign3A_1188 : i1 to i32
        %sign3A_1190 = arith.constant 0 : i32
        %sign3A_1191 = arith.cmpi slt, %scan3A_1183, %sign3A_1190 : i32
        %sign3A_1192 = arith.extui %sign3A_1191 : i1 to i32
        %sign3A_1193 = arith.subi %sign3A_1189, %sign3A_1192 : i32
        %sign3A_1194 = arith.constant 0 : i32
        %sign3A_1195 = arith.cmpi sgt, %jit3A_1185, %sign3A_1194 : i32
        %sign3A_1196 = arith.extui %sign3A_1195 : i1 to i32
        %sign3A_1197 = arith.constant 0 : i32
        %sign3A_1198 = arith.cmpi slt, %jit3A_1185, %sign3A_1197 : i32
        %sign3A_1199 = arith.extui %sign3A_1198 : i1 to i32
        %sign3A_1200 = arith.subi %sign3A_1196, %sign3A_1199 : i32
        %ne3A_1201 = arith.cmpi ne, %sign3A_1193, %sign3A_1200 : i32
        %rem3A_1202 = arith.remsi %scan3A_1183, %jit3A_1185 : i32
        %ne3A_1203 = arith.constant 0 : i32
        %ne3A_1204 = arith.cmpi ne, %rem3A_1202, %ne3A_1203 : i32
        %and3A_1205 = arith.andi %ne3A_1201, %ne3A_1204 : i1
        %sub3A_1206 = arith.constant 1 : i32
        %sub3A_1207 = arith.subi %div3A_1186, %sub3A_1206 : i32
        %select_n3A_1208 = arith.select %and3A_1205, %sub3A_1207, %div3A_1186 : i32
        %jit3A_1209 = arith.constant 4 : i32
        %eq3A_1210 = arith.constant 0 : i32
        %eq3A_1211 = arith.cmpi eq, %jit3A_1209, %eq3A_1210 : i32
        %jit3A_1212 = arith.constant 1 : i32
        %select_n3A_1213 = arith.select %eq3A_1211, %jit3A_1212, %jit3A_1209 : i32
        %rem3A_1214 = arith.remsi %scan3A_1183, %select_n3A_1213 : i32
        %ne3A_1215 = arith.constant 0 : i32
        %ne3A_1216 = arith.cmpi ne, %rem3A_1214, %ne3A_1215 : i32
        %lt3A_1217 = arith.constant 0 : i32
        %lt3A_1218 = arith.cmpi slt, %rem3A_1214, %lt3A_1217 : i32
        %lt3A_1219 = arith.constant 0 : i32
        %lt3A_1220 = arith.cmpi slt, %select_n3A_1213, %lt3A_1219 : i32
        %ne3A_1221 = arith.xori %lt3A_1218, %lt3A_1220 : i1
        %and3A_1222 = arith.andi %ne3A_1221, %ne3A_1216 : i1
        %add3A_1223 = arith.addi %rem3A_1214, %select_n3A_1213 : i32
        %select_n3A_1224 = arith.select %and3A_1222, %add3A_1223, %rem3A_1214 : i32
        %mul3A_1225 = arith.constant 16 : i32
        %mul3A_1226 = arith.muli %select_n3A_1224, %mul3A_1225 : i32
        %get3A = arith.index_cast %select_n3A_1208 : i32 to index
        %get3A_1227 = arith.index_cast %mul3A_1226 : i32 to index
        %get3A_1228 = tpu.vector_load %arg5[%get3A, %get3A_1227] {strides = array<i32>} : memref<20x64xi32, #tpu.memory_space<vmem>>, vector<16xi32>,
        %rem3A_1229 = arith.constant 100000 : i32
        %rem3A_1230 = vector.broadcast %rem3A_1229 : i32 to vector<16xi32>
        %rem3A_1231 = arith.remsi %get3A_1228, %rem3A_1230 : vector<16xi32>
        %add3A_1232 = arith.addi %rem3A_1231, %broadcast_in_dim3A_344 : vector<16xi32>
        %swap3A = arith.index_cast %select_n3A_1208 : i32 to index
        %swap3A_1233 = arith.index_cast %mul3A_1226 : i32 to index
        %swap3A_1234 = tpu.vector_load %arg7[%swap3A, %swap3A_1233] {strides = array<i32>} : memref<20x64xi32, #tpu.memory_space<vmem>>, vector<16xi32>,
        tpu.vector_store %arg7[%swap3A, %swap3A_1233], %add3A_1232 {strides = array<i32>} : memref<20x64xi32, #tpu.memory_space<vmem>>, vector<16xi32>,
        %scan3A_1235 = arith.constant 0 : i32
        scf.yield %scan3A_1235 : i32
      }
      %scan3A_351 = arith.constant 80 : i32
      %dma_start3A_352 = arith.constant 0 : i32
      %dma_start3A_353 = arith.constant 0 : i32
      %dma_start3A_354 = arith.constant 0 : i32
      %dma_start3A_355 = arith.constant 0 : i32
      %dma_start3A_356 = tpu.memref_slice %arg9[%dma_start3A_353, %dma_start3A_354, %dma_start3A_355] : memref<20x64x32xf32, #tpu.memory_space<vmem>> -> memref<1x64x32xf32, #tpu.memory_space<vmem>>
      %dma_start3A_357 = tpu.memref_squeeze %dma_start3A_356 : memref<1x64x32xf32, #tpu.memory_space<vmem>> -> memref<64x32xf32, #tpu.memory_space<vmem>>
      %dma_start3A_358 = arith.constant 0 : i32
      %dma_start3A_359 = tpu.memref_slice %arg7[%dma_start3A_352, %dma_start3A_358] : memref<20x64xi32, #tpu.memory_space<vmem>> -> memref<1x64xi32, #tpu.memory_space<vmem>>
      %dma_start3A_360 = tpu.memref_squeeze %dma_start3A_359 : memref<1x64xi32, #tpu.memory_space<vmem>> -> memref<64xi32, #tpu.memory_space<vmem>>
      %dma_start3A_361 = arith.constant 0 : i32
      %dma_start3A_362 = arith.constant 0 : i32
      %dma_start3A_363 = tpu.memref_slice %arg3[%dma_start3A_361, %dma_start3A_362] : memref<2600000x32xf32, #tpu.memory_space<hbm>> -> memref<2600000x32xf32, #tpu.memory_space<hbm>>
      tpu.enqueue_indirect_dma source(%dma_start3A_363 : memref<2600000x32xf32, #tpu.memory_space<hbm>>) target(%dma_start3A_357 : memref<64x32xf32, #tpu.memory_space<vmem>>) offsets(%dma_start3A_360 : memref<64xi32, #tpu.memory_space<vmem>>) semaphore(%arg12 : memref<!tpu.dma_semaphore, #tpu.memory_space<semaphore_mem>>)
      %dma_start3A_364 = arith.constant 1 : i32
      %dma_start3A_365 = arith.constant 1 : i32
      %dma_start3A_366 = arith.constant 0 : i32
      %dma_start3A_367 = arith.constant 0 : i32
      %dma_start3A_368 = tpu.memref_slice %arg9[%dma_start3A_365, %dma_start3A_366, %dma_start3A_367] : memref<20x64x32xf32, #tpu.memory_space<vmem>> -> memref<1x64x32xf32, #tpu.memory_space<vmem>>
      %dma_start3A_369 = tpu.memref_squeeze %dma_start3A_368 : memref<1x64x32xf32, #tpu.memory_space<vmem>> -> memref<64x32xf32, #tpu.memory_space<vmem>>
      %dma_start3A_370 = arith.constant 0 : i32
      %dma_start3A_371 = tpu.memref_slice %arg7[%dma_start3A_364, %dma_start3A_370] : memref<20x64xi32, #tpu.memory_space<vmem>> -> memref<1x64xi32, #tpu.memory_space<vmem>>
      %dma_start3A_372 = tpu.memref_squeeze %dma_start3A_371 : memref<1x64xi32, #tpu.memory_space<vmem>> -> memref<64xi32, #tpu.memory_space<vmem>>
      %dma_start3A_373 = arith.constant 0 : i32
      %dma_start3A_374 = arith.constant 0 : i32
      %dma_start3A_375 = tpu.memref_slice %arg3[%dma_start3A_373, %dma_start3A_374] : memref<2600000x32xf32, #tpu.memory_space<hbm>> -> memref<2600000x32xf32, #tpu.memory_space<hbm>>
      tpu.enqueue_indirect_dma source(%dma_start3A_375 : memref<2600000x32xf32, #tpu.memory_space<hbm>>) target(%dma_start3A_369 : memref<64x32xf32, #tpu.memory_space<vmem>>) offsets(%dma_start3A_372 : memref<64xi32, #tpu.memory_space<vmem>>) semaphore(%arg12 : memref<!tpu.dma_semaphore, #tpu.memory_space<semaphore_mem>>)
      %dma_start3A_376 = arith.constant 2 : i32
      %dma_start3A_377 = arith.constant 2 : i32
      %dma_start3A_378 = arith.constant 0 : i32
      %dma_start3A_379 = arith.constant 0 : i32
      %dma_start3A_380 = tpu.memref_slice %arg9[%dma_start3A_377, %dma_start3A_378, %dma_start3A_379] : memref<20x64x32xf32, #tpu.memory_space<vmem>> -> memref<1x64x32xf32, #tpu.memory_space<vmem>>
      %dma_start3A_381 = tpu.memref_squeeze %dma_start3A_380 : memref<1x64x32xf32, #tpu.memory_space<vmem>> -> memref<64x32xf32, #tpu.memory_space<vmem>>
      %dma_start3A_382 = arith.constant 0 : i32
      %dma_start3A_383 = tpu.memref_slice %arg7[%dma_start3A_376, %dma_start3A_382] : memref<20x64xi32, #tpu.memory_space<vmem>> -> memref<1x64xi32, #tpu.memory_space<vmem>>
      %dma_start3A_384 = tpu.memref_squeeze %dma_start3A_383 : memref<1x64xi32, #tpu.memory_space<vmem>> -> memref<64xi32, #tpu.memory_space<vmem>>
      %dma_start3A_385 = arith.constant 0 : i32
      %dma_start3A_386 = arith.constant 0 : i32
      %dma_start3A_387 = tpu.memref_slice %arg3[%dma_start3A_385, %dma_start3A_386] : memref<2600000x32xf32, #tpu.memory_space<hbm>> -> memref<2600000x32xf32, #tpu.memory_space<hbm>>
      tpu.enqueue_indirect_dma source(%dma_start3A_387 : memref<2600000x32xf32, #tpu.memory_space<hbm>>) target(%dma_start3A_381 : memref<64x32xf32, #tpu.memory_space<vmem>>) offsets(%dma_start3A_384 : memref<64xi32, #tpu.memory_space<vmem>>) semaphore(%arg12 : memref<!tpu.dma_semaphore, #tpu.memory_space<semaphore_mem>>)
      %dma_start3A_388 = arith.constant 3 : i32
      %dma_start3A_389 = arith.constant 3 : i32
      %dma_start3A_390 = arith.constant 0 : i32
      %dma_start3A_391 = arith.constant 0 : i32
      %dma_start3A_392 = tpu.memref_slice %arg9[%dma_start3A_389, %dma_start3A_390, %dma_start3A_391] : memref<20x64x32xf32, #tpu.memory_space<vmem>> -> memref<1x64x32xf32, #tpu.memory_space<vmem>>
      %dma_start3A_393 = tpu.memref_squeeze %dma_start3A_392 : memref<1x64x32xf32, #tpu.memory_space<vmem>> -> memref<64x32xf32, #tpu.memory_space<vmem>>
      %dma_start3A_394 = arith.constant 0 : i32
      %dma_start3A_395 = tpu.memref_slice %arg7[%dma_start3A_388, %dma_start3A_394] : memref<20x64xi32, #tpu.memory_space<vmem>> -> memref<1x64xi32, #tpu.memory_space<vmem>>
      %dma_start3A_396 = tpu.memref_squeeze %dma_start3A_395 : memref<1x64xi32, #tpu.memory_space<vmem>> -> memref<64xi32, #tpu.memory_space<vmem>>
      %dma_start3A_397 = arith.constant 0 : i32
      %dma_start3A_398 = arith.constant 0 : i32
      %dma_start3A_399 = tpu.memref_slice %arg3[%dma_start3A_397, %dma_start3A_398] : memref<2600000x32xf32, #tpu.memory_space<hbm>> -> memref<2600000x32xf32, #tpu.memory_space<hbm>>
      tpu.enqueue_indirect_dma source(%dma_start3A_399 : memref<2600000x32xf32, #tpu.memory_space<hbm>>) target(%dma_start3A_393 : memref<64x32xf32, #tpu.memory_space<vmem>>) offsets(%dma_start3A_396 : memref<64xi32, #tpu.memory_space<vmem>>) semaphore(%arg12 : memref<!tpu.dma_semaphore, #tpu.memory_space<semaphore_mem>>)
      %dma_start3A_400 = arith.constant 4 : i32
      %dma_start3A_401 = arith.constant 4 : i32
      %dma_start3A_402 = arith.constant 0 : i32
      %dma_start3A_403 = arith.constant 0 : i32
      %dma_start3A_404 = tpu.memref_slice %arg9[%dma_start3A_401, %dma_start3A_402, %dma_start3A_403] : memref<20x64x32xf32, #tpu.memory_space<vmem>> -> memref<1x64x32xf32, #tpu.memory_space<vmem>>
      %dma_start3A_405 = tpu.memref_squeeze %dma_start3A_404 : memref<1x64x32xf32, #tpu.memory_space<vmem>> -> memref<64x32xf32, #tpu.memory_space<vmem>>
      %dma_start3A_406 = arith.constant 0 : i32
      %dma_start3A_407 = tpu.memref_slice %arg7[%dma_start3A_400, %dma_start3A_406] : memref<20x64xi32, #tpu.memory_space<vmem>> -> memref<1x64xi32, #tpu.memory_space<vmem>>
      %dma_start3A_408 = tpu.memref_squeeze %dma_start3A_407 : memref<1x64xi32, #tpu.memory_space<vmem>> -> memref<64xi32, #tpu.memory_space<vmem>>
      %dma_start3A_409 = arith.constant 0 : i32
      %dma_start3A_410 = arith.constant 0 : i32
      %dma_start3A_411 = tpu.memref_slice %arg3[%dma_start3A_409, %dma_start3A_410] : memref<2600000x32xf32, #tpu.memory_space<hbm>> -> memref<2600000x32xf32, #tpu.memory_space<hbm>>
      tpu.enqueue_indirect_dma source(%dma_start3A_411 : memref<2600000x32xf32, #tpu.memory_space<hbm>>) target(%dma_start3A_405 : memref<64x32xf32, #tpu.memory_space<vmem>>) offsets(%dma_start3A_408 : memref<64xi32, #tpu.memory_space<vmem>>) semaphore(%arg12 : memref<!tpu.dma_semaphore, #tpu.memory_space<semaphore_mem>>)
      %dma_start3A_412 = arith.constant 5 : i32
      %dma_start3A_413 = arith.constant 5 : i32
      %dma_start3A_414 = arith.constant 0 : i32
      %dma_start3A_415 = arith.constant 0 : i32
      %dma_start3A_416 = tpu.memref_slice %arg9[%dma_start3A_413, %dma_start3A_414, %dma_start3A_415] : memref<20x64x32xf32, #tpu.memory_space<vmem>> -> memref<1x64x32xf32, #tpu.memory_space<vmem>>
      %dma_start3A_417 = tpu.memref_squeeze %dma_start3A_416 : memref<1x64x32xf32, #tpu.memory_space<vmem>> -> memref<64x32xf32, #tpu.memory_space<vmem>>
      %dma_start3A_418 = arith.constant 0 : i32
      %dma_start3A_419 = tpu.memref_slice %arg7[%dma_start3A_412, %dma_start3A_418] : memref<20x64xi32, #tpu.memory_space<vmem>> -> memref<1x64xi32, #tpu.memory_space<vmem>>
      %dma_start3A_420 = tpu.memref_squeeze %dma_start3A_419 : memref<1x64xi32, #tpu.memory_space<vmem>> -> memref<64xi32, #tpu.memory_space<vmem>>
      %dma_start3A_421 = arith.constant 0 : i32
      %dma_start3A_422 = arith.constant 0 : i32
      %dma_start3A_423 = tpu.memref_slice %arg3[%dma_start3A_421, %dma_start3A_422] : memref<2600000x32xf32, #tpu.memory_space<hbm>> -> memref<2600000x32xf32, #tpu.memory_space<hbm>>
      tpu.enqueue_indirect_dma source(%dma_start3A_423 : memref<2600000x32xf32, #tpu.memory_space<hbm>>) target(%dma_start3A_417 : memref<64x32xf32, #tpu.memory_space<vmem>>) offsets(%dma_start3A_420 : memref<64xi32, #tpu.memory_space<vmem>>) semaphore(%arg12 : memref<!tpu.dma_semaphore, #tpu.memory_space<semaphore_mem>>)
      %dma_start3A_424 = arith.constant 6 : i32
      %dma_start3A_425 = arith.constant 6 : i32
      %dma_start3A_426 = arith.constant 0 : i32
      %dma_start3A_427 = arith.constant 0 : i32
      %dma_start3A_428 = tpu.memref_slice %arg9[%dma_start3A_425, %dma_start3A_426, %dma_start3A_427] : memref<20x64x32xf32, #tpu.memory_space<vmem>> -> memref<1x64x32xf32, #tpu.memory_space<vmem>>
      %dma_start3A_429 = tpu.memref_squeeze %dma_start3A_428 : memref<1x64x32xf32, #tpu.memory_space<vmem>> -> memref<64x32xf32, #tpu.memory_space<vmem>>
      %dma_start3A_430 = arith.constant 0 : i32
      %dma_start3A_431 = tpu.memref_slice %arg7[%dma_start3A_424, %dma_start3A_430] : memref<20x64xi32, #tpu.memory_space<vmem>> -> memref<1x64xi32, #tpu.memory_space<vmem>>
      %dma_start3A_432 = tpu.memref_squeeze %dma_start3A_431 : memref<1x64xi32, #tpu.memory_space<vmem>> -> memref<64xi32, #tpu.memory_space<vmem>>
      %dma_start3A_433 = arith.constant 0 : i32
      %dma_start3A_434 = arith.constant 0 : i32
      %dma_start3A_435 = tpu.memref_slice %arg3[%dma_start3A_433, %dma_start3A_434] : memref<2600000x32xf32, #tpu.memory_space<hbm>> -> memref<2600000x32xf32, #tpu.memory_space<hbm>>
      tpu.enqueue_indirect_dma source(%dma_start3A_435 : memref<2600000x32xf32, #tpu.memory_space<hbm>>) target(%dma_start3A_429 : memref<64x32xf32, #tpu.memory_space<vmem>>) offsets(%dma_start3A_432 : memref<64xi32, #tpu.memory_space<vmem>>) semaphore(%arg12 : memref<!tpu.dma_semaphore, #tpu.memory_space<semaphore_mem>>)
      %dma_start3A_436 = arith.constant 7 : i32
      %dma_start3A_437 = arith.constant 7 : i32
      %dma_start3A_438 = arith.constant 0 : i32
      %dma_start3A_439 = arith.constant 0 : i32
      %dma_start3A_440 = tpu.memref_slice %arg9[%dma_start3A_437, %dma_start3A_438, %dma_start3A_439] : memref<20x64x32xf32, #tpu.memory_space<vmem>> -> memref<1x64x32xf32, #tpu.memory_space<vmem>>
      %dma_start3A_441 = tpu.memref_squeeze %dma_start3A_440 : memref<1x64x32xf32, #tpu.memory_space<vmem>> -> memref<64x32xf32, #tpu.memory_space<vmem>>
      %dma_start3A_442 = arith.constant 0 : i32
      %dma_start3A_443 = tpu.memref_slice %arg7[%dma_start3A_436, %dma_start3A_442] : memref<20x64xi32, #tpu.memory_space<vmem>> -> memref<1x64xi32, #tpu.memory_space<vmem>>
      %dma_start3A_444 = tpu.memref_squeeze %dma_start3A_443 : memref<1x64xi32, #tpu.memory_space<vmem>> -> memref<64xi32, #tpu.memory_space<vmem>>
      %dma_start3A_445 = arith.constant 0 : i32
      %dma_start3A_446 = arith.constant 0 : i32
      %dma_start3A_447 = tpu.memref_slice %arg3[%dma_start3A_445, %dma_start3A_446] : memref<2600000x32xf32, #tpu.memory_space<hbm>> -> memref<2600000x32xf32, #tpu.memory_space<hbm>>
      tpu.enqueue_indirect_dma source(%dma_start3A_447 : memref<2600000x32xf32, #tpu.memory_space<hbm>>) target(%dma_start3A_441 : memref<64x32xf32, #tpu.memory_space<vmem>>) offsets(%dma_start3A_444 : memref<64xi32, #tpu.memory_space<vmem>>) semaphore(%arg12 : memref<!tpu.dma_semaphore, #tpu.memory_space<semaphore_mem>>)
      %dma_start3A_448 = arith.constant 8 : i32
      %dma_start3A_449 = arith.constant 8 : i32
      %dma_start3A_450 = arith.constant 0 : i32
      %dma_start3A_451 = arith.constant 0 : i32
      %dma_start3A_452 = tpu.memref_slice %arg9[%dma_start3A_449, %dma_start3A_450, %dma_start3A_451] : memref<20x64x32xf32, #tpu.memory_space<vmem>> -> memref<1x64x32xf32, #tpu.memory_space<vmem>>
      %dma_start3A_453 = tpu.memref_squeeze %dma_start3A_452 : memref<1x64x32xf32, #tpu.memory_space<vmem>> -> memref<64x32xf32, #tpu.memory_space<vmem>>
      %dma_start3A_454 = arith.constant 0 : i32
      %dma_start3A_455 = tpu.memref_slice %arg7[%dma_start3A_448, %dma_start3A_454] : memref<20x64xi32, #tpu.memory_space<vmem>> -> memref<1x64xi32, #tpu.memory_space<vmem>>
      %dma_start3A_456 = tpu.memref_squeeze %dma_start3A_455 : memref<1x64xi32, #tpu.memory_space<vmem>> -> memref<64xi32, #tpu.memory_space<vmem>>
      %dma_start3A_457 = arith.constant 0 : i32
      %dma_start3A_458 = arith.constant 0 : i32
      %dma_start3A_459 = tpu.memref_slice %arg3[%dma_start3A_457, %dma_start3A_458] : memref<2600000x32xf32, #tpu.memory_space<hbm>> -> memref<2600000x32xf32, #tpu.memory_space<hbm>>
      tpu.enqueue_indirect_dma source(%dma_start3A_459 : memref<2600000x32xf32, #tpu.memory_space<hbm>>) target(%dma_start3A_453 : memref<64x32xf32, #tpu.memory_space<vmem>>) offsets(%dma_start3A_456 : memref<64xi32, #tpu.memory_space<vmem>>) semaphore(%arg12 : memref<!tpu.dma_semaphore, #tpu.memory_space<semaphore_mem>>)
      %dma_start3A_460 = arith.constant 9 : i32
      %dma_start3A_461 = arith.constant 9 : i32
      %dma_start3A_462 = arith.constant 0 : i32
      %dma_start3A_463 = arith.constant 0 : i32
      %dma_start3A_464 = tpu.memref_slice %arg9[%dma_start3A_461, %dma_start3A_462, %dma_start3A_463] : memref<20x64x32xf32, #tpu.memory_space<vmem>> -> memref<1x64x32xf32, #tpu.memory_space<vmem>>
      %dma_start3A_465 = tpu.memref_squeeze %dma_start3A_464 : memref<1x64x32xf32, #tpu.memory_space<vmem>> -> memref<64x32xf32, #tpu.memory_space<vmem>>
      %dma_start3A_466 = arith.constant 0 : i32
      %dma_start3A_467 = tpu.memref_slice %arg7[%dma_start3A_460, %dma_start3A_466] : memref<20x64xi32, #tpu.memory_space<vmem>> -> memref<1x64xi32, #tpu.memory_space<vmem>>
      %dma_start3A_468 = tpu.memref_squeeze %dma_start3A_467 : memref<1x64xi32, #tpu.memory_space<vmem>> -> memref<64xi32, #tpu.memory_space<vmem>>
      %dma_start3A_469 = arith.constant 0 : i32
      %dma_start3A_470 = arith.constant 0 : i32
      %dma_start3A_471 = tpu.memref_slice %arg3[%dma_start3A_469, %dma_start3A_470] : memref<2600000x32xf32, #tpu.memory_space<hbm>> -> memref<2600000x32xf32, #tpu.memory_space<hbm>>
      tpu.enqueue_indirect_dma source(%dma_start3A_471 : memref<2600000x32xf32, #tpu.memory_space<hbm>>) target(%dma_start3A_465 : memref<64x32xf32, #tpu.memory_space<vmem>>) offsets(%dma_start3A_468 : memref<64xi32, #tpu.memory_space<vmem>>) semaphore(%arg12 : memref<!tpu.dma_semaphore, #tpu.memory_space<semaphore_mem>>)
      %dma_start3A_472 = arith.constant 10 : i32
      %dma_start3A_473 = arith.constant 10 : i32
      %dma_start3A_474 = arith.constant 0 : i32
      %dma_start3A_475 = arith.constant 0 : i32
      %dma_start3A_476 = tpu.memref_slice %arg9[%dma_start3A_473, %dma_start3A_474, %dma_start3A_475] : memref<20x64x32xf32, #tpu.memory_space<vmem>> -> memref<1x64x32xf32, #tpu.memory_space<vmem>>
      %dma_start3A_477 = tpu.memref_squeeze %dma_start3A_476 : memref<1x64x32xf32, #tpu.memory_space<vmem>> -> memref<64x32xf32, #tpu.memory_space<vmem>>
      %dma_start3A_478 = arith.constant 0 : i32
      %dma_start3A_479 = tpu.memref_slice %arg7[%dma_start3A_472, %dma_start3A_478] : memref<20x64xi32, #tpu.memory_space<vmem>> -> memref<1x64xi32, #tpu.memory_space<vmem>>
      %dma_start3A_480 = tpu.memref_squeeze %dma_start3A_479 : memref<1x64xi32, #tpu.memory_space<vmem>> -> memref<64xi32, #tpu.memory_space<vmem>>
      %dma_start3A_481 = arith.constant 0 : i32
      %dma_start3A_482 = arith.constant 0 : i32
      %dma_start3A_483 = tpu.memref_slice %arg3[%dma_start3A_481, %dma_start3A_482] : memref<2600000x32xf32, #tpu.memory_space<hbm>> -> memref<2600000x32xf32, #tpu.memory_space<hbm>>
      tpu.enqueue_indirect_dma source(%dma_start3A_483 : memref<2600000x32xf32, #tpu.memory_space<hbm>>) target(%dma_start3A_477 : memref<64x32xf32, #tpu.memory_space<vmem>>) offsets(%dma_start3A_480 : memref<64xi32, #tpu.memory_space<vmem>>) semaphore(%arg12 : memref<!tpu.dma_semaphore, #tpu.memory_space<semaphore_mem>>)
      %dma_start3A_484 = arith.constant 11 : i32
      %dma_start3A_485 = arith.constant 11 : i32
      %dma_start3A_486 = arith.constant 0 : i32
      %dma_start3A_487 = arith.constant 0 : i32
      %dma_start3A_488 = tpu.memref_slice %arg9[%dma_start3A_485, %dma_start3A_486, %dma_start3A_487] : memref<20x64x32xf32, #tpu.memory_space<vmem>> -> memref<1x64x32xf32, #tpu.memory_space<vmem>>
      %dma_start3A_489 = tpu.memref_squeeze %dma_start3A_488 : memref<1x64x32xf32, #tpu.memory_space<vmem>> -> memref<64x32xf32, #tpu.memory_space<vmem>>
      %dma_start3A_490 = arith.constant 0 : i32
      %dma_start3A_491 = tpu.memref_slice %arg7[%dma_start3A_484, %dma_start3A_490] : memref<20x64xi32, #tpu.memory_space<vmem>> -> memref<1x64xi32, #tpu.memory_space<vmem>>
      %dma_start3A_492 = tpu.memref_squeeze %dma_start3A_491 : memref<1x64xi32, #tpu.memory_space<vmem>> -> memref<64xi32, #tpu.memory_space<vmem>>
      %dma_start3A_493 = arith.constant 0 : i32
      %dma_start3A_494 = arith.constant 0 : i32
      %dma_start3A_495 = tpu.memref_slice %arg3[%dma_start3A_493, %dma_start3A_494] : memref<2600000x32xf32, #tpu.memory_space<hbm>> -> memref<2600000x32xf32, #tpu.memory_space<hbm>>
      tpu.enqueue_indirect_dma source(%dma_start3A_495 : memref<2600000x32xf32, #tpu.memory_space<hbm>>) target(%dma_start3A_489 : memref<64x32xf32, #tpu.memory_space<vmem>>) offsets(%dma_start3A_492 : memref<64xi32, #tpu.memory_space<vmem>>) semaphore(%arg12 : memref<!tpu.dma_semaphore, #tpu.memory_space<semaphore_mem>>)
      %dma_start3A_496 = arith.constant 12 : i32
      %dma_start3A_497 = arith.constant 12 : i32
      %dma_start3A_498 = arith.constant 0 : i32
      %dma_start3A_499 = arith.constant 0 : i32
      %dma_start3A_500 = tpu.memref_slice %arg9[%dma_start3A_497, %dma_start3A_498, %dma_start3A_499] : memref<20x64x32xf32, #tpu.memory_space<vmem>> -> memref<1x64x32xf32, #tpu.memory_space<vmem>>
      %dma_start3A_501 = tpu.memref_squeeze %dma_start3A_500 : memref<1x64x32xf32, #tpu.memory_space<vmem>> -> memref<64x32xf32, #tpu.memory_space<vmem>>
      %dma_start3A_502 = arith.constant 0 : i32
      %dma_start3A_503 = tpu.memref_slice %arg7[%dma_start3A_496, %dma_start3A_502] : memref<20x64xi32, #tpu.memory_space<vmem>> -> memref<1x64xi32, #tpu.memory_space<vmem>>
      %dma_start3A_504 = tpu.memref_squeeze %dma_start3A_503 : memref<1x64xi32, #tpu.memory_space<vmem>> -> memref<64xi32, #tpu.memory_space<vmem>>
      %dma_start3A_505 = arith.constant 0 : i32
      %dma_start3A_506 = arith.constant 0 : i32
      %dma_start3A_507 = tpu.memref_slice %arg3[%dma_start3A_505, %dma_start3A_506] : memref<2600000x32xf32, #tpu.memory_space<hbm>> -> memref<2600000x32xf32, #tpu.memory_space<hbm>>
      tpu.enqueue_indirect_dma source(%dma_start3A_507 : memref<2600000x32xf32, #tpu.memory_space<hbm>>) target(%dma_start3A_501 : memref<64x32xf32, #tpu.memory_space<vmem>>) offsets(%dma_start3A_504 : memref<64xi32, #tpu.memory_space<vmem>>) semaphore(%arg12 : memref<!tpu.dma_semaphore, #tpu.memory_space<semaphore_mem>>)
      %dma_start3A_508 = arith.constant 13 : i32
      %dma_start3A_509 = arith.constant 13 : i32
      %dma_start3A_510 = arith.constant 0 : i32
      %dma_start3A_511 = arith.constant 0 : i32
      %dma_start3A_512 = tpu.memref_slice %arg9[%dma_start3A_509, %dma_start3A_510, %dma_start3A_511] : memref<20x64x32xf32, #tpu.memory_space<vmem>> -> memref<1x64x32xf32, #tpu.memory_space<vmem>>
      %dma_start3A_513 = tpu.memref_squeeze %dma_start3A_512 : memref<1x64x32xf32, #tpu.memory_space<vmem>> -> memref<64x32xf32, #tpu.memory_space<vmem>>
      %dma_start3A_514 = arith.constant 0 : i32
      %dma_start3A_515 = tpu.memref_slice %arg7[%dma_start3A_508, %dma_start3A_514] : memref<20x64xi32, #tpu.memory_space<vmem>> -> memref<1x64xi32, #tpu.memory_space<vmem>>
      %dma_start3A_516 = tpu.memref_squeeze %dma_start3A_515 : memref<1x64xi32, #tpu.memory_space<vmem>> -> memref<64xi32, #tpu.memory_space<vmem>>
      %dma_start3A_517 = arith.constant 0 : i32
      %dma_start3A_518 = arith.constant 0 : i32
      %dma_start3A_519 = tpu.memref_slice %arg3[%dma_start3A_517, %dma_start3A_518] : memref<2600000x32xf32, #tpu.memory_space<hbm>> -> memref<2600000x32xf32, #tpu.memory_space<hbm>>
      tpu.enqueue_indirect_dma source(%dma_start3A_519 : memref<2600000x32xf32, #tpu.memory_space<hbm>>) target(%dma_start3A_513 : memref<64x32xf32, #tpu.memory_space<vmem>>) offsets(%dma_start3A_516 : memref<64xi32, #tpu.memory_space<vmem>>) semaphore(%arg12 : memref<!tpu.dma_semaphore, #tpu.memory_space<semaphore_mem>>)
      %dma_start3A_520 = arith.constant 14 : i32
      %dma_start3A_521 = arith.constant 14 : i32
      %dma_start3A_522 = arith.constant 0 : i32
      %dma_start3A_523 = arith.constant 0 : i32
      %dma_start3A_524 = tpu.memref_slice %arg9[%dma_start3A_521, %dma_start3A_522, %dma_start3A_523] : memref<20x64x32xf32, #tpu.memory_space<vmem>> -> memref<1x64x32xf32, #tpu.memory_space<vmem>>
      %dma_start3A_525 = tpu.memref_squeeze %dma_start3A_524 : memref<1x64x32xf32, #tpu.memory_space<vmem>> -> memref<64x32xf32, #tpu.memory_space<vmem>>
      %dma_start3A_526 = arith.constant 0 : i32
      %dma_start3A_527 = tpu.memref_slice %arg7[%dma_start3A_520, %dma_start3A_526] : memref<20x64xi32, #tpu.memory_space<vmem>> -> memref<1x64xi32, #tpu.memory_space<vmem>>
      %dma_start3A_528 = tpu.memref_squeeze %dma_start3A_527 : memref<1x64xi32, #tpu.memory_space<vmem>> -> memref<64xi32, #tpu.memory_space<vmem>>
      %dma_start3A_529 = arith.constant 0 : i32
      %dma_start3A_530 = arith.constant 0 : i32
      %dma_start3A_531 = tpu.memref_slice %arg3[%dma_start3A_529, %dma_start3A_530] : memref<2600000x32xf32, #tpu.memory_space<hbm>> -> memref<2600000x32xf32, #tpu.memory_space<hbm>>
      tpu.enqueue_indirect_dma source(%dma_start3A_531 : memref<2600000x32xf32, #tpu.memory_space<hbm>>) target(%dma_start3A_525 : memref<64x32xf32, #tpu.memory_space<vmem>>) offsets(%dma_start3A_528 : memref<64xi32, #tpu.memory_space<vmem>>) semaphore(%arg12 : memref<!tpu.dma_semaphore, #tpu.memory_space<semaphore_mem>>)
      %dma_start3A_532 = arith.constant 15 : i32
      %dma_start3A_533 = arith.constant 15 : i32
      %dma_start3A_534 = arith.constant 0 : i32
      %dma_start3A_535 = arith.constant 0 : i32
      %dma_start3A_536 = tpu.memref_slice %arg9[%dma_start3A_533, %dma_start3A_534, %dma_start3A_535] : memref<20x64x32xf32, #tpu.memory_space<vmem>> -> memref<1x64x32xf32, #tpu.memory_space<vmem>>
      %dma_start3A_537 = tpu.memref_squeeze %dma_start3A_536 : memref<1x64x32xf32, #tpu.memory_space<vmem>> -> memref<64x32xf32, #tpu.memory_space<vmem>>
      %dma_start3A_538 = arith.constant 0 : i32
      %dma_start3A_539 = tpu.memref_slice %arg7[%dma_start3A_532, %dma_start3A_538] : memref<20x64xi32, #tpu.memory_space<vmem>> -> memref<1x64xi32, #tpu.memory_space<vmem>>
      %dma_start3A_540 = tpu.memref_squeeze %dma_start3A_539 : memref<1x64xi32, #tpu.memory_space<vmem>> -> memref<64xi32, #tpu.memory_space<vmem>>
      %dma_start3A_541 = arith.constant 0 : i32
      %dma_start3A_542 = arith.constant 0 : i32
      %dma_start3A_543 = tpu.memref_slice %arg3[%dma_start3A_541, %dma_start3A_542] : memref<2600000x32xf32, #tpu.memory_space<hbm>> -> memref<2600000x32xf32, #tpu.memory_space<hbm>>
      tpu.enqueue_indirect_dma source(%dma_start3A_543 : memref<2600000x32xf32, #tpu.memory_space<hbm>>) target(%dma_start3A_537 : memref<64x32xf32, #tpu.memory_space<vmem>>) offsets(%dma_start3A_540 : memref<64xi32, #tpu.memory_space<vmem>>) semaphore(%arg12 : memref<!tpu.dma_semaphore, #tpu.memory_space<semaphore_mem>>)
      %dma_start3A_544 = arith.constant 16 : i32
      %dma_start3A_545 = arith.constant 16 : i32
      %dma_start3A_546 = arith.constant 0 : i32
      %dma_start3A_547 = arith.constant 0 : i32
      %dma_start3A_548 = tpu.memref_slice %arg9[%dma_start3A_545, %dma_start3A_546, %dma_start3A_547] : memref<20x64x32xf32, #tpu.memory_space<vmem>> -> memref<1x64x32xf32, #tpu.memory_space<vmem>>
      %dma_start3A_549 = tpu.memref_squeeze %dma_start3A_548 : memref<1x64x32xf32, #tpu.memory_space<vmem>> -> memref<64x32xf32, #tpu.memory_space<vmem>>
      %dma_start3A_550 = arith.constant 0 : i32
      %dma_start3A_551 = tpu.memref_slice %arg7[%dma_start3A_544, %dma_start3A_550] : memref<20x64xi32, #tpu.memory_space<vmem>> -> memref<1x64xi32, #tpu.memory_space<vmem>>
      %dma_start3A_552 = tpu.memref_squeeze %dma_start3A_551 : memref<1x64xi32, #tpu.memory_space<vmem>> -> memref<64xi32, #tpu.memory_space<vmem>>
      %dma_start3A_553 = arith.constant 0 : i32
      %dma_start3A_554 = arith.constant 0 : i32
      %dma_start3A_555 = tpu.memref_slice %arg3[%dma_start3A_553, %dma_start3A_554] : memref<2600000x32xf32, #tpu.memory_space<hbm>> -> memref<2600000x32xf32, #tpu.memory_space<hbm>>
      tpu.enqueue_indirect_dma source(%dma_start3A_555 : memref<2600000x32xf32, #tpu.memory_space<hbm>>) target(%dma_start3A_549 : memref<64x32xf32, #tpu.memory_space<vmem>>) offsets(%dma_start3A_552 : memref<64xi32, #tpu.memory_space<vmem>>) semaphore(%arg12 : memref<!tpu.dma_semaphore, #tpu.memory_space<semaphore_mem>>)
      %dma_start3A_556 = arith.constant 17 : i32
      %dma_start3A_557 = arith.constant 17 : i32
      %dma_start3A_558 = arith.constant 0 : i32
      %dma_start3A_559 = arith.constant 0 : i32
      %dma_start3A_560 = tpu.memref_slice %arg9[%dma_start3A_557, %dma_start3A_558, %dma_start3A_559] : memref<20x64x32xf32, #tpu.memory_space<vmem>> -> memref<1x64x32xf32, #tpu.memory_space<vmem>>
      %dma_start3A_561 = tpu.memref_squeeze %dma_start3A_560 : memref<1x64x32xf32, #tpu.memory_space<vmem>> -> memref<64x32xf32, #tpu.memory_space<vmem>>
      %dma_start3A_562 = arith.constant 0 : i32
      %dma_start3A_563 = tpu.memref_slice %arg7[%dma_start3A_556, %dma_start3A_562] : memref<20x64xi32, #tpu.memory_space<vmem>> -> memref<1x64xi32, #tpu.memory_space<vmem>>
      %dma_start3A_564 = tpu.memref_squeeze %dma_start3A_563 : memref<1x64xi32, #tpu.memory_space<vmem>> -> memref<64xi32, #tpu.memory_space<vmem>>
      %dma_start3A_565 = arith.constant 0 : i32
      %dma_start3A_566 = arith.constant 0 : i32
      %dma_start3A_567 = tpu.memref_slice %arg3[%dma_start3A_565, %dma_start3A_566] : memref<2600000x32xf32, #tpu.memory_space<hbm>> -> memref<2600000x32xf32, #tpu.memory_space<hbm>>
      tpu.enqueue_indirect_dma source(%dma_start3A_567 : memref<2600000x32xf32, #tpu.memory_space<hbm>>) target(%dma_start3A_561 : memref<64x32xf32, #tpu.memory_space<vmem>>) offsets(%dma_start3A_564 : memref<64xi32, #tpu.memory_space<vmem>>) semaphore(%arg12 : memref<!tpu.dma_semaphore, #tpu.memory_space<semaphore_mem>>)
      %dma_start3A_568 = arith.constant 18 : i32
      %dma_start3A_569 = arith.constant 18 : i32
      %dma_start3A_570 = arith.constant 0 : i32
      %dma_start3A_571 = arith.constant 0 : i32
      %dma_start3A_572 = tpu.memref_slice %arg9[%dma_start3A_569, %dma_start3A_570, %dma_start3A_571] : memref<20x64x32xf32, #tpu.memory_space<vmem>> -> memref<1x64x32xf32, #tpu.memory_space<vmem>>
      %dma_start3A_573 = tpu.memref_squeeze %dma_start3A_572 : memref<1x64x32xf32, #tpu.memory_space<vmem>> -> memref<64x32xf32, #tpu.memory_space<vmem>>
      %dma_start3A_574 = arith.constant 0 : i32
      %dma_start3A_575 = tpu.memref_slice %arg7[%dma_start3A_568, %dma_start3A_574] : memref<20x64xi32, #tpu.memory_space<vmem>> -> memref<1x64xi32, #tpu.memory_space<vmem>>
      %dma_start3A_576 = tpu.memref_squeeze %dma_start3A_575 : memref<1x64xi32, #tpu.memory_space<vmem>> -> memref<64xi32, #tpu.memory_space<vmem>>
      %dma_start3A_577 = arith.constant 0 : i32
      %dma_start3A_578 = arith.constant 0 : i32
      %dma_start3A_579 = tpu.memref_slice %arg3[%dma_start3A_577, %dma_start3A_578] : memref<2600000x32xf32, #tpu.memory_space<hbm>> -> memref<2600000x32xf32, #tpu.memory_space<hbm>>
      tpu.enqueue_indirect_dma source(%dma_start3A_579 : memref<2600000x32xf32, #tpu.memory_space<hbm>>) target(%dma_start3A_573 : memref<64x32xf32, #tpu.memory_space<vmem>>) offsets(%dma_start3A_576 : memref<64xi32, #tpu.memory_space<vmem>>) semaphore(%arg12 : memref<!tpu.dma_semaphore, #tpu.memory_space<semaphore_mem>>)
      %dma_start3A_580 = arith.constant 19 : i32
      %dma_start3A_581 = arith.constant 19 : i32
      %dma_start3A_582 = arith.constant 0 : i32
      %dma_start3A_583 = arith.constant 0 : i32
      %dma_start3A_584 = tpu.memref_slice %arg9[%dma_start3A_581, %dma_start3A_582, %dma_start3A_583] : memref<20x64x32xf32, #tpu.memory_space<vmem>> -> memref<1x64x32xf32, #tpu.memory_space<vmem>>
      %dma_start3A_585 = tpu.memref_squeeze %dma_start3A_584 : memref<1x64x32xf32, #tpu.memory_space<vmem>> -> memref<64x32xf32, #tpu.memory_space<vmem>>
      %dma_start3A_586 = arith.constant 0 : i32
      %dma_start3A_587 = tpu.memref_slice %arg7[%dma_start3A_580, %dma_start3A_586] : memref<20x64xi32, #tpu.memory_space<vmem>> -> memref<1x64xi32, #tpu.memory_space<vmem>>
      %dma_start3A_588 = tpu.memref_squeeze %dma_start3A_587 : memref<1x64xi32, #tpu.memory_space<vmem>> -> memref<64xi32, #tpu.memory_space<vmem>>
      %dma_start3A_589 = arith.constant 0 : i32
      %dma_start3A_590 = arith.constant 0 : i32
      %dma_start3A_591 = tpu.memref_slice %arg3[%dma_start3A_589, %dma_start3A_590] : memref<2600000x32xf32, #tpu.memory_space<hbm>> -> memref<2600000x32xf32, #tpu.memory_space<hbm>>
      tpu.enqueue_indirect_dma source(%dma_start3A_591 : memref<2600000x32xf32, #tpu.memory_space<hbm>>) target(%dma_start3A_585 : memref<64x32xf32, #tpu.memory_space<vmem>>) offsets(%dma_start3A_588 : memref<64xi32, #tpu.memory_space<vmem>>) semaphore(%arg12 : memref<!tpu.dma_semaphore, #tpu.memory_space<semaphore_mem>>)
      %mul3A_592 = arith.constant 52 : i32
      %mul3A_593 = arith.muli %add3A, %mul3A_592 : i32
      %add3A_594 = arith.addi %mul3A_593, %mul3A_294 : i32
      %jit3A_595 = arith.constant 64 : i32
      %div3A_596 = arith.divsi %add3A_594, %jit3A_595 : i32
      %sign3A_597 = arith.constant 0 : i32
      %sign3A_598 = arith.cmpi sgt, %add3A_594, %sign3A_597 : i32
      %sign3A_599 = arith.extui %sign3A_598 : i1 to i32
      %sign3A_600 = arith.constant 0 : i32
      %sign3A_601 = arith.cmpi slt, %add3A_594, %sign3A_600 : i32
      %sign3A_602 = arith.extui %sign3A_601 : i1 to i32
      %sign3A_603 = arith.subi %sign3A_599, %sign3A_602 : i32
      %sign3A_604 = arith.constant 0 : i32
      %sign3A_605 = arith.cmpi sgt, %jit3A_595, %sign3A_604 : i32
      %sign3A_606 = arith.extui %sign3A_605 : i1 to i32
      %sign3A_607 = arith.constant 0 : i32
      %sign3A_608 = arith.cmpi slt, %jit3A_595, %sign3A_607 : i32
      %sign3A_609 = arith.extui %sign3A_608 : i1 to i32
      %sign3A_610 = arith.subi %sign3A_606, %sign3A_609 : i32
      %ne3A_611 = arith.cmpi ne, %sign3A_603, %sign3A_610 : i32
      %rem3A_612 = arith.remsi %add3A_594, %jit3A_595 : i32
      %ne3A_613 = arith.constant 0 : i32
      %ne3A_614 = arith.cmpi ne, %rem3A_612, %ne3A_613 : i32
      %and3A_615 = arith.andi %ne3A_611, %ne3A_614 : i1
      %sub3A_616 = arith.constant 1 : i32
      %sub3A_617 = arith.subi %div3A_596, %sub3A_616 : i32
      %select_n3A_618 = arith.select %and3A_615, %sub3A_617, %div3A_596 : i32
      %jit3A_619 = arith.constant 64 : i32
      %eq3A_620 = arith.constant 0 : i32
      %eq3A_621 = arith.cmpi eq, %jit3A_619, %eq3A_620 : i32
      %jit3A_622 = arith.constant 1 : i32
      %select_n3A_623 = arith.select %eq3A_621, %jit3A_622, %jit3A_619 : i32
      %rem3A_624 = arith.remsi %add3A_594, %select_n3A_623 : i32
      %ne3A_625 = arith.constant 0 : i32
      %ne3A_626 = arith.cmpi ne, %rem3A_624, %ne3A_625 : i32
      %lt3A_627 = arith.constant 0 : i32
      %lt3A_628 = arith.cmpi slt, %rem3A_624, %lt3A_627 : i32
      %lt3A_629 = arith.constant 0 : i32
      %lt3A_630 = arith.cmpi slt, %select_n3A_623, %lt3A_629 : i32
      %ne3A_631 = arith.xori %lt3A_628, %lt3A_630 : i1
      %and3A_632 = arith.andi %ne3A_631, %ne3A_626 : i1
      %add3A_633 = arith.addi %rem3A_624, %select_n3A_623 : i32
      %select_n3A_634 = arith.select %and3A_632, %add3A_633, %rem3A_624 : i32
      %mul3A_635 = arith.constant 64 : i32
      %mul3A_636 = arith.muli %select_n3A_634, %mul3A_635 : i32
      %dma_wait3A = arith.constant 0 : i32
      %dma_wait3A_637 = arith.constant 0 : i32
      %dma_wait3A_638 = arith.constant 0 : i32
      %dma_wait3A_639 = arith.constant 0 : i32
      %dma_wait3A_640 = tpu.memref_slice %arg8[%dma_wait3A_637, %dma_wait3A_638, %dma_wait3A_639] : memref<20x64x32xf32, #tpu.memory_space<vmem>> -> memref<1x64x32xf32, #tpu.memory_space<vmem>>
      %dma_wait3A_641 = tpu.memref_squeeze %dma_wait3A_640 : memref<1x64x32xf32, #tpu.memory_space<vmem>> -> memref<64x32xf32, #tpu.memory_space<vmem>>
      %dma_wait3A_642 = arith.constant 0 : i32
      %dma_wait3A_643 = tpu.memref_slice %arg6[%dma_wait3A, %dma_wait3A_642] : memref<20x64xi32, #tpu.memory_space<vmem>> -> memref<1x64xi32, #tpu.memory_space<vmem>>
      %dma_wait3A_644 = tpu.memref_squeeze %dma_wait3A_643 : memref<1x64xi32, #tpu.memory_space<vmem>> -> memref<64xi32, #tpu.memory_space<vmem>>
      %dma_wait3A_645 = arith.constant 0 : i32
      %dma_wait3A_646 = arith.constant 0 : i32
      %dma_wait3A_647 = tpu.memref_slice %arg3[%dma_wait3A_645, %dma_wait3A_646] : memref<2600000x32xf32, #tpu.memory_space<hbm>> -> memref<2600000x32xf32, #tpu.memory_space<hbm>>
      tpu.wait_indirect_dma semaphore(%arg11 : memref<!tpu.dma_semaphore, #tpu.memory_space<semaphore_mem>>) src(%dma_wait3A_647 : memref<2600000x32xf32, #tpu.memory_space<hbm>>) dst(%dma_wait3A_641 : memref<64x32xf32, #tpu.memory_space<vmem>>)
      %dma_wait3A_648 = arith.constant 1 : i32
      %dma_wait3A_649 = arith.constant 1 : i32
      %dma_wait3A_650 = arith.constant 0 : i32
      %dma_wait3A_651 = arith.constant 0 : i32
      %dma_wait3A_652 = tpu.memref_slice %arg8[%dma_wait3A_649, %dma_wait3A_650, %dma_wait3A_651] : memref<20x64x32xf32, #tpu.memory_space<vmem>> -> memref<1x64x32xf32, #tpu.memory_space<vmem>>
      %dma_wait3A_653 = tpu.memref_squeeze %dma_wait3A_652 : memref<1x64x32xf32, #tpu.memory_space<vmem>> -> memref<64x32xf32, #tpu.memory_space<vmem>>
      %dma_wait3A_654 = arith.constant 0 : i32
      %dma_wait3A_655 = tpu.memref_slice %arg6[%dma_wait3A_648, %dma_wait3A_654] : memref<20x64xi32, #tpu.memory_space<vmem>> -> memref<1x64xi32, #tpu.memory_space<vmem>>
      %dma_wait3A_656 = tpu.memref_squeeze %dma_wait3A_655 : memref<1x64xi32, #tpu.memory_space<vmem>> -> memref<64xi32, #tpu.memory_space<vmem>>
      %dma_wait3A_657 = arith.constant 0 : i32
      %dma_wait3A_658 = arith.constant 0 : i32
      %dma_wait3A_659 = tpu.memref_slice %arg3[%dma_wait3A_657, %dma_wait3A_658] : memref<2600000x32xf32, #tpu.memory_space<hbm>> -> memref<2600000x32xf32, #tpu.memory_space<hbm>>
      tpu.wait_indirect_dma semaphore(%arg11 : memref<!tpu.dma_semaphore, #tpu.memory_space<semaphore_mem>>) src(%dma_wait3A_659 : memref<2600000x32xf32, #tpu.memory_space<hbm>>) dst(%dma_wait3A_653 : memref<64x32xf32, #tpu.memory_space<vmem>>)
      %dma_wait3A_660 = arith.constant 2 : i32
      %dma_wait3A_661 = arith.constant 2 : i32
      %dma_wait3A_662 = arith.constant 0 : i32
      %dma_wait3A_663 = arith.constant 0 : i32
      %dma_wait3A_664 = tpu.memref_slice %arg8[%dma_wait3A_661, %dma_wait3A_662, %dma_wait3A_663] : memref<20x64x32xf32, #tpu.memory_space<vmem>> -> memref<1x64x32xf32, #tpu.memory_space<vmem>>
      %dma_wait3A_665 = tpu.memref_squeeze %dma_wait3A_664 : memref<1x64x32xf32, #tpu.memory_space<vmem>> -> memref<64x32xf32, #tpu.memory_space<vmem>>
      %dma_wait3A_666 = arith.constant 0 : i32
      %dma_wait3A_667 = tpu.memref_slice %arg6[%dma_wait3A_660, %dma_wait3A_666] : memref<20x64xi32, #tpu.memory_space<vmem>> -> memref<1x64xi32, #tpu.memory_space<vmem>>
      %dma_wait3A_668 = tpu.memref_squeeze %dma_wait3A_667 : memref<1x64xi32, #tpu.memory_space<vmem>> -> memref<64xi32, #tpu.memory_space<vmem>>
      %dma_wait3A_669 = arith.constant 0 : i32
      %dma_wait3A_670 = arith.constant 0 : i32
      %dma_wait3A_671 = tpu.memref_slice %arg3[%dma_wait3A_669, %dma_wait3A_670] : memref<2600000x32xf32, #tpu.memory_space<hbm>> -> memref<2600000x32xf32, #tpu.memory_space<hbm>>
      tpu.wait_indirect_dma semaphore(%arg11 : memref<!tpu.dma_semaphore, #tpu.memory_space<semaphore_mem>>) src(%dma_wait3A_671 : memref<2600000x32xf32, #tpu.memory_space<hbm>>) dst(%dma_wait3A_665 : memref<64x32xf32, #tpu.memory_space<vmem>>)
      %dma_wait3A_672 = arith.constant 3 : i32
      %dma_wait3A_673 = arith.constant 3 : i32
      %dma_wait3A_674 = arith.constant 0 : i32
      %dma_wait3A_675 = arith.constant 0 : i32
      %dma_wait3A_676 = tpu.memref_slice %arg8[%dma_wait3A_673, %dma_wait3A_674, %dma_wait3A_675] : memref<20x64x32xf32, #tpu.memory_space<vmem>> -> memref<1x64x32xf32, #tpu.memory_space<vmem>>
      %dma_wait3A_677 = tpu.memref_squeeze %dma_wait3A_676 : memref<1x64x32xf32, #tpu.memory_space<vmem>> -> memref<64x32xf32, #tpu.memory_space<vmem>>
      %dma_wait3A_678 = arith.constant 0 : i32
      %dma_wait3A_679 = tpu.memref_slice %arg6[%dma_wait3A_672, %dma_wait3A_678] : memref<20x64xi32, #tpu.memory_space<vmem>> -> memref<1x64xi32, #tpu.memory_space<vmem>>
      %dma_wait3A_680 = tpu.memref_squeeze %dma_wait3A_679 : memref<1x64xi32, #tpu.memory_space<vmem>> -> memref<64xi32, #tpu.memory_space<vmem>>
      %dma_wait3A_681 = arith.constant 0 : i32
      %dma_wait3A_682 = arith.constant 0 : i32
      %dma_wait3A_683 = tpu.memref_slice %arg3[%dma_wait3A_681, %dma_wait3A_682] : memref<2600000x32xf32, #tpu.memory_space<hbm>> -> memref<2600000x32xf32, #tpu.memory_space<hbm>>
      tpu.wait_indirect_dma semaphore(%arg11 : memref<!tpu.dma_semaphore, #tpu.memory_space<semaphore_mem>>) src(%dma_wait3A_683 : memref<2600000x32xf32, #tpu.memory_space<hbm>>) dst(%dma_wait3A_677 : memref<64x32xf32, #tpu.memory_space<vmem>>)
      %dma_wait3A_684 = arith.constant 4 : i32
      %dma_wait3A_685 = arith.constant 4 : i32
      %dma_wait3A_686 = arith.constant 0 : i32
      %dma_wait3A_687 = arith.constant 0 : i32
      %dma_wait3A_688 = tpu.memref_slice %arg8[%dma_wait3A_685, %dma_wait3A_686, %dma_wait3A_687] : memref<20x64x32xf32, #tpu.memory_space<vmem>> -> memref<1x64x32xf32, #tpu.memory_space<vmem>>
      %dma_wait3A_689 = tpu.memref_squeeze %dma_wait3A_688 : memref<1x64x32xf32, #tpu.memory_space<vmem>> -> memref<64x32xf32, #tpu.memory_space<vmem>>
      %dma_wait3A_690 = arith.constant 0 : i32
      %dma_wait3A_691 = tpu.memref_slice %arg6[%dma_wait3A_684, %dma_wait3A_690] : memref<20x64xi32, #tpu.memory_space<vmem>> -> memref<1x64xi32, #tpu.memory_space<vmem>>
      %dma_wait3A_692 = tpu.memref_squeeze %dma_wait3A_691 : memref<1x64xi32, #tpu.memory_space<vmem>> -> memref<64xi32, #tpu.memory_space<vmem>>
      %dma_wait3A_693 = arith.constant 0 : i32
      %dma_wait3A_694 = arith.constant 0 : i32
      %dma_wait3A_695 = tpu.memref_slice %arg3[%dma_wait3A_693, %dma_wait3A_694] : memref<2600000x32xf32, #tpu.memory_space<hbm>> -> memref<2600000x32xf32, #tpu.memory_space<hbm>>
      tpu.wait_indirect_dma semaphore(%arg11 : memref<!tpu.dma_semaphore, #tpu.memory_space<semaphore_mem>>) src(%dma_wait3A_695 : memref<2600000x32xf32, #tpu.memory_space<hbm>>) dst(%dma_wait3A_689 : memref<64x32xf32, #tpu.memory_space<vmem>>)
      %dma_wait3A_696 = arith.constant 5 : i32
      %dma_wait3A_697 = arith.constant 5 : i32
      %dma_wait3A_698 = arith.constant 0 : i32
      %dma_wait3A_699 = arith.constant 0 : i32
      %dma_wait3A_700 = tpu.memref_slice %arg8[%dma_wait3A_697, %dma_wait3A_698, %dma_wait3A_699] : memref<20x64x32xf32, #tpu.memory_space<vmem>> -> memref<1x64x32xf32, #tpu.memory_space<vmem>>
      %dma_wait3A_701 = tpu.memref_squeeze %dma_wait3A_700 : memref<1x64x32xf32, #tpu.memory_space<vmem>> -> memref<64x32xf32, #tpu.memory_space<vmem>>
      %dma_wait3A_702 = arith.constant 0 : i32
      %dma_wait3A_703 = tpu.memref_slice %arg6[%dma_wait3A_696, %dma_wait3A_702] : memref<20x64xi32, #tpu.memory_space<vmem>> -> memref<1x64xi32, #tpu.memory_space<vmem>>
      %dma_wait3A_704 = tpu.memref_squeeze %dma_wait3A_703 : memref<1x64xi32, #tpu.memory_space<vmem>> -> memref<64xi32, #tpu.memory_space<vmem>>
      %dma_wait3A_705 = arith.constant 0 : i32
      %dma_wait3A_706 = arith.constant 0 : i32
      %dma_wait3A_707 = tpu.memref_slice %arg3[%dma_wait3A_705, %dma_wait3A_706] : memref<2600000x32xf32, #tpu.memory_space<hbm>> -> memref<2600000x32xf32, #tpu.memory_space<hbm>>
      tpu.wait_indirect_dma semaphore(%arg11 : memref<!tpu.dma_semaphore, #tpu.memory_space<semaphore_mem>>) src(%dma_wait3A_707 : memref<2600000x32xf32, #tpu.memory_space<hbm>>) dst(%dma_wait3A_701 : memref<64x32xf32, #tpu.memory_space<vmem>>)
      %dma_wait3A_708 = arith.constant 6 : i32
      %dma_wait3A_709 = arith.constant 6 : i32
      %dma_wait3A_710 = arith.constant 0 : i32
      %dma_wait3A_711 = arith.constant 0 : i32
      %dma_wait3A_712 = tpu.memref_slice %arg8[%dma_wait3A_709, %dma_wait3A_710, %dma_wait3A_711] : memref<20x64x32xf32, #tpu.memory_space<vmem>> -> memref<1x64x32xf32, #tpu.memory_space<vmem>>
      %dma_wait3A_713 = tpu.memref_squeeze %dma_wait3A_712 : memref<1x64x32xf32, #tpu.memory_space<vmem>> -> memref<64x32xf32, #tpu.memory_space<vmem>>
      %dma_wait3A_714 = arith.constant 0 : i32
      %dma_wait3A_715 = tpu.memref_slice %arg6[%dma_wait3A_708, %dma_wait3A_714] : memref<20x64xi32, #tpu.memory_space<vmem>> -> memref<1x64xi32, #tpu.memory_space<vmem>>
      %dma_wait3A_716 = tpu.memref_squeeze %dma_wait3A_715 : memref<1x64xi32, #tpu.memory_space<vmem>> -> memref<64xi32, #tpu.memory_space<vmem>>
      %dma_wait3A_717 = arith.constant 0 : i32
      %dma_wait3A_718 = arith.constant 0 : i32
      %dma_wait3A_719 = tpu.memref_slice %arg3[%dma_wait3A_717, %dma_wait3A_718] : memref<2600000x32xf32, #tpu.memory_space<hbm>> -> memref<2600000x32xf32, #tpu.memory_space<hbm>>
      tpu.wait_indirect_dma semaphore(%arg11 : memref<!tpu.dma_semaphore, #tpu.memory_space<semaphore_mem>>) src(%dma_wait3A_719 : memref<2600000x32xf32, #tpu.memory_space<hbm>>) dst(%dma_wait3A_713 : memref<64x32xf32, #tpu.memory_space<vmem>>)
      %dma_wait3A_720 = arith.constant 7 : i32
      %dma_wait3A_721 = arith.constant 7 : i32
      %dma_wait3A_722 = arith.constant 0 : i32
      %dma_wait3A_723 = arith.constant 0 : i32
      %dma_wait3A_724 = tpu.memref_slice %arg8[%dma_wait3A_721, %dma_wait3A_722, %dma_wait3A_723] : memref<20x64x32xf32, #tpu.memory_space<vmem>> -> memref<1x64x32xf32, #tpu.memory_space<vmem>>
      %dma_wait3A_725 = tpu.memref_squeeze %dma_wait3A_724 : memref<1x64x32xf32, #tpu.memory_space<vmem>> -> memref<64x32xf32, #tpu.memory_space<vmem>>
      %dma_wait3A_726 = arith.constant 0 : i32
      %dma_wait3A_727 = tpu.memref_slice %arg6[%dma_wait3A_720, %dma_wait3A_726] : memref<20x64xi32, #tpu.memory_space<vmem>> -> memref<1x64xi32, #tpu.memory_space<vmem>>
      %dma_wait3A_728 = tpu.memref_squeeze %dma_wait3A_727 : memref<1x64xi32, #tpu.memory_space<vmem>> -> memref<64xi32, #tpu.memory_space<vmem>>
      %dma_wait3A_729 = arith.constant 0 : i32
      %dma_wait3A_730 = arith.constant 0 : i32
      %dma_wait3A_731 = tpu.memref_slice %arg3[%dma_wait3A_729, %dma_wait3A_730] : memref<2600000x32xf32, #tpu.memory_space<hbm>> -> memref<2600000x32xf32, #tpu.memory_space<hbm>>
      tpu.wait_indirect_dma semaphore(%arg11 : memref<!tpu.dma_semaphore, #tpu.memory_space<semaphore_mem>>) src(%dma_wait3A_731 : memref<2600000x32xf32, #tpu.memory_space<hbm>>) dst(%dma_wait3A_725 : memref<64x32xf32, #tpu.memory_space<vmem>>)
      %dma_wait3A_732 = arith.constant 8 : i32
      %dma_wait3A_733 = arith.constant 8 : i32
      %dma_wait3A_734 = arith.constant 0 : i32
      %dma_wait3A_735 = arith.constant 0 : i32
      %dma_wait3A_736 = tpu.memref_slice %arg8[%dma_wait3A_733, %dma_wait3A_734, %dma_wait3A_735] : memref<20x64x32xf32, #tpu.memory_space<vmem>> -> memref<1x64x32xf32, #tpu.memory_space<vmem>>
      %dma_wait3A_737 = tpu.memref_squeeze %dma_wait3A_736 : memref<1x64x32xf32, #tpu.memory_space<vmem>> -> memref<64x32xf32, #tpu.memory_space<vmem>>
      %dma_wait3A_738 = arith.constant 0 : i32
      %dma_wait3A_739 = tpu.memref_slice %arg6[%dma_wait3A_732, %dma_wait3A_738] : memref<20x64xi32, #tpu.memory_space<vmem>> -> memref<1x64xi32, #tpu.memory_space<vmem>>
      %dma_wait3A_740 = tpu.memref_squeeze %dma_wait3A_739 : memref<1x64xi32, #tpu.memory_space<vmem>> -> memref<64xi32, #tpu.memory_space<vmem>>
      %dma_wait3A_741 = arith.constant 0 : i32
      %dma_wait3A_742 = arith.constant 0 : i32
      %dma_wait3A_743 = tpu.memref_slice %arg3[%dma_wait3A_741, %dma_wait3A_742] : memref<2600000x32xf32, #tpu.memory_space<hbm>> -> memref<2600000x32xf32, #tpu.memory_space<hbm>>
      tpu.wait_indirect_dma semaphore(%arg11 : memref<!tpu.dma_semaphore, #tpu.memory_space<semaphore_mem>>) src(%dma_wait3A_743 : memref<2600000x32xf32, #tpu.memory_space<hbm>>) dst(%dma_wait3A_737 : memref<64x32xf32, #tpu.memory_space<vmem>>)
      %dma_wait3A_744 = arith.constant 9 : i32
      %dma_wait3A_745 = arith.constant 9 : i32
      %dma_wait3A_746 = arith.constant 0 : i32
      %dma_wait3A_747 = arith.constant 0 : i32
      %dma_wait3A_748 = tpu.memref_slice %arg8[%dma_wait3A_745, %dma_wait3A_746, %dma_wait3A_747] : memref<20x64x32xf32, #tpu.memory_space<vmem>> -> memref<1x64x32xf32, #tpu.memory_space<vmem>>
      %dma_wait3A_749 = tpu.memref_squeeze %dma_wait3A_748 : memref<1x64x32xf32, #tpu.memory_space<vmem>> -> memref<64x32xf32, #tpu.memory_space<vmem>>
      %dma_wait3A_750 = arith.constant 0 : i32
      %dma_wait3A_751 = tpu.memref_slice %arg6[%dma_wait3A_744, %dma_wait3A_750] : memref<20x64xi32, #tpu.memory_space<vmem>> -> memref<1x64xi32, #tpu.memory_space<vmem>>
      %dma_wait3A_752 = tpu.memref_squeeze %dma_wait3A_751 : memref<1x64xi32, #tpu.memory_space<vmem>> -> memref<64xi32, #tpu.memory_space<vmem>>
      %dma_wait3A_753 = arith.constant 0 : i32
      %dma_wait3A_754 = arith.constant 0 : i32
      %dma_wait3A_755 = tpu.memref_slice %arg3[%dma_wait3A_753, %dma_wait3A_754] : memref<2600000x32xf32, #tpu.memory_space<hbm>> -> memref<2600000x32xf32, #tpu.memory_space<hbm>>
      tpu.wait_indirect_dma semaphore(%arg11 : memref<!tpu.dma_semaphore, #tpu.memory_space<semaphore_mem>>) src(%dma_wait3A_755 : memref<2600000x32xf32, #tpu.memory_space<hbm>>) dst(%dma_wait3A_749 : memref<64x32xf32, #tpu.memory_space<vmem>>)
      %dma_wait3A_756 = arith.constant 10 : i32
      %dma_wait3A_757 = arith.constant 10 : i32
      %dma_wait3A_758 = arith.constant 0 : i32
      %dma_wait3A_759 = arith.constant 0 : i32
      %dma_wait3A_760 = tpu.memref_slice %arg8[%dma_wait3A_757, %dma_wait3A_758, %dma_wait3A_759] : memref<20x64x32xf32, #tpu.memory_space<vmem>> -> memref<1x64x32xf32, #tpu.memory_space<vmem>>
      %dma_wait3A_761 = tpu.memref_squeeze %dma_wait3A_760 : memref<1x64x32xf32, #tpu.memory_space<vmem>> -> memref<64x32xf32, #tpu.memory_space<vmem>>
      %dma_wait3A_762 = arith.constant 0 : i32
      %dma_wait3A_763 = tpu.memref_slice %arg6[%dma_wait3A_756, %dma_wait3A_762] : memref<20x64xi32, #tpu.memory_space<vmem>> -> memref<1x64xi32, #tpu.memory_space<vmem>>
      %dma_wait3A_764 = tpu.memref_squeeze %dma_wait3A_763 : memref<1x64xi32, #tpu.memory_space<vmem>> -> memref<64xi32, #tpu.memory_space<vmem>>
      %dma_wait3A_765 = arith.constant 0 : i32
      %dma_wait3A_766 = arith.constant 0 : i32
      %dma_wait3A_767 = tpu.memref_slice %arg3[%dma_wait3A_765, %dma_wait3A_766] : memref<2600000x32xf32, #tpu.memory_space<hbm>> -> memref<2600000x32xf32, #tpu.memory_space<hbm>>
      tpu.wait_indirect_dma semaphore(%arg11 : memref<!tpu.dma_semaphore, #tpu.memory_space<semaphore_mem>>) src(%dma_wait3A_767 : memref<2600000x32xf32, #tpu.memory_space<hbm>>) dst(%dma_wait3A_761 : memref<64x32xf32, #tpu.memory_space<vmem>>)
      %dma_wait3A_768 = arith.constant 11 : i32
      %dma_wait3A_769 = arith.constant 11 : i32
      %dma_wait3A_770 = arith.constant 0 : i32
      %dma_wait3A_771 = arith.constant 0 : i32
      %dma_wait3A_772 = tpu.memref_slice %arg8[%dma_wait3A_769, %dma_wait3A_770, %dma_wait3A_771] : memref<20x64x32xf32, #tpu.memory_space<vmem>> -> memref<1x64x32xf32, #tpu.memory_space<vmem>>
      %dma_wait3A_773 = tpu.memref_squeeze %dma_wait3A_772 : memref<1x64x32xf32, #tpu.memory_space<vmem>> -> memref<64x32xf32, #tpu.memory_space<vmem>>
      %dma_wait3A_774 = arith.constant 0 : i32
      %dma_wait3A_775 = tpu.memref_slice %arg6[%dma_wait3A_768, %dma_wait3A_774] : memref<20x64xi32, #tpu.memory_space<vmem>> -> memref<1x64xi32, #tpu.memory_space<vmem>>
      %dma_wait3A_776 = tpu.memref_squeeze %dma_wait3A_775 : memref<1x64xi32, #tpu.memory_space<vmem>> -> memref<64xi32, #tpu.memory_space<vmem>>
      %dma_wait3A_777 = arith.constant 0 : i32
      %dma_wait3A_778 = arith.constant 0 : i32
      %dma_wait3A_779 = tpu.memref_slice %arg3[%dma_wait3A_777, %dma_wait3A_778] : memref<2600000x32xf32, #tpu.memory_space<hbm>> -> memref<2600000x32xf32, #tpu.memory_space<hbm>>
      tpu.wait_indirect_dma semaphore(%arg11 : memref<!tpu.dma_semaphore, #tpu.memory_space<semaphore_mem>>) src(%dma_wait3A_779 : memref<2600000x32xf32, #tpu.memory_space<hbm>>) dst(%dma_wait3A_773 : memref<64x32xf32, #tpu.memory_space<vmem>>)
      %dma_wait3A_780 = arith.constant 12 : i32
      %dma_wait3A_781 = arith.constant 12 : i32
      %dma_wait3A_782 = arith.constant 0 : i32
      %dma_wait3A_783 = arith.constant 0 : i32
      %dma_wait3A_784 = tpu.memref_slice %arg8[%dma_wait3A_781, %dma_wait3A_782, %dma_wait3A_783] : memref<20x64x32xf32, #tpu.memory_space<vmem>> -> memref<1x64x32xf32, #tpu.memory_space<vmem>>
      %dma_wait3A_785 = tpu.memref_squeeze %dma_wait3A_784 : memref<1x64x32xf32, #tpu.memory_space<vmem>> -> memref<64x32xf32, #tpu.memory_space<vmem>>
      %dma_wait3A_786 = arith.constant 0 : i32
      %dma_wait3A_787 = tpu.memref_slice %arg6[%dma_wait3A_780, %dma_wait3A_786] : memref<20x64xi32, #tpu.memory_space<vmem>> -> memref<1x64xi32, #tpu.memory_space<vmem>>
      %dma_wait3A_788 = tpu.memref_squeeze %dma_wait3A_787 : memref<1x64xi32, #tpu.memory_space<vmem>> -> memref<64xi32, #tpu.memory_space<vmem>>
      %dma_wait3A_789 = arith.constant 0 : i32
      %dma_wait3A_790 = arith.constant 0 : i32
      %dma_wait3A_791 = tpu.memref_slice %arg3[%dma_wait3A_789, %dma_wait3A_790] : memref<2600000x32xf32, #tpu.memory_space<hbm>> -> memref<2600000x32xf32, #tpu.memory_space<hbm>>
      tpu.wait_indirect_dma semaphore(%arg11 : memref<!tpu.dma_semaphore, #tpu.memory_space<semaphore_mem>>) src(%dma_wait3A_791 : memref<2600000x32xf32, #tpu.memory_space<hbm>>) dst(%dma_wait3A_785 : memref<64x32xf32, #tpu.memory_space<vmem>>)
      %dma_wait3A_792 = arith.constant 13 : i32
      %dma_wait3A_793 = arith.constant 13 : i32
      %dma_wait3A_794 = arith.constant 0 : i32
      %dma_wait3A_795 = arith.constant 0 : i32
      %dma_wait3A_796 = tpu.memref_slice %arg8[%dma_wait3A_793, %dma_wait3A_794, %dma_wait3A_795] : memref<20x64x32xf32, #tpu.memory_space<vmem>> -> memref<1x64x32xf32, #tpu.memory_space<vmem>>
      %dma_wait3A_797 = tpu.memref_squeeze %dma_wait3A_796 : memref<1x64x32xf32, #tpu.memory_space<vmem>> -> memref<64x32xf32, #tpu.memory_space<vmem>>
      %dma_wait3A_798 = arith.constant 0 : i32
      %dma_wait3A_799 = tpu.memref_slice %arg6[%dma_wait3A_792, %dma_wait3A_798] : memref<20x64xi32, #tpu.memory_space<vmem>> -> memref<1x64xi32, #tpu.memory_space<vmem>>
      %dma_wait3A_800 = tpu.memref_squeeze %dma_wait3A_799 : memref<1x64xi32, #tpu.memory_space<vmem>> -> memref<64xi32, #tpu.memory_space<vmem>>
      %dma_wait3A_801 = arith.constant 0 : i32
      %dma_wait3A_802 = arith.constant 0 : i32
      %dma_wait3A_803 = tpu.memref_slice %arg3[%dma_wait3A_801, %dma_wait3A_802] : memref<2600000x32xf32, #tpu.memory_space<hbm>> -> memref<2600000x32xf32, #tpu.memory_space<hbm>>
      tpu.wait_indirect_dma semaphore(%arg11 : memref<!tpu.dma_semaphore, #tpu.memory_space<semaphore_mem>>) src(%dma_wait3A_803 : memref<2600000x32xf32, #tpu.memory_space<hbm>>) dst(%dma_wait3A_797 : memref<64x32xf32, #tpu.memory_space<vmem>>)
      %dma_wait3A_804 = arith.constant 14 : i32
      %dma_wait3A_805 = arith.constant 14 : i32
      %dma_wait3A_806 = arith.constant 0 : i32
      %dma_wait3A_807 = arith.constant 0 : i32
      %dma_wait3A_808 = tpu.memref_slice %arg8[%dma_wait3A_805, %dma_wait3A_806, %dma_wait3A_807] : memref<20x64x32xf32, #tpu.memory_space<vmem>> -> memref<1x64x32xf32, #tpu.memory_space<vmem>>
      %dma_wait3A_809 = tpu.memref_squeeze %dma_wait3A_808 : memref<1x64x32xf32, #tpu.memory_space<vmem>> -> memref<64x32xf32, #tpu.memory_space<vmem>>
      %dma_wait3A_810 = arith.constant 0 : i32
      %dma_wait3A_811 = tpu.memref_slice %arg6[%dma_wait3A_804, %dma_wait3A_810] : memref<20x64xi32, #tpu.memory_space<vmem>> -> memref<1x64xi32, #tpu.memory_space<vmem>>
      %dma_wait3A_812 = tpu.memref_squeeze %dma_wait3A_811 : memref<1x64xi32, #tpu.memory_space<vmem>> -> memref<64xi32, #tpu.memory_space<vmem>>
      %dma_wait3A_813 = arith.constant 0 : i32
      %dma_wait3A_814 = arith.constant 0 : i32
      %dma_wait3A_815 = tpu.memref_slice %arg3[%dma_wait3A_813, %dma_wait3A_814] : memref<2600000x32xf32, #tpu.memory_space<hbm>> -> memref<2600000x32xf32, #tpu.memory_space<hbm>>
      tpu.wait_indirect_dma semaphore(%arg11 : memref<!tpu.dma_semaphore, #tpu.memory_space<semaphore_mem>>) src(%dma_wait3A_815 : memref<2600000x32xf32, #tpu.memory_space<hbm>>) dst(%dma_wait3A_809 : memref<64x32xf32, #tpu.memory_space<vmem>>)
      %dma_wait3A_816 = arith.constant 15 : i32
      %dma_wait3A_817 = arith.constant 15 : i32
      %dma_wait3A_818 = arith.constant 0 : i32
      %dma_wait3A_819 = arith.constant 0 : i32
      %dma_wait3A_820 = tpu.memref_slice %arg8[%dma_wait3A_817, %dma_wait3A_818, %dma_wait3A_819] : memref<20x64x32xf32, #tpu.memory_space<vmem>> -> memref<1x64x32xf32, #tpu.memory_space<vmem>>
      %dma_wait3A_821 = tpu.memref_squeeze %dma_wait3A_820 : memref<1x64x32xf32, #tpu.memory_space<vmem>> -> memref<64x32xf32, #tpu.memory_space<vmem>>
      %dma_wait3A_822 = arith.constant 0 : i32
      %dma_wait3A_823 = tpu.memref_slice %arg6[%dma_wait3A_816, %dma_wait3A_822] : memref<20x64xi32, #tpu.memory_space<vmem>> -> memref<1x64xi32, #tpu.memory_space<vmem>>
      %dma_wait3A_824 = tpu.memref_squeeze %dma_wait3A_823 : memref<1x64xi32, #tpu.memory_space<vmem>> -> memref<64xi32, #tpu.memory_space<vmem>>
      %dma_wait3A_825 = arith.constant 0 : i32
      %dma_wait3A_826 = arith.constant 0 : i32
      %dma_wait3A_827 = tpu.memref_slice %arg3[%dma_wait3A_825, %dma_wait3A_826] : memref<2600000x32xf32, #tpu.memory_space<hbm>> -> memref<2600000x32xf32, #tpu.memory_space<hbm>>
      tpu.wait_indirect_dma semaphore(%arg11 : memref<!tpu.dma_semaphore, #tpu.memory_space<semaphore_mem>>) src(%dma_wait3A_827 : memref<2600000x32xf32, #tpu.memory_space<hbm>>) dst(%dma_wait3A_821 : memref<64x32xf32, #tpu.memory_space<vmem>>)
      %dma_wait3A_828 = arith.constant 16 : i32
      %dma_wait3A_829 = arith.constant 16 : i32
      %dma_wait3A_830 = arith.constant 0 : i32
      %dma_wait3A_831 = arith.constant 0 : i32
      %dma_wait3A_832 = tpu.memref_slice %arg8[%dma_wait3A_829, %dma_wait3A_830, %dma_wait3A_831] : memref<20x64x32xf32, #tpu.memory_space<vmem>> -> memref<1x64x32xf32, #tpu.memory_space<vmem>>
      %dma_wait3A_833 = tpu.memref_squeeze %dma_wait3A_832 : memref<1x64x32xf32, #tpu.memory_space<vmem>> -> memref<64x32xf32, #tpu.memory_space<vmem>>
      %dma_wait3A_834 = arith.constant 0 : i32
      %dma_wait3A_835 = tpu.memref_slice %arg6[%dma_wait3A_828, %dma_wait3A_834] : memref<20x64xi32, #tpu.memory_space<vmem>> -> memref<1x64xi32, #tpu.memory_space<vmem>>
      %dma_wait3A_836 = tpu.memref_squeeze %dma_wait3A_835 : memref<1x64xi32, #tpu.memory_space<vmem>> -> memref<64xi32, #tpu.memory_space<vmem>>
      %dma_wait3A_837 = arith.constant 0 : i32
      %dma_wait3A_838 = arith.constant 0 : i32
      %dma_wait3A_839 = tpu.memref_slice %arg3[%dma_wait3A_837, %dma_wait3A_838] : memref<2600000x32xf32, #tpu.memory_space<hbm>> -> memref<2600000x32xf32, #tpu.memory_space<hbm>>
      tpu.wait_indirect_dma semaphore(%arg11 : memref<!tpu.dma_semaphore, #tpu.memory_space<semaphore_mem>>) src(%dma_wait3A_839 : memref<2600000x32xf32, #tpu.memory_space<hbm>>) dst(%dma_wait3A_833 : memref<64x32xf32, #tpu.memory_space<vmem>>)
      %dma_wait3A_840 = arith.constant 17 : i32
      %dma_wait3A_841 = arith.constant 17 : i32
      %dma_wait3A_842 = arith.constant 0 : i32
      %dma_wait3A_843 = arith.constant 0 : i32
      %dma_wait3A_844 = tpu.memref_slice %arg8[%dma_wait3A_841, %dma_wait3A_842, %dma_wait3A_843] : memref<20x64x32xf32, #tpu.memory_space<vmem>> -> memref<1x64x32xf32, #tpu.memory_space<vmem>>
      %dma_wait3A_845 = tpu.memref_squeeze %dma_wait3A_844 : memref<1x64x32xf32, #tpu.memory_space<vmem>> -> memref<64x32xf32, #tpu.memory_space<vmem>>
      %dma_wait3A_846 = arith.constant 0 : i32
      %dma_wait3A_847 = tpu.memref_slice %arg6[%dma_wait3A_840, %dma_wait3A_846] : memref<20x64xi32, #tpu.memory_space<vmem>> -> memref<1x64xi32, #tpu.memory_space<vmem>>
      %dma_wait3A_848 = tpu.memref_squeeze %dma_wait3A_847 : memref<1x64xi32, #tpu.memory_space<vmem>> -> memref<64xi32, #tpu.memory_space<vmem>>
      %dma_wait3A_849 = arith.constant 0 : i32
      %dma_wait3A_850 = arith.constant 0 : i32
      %dma_wait3A_851 = tpu.memref_slice %arg3[%dma_wait3A_849, %dma_wait3A_850] : memref<2600000x32xf32, #tpu.memory_space<hbm>> -> memref<2600000x32xf32, #tpu.memory_space<hbm>>
      tpu.wait_indirect_dma semaphore(%arg11 : memref<!tpu.dma_semaphore, #tpu.memory_space<semaphore_mem>>) src(%dma_wait3A_851 : memref<2600000x32xf32, #tpu.memory_space<hbm>>) dst(%dma_wait3A_845 : memref<64x32xf32, #tpu.memory_space<vmem>>)
      %dma_wait3A_852 = arith.constant 18 : i32
      %dma_wait3A_853 = arith.constant 18 : i32
      %dma_wait3A_854 = arith.constant 0 : i32
      %dma_wait3A_855 = arith.constant 0 : i32
      %dma_wait3A_856 = tpu.memref_slice %arg8[%dma_wait3A_853, %dma_wait3A_854, %dma_wait3A_855] : memref<20x64x32xf32, #tpu.memory_space<vmem>> -> memref<1x64x32xf32, #tpu.memory_space<vmem>>
      %dma_wait3A_857 = tpu.memref_squeeze %dma_wait3A_856 : memref<1x64x32xf32, #tpu.memory_space<vmem>> -> memref<64x32xf32, #tpu.memory_space<vmem>>
      %dma_wait3A_858 = arith.constant 0 : i32
      %dma_wait3A_859 = tpu.memref_slice %arg6[%dma_wait3A_852, %dma_wait3A_858] : memref<20x64xi32, #tpu.memory_space<vmem>> -> memref<1x64xi32, #tpu.memory_space<vmem>>
      %dma_wait3A_860 = tpu.memref_squeeze %dma_wait3A_859 : memref<1x64xi32, #tpu.memory_space<vmem>> -> memref<64xi32, #tpu.memory_space<vmem>>
      %dma_wait3A_861 = arith.constant 0 : i32
      %dma_wait3A_862 = arith.constant 0 : i32
      %dma_wait3A_863 = tpu.memref_slice %arg3[%dma_wait3A_861, %dma_wait3A_862] : memref<2600000x32xf32, #tpu.memory_space<hbm>> -> memref<2600000x32xf32, #tpu.memory_space<hbm>>
      tpu.wait_indirect_dma semaphore(%arg11 : memref<!tpu.dma_semaphore, #tpu.memory_space<semaphore_mem>>) src(%dma_wait3A_863 : memref<2600000x32xf32, #tpu.memory_space<hbm>>) dst(%dma_wait3A_857 : memref<64x32xf32, #tpu.memory_space<vmem>>)
      %dma_wait3A_864 = arith.constant 19 : i32
      %dma_wait3A_865 = arith.constant 19 : i32
      %dma_wait3A_866 = arith.constant 0 : i32
      %dma_wait3A_867 = arith.constant 0 : i32
      %dma_wait3A_868 = tpu.memref_slice %arg8[%dma_wait3A_865, %dma_wait3A_866, %dma_wait3A_867] : memref<20x64x32xf32, #tpu.memory_space<vmem>> -> memref<1x64x32xf32, #tpu.memory_space<vmem>>
      %dma_wait3A_869 = tpu.memref_squeeze %dma_wait3A_868 : memref<1x64x32xf32, #tpu.memory_space<vmem>> -> memref<64x32xf32, #tpu.memory_space<vmem>>
      %dma_wait3A_870 = arith.constant 0 : i32
      %dma_wait3A_871 = tpu.memref_slice %arg6[%dma_wait3A_864, %dma_wait3A_870] : memref<20x64xi32, #tpu.memory_space<vmem>> -> memref<1x64xi32, #tpu.memory_space<vmem>>
      %dma_wait3A_872 = tpu.memref_squeeze %dma_wait3A_871 : memref<1x64xi32, #tpu.memory_space<vmem>> -> memref<64xi32, #tpu.memory_space<vmem>>
      %dma_wait3A_873 = arith.constant 0 : i32
      %dma_wait3A_874 = arith.constant 0 : i32
      %dma_wait3A_875 = tpu.memref_slice %arg3[%dma_wait3A_873, %dma_wait3A_874] : memref<2600000x32xf32, #tpu.memory_space<hbm>> -> memref<2600000x32xf32, #tpu.memory_space<hbm>>
      tpu.wait_indirect_dma semaphore(%arg11 : memref<!tpu.dma_semaphore, #tpu.memory_space<semaphore_mem>>) src(%dma_wait3A_875 : memref<2600000x32xf32, #tpu.memory_space<hbm>>) dst(%dma_wait3A_869 : memref<64x32xf32, #tpu.memory_space<vmem>>)
      %scan3A_876 = arith.constant 0 : i32
      %scan3A_877 = arith.constant 0 : i32
      %scan3A_878 = arith.constant 64 : i32
      %scan3A_879 = arith.addi %scan3A_877, %scan3A_878 : i32
      %scan3A_880 = arith.constant 1 : i32
      %scan3A_881 = scf.for %scan3A_1183 = %scan3A_877 to %scan3A_879 step %scan3A_880 iter_args(%scan3A_1184 = %scan3A_876) -> (i32)  : i32 {
        %get3A = arith.constant 0 : i32
        %get3A_1185 = arith.index_cast %get3A : i32 to index
        %get3A_1186 = arith.index_cast %scan3A_1183 : i32 to index
        %get3A_1187 = arith.constant 0 : index
        %get3A_1188 = tpu.vector_load %arg8[%get3A_1185, %get3A_1186, %get3A_1187] {strides = array<i32>} : memref<20x64x32xf32, #tpu.memory_space<vmem>>, vector<16xf32>,
        %get3A_1189 = arith.constant 0 : i32
        %get3A_1190 = arith.index_cast %get3A_1189 : i32 to index
        %get3A_1191 = arith.index_cast %scan3A_1183 : i32 to index
        %get3A_1192 = arith.constant 16 : index
        %get3A_1193 = tpu.vector_load %arg8[%get3A_1190, %get3A_1191, %get3A_1192] {strides = array<i32>} : memref<20x64x32xf32, #tpu.memory_space<vmem>>, vector<16xf32>,
        %get3A_1194 = arith.constant 1 : i32
        %get3A_1195 = arith.index_cast %get3A_1194 : i32 to index
        %get3A_1196 = arith.index_cast %scan3A_1183 : i32 to index
        %get3A_1197 = arith.constant 0 : index
        %get3A_1198 = tpu.vector_load %arg8[%get3A_1195, %get3A_1196, %get3A_1197] {strides = array<i32>} : memref<20x64x32xf32, #tpu.memory_space<vmem>>, vector<16xf32>,
        %add3A_1199 = arith.addf %get3A_1188, %get3A_1198 : vector<16xf32>
        %get3A_1200 = arith.constant 1 : i32
        %get3A_1201 = arith.index_cast %get3A_1200 : i32 to index
        %get3A_1202 = arith.index_cast %scan3A_1183 : i32 to index
        %get3A_1203 = arith.constant 16 : index
        %get3A_1204 = tpu.vector_load %arg8[%get3A_1201, %get3A_1202, %get3A_1203] {strides = array<i32>} : memref<20x64x32xf32, #tpu.memory_space<vmem>>, vector<16xf32>,
        %add3A_1205 = arith.addf %get3A_1193, %get3A_1204 : vector<16xf32>
        %get3A_1206 = arith.constant 2 : i32
        %get3A_1207 = arith.index_cast %get3A_1206 : i32 to index
        %get3A_1208 = arith.index_cast %scan3A_1183 : i32 to index
        %get3A_1209 = arith.constant 0 : index
        %get3A_1210 = tpu.vector_load %arg8[%get3A_1207, %get3A_1208, %get3A_1209] {strides = array<i32>} : memref<20x64x32xf32, #tpu.memory_space<vmem>>, vector<16xf32>,
        %add3A_1211 = arith.addf %add3A_1199, %get3A_1210 : vector<16xf32>
        %get3A_1212 = arith.constant 2 : i32
        %get3A_1213 = arith.index_cast %get3A_1212 : i32 to index
        %get3A_1214 = arith.index_cast %scan3A_1183 : i32 to index
        %get3A_1215 = arith.constant 16 : index
        %get3A_1216 = tpu.vector_load %arg8[%get3A_1213, %get3A_1214, %get3A_1215] {strides = array<i32>} : memref<20x64x32xf32, #tpu.memory_space<vmem>>, vector<16xf32>,
        %add3A_1217 = arith.addf %add3A_1205, %get3A_1216 : vector<16xf32>
        %get3A_1218 = arith.constant 3 : i32
        %get3A_1219 = arith.index_cast %get3A_1218 : i32 to index
        %get3A_1220 = arith.index_cast %scan3A_1183 : i32 to index
        %get3A_1221 = arith.constant 0 : index
        %get3A_1222 = tpu.vector_load %arg8[%get3A_1219, %get3A_1220, %get3A_1221] {strides = array<i32>} : memref<20x64x32xf32, #tpu.memory_space<vmem>>, vector<16xf32>,
        %add3A_1223 = arith.addf %add3A_1211, %get3A_1222 : vector<16xf32>
        %get3A_1224 = arith.constant 3 : i32
        %get3A_1225 = arith.index_cast %get3A_1224 : i32 to index
        %get3A_1226 = arith.index_cast %scan3A_1183 : i32 to index
        %get3A_1227 = arith.constant 16 : index
        %get3A_1228 = tpu.vector_load %arg8[%get3A_1225, %get3A_1226, %get3A_1227] {strides = array<i32>} : memref<20x64x32xf32, #tpu.memory_space<vmem>>, vector<16xf32>,
        %add3A_1229 = arith.addf %add3A_1217, %get3A_1228 : vector<16xf32>
        %get3A_1230 = arith.constant 4 : i32
        %get3A_1231 = arith.index_cast %get3A_1230 : i32 to index
        %get3A_1232 = arith.index_cast %scan3A_1183 : i32 to index
        %get3A_1233 = arith.constant 0 : index
        %get3A_1234 = tpu.vector_load %arg8[%get3A_1231, %get3A_1232, %get3A_1233] {strides = array<i32>} : memref<20x64x32xf32, #tpu.memory_space<vmem>>, vector<16xf32>,
        %add3A_1235 = arith.addf %add3A_1223, %get3A_1234 : vector<16xf32>
        %get3A_1236 = arith.constant 4 : i32
        %get3A_1237 = arith.index_cast %get3A_1236 : i32 to index
        %get3A_1238 = arith.index_cast %scan3A_1183 : i32 to index
        %get3A_1239 = arith.constant 16 : index
        %get3A_1240 = tpu.vector_load %arg8[%get3A_1237, %get3A_1238, %get3A_1239] {strides = array<i32>} : memref<20x64x32xf32, #tpu.memory_space<vmem>>, vector<16xf32>,
        %add3A_1241 = arith.addf %add3A_1229, %get3A_1240 : vector<16xf32>
        %get3A_1242 = arith.constant 5 : i32
        %get3A_1243 = arith.index_cast %get3A_1242 : i32 to index
        %get3A_1244 = arith.index_cast %scan3A_1183 : i32 to index
        %get3A_1245 = arith.constant 0 : index
        %get3A_1246 = tpu.vector_load %arg8[%get3A_1243, %get3A_1244, %get3A_1245] {strides = array<i32>} : memref<20x64x32xf32, #tpu.memory_space<vmem>>, vector<16xf32>,
        %add3A_1247 = arith.addf %add3A_1235, %get3A_1246 : vector<16xf32>
        %get3A_1248 = arith.constant 5 : i32
        %get3A_1249 = arith.index_cast %get3A_1248 : i32 to index
        %get3A_1250 = arith.index_cast %scan3A_1183 : i32 to index
        %get3A_1251 = arith.constant 16 : index
        %get3A_1252 = tpu.vector_load %arg8[%get3A_1249, %get3A_1250, %get3A_1251] {strides = array<i32>} : memref<20x64x32xf32, #tpu.memory_space<vmem>>, vector<16xf32>,
        %add3A_1253 = arith.addf %add3A_1241, %get3A_1252 : vector<16xf32>
        %get3A_1254 = arith.constant 6 : i32
        %get3A_1255 = arith.index_cast %get3A_1254 : i32 to index
        %get3A_1256 = arith.index_cast %scan3A_1183 : i32 to index
        %get3A_1257 = arith.constant 0 : index
        %get3A_1258 = tpu.vector_load %arg8[%get3A_1255, %get3A_1256, %get3A_1257] {strides = array<i32>} : memref<20x64x32xf32, #tpu.memory_space<vmem>>, vector<16xf32>,
        %add3A_1259 = arith.addf %add3A_1247, %get3A_1258 : vector<16xf32>
        %get3A_1260 = arith.constant 6 : i32
        %get3A_1261 = arith.index_cast %get3A_1260 : i32 to index
        %get3A_1262 = arith.index_cast %scan3A_1183 : i32 to index
        %get3A_1263 = arith.constant 16 : index
        %get3A_1264 = tpu.vector_load %arg8[%get3A_1261, %get3A_1262, %get3A_1263] {strides = array<i32>} : memref<20x64x32xf32, #tpu.memory_space<vmem>>, vector<16xf32>,
        %add3A_1265 = arith.addf %add3A_1253, %get3A_1264 : vector<16xf32>
        %get3A_1266 = arith.constant 7 : i32
        %get3A_1267 = arith.index_cast %get3A_1266 : i32 to index
        %get3A_1268 = arith.index_cast %scan3A_1183 : i32 to index
        %get3A_1269 = arith.constant 0 : index
        %get3A_1270 = tpu.vector_load %arg8[%get3A_1267, %get3A_1268, %get3A_1269] {strides = array<i32>} : memref<20x64x32xf32, #tpu.memory_space<vmem>>, vector<16xf32>,
        %add3A_1271 = arith.addf %add3A_1259, %get3A_1270 : vector<16xf32>
        %get3A_1272 = arith.constant 7 : i32
        %get3A_1273 = arith.index_cast %get3A_1272 : i32 to index
        %get3A_1274 = arith.index_cast %scan3A_1183 : i32 to index
        %get3A_1275 = arith.constant 16 : index
        %get3A_1276 = tpu.vector_load %arg8[%get3A_1273, %get3A_1274, %get3A_1275] {strides = array<i32>} : memref<20x64x32xf32, #tpu.memory_space<vmem>>, vector<16xf32>,
        %add3A_1277 = arith.addf %add3A_1265, %get3A_1276 : vector<16xf32>
        %get3A_1278 = arith.constant 8 : i32
        %get3A_1279 = arith.index_cast %get3A_1278 : i32 to index
        %get3A_1280 = arith.index_cast %scan3A_1183 : i32 to index
        %get3A_1281 = arith.constant 0 : index
        %get3A_1282 = tpu.vector_load %arg8[%get3A_1279, %get3A_1280, %get3A_1281] {strides = array<i32>} : memref<20x64x32xf32, #tpu.memory_space<vmem>>, vector<16xf32>,
        %add3A_1283 = arith.addf %add3A_1271, %get3A_1282 : vector<16xf32>
        %get3A_1284 = arith.constant 8 : i32
        %get3A_1285 = arith.index_cast %get3A_1284 : i32 to index
        %get3A_1286 = arith.index_cast %scan3A_1183 : i32 to index
        %get3A_1287 = arith.constant 16 : index
        %get3A_1288 = tpu.vector_load %arg8[%get3A_1285, %get3A_1286, %get3A_1287] {strides = array<i32>} : memref<20x64x32xf32, #tpu.memory_space<vmem>>, vector<16xf32>,
        %add3A_1289 = arith.addf %add3A_1277, %get3A_1288 : vector<16xf32>
        %get3A_1290 = arith.constant 9 : i32
        %get3A_1291 = arith.index_cast %get3A_1290 : i32 to index
        %get3A_1292 = arith.index_cast %scan3A_1183 : i32 to index
        %get3A_1293 = arith.constant 0 : index
        %get3A_1294 = tpu.vector_load %arg8[%get3A_1291, %get3A_1292, %get3A_1293] {strides = array<i32>} : memref<20x64x32xf32, #tpu.memory_space<vmem>>, vector<16xf32>,
        %add3A_1295 = arith.addf %add3A_1283, %get3A_1294 : vector<16xf32>
        %get3A_1296 = arith.constant 9 : i32
        %get3A_1297 = arith.index_cast %get3A_1296 : i32 to index
        %get3A_1298 = arith.index_cast %scan3A_1183 : i32 to index
        %get3A_1299 = arith.constant 16 : index
        %get3A_1300 = tpu.vector_load %arg8[%get3A_1297, %get3A_1298, %get3A_1299] {strides = array<i32>} : memref<20x64x32xf32, #tpu.memory_space<vmem>>, vector<16xf32>,
        %add3A_1301 = arith.addf %add3A_1289, %get3A_1300 : vector<16xf32>
        %get3A_1302 = arith.constant 10 : i32
        %get3A_1303 = arith.index_cast %get3A_1302 : i32 to index
        %get3A_1304 = arith.index_cast %scan3A_1183 : i32 to index
        %get3A_1305 = arith.constant 0 : index
        %get3A_1306 = tpu.vector_load %arg8[%get3A_1303, %get3A_1304, %get3A_1305] {strides = array<i32>} : memref<20x64x32xf32, #tpu.memory_space<vmem>>, vector<16xf32>,
        %add3A_1307 = arith.addf %add3A_1295, %get3A_1306 : vector<16xf32>
        %get3A_1308 = arith.constant 10 : i32
        %get3A_1309 = arith.index_cast %get3A_1308 : i32 to index
        %get3A_1310 = arith.index_cast %scan3A_1183 : i32 to index
        %get3A_1311 = arith.constant 16 : index
        %get3A_1312 = tpu.vector_load %arg8[%get3A_1309, %get3A_1310, %get3A_1311] {strides = array<i32>} : memref<20x64x32xf32, #tpu.memory_space<vmem>>, vector<16xf32>,
        %add3A_1313 = arith.addf %add3A_1301, %get3A_1312 : vector<16xf32>
        %get3A_1314 = arith.constant 11 : i32
        %get3A_1315 = arith.index_cast %get3A_1314 : i32 to index
        %get3A_1316 = arith.index_cast %scan3A_1183 : i32 to index
        %get3A_1317 = arith.constant 0 : index
        %get3A_1318 = tpu.vector_load %arg8[%get3A_1315, %get3A_1316, %get3A_1317] {strides = array<i32>} : memref<20x64x32xf32, #tpu.memory_space<vmem>>, vector<16xf32>,
        %add3A_1319 = arith.addf %add3A_1307, %get3A_1318 : vector<16xf32>
        %get3A_1320 = arith.constant 11 : i32
        %get3A_1321 = arith.index_cast %get3A_1320 : i32 to index
        %get3A_1322 = arith.index_cast %scan3A_1183 : i32 to index
        %get3A_1323 = arith.constant 16 : index
        %get3A_1324 = tpu.vector_load %arg8[%get3A_1321, %get3A_1322, %get3A_1323] {strides = array<i32>} : memref<20x64x32xf32, #tpu.memory_space<vmem>>, vector<16xf32>,
        %add3A_1325 = arith.addf %add3A_1313, %get3A_1324 : vector<16xf32>
        %get3A_1326 = arith.constant 12 : i32
        %get3A_1327 = arith.index_cast %get3A_1326 : i32 to index
        %get3A_1328 = arith.index_cast %scan3A_1183 : i32 to index
        %get3A_1329 = arith.constant 0 : index
        %get3A_1330 = tpu.vector_load %arg8[%get3A_1327, %get3A_1328, %get3A_1329] {strides = array<i32>} : memref<20x64x32xf32, #tpu.memory_space<vmem>>, vector<16xf32>,
        %add3A_1331 = arith.addf %add3A_1319, %get3A_1330 : vector<16xf32>
        %get3A_1332 = arith.constant 12 : i32
        %get3A_1333 = arith.index_cast %get3A_1332 : i32 to index
        %get3A_1334 = arith.index_cast %scan3A_1183 : i32 to index
        %get3A_1335 = arith.constant 16 : index
        %get3A_1336 = tpu.vector_load %arg8[%get3A_1333, %get3A_1334, %get3A_1335] {strides = array<i32>} : memref<20x64x32xf32, #tpu.memory_space<vmem>>, vector<16xf32>,
        %add3A_1337 = arith.addf %add3A_1325, %get3A_1336 : vector<16xf32>
        %get3A_1338 = arith.constant 13 : i32
        %get3A_1339 = arith.index_cast %get3A_1338 : i32 to index
        %get3A_1340 = arith.index_cast %scan3A_1183 : i32 to index
        %get3A_1341 = arith.constant 0 : index
        %get3A_1342 = tpu.vector_load %arg8[%get3A_1339, %get3A_1340, %get3A_1341] {strides = array<i32>} : memref<20x64x32xf32, #tpu.memory_space<vmem>>, vector<16xf32>,
        %add3A_1343 = arith.addf %add3A_1331, %get3A_1342 : vector<16xf32>
        %get3A_1344 = arith.constant 13 : i32
        %get3A_1345 = arith.index_cast %get3A_1344 : i32 to index
        %get3A_1346 = arith.index_cast %scan3A_1183 : i32 to index
        %get3A_1347 = arith.constant 16 : index
        %get3A_1348 = tpu.vector_load %arg8[%get3A_1345, %get3A_1346, %get3A_1347] {strides = array<i32>} : memref<20x64x32xf32, #tpu.memory_space<vmem>>, vector<16xf32>,
        %add3A_1349 = arith.addf %add3A_1337, %get3A_1348 : vector<16xf32>
        %get3A_1350 = arith.constant 14 : i32
        %get3A_1351 = arith.index_cast %get3A_1350 : i32 to index
        %get3A_1352 = arith.index_cast %scan3A_1183 : i32 to index
        %get3A_1353 = arith.constant 0 : index
        %get3A_1354 = tpu.vector_load %arg8[%get3A_1351, %get3A_1352, %get3A_1353] {strides = array<i32>} : memref<20x64x32xf32, #tpu.memory_space<vmem>>, vector<16xf32>,
        %add3A_1355 = arith.addf %add3A_1343, %get3A_1354 : vector<16xf32>
        %get3A_1356 = arith.constant 14 : i32
        %get3A_1357 = arith.index_cast %get3A_1356 : i32 to index
        %get3A_1358 = arith.index_cast %scan3A_1183 : i32 to index
        %get3A_1359 = arith.constant 16 : index
        %get3A_1360 = tpu.vector_load %arg8[%get3A_1357, %get3A_1358, %get3A_1359] {strides = array<i32>} : memref<20x64x32xf32, #tpu.memory_space<vmem>>, vector<16xf32>,
        %add3A_1361 = arith.addf %add3A_1349, %get3A_1360 : vector<16xf32>
        %get3A_1362 = arith.constant 15 : i32
        %get3A_1363 = arith.index_cast %get3A_1362 : i32 to index
        %get3A_1364 = arith.index_cast %scan3A_1183 : i32 to index
        %get3A_1365 = arith.constant 0 : index
        %get3A_1366 = tpu.vector_load %arg8[%get3A_1363, %get3A_1364, %get3A_1365] {strides = array<i32>} : memref<20x64x32xf32, #tpu.memory_space<vmem>>, vector<16xf32>,
        %add3A_1367 = arith.addf %add3A_1355, %get3A_1366 : vector<16xf32>
        %get3A_1368 = arith.constant 15 : i32
        %get3A_1369 = arith.index_cast %get3A_1368 : i32 to index
        %get3A_1370 = arith.index_cast %scan3A_1183 : i32 to index
        %get3A_1371 = arith.constant 16 : index
        %get3A_1372 = tpu.vector_load %arg8[%get3A_1369, %get3A_1370, %get3A_1371] {strides = array<i32>} : memref<20x64x32xf32, #tpu.memory_space<vmem>>, vector<16xf32>,
        %add3A_1373 = arith.addf %add3A_1361, %get3A_1372 : vector<16xf32>
        %get3A_1374 = arith.constant 16 : i32
        %get3A_1375 = arith.index_cast %get3A_1374 : i32 to index
        %get3A_1376 = arith.index_cast %scan3A_1183 : i32 to index
        %get3A_1377 = arith.constant 0 : index
        %get3A_1378 = tpu.vector_load %arg8[%get3A_1375, %get3A_1376, %get3A_1377] {strides = array<i32>} : memref<20x64x32xf32, #tpu.memory_space<vmem>>, vector<16xf32>,
        %add3A_1379 = arith.addf %add3A_1367, %get3A_1378 : vector<16xf32>
        %get3A_1380 = arith.constant 16 : i32
        %get3A_1381 = arith.index_cast %get3A_1380 : i32 to index
        %get3A_1382 = arith.index_cast %scan3A_1183 : i32 to index
        %get3A_1383 = arith.constant 16 : index
        %get3A_1384 = tpu.vector_load %arg8[%get3A_1381, %get3A_1382, %get3A_1383] {strides = array<i32>} : memref<20x64x32xf32, #tpu.memory_space<vmem>>, vector<16xf32>,
        %add3A_1385 = arith.addf %add3A_1373, %get3A_1384 : vector<16xf32>
        %get3A_1386 = arith.constant 17 : i32
        %get3A_1387 = arith.index_cast %get3A_1386 : i32 to index
        %get3A_1388 = arith.index_cast %scan3A_1183 : i32 to index
        %get3A_1389 = arith.constant 0 : index
        %get3A_1390 = tpu.vector_load %arg8[%get3A_1387, %get3A_1388, %get3A_1389] {strides = array<i32>} : memref<20x64x32xf32, #tpu.memory_space<vmem>>, vector<16xf32>,
        %add3A_1391 = arith.addf %add3A_1379, %get3A_1390 : vector<16xf32>
        %get3A_1392 = arith.constant 17 : i32
        %get3A_1393 = arith.index_cast %get3A_1392 : i32 to index
        %get3A_1394 = arith.index_cast %scan3A_1183 : i32 to index
        %get3A_1395 = arith.constant 16 : index
        %get3A_1396 = tpu.vector_load %arg8[%get3A_1393, %get3A_1394, %get3A_1395] {strides = array<i32>} : memref<20x64x32xf32, #tpu.memory_space<vmem>>, vector<16xf32>,
        %add3A_1397 = arith.addf %add3A_1385, %get3A_1396 : vector<16xf32>
        %get3A_1398 = arith.constant 18 : i32
        %get3A_1399 = arith.index_cast %get3A_1398 : i32 to index
        %get3A_1400 = arith.index_cast %scan3A_1183 : i32 to index
        %get3A_1401 = arith.constant 0 : index
        %get3A_1402 = tpu.vector_load %arg8[%get3A_1399, %get3A_1400, %get3A_1401] {strides = array<i32>} : memref<20x64x32xf32, #tpu.memory_space<vmem>>, vector<16xf32>,
        %add3A_1403 = arith.addf %add3A_1391, %get3A_1402 : vector<16xf32>
        %get3A_1404 = arith.constant 18 : i32
        %get3A_1405 = arith.index_cast %get3A_1404 : i32 to index
        %get3A_1406 = arith.index_cast %scan3A_1183 : i32 to index
        %get3A_1407 = arith.constant 16 : index
        %get3A_1408 = tpu.vector_load %arg8[%get3A_1405, %get3A_1406, %get3A_1407] {strides = array<i32>} : memref<20x64x32xf32, #tpu.memory_space<vmem>>, vector<16xf32>,
        %add3A_1409 = arith.addf %add3A_1397, %get3A_1408 : vector<16xf32>
        %get3A_1410 = arith.constant 19 : i32
        %get3A_1411 = arith.index_cast %get3A_1410 : i32 to index
        %get3A_1412 = arith.index_cast %scan3A_1183 : i32 to index
        %get3A_1413 = arith.constant 0 : index
        %get3A_1414 = tpu.vector_load %arg8[%get3A_1411, %get3A_1412, %get3A_1413] {strides = array<i32>} : memref<20x64x32xf32, #tpu.memory_space<vmem>>, vector<16xf32>,
        %add3A_1415 = arith.addf %add3A_1403, %get3A_1414 : vector<16xf32>
        %get3A_1416 = arith.constant 19 : i32
        %get3A_1417 = arith.index_cast %get3A_1416 : i32 to index
        %get3A_1418 = arith.index_cast %scan3A_1183 : i32 to index
        %get3A_1419 = arith.constant 16 : index
        %get3A_1420 = tpu.vector_load %arg8[%get3A_1417, %get3A_1418, %get3A_1419] {strides = array<i32>} : memref<20x64x32xf32, #tpu.memory_space<vmem>>, vector<16xf32>,
        %add3A_1421 = arith.addf %add3A_1409, %get3A_1420 : vector<16xf32>
        %broadcast_in_dim3A_1422 = vector.broadcast %scan3A_1183 : i32 to vector<16xi32>
        tpu.vector_store_idx %arg10[%iota3A, %broadcast_in_dim3A_1422], %add3A_1415 : memref<32x65xf32, #tpu.memory_space<vmem>>[vector<16xi32>, vector<16xi32>], vector<16xf32>,
        %add3A_1423 = arith.constant 16 : i32
        %add3A_1424 = vector.broadcast %add3A_1423 : i32 to vector<16xi32>
        %add3A_1425 = arith.addi %iota3A, %add3A_1424 : vector<16xi32>
        tpu.vector_store_idx %arg10[%add3A_1425, %broadcast_in_dim3A_1422], %add3A_1421 : memref<32x65xf32, #tpu.memory_space<vmem>>[vector<16xi32>, vector<16xi32>], vector<16xf32>,
        %scan3A_1426 = arith.constant 0 : i32
        scf.yield %scan3A_1426 : i32
      }
      %scan3A_882 = arith.constant 64 : i32
      "tpu.region"() ({
        %run_scoped3A = tpu.sem_alloc : memref<!tpu.dma_semaphore, #tpu.memory_space<semaphore_mem>>
        %dma_start3A_1183 = arith.constant 0 : i32
        %dma_start3A_1184 = arith.constant 0 : i32
        %dma_start3A_1185 = tpu.memref_slice %arg10[%dma_start3A_1183, %dma_start3A_1184] : memref<32x65xf32, #tpu.memory_space<vmem>> -> memref<32x64xf32, #tpu.memory_space<vmem>>
        %dma_start3A_1186 = arith.constant 0 : i32
        %dma_start3A_1187 = tpu.memref_slice %arg4[%select_n3A_618, %dma_start3A_1186, %mul3A_636] : memref<26x32x4096xf32, #tpu.memory_space<hbm>> -> memref<1x32x64xf32, #tpu.memory_space<hbm>>
        %dma_start3A_1188 = tpu.memref_squeeze %dma_start3A_1187 : memref<1x32x64xf32, #tpu.memory_space<hbm>> -> memref<32x64xf32, #tpu.memory_space<hbm>>
        %dma_start3A_1189 = arith.constant 0 : i32
        %dma_start3A_1190 = tpu.memref_slice %arg4[%select_n3A_618, %dma_start3A_1189, %mul3A_636] : memref<26x32x4096xf32, #tpu.memory_space<hbm>> -> memref<1x32x64xf32, #tpu.memory_space<hbm>>
        %dma_start3A_1191 = tpu.memref_squeeze %dma_start3A_1190 : memref<1x32x64xf32, #tpu.memory_space<hbm>> -> memref<32x64xf32, #tpu.memory_space<hbm>>
        %dma_start3A_1192 = arith.constant 0 : i32
        %dma_start3A_1193 = arith.constant 0 : i32
        %dma_start3A_1194 = tpu.memref_slice %arg10[%dma_start3A_1192, %dma_start3A_1193] : memref<32x65xf32, #tpu.memory_space<vmem>> -> memref<32x64xf32, #tpu.memory_space<vmem>>
        tpu.enqueue_dma source(%dma_start3A_1194 : memref<32x64xf32, #tpu.memory_space<vmem>>) target(%dma_start3A_1191 : memref<32x64xf32, #tpu.memory_space<hbm>>) target_semaphore(%run_scoped3A : memref<!tpu.dma_semaphore, #tpu.memory_space<semaphore_mem>>)
        %dma_wait3A_1195 = arith.constant 0 : i32
        %dma_wait3A_1196 = arith.constant 0 : i32
        %dma_wait3A_1197 = tpu.memref_slice %arg10[%dma_wait3A_1195, %dma_wait3A_1196] : memref<32x65xf32, #tpu.memory_space<vmem>> -> memref<32x64xf32, #tpu.memory_space<vmem>>
        %dma_wait3A_1198 = arith.constant 0 : i32
        %dma_wait3A_1199 = tpu.memref_slice %arg4[%select_n3A_618, %dma_wait3A_1198, %mul3A_636] : memref<26x32x4096xf32, #tpu.memory_space<hbm>> -> memref<1x32x64xf32, #tpu.memory_space<hbm>>
        %dma_wait3A_1200 = tpu.memref_squeeze %dma_wait3A_1199 : memref<1x32x64xf32, #tpu.memory_space<hbm>> -> memref<32x64xf32, #tpu.memory_space<hbm>>
        %dma_wait3A_1201 = arith.constant 0 : i32
        %dma_wait3A_1202 = tpu.memref_slice %arg4[%select_n3A_618, %dma_wait3A_1201, %mul3A_636] : memref<26x32x4096xf32, #tpu.memory_space<hbm>> -> memref<1x32x64xf32, #tpu.memory_space<hbm>>
        %dma_wait3A_1203 = tpu.memref_squeeze %dma_wait3A_1202 : memref<1x32x64xf32, #tpu.memory_space<hbm>> -> memref<32x64xf32, #tpu.memory_space<hbm>>
        %dma_wait3A_1204 = arith.constant 0 : i32
        %dma_wait3A_1205 = arith.constant 0 : i32
        %dma_wait3A_1206 = tpu.memref_slice %arg10[%dma_wait3A_1204, %dma_wait3A_1205] : memref<32x65xf32, #tpu.memory_space<vmem>> -> memref<32x64xf32, #tpu.memory_space<vmem>>
        tpu.wait_dma2 semaphore(%run_scoped3A : memref<!tpu.dma_semaphore, #tpu.memory_space<semaphore_mem>>) src(%dma_wait3A_1206 : memref<32x64xf32, #tpu.memory_space<vmem>>) dst(%dma_wait3A_1203 : memref<32x64xf32, #tpu.memory_space<hbm>>)
        tpu.yield
      }) : () -> ()
      %add3A_883 = arith.constant 2 : i32
      %add3A_884 = arith.addi %mul3A_294, %add3A_883 : i32
      %lt3A_885 = arith.constant 52 : i32
      %lt3A_886 = arith.cmpi slt, %add3A_884, %lt3A_885 : i32
      %convert_element_type3A = arith.extui %lt3A_886 : i1 to i32
      %cond3A = arith.constant 0 : i32
      %cond3A_887 = arith.cmpi ne, %convert_element_type3A, %cond3A : i32
      scf.if %cond3A_887 {
        %add3A_1183 = arith.constant 2 : i32
        %add3A_1184 = arith.addi %mul3A_294, %add3A_1183 : i32
        %mul3A_1185 = arith.constant 52 : i32
        %mul3A_1186 = arith.muli %add3A, %mul3A_1185 : i32
        %add3A_1187 = arith.addi %mul3A_1186, %add3A_1184 : i32
        %jit3A_1188 = arith.constant 64 : i32
        %div3A_1189 = arith.divsi %add3A_1187, %jit3A_1188 : i32
        %sign3A_1190 = arith.constant 0 : i32
        %sign3A_1191 = arith.cmpi sgt, %add3A_1187, %sign3A_1190 : i32
        %sign3A_1192 = arith.extui %sign3A_1191 : i1 to i32
        %sign3A_1193 = arith.constant 0 : i32
        %sign3A_1194 = arith.cmpi slt, %add3A_1187, %sign3A_1193 : i32
        %sign3A_1195 = arith.extui %sign3A_1194 : i1 to i32
        %sign3A_1196 = arith.subi %sign3A_1192, %sign3A_1195 : i32
        %sign3A_1197 = arith.constant 0 : i32
        %sign3A_1198 = arith.cmpi sgt, %jit3A_1188, %sign3A_1197 : i32
        %sign3A_1199 = arith.extui %sign3A_1198 : i1 to i32
        %sign3A_1200 = arith.constant 0 : i32
        %sign3A_1201 = arith.cmpi slt, %jit3A_1188, %sign3A_1200 : i32
        %sign3A_1202 = arith.extui %sign3A_1201 : i1 to i32
        %sign3A_1203 = arith.subi %sign3A_1199, %sign3A_1202 : i32
        %ne3A_1204 = arith.cmpi ne, %sign3A_1196, %sign3A_1203 : i32
        %rem3A_1205 = arith.remsi %add3A_1187, %jit3A_1188 : i32
        %ne3A_1206 = arith.constant 0 : i32
        %ne3A_1207 = arith.cmpi ne, %rem3A_1205, %ne3A_1206 : i32
        %and3A_1208 = arith.andi %ne3A_1204, %ne3A_1207 : i1
        %sub3A_1209 = arith.constant 1 : i32
        %sub3A_1210 = arith.subi %div3A_1189, %sub3A_1209 : i32
        %select_n3A_1211 = arith.select %and3A_1208, %sub3A_1210, %div3A_1189 : i32
        %jit3A_1212 = arith.constant 64 : i32
        %eq3A_1213 = arith.constant 0 : i32
        %eq3A_1214 = arith.cmpi eq, %jit3A_1212, %eq3A_1213 : i32
        %jit3A_1215 = arith.constant 1 : i32
        %select_n3A_1216 = arith.select %eq3A_1214, %jit3A_1215, %jit3A_1212 : i32
        %rem3A_1217 = arith.remsi %add3A_1187, %select_n3A_1216 : i32
        %ne3A_1218 = arith.constant 0 : i32
        %ne3A_1219 = arith.cmpi ne, %rem3A_1217, %ne3A_1218 : i32
        %lt3A_1220 = arith.constant 0 : i32
        %lt3A_1221 = arith.cmpi slt, %rem3A_1217, %lt3A_1220 : i32
        %lt3A_1222 = arith.constant 0 : i32
        %lt3A_1223 = arith.cmpi slt, %select_n3A_1216, %lt3A_1222 : i32
        %ne3A_1224 = arith.xori %lt3A_1221, %lt3A_1223 : i1
        %and3A_1225 = arith.andi %ne3A_1224, %ne3A_1219 : i1
        %add3A_1226 = arith.addi %rem3A_1217, %select_n3A_1216 : i32
        %select_n3A_1227 = arith.select %and3A_1225, %add3A_1226, %rem3A_1217 : i32
        %mul3A_1228 = arith.constant 64 : i32
        %mul3A_1229 = arith.muli %select_n3A_1227, %mul3A_1228 : i32
        "tpu.region"() ({
          %run_scoped3A = tpu.sem_alloc : memref<!tpu.dma_semaphore, #tpu.memory_space<semaphore_mem>>
          %dma_start3A_1480 = arith.constant 0 : i32
          %dma_start3A_1481 = tpu.memref_slice %arg2[%select_n3A_1211, %dma_start3A_1480, %mul3A_1229] : memref<26x20x4096xi32, #tpu.memory_space<hbm>> -> memref<1x20x64xi32, #tpu.memory_space<hbm>>
          %dma_start3A_1482 = tpu.memref_squeeze %dma_start3A_1481 : memref<1x20x64xi32, #tpu.memory_space<hbm>> -> memref<20x64xi32, #tpu.memory_space<hbm>>
          %dma_start3A_1483 = arith.constant 0 : i32
          %dma_start3A_1484 = tpu.memref_slice %arg2[%select_n3A_1211, %dma_start3A_1483, %mul3A_1229] : memref<26x20x4096xi32, #tpu.memory_space<hbm>> -> memref<1x20x64xi32, #tpu.memory_space<hbm>>
          %dma_start3A_1485 = tpu.memref_squeeze %dma_start3A_1484 : memref<1x20x64xi32, #tpu.memory_space<hbm>> -> memref<20x64xi32, #tpu.memory_space<hbm>>
          tpu.enqueue_dma source(%dma_start3A_1485 : memref<20x64xi32, #tpu.memory_space<hbm>>) target(%arg5 : memref<20x64xi32, #tpu.memory_space<vmem>>) target_semaphore(%run_scoped3A : memref<!tpu.dma_semaphore, #tpu.memory_space<semaphore_mem>>)
          %dma_wait3A_1486 = arith.constant 0 : i32
          %dma_wait3A_1487 = tpu.memref_slice %arg2[%select_n3A_1211, %dma_wait3A_1486, %mul3A_1229] : memref<26x20x4096xi32, #tpu.memory_space<hbm>> -> memref<1x20x64xi32, #tpu.memory_space<hbm>>
          %dma_wait3A_1488 = tpu.memref_squeeze %dma_wait3A_1487 : memref<1x20x64xi32, #tpu.memory_space<hbm>> -> memref<20x64xi32, #tpu.memory_space<hbm>>
          %dma_wait3A_1489 = arith.constant 0 : i32
          %dma_wait3A_1490 = tpu.memref_slice %arg2[%select_n3A_1211, %dma_wait3A_1489, %mul3A_1229] : memref<26x20x4096xi32, #tpu.memory_space<hbm>> -> memref<1x20x64xi32, #tpu.memory_space<hbm>>
          %dma_wait3A_1491 = tpu.memref_squeeze %dma_wait3A_1490 : memref<1x20x64xi32, #tpu.memory_space<hbm>> -> memref<20x64xi32, #tpu.memory_space<hbm>>
          tpu.wait_dma2 semaphore(%run_scoped3A : memref<!tpu.dma_semaphore, #tpu.memory_space<semaphore_mem>>) src(%dma_wait3A_1491 : memref<20x64xi32, #tpu.memory_space<hbm>>) dst(%arg5 : memref<20x64xi32, #tpu.memory_space<vmem>>)
          tpu.yield
        }) : () -> ()
        %mul3A_1230 = arith.constant 100000 : i32
        %mul3A_1231 = arith.muli %select_n3A_1211, %mul3A_1230 : i32
        %broadcast_in_dim3A_1232 = vector.broadcast %mul3A_1231 : i32 to vector<16xi32>
        %scan3A_1233 = arith.constant 0 : i32
        %scan3A_1234 = arith.constant 0 : i32
        %scan3A_1235 = arith.constant 80 : i32
        %scan3A_1236 = arith.addi %scan3A_1234, %scan3A_1235 : i32
        %scan3A_1237 = arith.constant 1 : i32
        %scan3A_1238 = scf.for %scan3A_1480 = %scan3A_1234 to %scan3A_1236 step %scan3A_1237 iter_args(%scan3A_1481 = %scan3A_1233) -> (i32)  : i32 {
          %jit3A_1482 = arith.constant 4 : i32
          %div3A_1483 = arith.divsi %scan3A_1480, %jit3A_1482 : i32
          %sign3A_1484 = arith.constant 0 : i32
          %sign3A_1485 = arith.cmpi sgt, %scan3A_1480, %sign3A_1484 : i32
          %sign3A_1486 = arith.extui %sign3A_1485 : i1 to i32
          %sign3A_1487 = arith.constant 0 : i32
          %sign3A_1488 = arith.cmpi slt, %scan3A_1480, %sign3A_1487 : i32
          %sign3A_1489 = arith.extui %sign3A_1488 : i1 to i32
          %sign3A_1490 = arith.subi %sign3A_1486, %sign3A_1489 : i32
          %sign3A_1491 = arith.constant 0 : i32
          %sign3A_1492 = arith.cmpi sgt, %jit3A_1482, %sign3A_1491 : i32
          %sign3A_1493 = arith.extui %sign3A_1492 : i1 to i32
          %sign3A_1494 = arith.constant 0 : i32
          %sign3A_1495 = arith.cmpi slt, %jit3A_1482, %sign3A_1494 : i32
          %sign3A_1496 = arith.extui %sign3A_1495 : i1 to i32
          %sign3A_1497 = arith.subi %sign3A_1493, %sign3A_1496 : i32
          %ne3A_1498 = arith.cmpi ne, %sign3A_1490, %sign3A_1497 : i32
          %rem3A_1499 = arith.remsi %scan3A_1480, %jit3A_1482 : i32
          %ne3A_1500 = arith.constant 0 : i32
          %ne3A_1501 = arith.cmpi ne, %rem3A_1499, %ne3A_1500 : i32
          %and3A_1502 = arith.andi %ne3A_1498, %ne3A_1501 : i1
          %sub3A_1503 = arith.constant 1 : i32
          %sub3A_1504 = arith.subi %div3A_1483, %sub3A_1503 : i32
          %select_n3A_1505 = arith.select %and3A_1502, %sub3A_1504, %div3A_1483 : i32
          %jit3A_1506 = arith.constant 4 : i32
          %eq3A_1507 = arith.constant 0 : i32
          %eq3A_1508 = arith.cmpi eq, %jit3A_1506, %eq3A_1507 : i32
          %jit3A_1509 = arith.constant 1 : i32
          %select_n3A_1510 = arith.select %eq3A_1508, %jit3A_1509, %jit3A_1506 : i32
          %rem3A_1511 = arith.remsi %scan3A_1480, %select_n3A_1510 : i32
          %ne3A_1512 = arith.constant 0 : i32
          %ne3A_1513 = arith.cmpi ne, %rem3A_1511, %ne3A_1512 : i32
          %lt3A_1514 = arith.constant 0 : i32
          %lt3A_1515 = arith.cmpi slt, %rem3A_1511, %lt3A_1514 : i32
          %lt3A_1516 = arith.constant 0 : i32
          %lt3A_1517 = arith.cmpi slt, %select_n3A_1510, %lt3A_1516 : i32
          %ne3A_1518 = arith.xori %lt3A_1515, %lt3A_1517 : i1
          %and3A_1519 = arith.andi %ne3A_1518, %ne3A_1513 : i1
          %add3A_1520 = arith.addi %rem3A_1511, %select_n3A_1510 : i32
          %select_n3A_1521 = arith.select %and3A_1519, %add3A_1520, %rem3A_1511 : i32
          %mul3A_1522 = arith.constant 16 : i32
          %mul3A_1523 = arith.muli %select_n3A_1521, %mul3A_1522 : i32
          %get3A = arith.index_cast %select_n3A_1505 : i32 to index
          %get3A_1524 = arith.index_cast %mul3A_1523 : i32 to index
          %get3A_1525 = tpu.vector_load %arg5[%get3A, %get3A_1524] {strides = array<i32>} : memref<20x64xi32, #tpu.memory_space<vmem>>, vector<16xi32>,
          %rem3A_1526 = arith.constant 100000 : i32
          %rem3A_1527 = vector.broadcast %rem3A_1526 : i32 to vector<16xi32>
          %rem3A_1528 = arith.remsi %get3A_1525, %rem3A_1527 : vector<16xi32>
          %add3A_1529 = arith.addi %rem3A_1528, %broadcast_in_dim3A_1232 : vector<16xi32>
          %swap3A = arith.index_cast %select_n3A_1505 : i32 to index
          %swap3A_1530 = arith.index_cast %mul3A_1523 : i32 to index
          %swap3A_1531 = tpu.vector_load %arg6[%swap3A, %swap3A_1530] {strides = array<i32>} : memref<20x64xi32, #tpu.memory_space<vmem>>, vector<16xi32>,
          tpu.vector_store %arg6[%swap3A, %swap3A_1530], %add3A_1529 {strides = array<i32>} : memref<20x64xi32, #tpu.memory_space<vmem>>, vector<16xi32>,
          %scan3A_1532 = arith.constant 0 : i32
          scf.yield %scan3A_1532 : i32
        }
        %scan3A_1239 = arith.constant 80 : i32
        %dma_start3A_1240 = arith.constant 0 : i32
        %dma_start3A_1241 = arith.constant 0 : i32
        %dma_start3A_1242 = arith.constant 0 : i32
        %dma_start3A_1243 = arith.constant 0 : i32
        %dma_start3A_1244 = tpu.memref_slice %arg8[%dma_start3A_1241, %dma_start3A_1242, %dma_start3A_1243] : memref<20x64x32xf32, #tpu.memory_space<vmem>> -> memref<1x64x32xf32, #tpu.memory_space<vmem>>
        %dma_start3A_1245 = tpu.memref_squeeze %dma_start3A_1244 : memref<1x64x32xf32, #tpu.memory_space<vmem>> -> memref<64x32xf32, #tpu.memory_space<vmem>>
        %dma_start3A_1246 = arith.constant 0 : i32
        %dma_start3A_1247 = tpu.memref_slice %arg6[%dma_start3A_1240, %dma_start3A_1246] : memref<20x64xi32, #tpu.memory_space<vmem>> -> memref<1x64xi32, #tpu.memory_space<vmem>>
        %dma_start3A_1248 = tpu.memref_squeeze %dma_start3A_1247 : memref<1x64xi32, #tpu.memory_space<vmem>> -> memref<64xi32, #tpu.memory_space<vmem>>
        %dma_start3A_1249 = arith.constant 0 : i32
        %dma_start3A_1250 = arith.constant 0 : i32
        %dma_start3A_1251 = tpu.memref_slice %arg3[%dma_start3A_1249, %dma_start3A_1250] : memref<2600000x32xf32, #tpu.memory_space<hbm>> -> memref<2600000x32xf32, #tpu.memory_space<hbm>>
        tpu.enqueue_indirect_dma source(%dma_start3A_1251 : memref<2600000x32xf32, #tpu.memory_space<hbm>>) target(%dma_start3A_1245 : memref<64x32xf32, #tpu.memory_space<vmem>>) offsets(%dma_start3A_1248 : memref<64xi32, #tpu.memory_space<vmem>>) semaphore(%arg11 : memref<!tpu.dma_semaphore, #tpu.memory_space<semaphore_mem>>)
        %dma_start3A_1252 = arith.constant 1 : i32
        %dma_start3A_1253 = arith.constant 1 : i32
        %dma_start3A_1254 = arith.constant 0 : i32
        %dma_start3A_1255 = arith.constant 0 : i32
        %dma_start3A_1256 = tpu.memref_slice %arg8[%dma_start3A_1253, %dma_start3A_1254, %dma_start3A_1255] : memref<20x64x32xf32, #tpu.memory_space<vmem>> -> memref<1x64x32xf32, #tpu.memory_space<vmem>>
        %dma_start3A_1257 = tpu.memref_squeeze %dma_start3A_1256 : memref<1x64x32xf32, #tpu.memory_space<vmem>> -> memref<64x32xf32, #tpu.memory_space<vmem>>
        %dma_start3A_1258 = arith.constant 0 : i32
        %dma_start3A_1259 = tpu.memref_slice %arg6[%dma_start3A_1252, %dma_start3A_1258] : memref<20x64xi32, #tpu.memory_space<vmem>> -> memref<1x64xi32, #tpu.memory_space<vmem>>
        %dma_start3A_1260 = tpu.memref_squeeze %dma_start3A_1259 : memref<1x64xi32, #tpu.memory_space<vmem>> -> memref<64xi32, #tpu.memory_space<vmem>>
        %dma_start3A_1261 = arith.constant 0 : i32
        %dma_start3A_1262 = arith.constant 0 : i32
        %dma_start3A_1263 = tpu.memref_slice %arg3[%dma_start3A_1261, %dma_start3A_1262] : memref<2600000x32xf32, #tpu.memory_space<hbm>> -> memref<2600000x32xf32, #tpu.memory_space<hbm>>
        tpu.enqueue_indirect_dma source(%dma_start3A_1263 : memref<2600000x32xf32, #tpu.memory_space<hbm>>) target(%dma_start3A_1257 : memref<64x32xf32, #tpu.memory_space<vmem>>) offsets(%dma_start3A_1260 : memref<64xi32, #tpu.memory_space<vmem>>) semaphore(%arg11 : memref<!tpu.dma_semaphore, #tpu.memory_space<semaphore_mem>>)
        %dma_start3A_1264 = arith.constant 2 : i32
        %dma_start3A_1265 = arith.constant 2 : i32
        %dma_start3A_1266 = arith.constant 0 : i32
        %dma_start3A_1267 = arith.constant 0 : i32
        %dma_start3A_1268 = tpu.memref_slice %arg8[%dma_start3A_1265, %dma_start3A_1266, %dma_start3A_1267] : memref<20x64x32xf32, #tpu.memory_space<vmem>> -> memref<1x64x32xf32, #tpu.memory_space<vmem>>
        %dma_start3A_1269 = tpu.memref_squeeze %dma_start3A_1268 : memref<1x64x32xf32, #tpu.memory_space<vmem>> -> memref<64x32xf32, #tpu.memory_space<vmem>>
        %dma_start3A_1270 = arith.constant 0 : i32
        %dma_start3A_1271 = tpu.memref_slice %arg6[%dma_start3A_1264, %dma_start3A_1270] : memref<20x64xi32, #tpu.memory_space<vmem>> -> memref<1x64xi32, #tpu.memory_space<vmem>>
        %dma_start3A_1272 = tpu.memref_squeeze %dma_start3A_1271 : memref<1x64xi32, #tpu.memory_space<vmem>> -> memref<64xi32, #tpu.memory_space<vmem>>
        %dma_start3A_1273 = arith.constant 0 : i32
        %dma_start3A_1274 = arith.constant 0 : i32
        %dma_start3A_1275 = tpu.memref_slice %arg3[%dma_start3A_1273, %dma_start3A_1274] : memref<2600000x32xf32, #tpu.memory_space<hbm>> -> memref<2600000x32xf32, #tpu.memory_space<hbm>>
        tpu.enqueue_indirect_dma source(%dma_start3A_1275 : memref<2600000x32xf32, #tpu.memory_space<hbm>>) target(%dma_start3A_1269 : memref<64x32xf32, #tpu.memory_space<vmem>>) offsets(%dma_start3A_1272 : memref<64xi32, #tpu.memory_space<vmem>>) semaphore(%arg11 : memref<!tpu.dma_semaphore, #tpu.memory_space<semaphore_mem>>)
        %dma_start3A_1276 = arith.constant 3 : i32
        %dma_start3A_1277 = arith.constant 3 : i32
        %dma_start3A_1278 = arith.constant 0 : i32
        %dma_start3A_1279 = arith.constant 0 : i32
        %dma_start3A_1280 = tpu.memref_slice %arg8[%dma_start3A_1277, %dma_start3A_1278, %dma_start3A_1279] : memref<20x64x32xf32, #tpu.memory_space<vmem>> -> memref<1x64x32xf32, #tpu.memory_space<vmem>>
        %dma_start3A_1281 = tpu.memref_squeeze %dma_start3A_1280 : memref<1x64x32xf32, #tpu.memory_space<vmem>> -> memref<64x32xf32, #tpu.memory_space<vmem>>
        %dma_start3A_1282 = arith.constant 0 : i32
        %dma_start3A_1283 = tpu.memref_slice %arg6[%dma_start3A_1276, %dma_start3A_1282] : memref<20x64xi32, #tpu.memory_space<vmem>> -> memref<1x64xi32, #tpu.memory_space<vmem>>
        %dma_start3A_1284 = tpu.memref_squeeze %dma_start3A_1283 : memref<1x64xi32, #tpu.memory_space<vmem>> -> memref<64xi32, #tpu.memory_space<vmem>>
        %dma_start3A_1285 = arith.constant 0 : i32
        %dma_start3A_1286 = arith.constant 0 : i32
        %dma_start3A_1287 = tpu.memref_slice %arg3[%dma_start3A_1285, %dma_start3A_1286] : memref<2600000x32xf32, #tpu.memory_space<hbm>> -> memref<2600000x32xf32, #tpu.memory_space<hbm>>
        tpu.enqueue_indirect_dma source(%dma_start3A_1287 : memref<2600000x32xf32, #tpu.memory_space<hbm>>) target(%dma_start3A_1281 : memref<64x32xf32, #tpu.memory_space<vmem>>) offsets(%dma_start3A_1284 : memref<64xi32, #tpu.memory_space<vmem>>) semaphore(%arg11 : memref<!tpu.dma_semaphore, #tpu.memory_space<semaphore_mem>>)
        %dma_start3A_1288 = arith.constant 4 : i32
        %dma_start3A_1289 = arith.constant 4 : i32
        %dma_start3A_1290 = arith.constant 0 : i32
        %dma_start3A_1291 = arith.constant 0 : i32
        %dma_start3A_1292 = tpu.memref_slice %arg8[%dma_start3A_1289, %dma_start3A_1290, %dma_start3A_1291] : memref<20x64x32xf32, #tpu.memory_space<vmem>> -> memref<1x64x32xf32, #tpu.memory_space<vmem>>
        %dma_start3A_1293 = tpu.memref_squeeze %dma_start3A_1292 : memref<1x64x32xf32, #tpu.memory_space<vmem>> -> memref<64x32xf32, #tpu.memory_space<vmem>>
        %dma_start3A_1294 = arith.constant 0 : i32
        %dma_start3A_1295 = tpu.memref_slice %arg6[%dma_start3A_1288, %dma_start3A_1294] : memref<20x64xi32, #tpu.memory_space<vmem>> -> memref<1x64xi32, #tpu.memory_space<vmem>>
        %dma_start3A_1296 = tpu.memref_squeeze %dma_start3A_1295 : memref<1x64xi32, #tpu.memory_space<vmem>> -> memref<64xi32, #tpu.memory_space<vmem>>
        %dma_start3A_1297 = arith.constant 0 : i32
        %dma_start3A_1298 = arith.constant 0 : i32
        %dma_start3A_1299 = tpu.memref_slice %arg3[%dma_start3A_1297, %dma_start3A_1298] : memref<2600000x32xf32, #tpu.memory_space<hbm>> -> memref<2600000x32xf32, #tpu.memory_space<hbm>>
        tpu.enqueue_indirect_dma source(%dma_start3A_1299 : memref<2600000x32xf32, #tpu.memory_space<hbm>>) target(%dma_start3A_1293 : memref<64x32xf32, #tpu.memory_space<vmem>>) offsets(%dma_start3A_1296 : memref<64xi32, #tpu.memory_space<vmem>>) semaphore(%arg11 : memref<!tpu.dma_semaphore, #tpu.memory_space<semaphore_mem>>)
        %dma_start3A_1300 = arith.constant 5 : i32
        %dma_start3A_1301 = arith.constant 5 : i32
        %dma_start3A_1302 = arith.constant 0 : i32
        %dma_start3A_1303 = arith.constant 0 : i32
        %dma_start3A_1304 = tpu.memref_slice %arg8[%dma_start3A_1301, %dma_start3A_1302, %dma_start3A_1303] : memref<20x64x32xf32, #tpu.memory_space<vmem>> -> memref<1x64x32xf32, #tpu.memory_space<vmem>>
        %dma_start3A_1305 = tpu.memref_squeeze %dma_start3A_1304 : memref<1x64x32xf32, #tpu.memory_space<vmem>> -> memref<64x32xf32, #tpu.memory_space<vmem>>
        %dma_start3A_1306 = arith.constant 0 : i32
        %dma_start3A_1307 = tpu.memref_slice %arg6[%dma_start3A_1300, %dma_start3A_1306] : memref<20x64xi32, #tpu.memory_space<vmem>> -> memref<1x64xi32, #tpu.memory_space<vmem>>
        %dma_start3A_1308 = tpu.memref_squeeze %dma_start3A_1307 : memref<1x64xi32, #tpu.memory_space<vmem>> -> memref<64xi32, #tpu.memory_space<vmem>>
        %dma_start3A_1309 = arith.constant 0 : i32
        %dma_start3A_1310 = arith.constant 0 : i32
        %dma_start3A_1311 = tpu.memref_slice %arg3[%dma_start3A_1309, %dma_start3A_1310] : memref<2600000x32xf32, #tpu.memory_space<hbm>> -> memref<2600000x32xf32, #tpu.memory_space<hbm>>
        tpu.enqueue_indirect_dma source(%dma_start3A_1311 : memref<2600000x32xf32, #tpu.memory_space<hbm>>) target(%dma_start3A_1305 : memref<64x32xf32, #tpu.memory_space<vmem>>) offsets(%dma_start3A_1308 : memref<64xi32, #tpu.memory_space<vmem>>) semaphore(%arg11 : memref<!tpu.dma_semaphore, #tpu.memory_space<semaphore_mem>>)
        %dma_start3A_1312 = arith.constant 6 : i32
        %dma_start3A_1313 = arith.constant 6 : i32
        %dma_start3A_1314 = arith.constant 0 : i32
        %dma_start3A_1315 = arith.constant 0 : i32
        %dma_start3A_1316 = tpu.memref_slice %arg8[%dma_start3A_1313, %dma_start3A_1314, %dma_start3A_1315] : memref<20x64x32xf32, #tpu.memory_space<vmem>> -> memref<1x64x32xf32, #tpu.memory_space<vmem>>
        %dma_start3A_1317 = tpu.memref_squeeze %dma_start3A_1316 : memref<1x64x32xf32, #tpu.memory_space<vmem>> -> memref<64x32xf32, #tpu.memory_space<vmem>>
        %dma_start3A_1318 = arith.constant 0 : i32
        %dma_start3A_1319 = tpu.memref_slice %arg6[%dma_start3A_1312, %dma_start3A_1318] : memref<20x64xi32, #tpu.memory_space<vmem>> -> memref<1x64xi32, #tpu.memory_space<vmem>>
        %dma_start3A_1320 = tpu.memref_squeeze %dma_start3A_1319 : memref<1x64xi32, #tpu.memory_space<vmem>> -> memref<64xi32, #tpu.memory_space<vmem>>
        %dma_start3A_1321 = arith.constant 0 : i32
        %dma_start3A_1322 = arith.constant 0 : i32
        %dma_start3A_1323 = tpu.memref_slice %arg3[%dma_start3A_1321, %dma_start3A_1322] : memref<2600000x32xf32, #tpu.memory_space<hbm>> -> memref<2600000x32xf32, #tpu.memory_space<hbm>>
        tpu.enqueue_indirect_dma source(%dma_start3A_1323 : memref<2600000x32xf32, #tpu.memory_space<hbm>>) target(%dma_start3A_1317 : memref<64x32xf32, #tpu.memory_space<vmem>>) offsets(%dma_start3A_1320 : memref<64xi32, #tpu.memory_space<vmem>>) semaphore(%arg11 : memref<!tpu.dma_semaphore, #tpu.memory_space<semaphore_mem>>)
        %dma_start3A_1324 = arith.constant 7 : i32
        %dma_start3A_1325 = arith.constant 7 : i32
        %dma_start3A_1326 = arith.constant 0 : i32
        %dma_start3A_1327 = arith.constant 0 : i32
        %dma_start3A_1328 = tpu.memref_slice %arg8[%dma_start3A_1325, %dma_start3A_1326, %dma_start3A_1327] : memref<20x64x32xf32, #tpu.memory_space<vmem>> -> memref<1x64x32xf32, #tpu.memory_space<vmem>>
        %dma_start3A_1329 = tpu.memref_squeeze %dma_start3A_1328 : memref<1x64x32xf32, #tpu.memory_space<vmem>> -> memref<64x32xf32, #tpu.memory_space<vmem>>
        %dma_start3A_1330 = arith.constant 0 : i32
        %dma_start3A_1331 = tpu.memref_slice %arg6[%dma_start3A_1324, %dma_start3A_1330] : memref<20x64xi32, #tpu.memory_space<vmem>> -> memref<1x64xi32, #tpu.memory_space<vmem>>
        %dma_start3A_1332 = tpu.memref_squeeze %dma_start3A_1331 : memref<1x64xi32, #tpu.memory_space<vmem>> -> memref<64xi32, #tpu.memory_space<vmem>>
        %dma_start3A_1333 = arith.constant 0 : i32
        %dma_start3A_1334 = arith.constant 0 : i32
        %dma_start3A_1335 = tpu.memref_slice %arg3[%dma_start3A_1333, %dma_start3A_1334] : memref<2600000x32xf32, #tpu.memory_space<hbm>> -> memref<2600000x32xf32, #tpu.memory_space<hbm>>
        tpu.enqueue_indirect_dma source(%dma_start3A_1335 : memref<2600000x32xf32, #tpu.memory_space<hbm>>) target(%dma_start3A_1329 : memref<64x32xf32, #tpu.memory_space<vmem>>) offsets(%dma_start3A_1332 : memref<64xi32, #tpu.memory_space<vmem>>) semaphore(%arg11 : memref<!tpu.dma_semaphore, #tpu.memory_space<semaphore_mem>>)
        %dma_start3A_1336 = arith.constant 8 : i32
        %dma_start3A_1337 = arith.constant 8 : i32
        %dma_start3A_1338 = arith.constant 0 : i32
        %dma_start3A_1339 = arith.constant 0 : i32
        %dma_start3A_1340 = tpu.memref_slice %arg8[%dma_start3A_1337, %dma_start3A_1338, %dma_start3A_1339] : memref<20x64x32xf32, #tpu.memory_space<vmem>> -> memref<1x64x32xf32, #tpu.memory_space<vmem>>
        %dma_start3A_1341 = tpu.memref_squeeze %dma_start3A_1340 : memref<1x64x32xf32, #tpu.memory_space<vmem>> -> memref<64x32xf32, #tpu.memory_space<vmem>>
        %dma_start3A_1342 = arith.constant 0 : i32
        %dma_start3A_1343 = tpu.memref_slice %arg6[%dma_start3A_1336, %dma_start3A_1342] : memref<20x64xi32, #tpu.memory_space<vmem>> -> memref<1x64xi32, #tpu.memory_space<vmem>>
        %dma_start3A_1344 = tpu.memref_squeeze %dma_start3A_1343 : memref<1x64xi32, #tpu.memory_space<vmem>> -> memref<64xi32, #tpu.memory_space<vmem>>
        %dma_start3A_1345 = arith.constant 0 : i32
        %dma_start3A_1346 = arith.constant 0 : i32
        %dma_start3A_1347 = tpu.memref_slice %arg3[%dma_start3A_1345, %dma_start3A_1346] : memref<2600000x32xf32, #tpu.memory_space<hbm>> -> memref<2600000x32xf32, #tpu.memory_space<hbm>>
        tpu.enqueue_indirect_dma source(%dma_start3A_1347 : memref<2600000x32xf32, #tpu.memory_space<hbm>>) target(%dma_start3A_1341 : memref<64x32xf32, #tpu.memory_space<vmem>>) offsets(%dma_start3A_1344 : memref<64xi32, #tpu.memory_space<vmem>>) semaphore(%arg11 : memref<!tpu.dma_semaphore, #tpu.memory_space<semaphore_mem>>)
        %dma_start3A_1348 = arith.constant 9 : i32
        %dma_start3A_1349 = arith.constant 9 : i32
        %dma_start3A_1350 = arith.constant 0 : i32
        %dma_start3A_1351 = arith.constant 0 : i32
        %dma_start3A_1352 = tpu.memref_slice %arg8[%dma_start3A_1349, %dma_start3A_1350, %dma_start3A_1351] : memref<20x64x32xf32, #tpu.memory_space<vmem>> -> memref<1x64x32xf32, #tpu.memory_space<vmem>>
        %dma_start3A_1353 = tpu.memref_squeeze %dma_start3A_1352 : memref<1x64x32xf32, #tpu.memory_space<vmem>> -> memref<64x32xf32, #tpu.memory_space<vmem>>
        %dma_start3A_1354 = arith.constant 0 : i32
        %dma_start3A_1355 = tpu.memref_slice %arg6[%dma_start3A_1348, %dma_start3A_1354] : memref<20x64xi32, #tpu.memory_space<vmem>> -> memref<1x64xi32, #tpu.memory_space<vmem>>
        %dma_start3A_1356 = tpu.memref_squeeze %dma_start3A_1355 : memref<1x64xi32, #tpu.memory_space<vmem>> -> memref<64xi32, #tpu.memory_space<vmem>>
        %dma_start3A_1357 = arith.constant 0 : i32
        %dma_start3A_1358 = arith.constant 0 : i32
        %dma_start3A_1359 = tpu.memref_slice %arg3[%dma_start3A_1357, %dma_start3A_1358] : memref<2600000x32xf32, #tpu.memory_space<hbm>> -> memref<2600000x32xf32, #tpu.memory_space<hbm>>
        tpu.enqueue_indirect_dma source(%dma_start3A_1359 : memref<2600000x32xf32, #tpu.memory_space<hbm>>) target(%dma_start3A_1353 : memref<64x32xf32, #tpu.memory_space<vmem>>) offsets(%dma_start3A_1356 : memref<64xi32, #tpu.memory_space<vmem>>) semaphore(%arg11 : memref<!tpu.dma_semaphore, #tpu.memory_space<semaphore_mem>>)
        %dma_start3A_1360 = arith.constant 10 : i32
        %dma_start3A_1361 = arith.constant 10 : i32
        %dma_start3A_1362 = arith.constant 0 : i32
        %dma_start3A_1363 = arith.constant 0 : i32
        %dma_start3A_1364 = tpu.memref_slice %arg8[%dma_start3A_1361, %dma_start3A_1362, %dma_start3A_1363] : memref<20x64x32xf32, #tpu.memory_space<vmem>> -> memref<1x64x32xf32, #tpu.memory_space<vmem>>
        %dma_start3A_1365 = tpu.memref_squeeze %dma_start3A_1364 : memref<1x64x32xf32, #tpu.memory_space<vmem>> -> memref<64x32xf32, #tpu.memory_space<vmem>>
        %dma_start3A_1366 = arith.constant 0 : i32
        %dma_start3A_1367 = tpu.memref_slice %arg6[%dma_start3A_1360, %dma_start3A_1366] : memref<20x64xi32, #tpu.memory_space<vmem>> -> memref<1x64xi32, #tpu.memory_space<vmem>>
        %dma_start3A_1368 = tpu.memref_squeeze %dma_start3A_1367 : memref<1x64xi32, #tpu.memory_space<vmem>> -> memref<64xi32, #tpu.memory_space<vmem>>
        %dma_start3A_1369 = arith.constant 0 : i32
        %dma_start3A_1370 = arith.constant 0 : i32
        %dma_start3A_1371 = tpu.memref_slice %arg3[%dma_start3A_1369, %dma_start3A_1370] : memref<2600000x32xf32, #tpu.memory_space<hbm>> -> memref<2600000x32xf32, #tpu.memory_space<hbm>>
        tpu.enqueue_indirect_dma source(%dma_start3A_1371 : memref<2600000x32xf32, #tpu.memory_space<hbm>>) target(%dma_start3A_1365 : memref<64x32xf32, #tpu.memory_space<vmem>>) offsets(%dma_start3A_1368 : memref<64xi32, #tpu.memory_space<vmem>>) semaphore(%arg11 : memref<!tpu.dma_semaphore, #tpu.memory_space<semaphore_mem>>)
        %dma_start3A_1372 = arith.constant 11 : i32
        %dma_start3A_1373 = arith.constant 11 : i32
        %dma_start3A_1374 = arith.constant 0 : i32
        %dma_start3A_1375 = arith.constant 0 : i32
        %dma_start3A_1376 = tpu.memref_slice %arg8[%dma_start3A_1373, %dma_start3A_1374, %dma_start3A_1375] : memref<20x64x32xf32, #tpu.memory_space<vmem>> -> memref<1x64x32xf32, #tpu.memory_space<vmem>>
        %dma_start3A_1377 = tpu.memref_squeeze %dma_start3A_1376 : memref<1x64x32xf32, #tpu.memory_space<vmem>> -> memref<64x32xf32, #tpu.memory_space<vmem>>
        %dma_start3A_1378 = arith.constant 0 : i32
        %dma_start3A_1379 = tpu.memref_slice %arg6[%dma_start3A_1372, %dma_start3A_1378] : memref<20x64xi32, #tpu.memory_space<vmem>> -> memref<1x64xi32, #tpu.memory_space<vmem>>
        %dma_start3A_1380 = tpu.memref_squeeze %dma_start3A_1379 : memref<1x64xi32, #tpu.memory_space<vmem>> -> memref<64xi32, #tpu.memory_space<vmem>>
        %dma_start3A_1381 = arith.constant 0 : i32
        %dma_start3A_1382 = arith.constant 0 : i32
        %dma_start3A_1383 = tpu.memref_slice %arg3[%dma_start3A_1381, %dma_start3A_1382] : memref<2600000x32xf32, #tpu.memory_space<hbm>> -> memref<2600000x32xf32, #tpu.memory_space<hbm>>
        tpu.enqueue_indirect_dma source(%dma_start3A_1383 : memref<2600000x32xf32, #tpu.memory_space<hbm>>) target(%dma_start3A_1377 : memref<64x32xf32, #tpu.memory_space<vmem>>) offsets(%dma_start3A_1380 : memref<64xi32, #tpu.memory_space<vmem>>) semaphore(%arg11 : memref<!tpu.dma_semaphore, #tpu.memory_space<semaphore_mem>>)
        %dma_start3A_1384 = arith.constant 12 : i32
        %dma_start3A_1385 = arith.constant 12 : i32
        %dma_start3A_1386 = arith.constant 0 : i32
        %dma_start3A_1387 = arith.constant 0 : i32
        %dma_start3A_1388 = tpu.memref_slice %arg8[%dma_start3A_1385, %dma_start3A_1386, %dma_start3A_1387] : memref<20x64x32xf32, #tpu.memory_space<vmem>> -> memref<1x64x32xf32, #tpu.memory_space<vmem>>
        %dma_start3A_1389 = tpu.memref_squeeze %dma_start3A_1388 : memref<1x64x32xf32, #tpu.memory_space<vmem>> -> memref<64x32xf32, #tpu.memory_space<vmem>>
        %dma_start3A_1390 = arith.constant 0 : i32
        %dma_start3A_1391 = tpu.memref_slice %arg6[%dma_start3A_1384, %dma_start3A_1390] : memref<20x64xi32, #tpu.memory_space<vmem>> -> memref<1x64xi32, #tpu.memory_space<vmem>>
        %dma_start3A_1392 = tpu.memref_squeeze %dma_start3A_1391 : memref<1x64xi32, #tpu.memory_space<vmem>> -> memref<64xi32, #tpu.memory_space<vmem>>
        %dma_start3A_1393 = arith.constant 0 : i32
        %dma_start3A_1394 = arith.constant 0 : i32
        %dma_start3A_1395 = tpu.memref_slice %arg3[%dma_start3A_1393, %dma_start3A_1394] : memref<2600000x32xf32, #tpu.memory_space<hbm>> -> memref<2600000x32xf32, #tpu.memory_space<hbm>>
        tpu.enqueue_indirect_dma source(%dma_start3A_1395 : memref<2600000x32xf32, #tpu.memory_space<hbm>>) target(%dma_start3A_1389 : memref<64x32xf32, #tpu.memory_space<vmem>>) offsets(%dma_start3A_1392 : memref<64xi32, #tpu.memory_space<vmem>>) semaphore(%arg11 : memref<!tpu.dma_semaphore, #tpu.memory_space<semaphore_mem>>)
        %dma_start3A_1396 = arith.constant 13 : i32
        %dma_start3A_1397 = arith.constant 13 : i32
        %dma_start3A_1398 = arith.constant 0 : i32
        %dma_start3A_1399 = arith.constant 0 : i32
        %dma_start3A_1400 = tpu.memref_slice %arg8[%dma_start3A_1397, %dma_start3A_1398, %dma_start3A_1399] : memref<20x64x32xf32, #tpu.memory_space<vmem>> -> memref<1x64x32xf32, #tpu.memory_space<vmem>>
        %dma_start3A_1401 = tpu.memref_squeeze %dma_start3A_1400 : memref<1x64x32xf32, #tpu.memory_space<vmem>> -> memref<64x32xf32, #tpu.memory_space<vmem>>
        %dma_start3A_1402 = arith.constant 0 : i32
        %dma_start3A_1403 = tpu.memref_slice %arg6[%dma_start3A_1396, %dma_start3A_1402] : memref<20x64xi32, #tpu.memory_space<vmem>> -> memref<1x64xi32, #tpu.memory_space<vmem>>
        %dma_start3A_1404 = tpu.memref_squeeze %dma_start3A_1403 : memref<1x64xi32, #tpu.memory_space<vmem>> -> memref<64xi32, #tpu.memory_space<vmem>>
        %dma_start3A_1405 = arith.constant 0 : i32
        %dma_start3A_1406 = arith.constant 0 : i32
        %dma_start3A_1407 = tpu.memref_slice %arg3[%dma_start3A_1405, %dma_start3A_1406] : memref<2600000x32xf32, #tpu.memory_space<hbm>> -> memref<2600000x32xf32, #tpu.memory_space<hbm>>
        tpu.enqueue_indirect_dma source(%dma_start3A_1407 : memref<2600000x32xf32, #tpu.memory_space<hbm>>) target(%dma_start3A_1401 : memref<64x32xf32, #tpu.memory_space<vmem>>) offsets(%dma_start3A_1404 : memref<64xi32, #tpu.memory_space<vmem>>) semaphore(%arg11 : memref<!tpu.dma_semaphore, #tpu.memory_space<semaphore_mem>>)
        %dma_start3A_1408 = arith.constant 14 : i32
        %dma_start3A_1409 = arith.constant 14 : i32
        %dma_start3A_1410 = arith.constant 0 : i32
        %dma_start3A_1411 = arith.constant 0 : i32
        %dma_start3A_1412 = tpu.memref_slice %arg8[%dma_start3A_1409, %dma_start3A_1410, %dma_start3A_1411] : memref<20x64x32xf32, #tpu.memory_space<vmem>> -> memref<1x64x32xf32, #tpu.memory_space<vmem>>
        %dma_start3A_1413 = tpu.memref_squeeze %dma_start3A_1412 : memref<1x64x32xf32, #tpu.memory_space<vmem>> -> memref<64x32xf32, #tpu.memory_space<vmem>>
        %dma_start3A_1414 = arith.constant 0 : i32
        %dma_start3A_1415 = tpu.memref_slice %arg6[%dma_start3A_1408, %dma_start3A_1414] : memref<20x64xi32, #tpu.memory_space<vmem>> -> memref<1x64xi32, #tpu.memory_space<vmem>>
        %dma_start3A_1416 = tpu.memref_squeeze %dma_start3A_1415 : memref<1x64xi32, #tpu.memory_space<vmem>> -> memref<64xi32, #tpu.memory_space<vmem>>
        %dma_start3A_1417 = arith.constant 0 : i32
        %dma_start3A_1418 = arith.constant 0 : i32
        %dma_start3A_1419 = tpu.memref_slice %arg3[%dma_start3A_1417, %dma_start3A_1418] : memref<2600000x32xf32, #tpu.memory_space<hbm>> -> memref<2600000x32xf32, #tpu.memory_space<hbm>>
        tpu.enqueue_indirect_dma source(%dma_start3A_1419 : memref<2600000x32xf32, #tpu.memory_space<hbm>>) target(%dma_start3A_1413 : memref<64x32xf32, #tpu.memory_space<vmem>>) offsets(%dma_start3A_1416 : memref<64xi32, #tpu.memory_space<vmem>>) semaphore(%arg11 : memref<!tpu.dma_semaphore, #tpu.memory_space<semaphore_mem>>)
        %dma_start3A_1420 = arith.constant 15 : i32
        %dma_start3A_1421 = arith.constant 15 : i32
        %dma_start3A_1422 = arith.constant 0 : i32
        %dma_start3A_1423 = arith.constant 0 : i32
        %dma_start3A_1424 = tpu.memref_slice %arg8[%dma_start3A_1421, %dma_start3A_1422, %dma_start3A_1423] : memref<20x64x32xf32, #tpu.memory_space<vmem>> -> memref<1x64x32xf32, #tpu.memory_space<vmem>>
        %dma_start3A_1425 = tpu.memref_squeeze %dma_start3A_1424 : memref<1x64x32xf32, #tpu.memory_space<vmem>> -> memref<64x32xf32, #tpu.memory_space<vmem>>
        %dma_start3A_1426 = arith.constant 0 : i32
        %dma_start3A_1427 = tpu.memref_slice %arg6[%dma_start3A_1420, %dma_start3A_1426] : memref<20x64xi32, #tpu.memory_space<vmem>> -> memref<1x64xi32, #tpu.memory_space<vmem>>
        %dma_start3A_1428 = tpu.memref_squeeze %dma_start3A_1427 : memref<1x64xi32, #tpu.memory_space<vmem>> -> memref<64xi32, #tpu.memory_space<vmem>>
        %dma_start3A_1429 = arith.constant 0 : i32
        %dma_start3A_1430 = arith.constant 0 : i32
        %dma_start3A_1431 = tpu.memref_slice %arg3[%dma_start3A_1429, %dma_start3A_1430] : memref<2600000x32xf32, #tpu.memory_space<hbm>> -> memref<2600000x32xf32, #tpu.memory_space<hbm>>
        tpu.enqueue_indirect_dma source(%dma_start3A_1431 : memref<2600000x32xf32, #tpu.memory_space<hbm>>) target(%dma_start3A_1425 : memref<64x32xf32, #tpu.memory_space<vmem>>) offsets(%dma_start3A_1428 : memref<64xi32, #tpu.memory_space<vmem>>) semaphore(%arg11 : memref<!tpu.dma_semaphore, #tpu.memory_space<semaphore_mem>>)
        %dma_start3A_1432 = arith.constant 16 : i32
        %dma_start3A_1433 = arith.constant 16 : i32
        %dma_start3A_1434 = arith.constant 0 : i32
        %dma_start3A_1435 = arith.constant 0 : i32
        %dma_start3A_1436 = tpu.memref_slice %arg8[%dma_start3A_1433, %dma_start3A_1434, %dma_start3A_1435] : memref<20x64x32xf32, #tpu.memory_space<vmem>> -> memref<1x64x32xf32, #tpu.memory_space<vmem>>
        %dma_start3A_1437 = tpu.memref_squeeze %dma_start3A_1436 : memref<1x64x32xf32, #tpu.memory_space<vmem>> -> memref<64x32xf32, #tpu.memory_space<vmem>>
        %dma_start3A_1438 = arith.constant 0 : i32
        %dma_start3A_1439 = tpu.memref_slice %arg6[%dma_start3A_1432, %dma_start3A_1438] : memref<20x64xi32, #tpu.memory_space<vmem>> -> memref<1x64xi32, #tpu.memory_space<vmem>>
        %dma_start3A_1440 = tpu.memref_squeeze %dma_start3A_1439 : memref<1x64xi32, #tpu.memory_space<vmem>> -> memref<64xi32, #tpu.memory_space<vmem>>
        %dma_start3A_1441 = arith.constant 0 : i32
        %dma_start3A_1442 = arith.constant 0 : i32
        %dma_start3A_1443 = tpu.memref_slice %arg3[%dma_start3A_1441, %dma_start3A_1442] : memref<2600000x32xf32, #tpu.memory_space<hbm>> -> memref<2600000x32xf32, #tpu.memory_space<hbm>>
        tpu.enqueue_indirect_dma source(%dma_start3A_1443 : memref<2600000x32xf32, #tpu.memory_space<hbm>>) target(%dma_start3A_1437 : memref<64x32xf32, #tpu.memory_space<vmem>>) offsets(%dma_start3A_1440 : memref<64xi32, #tpu.memory_space<vmem>>) semaphore(%arg11 : memref<!tpu.dma_semaphore, #tpu.memory_space<semaphore_mem>>)
        %dma_start3A_1444 = arith.constant 17 : i32
        %dma_start3A_1445 = arith.constant 17 : i32
        %dma_start3A_1446 = arith.constant 0 : i32
        %dma_start3A_1447 = arith.constant 0 : i32
        %dma_start3A_1448 = tpu.memref_slice %arg8[%dma_start3A_1445, %dma_start3A_1446, %dma_start3A_1447] : memref<20x64x32xf32, #tpu.memory_space<vmem>> -> memref<1x64x32xf32, #tpu.memory_space<vmem>>
        %dma_start3A_1449 = tpu.memref_squeeze %dma_start3A_1448 : memref<1x64x32xf32, #tpu.memory_space<vmem>> -> memref<64x32xf32, #tpu.memory_space<vmem>>
        %dma_start3A_1450 = arith.constant 0 : i32
        %dma_start3A_1451 = tpu.memref_slice %arg6[%dma_start3A_1444, %dma_start3A_1450] : memref<20x64xi32, #tpu.memory_space<vmem>> -> memref<1x64xi32, #tpu.memory_space<vmem>>
        %dma_start3A_1452 = tpu.memref_squeeze %dma_start3A_1451 : memref<1x64xi32, #tpu.memory_space<vmem>> -> memref<64xi32, #tpu.memory_space<vmem>>
        %dma_start3A_1453 = arith.constant 0 : i32
        %dma_start3A_1454 = arith.constant 0 : i32
        %dma_start3A_1455 = tpu.memref_slice %arg3[%dma_start3A_1453, %dma_start3A_1454] : memref<2600000x32xf32, #tpu.memory_space<hbm>> -> memref<2600000x32xf32, #tpu.memory_space<hbm>>
        tpu.enqueue_indirect_dma source(%dma_start3A_1455 : memref<2600000x32xf32, #tpu.memory_space<hbm>>) target(%dma_start3A_1449 : memref<64x32xf32, #tpu.memory_space<vmem>>) offsets(%dma_start3A_1452 : memref<64xi32, #tpu.memory_space<vmem>>) semaphore(%arg11 : memref<!tpu.dma_semaphore, #tpu.memory_space<semaphore_mem>>)
        %dma_start3A_1456 = arith.constant 18 : i32
        %dma_start3A_1457 = arith.constant 18 : i32
        %dma_start3A_1458 = arith.constant 0 : i32
        %dma_start3A_1459 = arith.constant 0 : i32
        %dma_start3A_1460 = tpu.memref_slice %arg8[%dma_start3A_1457, %dma_start3A_1458, %dma_start3A_1459] : memref<20x64x32xf32, #tpu.memory_space<vmem>> -> memref<1x64x32xf32, #tpu.memory_space<vmem>>
        %dma_start3A_1461 = tpu.memref_squeeze %dma_start3A_1460 : memref<1x64x32xf32, #tpu.memory_space<vmem>> -> memref<64x32xf32, #tpu.memory_space<vmem>>
        %dma_start3A_1462 = arith.constant 0 : i32
        %dma_start3A_1463 = tpu.memref_slice %arg6[%dma_start3A_1456, %dma_start3A_1462] : memref<20x64xi32, #tpu.memory_space<vmem>> -> memref<1x64xi32, #tpu.memory_space<vmem>>
        %dma_start3A_1464 = tpu.memref_squeeze %dma_start3A_1463 : memref<1x64xi32, #tpu.memory_space<vmem>> -> memref<64xi32, #tpu.memory_space<vmem>>
        %dma_start3A_1465 = arith.constant 0 : i32
        %dma_start3A_1466 = arith.constant 0 : i32
        %dma_start3A_1467 = tpu.memref_slice %arg3[%dma_start3A_1465, %dma_start3A_1466] : memref<2600000x32xf32, #tpu.memory_space<hbm>> -> memref<2600000x32xf32, #tpu.memory_space<hbm>>
        tpu.enqueue_indirect_dma source(%dma_start3A_1467 : memref<2600000x32xf32, #tpu.memory_space<hbm>>) target(%dma_start3A_1461 : memref<64x32xf32, #tpu.memory_space<vmem>>) offsets(%dma_start3A_1464 : memref<64xi32, #tpu.memory_space<vmem>>) semaphore(%arg11 : memref<!tpu.dma_semaphore, #tpu.memory_space<semaphore_mem>>)
        %dma_start3A_1468 = arith.constant 19 : i32
        %dma_start3A_1469 = arith.constant 19 : i32
        %dma_start3A_1470 = arith.constant 0 : i32
        %dma_start3A_1471 = arith.constant 0 : i32
        %dma_start3A_1472 = tpu.memref_slice %arg8[%dma_start3A_1469, %dma_start3A_1470, %dma_start3A_1471] : memref<20x64x32xf32, #tpu.memory_space<vmem>> -> memref<1x64x32xf32, #tpu.memory_space<vmem>>
        %dma_start3A_1473 = tpu.memref_squeeze %dma_start3A_1472 : memref<1x64x32xf32, #tpu.memory_space<vmem>> -> memref<64x32xf32, #tpu.memory_space<vmem>>
        %dma_start3A_1474 = arith.constant 0 : i32
        %dma_start3A_1475 = tpu.memref_slice %arg6[%dma_start3A_1468, %dma_start3A_1474] : memref<20x64xi32, #tpu.memory_space<vmem>> -> memref<1x64xi32, #tpu.memory_space<vmem>>
        %dma_start3A_1476 = tpu.memref_squeeze %dma_start3A_1475 : memref<1x64xi32, #tpu.memory_space<vmem>> -> memref<64xi32, #tpu.memory_space<vmem>>
        %dma_start3A_1477 = arith.constant 0 : i32
        %dma_start3A_1478 = arith.constant 0 : i32
        %dma_start3A_1479 = tpu.memref_slice %arg3[%dma_start3A_1477, %dma_start3A_1478] : memref<2600000x32xf32, #tpu.memory_space<hbm>> -> memref<2600000x32xf32, #tpu.memory_space<hbm>>
        tpu.enqueue_indirect_dma source(%dma_start3A_1479 : memref<2600000x32xf32, #tpu.memory_space<hbm>>) target(%dma_start3A_1473 : memref<64x32xf32, #tpu.memory_space<vmem>>) offsets(%dma_start3A_1476 : memref<64xi32, #tpu.memory_space<vmem>>) semaphore(%arg11 : memref<!tpu.dma_semaphore, #tpu.memory_space<semaphore_mem>>)
      } else {
      }
      %add3A_888 = arith.constant 1 : i32
      %add3A_889 = arith.addi %mul3A_294, %add3A_888 : i32
      %mul3A_890 = arith.constant 52 : i32
      %mul3A_891 = arith.muli %add3A, %mul3A_890 : i32
      %add3A_892 = arith.addi %mul3A_891, %add3A_889 : i32
      %jit3A_893 = arith.constant 64 : i32
      %div3A_894 = arith.divsi %add3A_892, %jit3A_893 : i32
      %sign3A_895 = arith.constant 0 : i32
      %sign3A_896 = arith.cmpi sgt, %add3A_892, %sign3A_895 : i32
      %sign3A_897 = arith.extui %sign3A_896 : i1 to i32
      %sign3A_898 = arith.constant 0 : i32
      %sign3A_899 = arith.cmpi slt, %add3A_892, %sign3A_898 : i32
      %sign3A_900 = arith.extui %sign3A_899 : i1 to i32
      %sign3A_901 = arith.subi %sign3A_897, %sign3A_900 : i32
      %sign3A_902 = arith.constant 0 : i32
      %sign3A_903 = arith.cmpi sgt, %jit3A_893, %sign3A_902 : i32
      %sign3A_904 = arith.extui %sign3A_903 : i1 to i32
      %sign3A_905 = arith.constant 0 : i32
      %sign3A_906 = arith.cmpi slt, %jit3A_893, %sign3A_905 : i32
      %sign3A_907 = arith.extui %sign3A_906 : i1 to i32
      %sign3A_908 = arith.subi %sign3A_904, %sign3A_907 : i32
      %ne3A_909 = arith.cmpi ne, %sign3A_901, %sign3A_908 : i32
      %rem3A_910 = arith.remsi %add3A_892, %jit3A_893 : i32
      %ne3A_911 = arith.constant 0 : i32
      %ne3A_912 = arith.cmpi ne, %rem3A_910, %ne3A_911 : i32
      %and3A_913 = arith.andi %ne3A_909, %ne3A_912 : i1
      %sub3A_914 = arith.constant 1 : i32
      %sub3A_915 = arith.subi %div3A_894, %sub3A_914 : i32
      %select_n3A_916 = arith.select %and3A_913, %sub3A_915, %div3A_894 : i32
      %jit3A_917 = arith.constant 64 : i32
      %eq3A_918 = arith.constant 0 : i32
      %eq3A_919 = arith.cmpi eq, %jit3A_917, %eq3A_918 : i32
      %jit3A_920 = arith.constant 1 : i32
      %select_n3A_921 = arith.select %eq3A_919, %jit3A_920, %jit3A_917 : i32
      %rem3A_922 = arith.remsi %add3A_892, %select_n3A_921 : i32
      %ne3A_923 = arith.constant 0 : i32
      %ne3A_924 = arith.cmpi ne, %rem3A_922, %ne3A_923 : i32
      %lt3A_925 = arith.constant 0 : i32
      %lt3A_926 = arith.cmpi slt, %rem3A_922, %lt3A_925 : i32
      %lt3A_927 = arith.constant 0 : i32
      %lt3A_928 = arith.cmpi slt, %select_n3A_921, %lt3A_927 : i32
      %ne3A_929 = arith.xori %lt3A_926, %lt3A_928 : i1
      %and3A_930 = arith.andi %ne3A_929, %ne3A_924 : i1
      %add3A_931 = arith.addi %rem3A_922, %select_n3A_921 : i32
      %select_n3A_932 = arith.select %and3A_930, %add3A_931, %rem3A_922 : i32
      %mul3A_933 = arith.constant 64 : i32
      %mul3A_934 = arith.muli %select_n3A_932, %mul3A_933 : i32
      %dma_wait3A_935 = arith.constant 0 : i32
      %dma_wait3A_936 = arith.constant 0 : i32
      %dma_wait3A_937 = arith.constant 0 : i32
      %dma_wait3A_938 = arith.constant 0 : i32
      %dma_wait3A_939 = tpu.memref_slice %arg9[%dma_wait3A_936, %dma_wait3A_937, %dma_wait3A_938] : memref<20x64x32xf32, #tpu.memory_space<vmem>> -> memref<1x64x32xf32, #tpu.memory_space<vmem>>
      %dma_wait3A_940 = tpu.memref_squeeze %dma_wait3A_939 : memref<1x64x32xf32, #tpu.memory_space<vmem>> -> memref<64x32xf32, #tpu.memory_space<vmem>>
      %dma_wait3A_941 = arith.constant 0 : i32
      %dma_wait3A_942 = tpu.memref_slice %arg7[%dma_wait3A_935, %dma_wait3A_941] : memref<20x64xi32, #tpu.memory_space<vmem>> -> memref<1x64xi32, #tpu.memory_space<vmem>>
      %dma_wait3A_943 = tpu.memref_squeeze %dma_wait3A_942 : memref<1x64xi32, #tpu.memory_space<vmem>> -> memref<64xi32, #tpu.memory_space<vmem>>
      %dma_wait3A_944 = arith.constant 0 : i32
      %dma_wait3A_945 = arith.constant 0 : i32
      %dma_wait3A_946 = tpu.memref_slice %arg3[%dma_wait3A_944, %dma_wait3A_945] : memref<2600000x32xf32, #tpu.memory_space<hbm>> -> memref<2600000x32xf32, #tpu.memory_space<hbm>>
      tpu.wait_indirect_dma semaphore(%arg12 : memref<!tpu.dma_semaphore, #tpu.memory_space<semaphore_mem>>) src(%dma_wait3A_946 : memref<2600000x32xf32, #tpu.memory_space<hbm>>) dst(%dma_wait3A_940 : memref<64x32xf32, #tpu.memory_space<vmem>>)
      %dma_wait3A_947 = arith.constant 1 : i32
      %dma_wait3A_948 = arith.constant 1 : i32
      %dma_wait3A_949 = arith.constant 0 : i32
      %dma_wait3A_950 = arith.constant 0 : i32
      %dma_wait3A_951 = tpu.memref_slice %arg9[%dma_wait3A_948, %dma_wait3A_949, %dma_wait3A_950] : memref<20x64x32xf32, #tpu.memory_space<vmem>> -> memref<1x64x32xf32, #tpu.memory_space<vmem>>
      %dma_wait3A_952 = tpu.memref_squeeze %dma_wait3A_951 : memref<1x64x32xf32, #tpu.memory_space<vmem>> -> memref<64x32xf32, #tpu.memory_space<vmem>>
      %dma_wait3A_953 = arith.constant 0 : i32
      %dma_wait3A_954 = tpu.memref_slice %arg7[%dma_wait3A_947, %dma_wait3A_953] : memref<20x64xi32, #tpu.memory_space<vmem>> -> memref<1x64xi32, #tpu.memory_space<vmem>>
      %dma_wait3A_955 = tpu.memref_squeeze %dma_wait3A_954 : memref<1x64xi32, #tpu.memory_space<vmem>> -> memref<64xi32, #tpu.memory_space<vmem>>
      %dma_wait3A_956 = arith.constant 0 : i32
      %dma_wait3A_957 = arith.constant 0 : i32
      %dma_wait3A_958 = tpu.memref_slice %arg3[%dma_wait3A_956, %dma_wait3A_957] : memref<2600000x32xf32, #tpu.memory_space<hbm>> -> memref<2600000x32xf32, #tpu.memory_space<hbm>>
      tpu.wait_indirect_dma semaphore(%arg12 : memref<!tpu.dma_semaphore, #tpu.memory_space<semaphore_mem>>) src(%dma_wait3A_958 : memref<2600000x32xf32, #tpu.memory_space<hbm>>) dst(%dma_wait3A_952 : memref<64x32xf32, #tpu.memory_space<vmem>>)
      %dma_wait3A_959 = arith.constant 2 : i32
      %dma_wait3A_960 = arith.constant 2 : i32
      %dma_wait3A_961 = arith.constant 0 : i32
      %dma_wait3A_962 = arith.constant 0 : i32
      %dma_wait3A_963 = tpu.memref_slice %arg9[%dma_wait3A_960, %dma_wait3A_961, %dma_wait3A_962] : memref<20x64x32xf32, #tpu.memory_space<vmem>> -> memref<1x64x32xf32, #tpu.memory_space<vmem>>
      %dma_wait3A_964 = tpu.memref_squeeze %dma_wait3A_963 : memref<1x64x32xf32, #tpu.memory_space<vmem>> -> memref<64x32xf32, #tpu.memory_space<vmem>>
      %dma_wait3A_965 = arith.constant 0 : i32
      %dma_wait3A_966 = tpu.memref_slice %arg7[%dma_wait3A_959, %dma_wait3A_965] : memref<20x64xi32, #tpu.memory_space<vmem>> -> memref<1x64xi32, #tpu.memory_space<vmem>>
      %dma_wait3A_967 = tpu.memref_squeeze %dma_wait3A_966 : memref<1x64xi32, #tpu.memory_space<vmem>> -> memref<64xi32, #tpu.memory_space<vmem>>
      %dma_wait3A_968 = arith.constant 0 : i32
      %dma_wait3A_969 = arith.constant 0 : i32
      %dma_wait3A_970 = tpu.memref_slice %arg3[%dma_wait3A_968, %dma_wait3A_969] : memref<2600000x32xf32, #tpu.memory_space<hbm>> -> memref<2600000x32xf32, #tpu.memory_space<hbm>>
      tpu.wait_indirect_dma semaphore(%arg12 : memref<!tpu.dma_semaphore, #tpu.memory_space<semaphore_mem>>) src(%dma_wait3A_970 : memref<2600000x32xf32, #tpu.memory_space<hbm>>) dst(%dma_wait3A_964 : memref<64x32xf32, #tpu.memory_space<vmem>>)
      %dma_wait3A_971 = arith.constant 3 : i32
      %dma_wait3A_972 = arith.constant 3 : i32
      %dma_wait3A_973 = arith.constant 0 : i32
      %dma_wait3A_974 = arith.constant 0 : i32
      %dma_wait3A_975 = tpu.memref_slice %arg9[%dma_wait3A_972, %dma_wait3A_973, %dma_wait3A_974] : memref<20x64x32xf32, #tpu.memory_space<vmem>> -> memref<1x64x32xf32, #tpu.memory_space<vmem>>
      %dma_wait3A_976 = tpu.memref_squeeze %dma_wait3A_975 : memref<1x64x32xf32, #tpu.memory_space<vmem>> -> memref<64x32xf32, #tpu.memory_space<vmem>>
      %dma_wait3A_977 = arith.constant 0 : i32
      %dma_wait3A_978 = tpu.memref_slice %arg7[%dma_wait3A_971, %dma_wait3A_977] : memref<20x64xi32, #tpu.memory_space<vmem>> -> memref<1x64xi32, #tpu.memory_space<vmem>>
      %dma_wait3A_979 = tpu.memref_squeeze %dma_wait3A_978 : memref<1x64xi32, #tpu.memory_space<vmem>> -> memref<64xi32, #tpu.memory_space<vmem>>
      %dma_wait3A_980 = arith.constant 0 : i32
      %dma_wait3A_981 = arith.constant 0 : i32
      %dma_wait3A_982 = tpu.memref_slice %arg3[%dma_wait3A_980, %dma_wait3A_981] : memref<2600000x32xf32, #tpu.memory_space<hbm>> -> memref<2600000x32xf32, #tpu.memory_space<hbm>>
      tpu.wait_indirect_dma semaphore(%arg12 : memref<!tpu.dma_semaphore, #tpu.memory_space<semaphore_mem>>) src(%dma_wait3A_982 : memref<2600000x32xf32, #tpu.memory_space<hbm>>) dst(%dma_wait3A_976 : memref<64x32xf32, #tpu.memory_space<vmem>>)
      %dma_wait3A_983 = arith.constant 4 : i32
      %dma_wait3A_984 = arith.constant 4 : i32
      %dma_wait3A_985 = arith.constant 0 : i32
      %dma_wait3A_986 = arith.constant 0 : i32
      %dma_wait3A_987 = tpu.memref_slice %arg9[%dma_wait3A_984, %dma_wait3A_985, %dma_wait3A_986] : memref<20x64x32xf32, #tpu.memory_space<vmem>> -> memref<1x64x32xf32, #tpu.memory_space<vmem>>
      %dma_wait3A_988 = tpu.memref_squeeze %dma_wait3A_987 : memref<1x64x32xf32, #tpu.memory_space<vmem>> -> memref<64x32xf32, #tpu.memory_space<vmem>>
      %dma_wait3A_989 = arith.constant 0 : i32
      %dma_wait3A_990 = tpu.memref_slice %arg7[%dma_wait3A_983, %dma_wait3A_989] : memref<20x64xi32, #tpu.memory_space<vmem>> -> memref<1x64xi32, #tpu.memory_space<vmem>>
      %dma_wait3A_991 = tpu.memref_squeeze %dma_wait3A_990 : memref<1x64xi32, #tpu.memory_space<vmem>> -> memref<64xi32, #tpu.memory_space<vmem>>
      %dma_wait3A_992 = arith.constant 0 : i32
      %dma_wait3A_993 = arith.constant 0 : i32
      %dma_wait3A_994 = tpu.memref_slice %arg3[%dma_wait3A_992, %dma_wait3A_993] : memref<2600000x32xf32, #tpu.memory_space<hbm>> -> memref<2600000x32xf32, #tpu.memory_space<hbm>>
      tpu.wait_indirect_dma semaphore(%arg12 : memref<!tpu.dma_semaphore, #tpu.memory_space<semaphore_mem>>) src(%dma_wait3A_994 : memref<2600000x32xf32, #tpu.memory_space<hbm>>) dst(%dma_wait3A_988 : memref<64x32xf32, #tpu.memory_space<vmem>>)
      %dma_wait3A_995 = arith.constant 5 : i32
      %dma_wait3A_996 = arith.constant 5 : i32
      %dma_wait3A_997 = arith.constant 0 : i32
      %dma_wait3A_998 = arith.constant 0 : i32
      %dma_wait3A_999 = tpu.memref_slice %arg9[%dma_wait3A_996, %dma_wait3A_997, %dma_wait3A_998] : memref<20x64x32xf32, #tpu.memory_space<vmem>> -> memref<1x64x32xf32, #tpu.memory_space<vmem>>
      %dma_wait3A_1000 = tpu.memref_squeeze %dma_wait3A_999 : memref<1x64x32xf32, #tpu.memory_space<vmem>> -> memref<64x32xf32, #tpu.memory_space<vmem>>
      %dma_wait3A_1001 = arith.constant 0 : i32
      %dma_wait3A_1002 = tpu.memref_slice %arg7[%dma_wait3A_995, %dma_wait3A_1001] : memref<20x64xi32, #tpu.memory_space<vmem>> -> memref<1x64xi32, #tpu.memory_space<vmem>>
      %dma_wait3A_1003 = tpu.memref_squeeze %dma_wait3A_1002 : memref<1x64xi32, #tpu.memory_space<vmem>> -> memref<64xi32, #tpu.memory_space<vmem>>
      %dma_wait3A_1004 = arith.constant 0 : i32
      %dma_wait3A_1005 = arith.constant 0 : i32
      %dma_wait3A_1006 = tpu.memref_slice %arg3[%dma_wait3A_1004, %dma_wait3A_1005] : memref<2600000x32xf32, #tpu.memory_space<hbm>> -> memref<2600000x32xf32, #tpu.memory_space<hbm>>
      tpu.wait_indirect_dma semaphore(%arg12 : memref<!tpu.dma_semaphore, #tpu.memory_space<semaphore_mem>>) src(%dma_wait3A_1006 : memref<2600000x32xf32, #tpu.memory_space<hbm>>) dst(%dma_wait3A_1000 : memref<64x32xf32, #tpu.memory_space<vmem>>)
      %dma_wait3A_1007 = arith.constant 6 : i32
      %dma_wait3A_1008 = arith.constant 6 : i32
      %dma_wait3A_1009 = arith.constant 0 : i32
      %dma_wait3A_1010 = arith.constant 0 : i32
      %dma_wait3A_1011 = tpu.memref_slice %arg9[%dma_wait3A_1008, %dma_wait3A_1009, %dma_wait3A_1010] : memref<20x64x32xf32, #tpu.memory_space<vmem>> -> memref<1x64x32xf32, #tpu.memory_space<vmem>>
      %dma_wait3A_1012 = tpu.memref_squeeze %dma_wait3A_1011 : memref<1x64x32xf32, #tpu.memory_space<vmem>> -> memref<64x32xf32, #tpu.memory_space<vmem>>
      %dma_wait3A_1013 = arith.constant 0 : i32
      %dma_wait3A_1014 = tpu.memref_slice %arg7[%dma_wait3A_1007, %dma_wait3A_1013] : memref<20x64xi32, #tpu.memory_space<vmem>> -> memref<1x64xi32, #tpu.memory_space<vmem>>
      %dma_wait3A_1015 = tpu.memref_squeeze %dma_wait3A_1014 : memref<1x64xi32, #tpu.memory_space<vmem>> -> memref<64xi32, #tpu.memory_space<vmem>>
      %dma_wait3A_1016 = arith.constant 0 : i32
      %dma_wait3A_1017 = arith.constant 0 : i32
      %dma_wait3A_1018 = tpu.memref_slice %arg3[%dma_wait3A_1016, %dma_wait3A_1017] : memref<2600000x32xf32, #tpu.memory_space<hbm>> -> memref<2600000x32xf32, #tpu.memory_space<hbm>>
      tpu.wait_indirect_dma semaphore(%arg12 : memref<!tpu.dma_semaphore, #tpu.memory_space<semaphore_mem>>) src(%dma_wait3A_1018 : memref<2600000x32xf32, #tpu.memory_space<hbm>>) dst(%dma_wait3A_1012 : memref<64x32xf32, #tpu.memory_space<vmem>>)
      %dma_wait3A_1019 = arith.constant 7 : i32
      %dma_wait3A_1020 = arith.constant 7 : i32
      %dma_wait3A_1021 = arith.constant 0 : i32
      %dma_wait3A_1022 = arith.constant 0 : i32
      %dma_wait3A_1023 = tpu.memref_slice %arg9[%dma_wait3A_1020, %dma_wait3A_1021, %dma_wait3A_1022] : memref<20x64x32xf32, #tpu.memory_space<vmem>> -> memref<1x64x32xf32, #tpu.memory_space<vmem>>
      %dma_wait3A_1024 = tpu.memref_squeeze %dma_wait3A_1023 : memref<1x64x32xf32, #tpu.memory_space<vmem>> -> memref<64x32xf32, #tpu.memory_space<vmem>>
      %dma_wait3A_1025 = arith.constant 0 : i32
      %dma_wait3A_1026 = tpu.memref_slice %arg7[%dma_wait3A_1019, %dma_wait3A_1025] : memref<20x64xi32, #tpu.memory_space<vmem>> -> memref<1x64xi32, #tpu.memory_space<vmem>>
      %dma_wait3A_1027 = tpu.memref_squeeze %dma_wait3A_1026 : memref<1x64xi32, #tpu.memory_space<vmem>> -> memref<64xi32, #tpu.memory_space<vmem>>
      %dma_wait3A_1028 = arith.constant 0 : i32
      %dma_wait3A_1029 = arith.constant 0 : i32
      %dma_wait3A_1030 = tpu.memref_slice %arg3[%dma_wait3A_1028, %dma_wait3A_1029] : memref<2600000x32xf32, #tpu.memory_space<hbm>> -> memref<2600000x32xf32, #tpu.memory_space<hbm>>
      tpu.wait_indirect_dma semaphore(%arg12 : memref<!tpu.dma_semaphore, #tpu.memory_space<semaphore_mem>>) src(%dma_wait3A_1030 : memref<2600000x32xf32, #tpu.memory_space<hbm>>) dst(%dma_wait3A_1024 : memref<64x32xf32, #tpu.memory_space<vmem>>)
      %dma_wait3A_1031 = arith.constant 8 : i32
      %dma_wait3A_1032 = arith.constant 8 : i32
      %dma_wait3A_1033 = arith.constant 0 : i32
      %dma_wait3A_1034 = arith.constant 0 : i32
      %dma_wait3A_1035 = tpu.memref_slice %arg9[%dma_wait3A_1032, %dma_wait3A_1033, %dma_wait3A_1034] : memref<20x64x32xf32, #tpu.memory_space<vmem>> -> memref<1x64x32xf32, #tpu.memory_space<vmem>>
      %dma_wait3A_1036 = tpu.memref_squeeze %dma_wait3A_1035 : memref<1x64x32xf32, #tpu.memory_space<vmem>> -> memref<64x32xf32, #tpu.memory_space<vmem>>
      %dma_wait3A_1037 = arith.constant 0 : i32
      %dma_wait3A_1038 = tpu.memref_slice %arg7[%dma_wait3A_1031, %dma_wait3A_1037] : memref<20x64xi32, #tpu.memory_space<vmem>> -> memref<1x64xi32, #tpu.memory_space<vmem>>
      %dma_wait3A_1039 = tpu.memref_squeeze %dma_wait3A_1038 : memref<1x64xi32, #tpu.memory_space<vmem>> -> memref<64xi32, #tpu.memory_space<vmem>>
      %dma_wait3A_1040 = arith.constant 0 : i32
      %dma_wait3A_1041 = arith.constant 0 : i32
      %dma_wait3A_1042 = tpu.memref_slice %arg3[%dma_wait3A_1040, %dma_wait3A_1041] : memref<2600000x32xf32, #tpu.memory_space<hbm>> -> memref<2600000x32xf32, #tpu.memory_space<hbm>>
      tpu.wait_indirect_dma semaphore(%arg12 : memref<!tpu.dma_semaphore, #tpu.memory_space<semaphore_mem>>) src(%dma_wait3A_1042 : memref<2600000x32xf32, #tpu.memory_space<hbm>>) dst(%dma_wait3A_1036 : memref<64x32xf32, #tpu.memory_space<vmem>>)
      %dma_wait3A_1043 = arith.constant 9 : i32
      %dma_wait3A_1044 = arith.constant 9 : i32
      %dma_wait3A_1045 = arith.constant 0 : i32
      %dma_wait3A_1046 = arith.constant 0 : i32
      %dma_wait3A_1047 = tpu.memref_slice %arg9[%dma_wait3A_1044, %dma_wait3A_1045, %dma_wait3A_1046] : memref<20x64x32xf32, #tpu.memory_space<vmem>> -> memref<1x64x32xf32, #tpu.memory_space<vmem>>
      %dma_wait3A_1048 = tpu.memref_squeeze %dma_wait3A_1047 : memref<1x64x32xf32, #tpu.memory_space<vmem>> -> memref<64x32xf32, #tpu.memory_space<vmem>>
      %dma_wait3A_1049 = arith.constant 0 : i32
      %dma_wait3A_1050 = tpu.memref_slice %arg7[%dma_wait3A_1043, %dma_wait3A_1049] : memref<20x64xi32, #tpu.memory_space<vmem>> -> memref<1x64xi32, #tpu.memory_space<vmem>>
      %dma_wait3A_1051 = tpu.memref_squeeze %dma_wait3A_1050 : memref<1x64xi32, #tpu.memory_space<vmem>> -> memref<64xi32, #tpu.memory_space<vmem>>
      %dma_wait3A_1052 = arith.constant 0 : i32
      %dma_wait3A_1053 = arith.constant 0 : i32
      %dma_wait3A_1054 = tpu.memref_slice %arg3[%dma_wait3A_1052, %dma_wait3A_1053] : memref<2600000x32xf32, #tpu.memory_space<hbm>> -> memref<2600000x32xf32, #tpu.memory_space<hbm>>
      tpu.wait_indirect_dma semaphore(%arg12 : memref<!tpu.dma_semaphore, #tpu.memory_space<semaphore_mem>>) src(%dma_wait3A_1054 : memref<2600000x32xf32, #tpu.memory_space<hbm>>) dst(%dma_wait3A_1048 : memref<64x32xf32, #tpu.memory_space<vmem>>)
      %dma_wait3A_1055 = arith.constant 10 : i32
      %dma_wait3A_1056 = arith.constant 10 : i32
      %dma_wait3A_1057 = arith.constant 0 : i32
      %dma_wait3A_1058 = arith.constant 0 : i32
      %dma_wait3A_1059 = tpu.memref_slice %arg9[%dma_wait3A_1056, %dma_wait3A_1057, %dma_wait3A_1058] : memref<20x64x32xf32, #tpu.memory_space<vmem>> -> memref<1x64x32xf32, #tpu.memory_space<vmem>>
      %dma_wait3A_1060 = tpu.memref_squeeze %dma_wait3A_1059 : memref<1x64x32xf32, #tpu.memory_space<vmem>> -> memref<64x32xf32, #tpu.memory_space<vmem>>
      %dma_wait3A_1061 = arith.constant 0 : i32
      %dma_wait3A_1062 = tpu.memref_slice %arg7[%dma_wait3A_1055, %dma_wait3A_1061] : memref<20x64xi32, #tpu.memory_space<vmem>> -> memref<1x64xi32, #tpu.memory_space<vmem>>
      %dma_wait3A_1063 = tpu.memref_squeeze %dma_wait3A_1062 : memref<1x64xi32, #tpu.memory_space<vmem>> -> memref<64xi32, #tpu.memory_space<vmem>>
      %dma_wait3A_1064 = arith.constant 0 : i32
      %dma_wait3A_1065 = arith.constant 0 : i32
      %dma_wait3A_1066 = tpu.memref_slice %arg3[%dma_wait3A_1064, %dma_wait3A_1065] : memref<2600000x32xf32, #tpu.memory_space<hbm>> -> memref<2600000x32xf32, #tpu.memory_space<hbm>>
      tpu.wait_indirect_dma semaphore(%arg12 : memref<!tpu.dma_semaphore, #tpu.memory_space<semaphore_mem>>) src(%dma_wait3A_1066 : memref<2600000x32xf32, #tpu.memory_space<hbm>>) dst(%dma_wait3A_1060 : memref<64x32xf32, #tpu.memory_space<vmem>>)
      %dma_wait3A_1067 = arith.constant 11 : i32
      %dma_wait3A_1068 = arith.constant 11 : i32
      %dma_wait3A_1069 = arith.constant 0 : i32
      %dma_wait3A_1070 = arith.constant 0 : i32
      %dma_wait3A_1071 = tpu.memref_slice %arg9[%dma_wait3A_1068, %dma_wait3A_1069, %dma_wait3A_1070] : memref<20x64x32xf32, #tpu.memory_space<vmem>> -> memref<1x64x32xf32, #tpu.memory_space<vmem>>
      %dma_wait3A_1072 = tpu.memref_squeeze %dma_wait3A_1071 : memref<1x64x32xf32, #tpu.memory_space<vmem>> -> memref<64x32xf32, #tpu.memory_space<vmem>>
      %dma_wait3A_1073 = arith.constant 0 : i32
      %dma_wait3A_1074 = tpu.memref_slice %arg7[%dma_wait3A_1067, %dma_wait3A_1073] : memref<20x64xi32, #tpu.memory_space<vmem>> -> memref<1x64xi32, #tpu.memory_space<vmem>>
      %dma_wait3A_1075 = tpu.memref_squeeze %dma_wait3A_1074 : memref<1x64xi32, #tpu.memory_space<vmem>> -> memref<64xi32, #tpu.memory_space<vmem>>
      %dma_wait3A_1076 = arith.constant 0 : i32
      %dma_wait3A_1077 = arith.constant 0 : i32
      %dma_wait3A_1078 = tpu.memref_slice %arg3[%dma_wait3A_1076, %dma_wait3A_1077] : memref<2600000x32xf32, #tpu.memory_space<hbm>> -> memref<2600000x32xf32, #tpu.memory_space<hbm>>
      tpu.wait_indirect_dma semaphore(%arg12 : memref<!tpu.dma_semaphore, #tpu.memory_space<semaphore_mem>>) src(%dma_wait3A_1078 : memref<2600000x32xf32, #tpu.memory_space<hbm>>) dst(%dma_wait3A_1072 : memref<64x32xf32, #tpu.memory_space<vmem>>)
      %dma_wait3A_1079 = arith.constant 12 : i32
      %dma_wait3A_1080 = arith.constant 12 : i32
      %dma_wait3A_1081 = arith.constant 0 : i32
      %dma_wait3A_1082 = arith.constant 0 : i32
      %dma_wait3A_1083 = tpu.memref_slice %arg9[%dma_wait3A_1080, %dma_wait3A_1081, %dma_wait3A_1082] : memref<20x64x32xf32, #tpu.memory_space<vmem>> -> memref<1x64x32xf32, #tpu.memory_space<vmem>>
      %dma_wait3A_1084 = tpu.memref_squeeze %dma_wait3A_1083 : memref<1x64x32xf32, #tpu.memory_space<vmem>> -> memref<64x32xf32, #tpu.memory_space<vmem>>
      %dma_wait3A_1085 = arith.constant 0 : i32
      %dma_wait3A_1086 = tpu.memref_slice %arg7[%dma_wait3A_1079, %dma_wait3A_1085] : memref<20x64xi32, #tpu.memory_space<vmem>> -> memref<1x64xi32, #tpu.memory_space<vmem>>
      %dma_wait3A_1087 = tpu.memref_squeeze %dma_wait3A_1086 : memref<1x64xi32, #tpu.memory_space<vmem>> -> memref<64xi32, #tpu.memory_space<vmem>>
      %dma_wait3A_1088 = arith.constant 0 : i32
      %dma_wait3A_1089 = arith.constant 0 : i32
      %dma_wait3A_1090 = tpu.memref_slice %arg3[%dma_wait3A_1088, %dma_wait3A_1089] : memref<2600000x32xf32, #tpu.memory_space<hbm>> -> memref<2600000x32xf32, #tpu.memory_space<hbm>>
      tpu.wait_indirect_dma semaphore(%arg12 : memref<!tpu.dma_semaphore, #tpu.memory_space<semaphore_mem>>) src(%dma_wait3A_1090 : memref<2600000x32xf32, #tpu.memory_space<hbm>>) dst(%dma_wait3A_1084 : memref<64x32xf32, #tpu.memory_space<vmem>>)
      %dma_wait3A_1091 = arith.constant 13 : i32
      %dma_wait3A_1092 = arith.constant 13 : i32
      %dma_wait3A_1093 = arith.constant 0 : i32
      %dma_wait3A_1094 = arith.constant 0 : i32
      %dma_wait3A_1095 = tpu.memref_slice %arg9[%dma_wait3A_1092, %dma_wait3A_1093, %dma_wait3A_1094] : memref<20x64x32xf32, #tpu.memory_space<vmem>> -> memref<1x64x32xf32, #tpu.memory_space<vmem>>
      %dma_wait3A_1096 = tpu.memref_squeeze %dma_wait3A_1095 : memref<1x64x32xf32, #tpu.memory_space<vmem>> -> memref<64x32xf32, #tpu.memory_space<vmem>>
      %dma_wait3A_1097 = arith.constant 0 : i32
      %dma_wait3A_1098 = tpu.memref_slice %arg7[%dma_wait3A_1091, %dma_wait3A_1097] : memref<20x64xi32, #tpu.memory_space<vmem>> -> memref<1x64xi32, #tpu.memory_space<vmem>>
      %dma_wait3A_1099 = tpu.memref_squeeze %dma_wait3A_1098 : memref<1x64xi32, #tpu.memory_space<vmem>> -> memref<64xi32, #tpu.memory_space<vmem>>
      %dma_wait3A_1100 = arith.constant 0 : i32
      %dma_wait3A_1101 = arith.constant 0 : i32
      %dma_wait3A_1102 = tpu.memref_slice %arg3[%dma_wait3A_1100, %dma_wait3A_1101] : memref<2600000x32xf32, #tpu.memory_space<hbm>> -> memref<2600000x32xf32, #tpu.memory_space<hbm>>
      tpu.wait_indirect_dma semaphore(%arg12 : memref<!tpu.dma_semaphore, #tpu.memory_space<semaphore_mem>>) src(%dma_wait3A_1102 : memref<2600000x32xf32, #tpu.memory_space<hbm>>) dst(%dma_wait3A_1096 : memref<64x32xf32, #tpu.memory_space<vmem>>)
      %dma_wait3A_1103 = arith.constant 14 : i32
      %dma_wait3A_1104 = arith.constant 14 : i32
      %dma_wait3A_1105 = arith.constant 0 : i32
      %dma_wait3A_1106 = arith.constant 0 : i32
      %dma_wait3A_1107 = tpu.memref_slice %arg9[%dma_wait3A_1104, %dma_wait3A_1105, %dma_wait3A_1106] : memref<20x64x32xf32, #tpu.memory_space<vmem>> -> memref<1x64x32xf32, #tpu.memory_space<vmem>>
      %dma_wait3A_1108 = tpu.memref_squeeze %dma_wait3A_1107 : memref<1x64x32xf32, #tpu.memory_space<vmem>> -> memref<64x32xf32, #tpu.memory_space<vmem>>
      %dma_wait3A_1109 = arith.constant 0 : i32
      %dma_wait3A_1110 = tpu.memref_slice %arg7[%dma_wait3A_1103, %dma_wait3A_1109] : memref<20x64xi32, #tpu.memory_space<vmem>> -> memref<1x64xi32, #tpu.memory_space<vmem>>
      %dma_wait3A_1111 = tpu.memref_squeeze %dma_wait3A_1110 : memref<1x64xi32, #tpu.memory_space<vmem>> -> memref<64xi32, #tpu.memory_space<vmem>>
      %dma_wait3A_1112 = arith.constant 0 : i32
      %dma_wait3A_1113 = arith.constant 0 : i32
      %dma_wait3A_1114 = tpu.memref_slice %arg3[%dma_wait3A_1112, %dma_wait3A_1113] : memref<2600000x32xf32, #tpu.memory_space<hbm>> -> memref<2600000x32xf32, #tpu.memory_space<hbm>>
      tpu.wait_indirect_dma semaphore(%arg12 : memref<!tpu.dma_semaphore, #tpu.memory_space<semaphore_mem>>) src(%dma_wait3A_1114 : memref<2600000x32xf32, #tpu.memory_space<hbm>>) dst(%dma_wait3A_1108 : memref<64x32xf32, #tpu.memory_space<vmem>>)
      %dma_wait3A_1115 = arith.constant 15 : i32
      %dma_wait3A_1116 = arith.constant 15 : i32
      %dma_wait3A_1117 = arith.constant 0 : i32
      %dma_wait3A_1118 = arith.constant 0 : i32
      %dma_wait3A_1119 = tpu.memref_slice %arg9[%dma_wait3A_1116, %dma_wait3A_1117, %dma_wait3A_1118] : memref<20x64x32xf32, #tpu.memory_space<vmem>> -> memref<1x64x32xf32, #tpu.memory_space<vmem>>
      %dma_wait3A_1120 = tpu.memref_squeeze %dma_wait3A_1119 : memref<1x64x32xf32, #tpu.memory_space<vmem>> -> memref<64x32xf32, #tpu.memory_space<vmem>>
      %dma_wait3A_1121 = arith.constant 0 : i32
      %dma_wait3A_1122 = tpu.memref_slice %arg7[%dma_wait3A_1115, %dma_wait3A_1121] : memref<20x64xi32, #tpu.memory_space<vmem>> -> memref<1x64xi32, #tpu.memory_space<vmem>>
      %dma_wait3A_1123 = tpu.memref_squeeze %dma_wait3A_1122 : memref<1x64xi32, #tpu.memory_space<vmem>> -> memref<64xi32, #tpu.memory_space<vmem>>
      %dma_wait3A_1124 = arith.constant 0 : i32
      %dma_wait3A_1125 = arith.constant 0 : i32
      %dma_wait3A_1126 = tpu.memref_slice %arg3[%dma_wait3A_1124, %dma_wait3A_1125] : memref<2600000x32xf32, #tpu.memory_space<hbm>> -> memref<2600000x32xf32, #tpu.memory_space<hbm>>
      tpu.wait_indirect_dma semaphore(%arg12 : memref<!tpu.dma_semaphore, #tpu.memory_space<semaphore_mem>>) src(%dma_wait3A_1126 : memref<2600000x32xf32, #tpu.memory_space<hbm>>) dst(%dma_wait3A_1120 : memref<64x32xf32, #tpu.memory_space<vmem>>)
      %dma_wait3A_1127 = arith.constant 16 : i32
      %dma_wait3A_1128 = arith.constant 16 : i32
      %dma_wait3A_1129 = arith.constant 0 : i32
      %dma_wait3A_1130 = arith.constant 0 : i32
      %dma_wait3A_1131 = tpu.memref_slice %arg9[%dma_wait3A_1128, %dma_wait3A_1129, %dma_wait3A_1130] : memref<20x64x32xf32, #tpu.memory_space<vmem>> -> memref<1x64x32xf32, #tpu.memory_space<vmem>>
      %dma_wait3A_1132 = tpu.memref_squeeze %dma_wait3A_1131 : memref<1x64x32xf32, #tpu.memory_space<vmem>> -> memref<64x32xf32, #tpu.memory_space<vmem>>
      %dma_wait3A_1133 = arith.constant 0 : i32
      %dma_wait3A_1134 = tpu.memref_slice %arg7[%dma_wait3A_1127, %dma_wait3A_1133] : memref<20x64xi32, #tpu.memory_space<vmem>> -> memref<1x64xi32, #tpu.memory_space<vmem>>
      %dma_wait3A_1135 = tpu.memref_squeeze %dma_wait3A_1134 : memref<1x64xi32, #tpu.memory_space<vmem>> -> memref<64xi32, #tpu.memory_space<vmem>>
      %dma_wait3A_1136 = arith.constant 0 : i32
      %dma_wait3A_1137 = arith.constant 0 : i32
      %dma_wait3A_1138 = tpu.memref_slice %arg3[%dma_wait3A_1136, %dma_wait3A_1137] : memref<2600000x32xf32, #tpu.memory_space<hbm>> -> memref<2600000x32xf32, #tpu.memory_space<hbm>>
      tpu.wait_indirect_dma semaphore(%arg12 : memref<!tpu.dma_semaphore, #tpu.memory_space<semaphore_mem>>) src(%dma_wait3A_1138 : memref<2600000x32xf32, #tpu.memory_space<hbm>>) dst(%dma_wait3A_1132 : memref<64x32xf32, #tpu.memory_space<vmem>>)
      %dma_wait3A_1139 = arith.constant 17 : i32
      %dma_wait3A_1140 = arith.constant 17 : i32
      %dma_wait3A_1141 = arith.constant 0 : i32
      %dma_wait3A_1142 = arith.constant 0 : i32
      %dma_wait3A_1143 = tpu.memref_slice %arg9[%dma_wait3A_1140, %dma_wait3A_1141, %dma_wait3A_1142] : memref<20x64x32xf32, #tpu.memory_space<vmem>> -> memref<1x64x32xf32, #tpu.memory_space<vmem>>
      %dma_wait3A_1144 = tpu.memref_squeeze %dma_wait3A_1143 : memref<1x64x32xf32, #tpu.memory_space<vmem>> -> memref<64x32xf32, #tpu.memory_space<vmem>>
      %dma_wait3A_1145 = arith.constant 0 : i32
      %dma_wait3A_1146 = tpu.memref_slice %arg7[%dma_wait3A_1139, %dma_wait3A_1145] : memref<20x64xi32, #tpu.memory_space<vmem>> -> memref<1x64xi32, #tpu.memory_space<vmem>>
      %dma_wait3A_1147 = tpu.memref_squeeze %dma_wait3A_1146 : memref<1x64xi32, #tpu.memory_space<vmem>> -> memref<64xi32, #tpu.memory_space<vmem>>
      %dma_wait3A_1148 = arith.constant 0 : i32
      %dma_wait3A_1149 = arith.constant 0 : i32
      %dma_wait3A_1150 = tpu.memref_slice %arg3[%dma_wait3A_1148, %dma_wait3A_1149] : memref<2600000x32xf32, #tpu.memory_space<hbm>> -> memref<2600000x32xf32, #tpu.memory_space<hbm>>
      tpu.wait_indirect_dma semaphore(%arg12 : memref<!tpu.dma_semaphore, #tpu.memory_space<semaphore_mem>>) src(%dma_wait3A_1150 : memref<2600000x32xf32, #tpu.memory_space<hbm>>) dst(%dma_wait3A_1144 : memref<64x32xf32, #tpu.memory_space<vmem>>)
      %dma_wait3A_1151 = arith.constant 18 : i32
      %dma_wait3A_1152 = arith.constant 18 : i32
      %dma_wait3A_1153 = arith.constant 0 : i32
      %dma_wait3A_1154 = arith.constant 0 : i32
      %dma_wait3A_1155 = tpu.memref_slice %arg9[%dma_wait3A_1152, %dma_wait3A_1153, %dma_wait3A_1154] : memref<20x64x32xf32, #tpu.memory_space<vmem>> -> memref<1x64x32xf32, #tpu.memory_space<vmem>>
      %dma_wait3A_1156 = tpu.memref_squeeze %dma_wait3A_1155 : memref<1x64x32xf32, #tpu.memory_space<vmem>> -> memref<64x32xf32, #tpu.memory_space<vmem>>
      %dma_wait3A_1157 = arith.constant 0 : i32
      %dma_wait3A_1158 = tpu.memref_slice %arg7[%dma_wait3A_1151, %dma_wait3A_1157] : memref<20x64xi32, #tpu.memory_space<vmem>> -> memref<1x64xi32, #tpu.memory_space<vmem>>
      %dma_wait3A_1159 = tpu.memref_squeeze %dma_wait3A_1158 : memref<1x64xi32, #tpu.memory_space<vmem>> -> memref<64xi32, #tpu.memory_space<vmem>>
      %dma_wait3A_1160 = arith.constant 0 : i32
      %dma_wait3A_1161 = arith.constant 0 : i32
      %dma_wait3A_1162 = tpu.memref_slice %arg3[%dma_wait3A_1160, %dma_wait3A_1161] : memref<2600000x32xf32, #tpu.memory_space<hbm>> -> memref<2600000x32xf32, #tpu.memory_space<hbm>>
      tpu.wait_indirect_dma semaphore(%arg12 : memref<!tpu.dma_semaphore, #tpu.memory_space<semaphore_mem>>) src(%dma_wait3A_1162 : memref<2600000x32xf32, #tpu.memory_space<hbm>>) dst(%dma_wait3A_1156 : memref<64x32xf32, #tpu.memory_space<vmem>>)
      %dma_wait3A_1163 = arith.constant 19 : i32
      %dma_wait3A_1164 = arith.constant 19 : i32
      %dma_wait3A_1165 = arith.constant 0 : i32
      %dma_wait3A_1166 = arith.constant 0 : i32
      %dma_wait3A_1167 = tpu.memref_slice %arg9[%dma_wait3A_1164, %dma_wait3A_1165, %dma_wait3A_1166] : memref<20x64x32xf32, #tpu.memory_space<vmem>> -> memref<1x64x32xf32, #tpu.memory_space<vmem>>
      %dma_wait3A_1168 = tpu.memref_squeeze %dma_wait3A_1167 : memref<1x64x32xf32, #tpu.memory_space<vmem>> -> memref<64x32xf32, #tpu.memory_space<vmem>>
      %dma_wait3A_1169 = arith.constant 0 : i32
      %dma_wait3A_1170 = tpu.memref_slice %arg7[%dma_wait3A_1163, %dma_wait3A_1169] : memref<20x64xi32, #tpu.memory_space<vmem>> -> memref<1x64xi32, #tpu.memory_space<vmem>>
      %dma_wait3A_1171 = tpu.memref_squeeze %dma_wait3A_1170 : memref<1x64xi32, #tpu.memory_space<vmem>> -> memref<64xi32, #tpu.memory_space<vmem>>
      %dma_wait3A_1172 = arith.constant 0 : i32
      %dma_wait3A_1173 = arith.constant 0 : i32
      %dma_wait3A_1174 = tpu.memref_slice %arg3[%dma_wait3A_1172, %dma_wait3A_1173] : memref<2600000x32xf32, #tpu.memory_space<hbm>> -> memref<2600000x32xf32, #tpu.memory_space<hbm>>
      tpu.wait_indirect_dma semaphore(%arg12 : memref<!tpu.dma_semaphore, #tpu.memory_space<semaphore_mem>>) src(%dma_wait3A_1174 : memref<2600000x32xf32, #tpu.memory_space<hbm>>) dst(%dma_wait3A_1168 : memref<64x32xf32, #tpu.memory_space<vmem>>)
      %scan3A_1175 = arith.constant 0 : i32
      %scan3A_1176 = arith.constant 0 : i32
      %scan3A_1177 = arith.constant 64 : i32
      %scan3A_1178 = arith.addi %scan3A_1176, %scan3A_1177 : i32
      %scan3A_1179 = arith.constant 1 : i32
      %scan3A_1180 = scf.for %scan3A_1183 = %scan3A_1176 to %scan3A_1178 step %scan3A_1179 iter_args(%scan3A_1184 = %scan3A_1175) -> (i32)  : i32 {
        %get3A = arith.constant 0 : i32
        %get3A_1185 = arith.index_cast %get3A : i32 to index
        %get3A_1186 = arith.index_cast %scan3A_1183 : i32 to index
        %get3A_1187 = arith.constant 0 : index
        %get3A_1188 = tpu.vector_load %arg9[%get3A_1185, %get3A_1186, %get3A_1187] {strides = array<i32>} : memref<20x64x32xf32, #tpu.memory_space<vmem>>, vector<16xf32>,
        %get3A_1189 = arith.constant 0 : i32
        %get3A_1190 = arith.index_cast %get3A_1189 : i32 to index
        %get3A_1191 = arith.index_cast %scan3A_1183 : i32 to index
        %get3A_1192 = arith.constant 16 : index
        %get3A_1193 = tpu.vector_load %arg9[%get3A_1190, %get3A_1191, %get3A_1192] {strides = array<i32>} : memref<20x64x32xf32, #tpu.memory_space<vmem>>, vector<16xf32>,
        %get3A_1194 = arith.constant 1 : i32
        %get3A_1195 = arith.index_cast %get3A_1194 : i32 to index
        %get3A_1196 = arith.index_cast %scan3A_1183 : i32 to index
        %get3A_1197 = arith.constant 0 : index
        %get3A_1198 = tpu.vector_load %arg9[%get3A_1195, %get3A_1196, %get3A_1197] {strides = array<i32>} : memref<20x64x32xf32, #tpu.memory_space<vmem>>, vector<16xf32>,
        %add3A_1199 = arith.addf %get3A_1188, %get3A_1198 : vector<16xf32>
        %get3A_1200 = arith.constant 1 : i32
        %get3A_1201 = arith.index_cast %get3A_1200 : i32 to index
        %get3A_1202 = arith.index_cast %scan3A_1183 : i32 to index
        %get3A_1203 = arith.constant 16 : index
        %get3A_1204 = tpu.vector_load %arg9[%get3A_1201, %get3A_1202, %get3A_1203] {strides = array<i32>} : memref<20x64x32xf32, #tpu.memory_space<vmem>>, vector<16xf32>,
        %add3A_1205 = arith.addf %get3A_1193, %get3A_1204 : vector<16xf32>
        %get3A_1206 = arith.constant 2 : i32
        %get3A_1207 = arith.index_cast %get3A_1206 : i32 to index
        %get3A_1208 = arith.index_cast %scan3A_1183 : i32 to index
        %get3A_1209 = arith.constant 0 : index
        %get3A_1210 = tpu.vector_load %arg9[%get3A_1207, %get3A_1208, %get3A_1209] {strides = array<i32>} : memref<20x64x32xf32, #tpu.memory_space<vmem>>, vector<16xf32>,
        %add3A_1211 = arith.addf %add3A_1199, %get3A_1210 : vector<16xf32>
        %get3A_1212 = arith.constant 2 : i32
        %get3A_1213 = arith.index_cast %get3A_1212 : i32 to index
        %get3A_1214 = arith.index_cast %scan3A_1183 : i32 to index
        %get3A_1215 = arith.constant 16 : index
        %get3A_1216 = tpu.vector_load %arg9[%get3A_1213, %get3A_1214, %get3A_1215] {strides = array<i32>} : memref<20x64x32xf32, #tpu.memory_space<vmem>>, vector<16xf32>,
        %add3A_1217 = arith.addf %add3A_1205, %get3A_1216 : vector<16xf32>
        %get3A_1218 = arith.constant 3 : i32
        %get3A_1219 = arith.index_cast %get3A_1218 : i32 to index
        %get3A_1220 = arith.index_cast %scan3A_1183 : i32 to index
        %get3A_1221 = arith.constant 0 : index
        %get3A_1222 = tpu.vector_load %arg9[%get3A_1219, %get3A_1220, %get3A_1221] {strides = array<i32>} : memref<20x64x32xf32, #tpu.memory_space<vmem>>, vector<16xf32>,
        %add3A_1223 = arith.addf %add3A_1211, %get3A_1222 : vector<16xf32>
        %get3A_1224 = arith.constant 3 : i32
        %get3A_1225 = arith.index_cast %get3A_1224 : i32 to index
        %get3A_1226 = arith.index_cast %scan3A_1183 : i32 to index
        %get3A_1227 = arith.constant 16 : index
        %get3A_1228 = tpu.vector_load %arg9[%get3A_1225, %get3A_1226, %get3A_1227] {strides = array<i32>} : memref<20x64x32xf32, #tpu.memory_space<vmem>>, vector<16xf32>,
        %add3A_1229 = arith.addf %add3A_1217, %get3A_1228 : vector<16xf32>
        %get3A_1230 = arith.constant 4 : i32
        %get3A_1231 = arith.index_cast %get3A_1230 : i32 to index
        %get3A_1232 = arith.index_cast %scan3A_1183 : i32 to index
        %get3A_1233 = arith.constant 0 : index
        %get3A_1234 = tpu.vector_load %arg9[%get3A_1231, %get3A_1232, %get3A_1233] {strides = array<i32>} : memref<20x64x32xf32, #tpu.memory_space<vmem>>, vector<16xf32>,
        %add3A_1235 = arith.addf %add3A_1223, %get3A_1234 : vector<16xf32>
        %get3A_1236 = arith.constant 4 : i32
        %get3A_1237 = arith.index_cast %get3A_1236 : i32 to index
        %get3A_1238 = arith.index_cast %scan3A_1183 : i32 to index
        %get3A_1239 = arith.constant 16 : index
        %get3A_1240 = tpu.vector_load %arg9[%get3A_1237, %get3A_1238, %get3A_1239] {strides = array<i32>} : memref<20x64x32xf32, #tpu.memory_space<vmem>>, vector<16xf32>,
        %add3A_1241 = arith.addf %add3A_1229, %get3A_1240 : vector<16xf32>
        %get3A_1242 = arith.constant 5 : i32
        %get3A_1243 = arith.index_cast %get3A_1242 : i32 to index
        %get3A_1244 = arith.index_cast %scan3A_1183 : i32 to index
        %get3A_1245 = arith.constant 0 : index
        %get3A_1246 = tpu.vector_load %arg9[%get3A_1243, %get3A_1244, %get3A_1245] {strides = array<i32>} : memref<20x64x32xf32, #tpu.memory_space<vmem>>, vector<16xf32>,
        %add3A_1247 = arith.addf %add3A_1235, %get3A_1246 : vector<16xf32>
        %get3A_1248 = arith.constant 5 : i32
        %get3A_1249 = arith.index_cast %get3A_1248 : i32 to index
        %get3A_1250 = arith.index_cast %scan3A_1183 : i32 to index
        %get3A_1251 = arith.constant 16 : index
        %get3A_1252 = tpu.vector_load %arg9[%get3A_1249, %get3A_1250, %get3A_1251] {strides = array<i32>} : memref<20x64x32xf32, #tpu.memory_space<vmem>>, vector<16xf32>,
        %add3A_1253 = arith.addf %add3A_1241, %get3A_1252 : vector<16xf32>
        %get3A_1254 = arith.constant 6 : i32
        %get3A_1255 = arith.index_cast %get3A_1254 : i32 to index
        %get3A_1256 = arith.index_cast %scan3A_1183 : i32 to index
        %get3A_1257 = arith.constant 0 : index
        %get3A_1258 = tpu.vector_load %arg9[%get3A_1255, %get3A_1256, %get3A_1257] {strides = array<i32>} : memref<20x64x32xf32, #tpu.memory_space<vmem>>, vector<16xf32>,
        %add3A_1259 = arith.addf %add3A_1247, %get3A_1258 : vector<16xf32>
        %get3A_1260 = arith.constant 6 : i32
        %get3A_1261 = arith.index_cast %get3A_1260 : i32 to index
        %get3A_1262 = arith.index_cast %scan3A_1183 : i32 to index
        %get3A_1263 = arith.constant 16 : index
        %get3A_1264 = tpu.vector_load %arg9[%get3A_1261, %get3A_1262, %get3A_1263] {strides = array<i32>} : memref<20x64x32xf32, #tpu.memory_space<vmem>>, vector<16xf32>,
        %add3A_1265 = arith.addf %add3A_1253, %get3A_1264 : vector<16xf32>
        %get3A_1266 = arith.constant 7 : i32
        %get3A_1267 = arith.index_cast %get3A_1266 : i32 to index
        %get3A_1268 = arith.index_cast %scan3A_1183 : i32 to index
        %get3A_1269 = arith.constant 0 : index
        %get3A_1270 = tpu.vector_load %arg9[%get3A_1267, %get3A_1268, %get3A_1269] {strides = array<i32>} : memref<20x64x32xf32, #tpu.memory_space<vmem>>, vector<16xf32>,
        %add3A_1271 = arith.addf %add3A_1259, %get3A_1270 : vector<16xf32>
        %get3A_1272 = arith.constant 7 : i32
        %get3A_1273 = arith.index_cast %get3A_1272 : i32 to index
        %get3A_1274 = arith.index_cast %scan3A_1183 : i32 to index
        %get3A_1275 = arith.constant 16 : index
        %get3A_1276 = tpu.vector_load %arg9[%get3A_1273, %get3A_1274, %get3A_1275] {strides = array<i32>} : memref<20x64x32xf32, #tpu.memory_space<vmem>>, vector<16xf32>,
        %add3A_1277 = arith.addf %add3A_1265, %get3A_1276 : vector<16xf32>
        %get3A_1278 = arith.constant 8 : i32
        %get3A_1279 = arith.index_cast %get3A_1278 : i32 to index
        %get3A_1280 = arith.index_cast %scan3A_1183 : i32 to index
        %get3A_1281 = arith.constant 0 : index
        %get3A_1282 = tpu.vector_load %arg9[%get3A_1279, %get3A_1280, %get3A_1281] {strides = array<i32>} : memref<20x64x32xf32, #tpu.memory_space<vmem>>, vector<16xf32>,
        %add3A_1283 = arith.addf %add3A_1271, %get3A_1282 : vector<16xf32>
        %get3A_1284 = arith.constant 8 : i32
        %get3A_1285 = arith.index_cast %get3A_1284 : i32 to index
        %get3A_1286 = arith.index_cast %scan3A_1183 : i32 to index
        %get3A_1287 = arith.constant 16 : index
        %get3A_1288 = tpu.vector_load %arg9[%get3A_1285, %get3A_1286, %get3A_1287] {strides = array<i32>} : memref<20x64x32xf32, #tpu.memory_space<vmem>>, vector<16xf32>,
        %add3A_1289 = arith.addf %add3A_1277, %get3A_1288 : vector<16xf32>
        %get3A_1290 = arith.constant 9 : i32
        %get3A_1291 = arith.index_cast %get3A_1290 : i32 to index
        %get3A_1292 = arith.index_cast %scan3A_1183 : i32 to index
        %get3A_1293 = arith.constant 0 : index
        %get3A_1294 = tpu.vector_load %arg9[%get3A_1291, %get3A_1292, %get3A_1293] {strides = array<i32>} : memref<20x64x32xf32, #tpu.memory_space<vmem>>, vector<16xf32>,
        %add3A_1295 = arith.addf %add3A_1283, %get3A_1294 : vector<16xf32>
        %get3A_1296 = arith.constant 9 : i32
        %get3A_1297 = arith.index_cast %get3A_1296 : i32 to index
        %get3A_1298 = arith.index_cast %scan3A_1183 : i32 to index
        %get3A_1299 = arith.constant 16 : index
        %get3A_1300 = tpu.vector_load %arg9[%get3A_1297, %get3A_1298, %get3A_1299] {strides = array<i32>} : memref<20x64x32xf32, #tpu.memory_space<vmem>>, vector<16xf32>,
        %add3A_1301 = arith.addf %add3A_1289, %get3A_1300 : vector<16xf32>
        %get3A_1302 = arith.constant 10 : i32
        %get3A_1303 = arith.index_cast %get3A_1302 : i32 to index
        %get3A_1304 = arith.index_cast %scan3A_1183 : i32 to index
        %get3A_1305 = arith.constant 0 : index
        %get3A_1306 = tpu.vector_load %arg9[%get3A_1303, %get3A_1304, %get3A_1305] {strides = array<i32>} : memref<20x64x32xf32, #tpu.memory_space<vmem>>, vector<16xf32>,
        %add3A_1307 = arith.addf %add3A_1295, %get3A_1306 : vector<16xf32>
        %get3A_1308 = arith.constant 10 : i32
        %get3A_1309 = arith.index_cast %get3A_1308 : i32 to index
        %get3A_1310 = arith.index_cast %scan3A_1183 : i32 to index
        %get3A_1311 = arith.constant 16 : index
        %get3A_1312 = tpu.vector_load %arg9[%get3A_1309, %get3A_1310, %get3A_1311] {strides = array<i32>} : memref<20x64x32xf32, #tpu.memory_space<vmem>>, vector<16xf32>,
        %add3A_1313 = arith.addf %add3A_1301, %get3A_1312 : vector<16xf32>
        %get3A_1314 = arith.constant 11 : i32
        %get3A_1315 = arith.index_cast %get3A_1314 : i32 to index
        %get3A_1316 = arith.index_cast %scan3A_1183 : i32 to index
        %get3A_1317 = arith.constant 0 : index
        %get3A_1318 = tpu.vector_load %arg9[%get3A_1315, %get3A_1316, %get3A_1317] {strides = array<i32>} : memref<20x64x32xf32, #tpu.memory_space<vmem>>, vector<16xf32>,
        %add3A_1319 = arith.addf %add3A_1307, %get3A_1318 : vector<16xf32>
        %get3A_1320 = arith.constant 11 : i32
        %get3A_1321 = arith.index_cast %get3A_1320 : i32 to index
        %get3A_1322 = arith.index_cast %scan3A_1183 : i32 to index
        %get3A_1323 = arith.constant 16 : index
        %get3A_1324 = tpu.vector_load %arg9[%get3A_1321, %get3A_1322, %get3A_1323] {strides = array<i32>} : memref<20x64x32xf32, #tpu.memory_space<vmem>>, vector<16xf32>,
        %add3A_1325 = arith.addf %add3A_1313, %get3A_1324 : vector<16xf32>
        %get3A_1326 = arith.constant 12 : i32
        %get3A_1327 = arith.index_cast %get3A_1326 : i32 to index
        %get3A_1328 = arith.index_cast %scan3A_1183 : i32 to index
        %get3A_1329 = arith.constant 0 : index
        %get3A_1330 = tpu.vector_load %arg9[%get3A_1327, %get3A_1328, %get3A_1329] {strides = array<i32>} : memref<20x64x32xf32, #tpu.memory_space<vmem>>, vector<16xf32>,
        %add3A_1331 = arith.addf %add3A_1319, %get3A_1330 : vector<16xf32>
        %get3A_1332 = arith.constant 12 : i32
        %get3A_1333 = arith.index_cast %get3A_1332 : i32 to index
        %get3A_1334 = arith.index_cast %scan3A_1183 : i32 to index
        %get3A_1335 = arith.constant 16 : index
        %get3A_1336 = tpu.vector_load %arg9[%get3A_1333, %get3A_1334, %get3A_1335] {strides = array<i32>} : memref<20x64x32xf32, #tpu.memory_space<vmem>>, vector<16xf32>,
        %add3A_1337 = arith.addf %add3A_1325, %get3A_1336 : vector<16xf32>
        %get3A_1338 = arith.constant 13 : i32
        %get3A_1339 = arith.index_cast %get3A_1338 : i32 to index
        %get3A_1340 = arith.index_cast %scan3A_1183 : i32 to index
        %get3A_1341 = arith.constant 0 : index
        %get3A_1342 = tpu.vector_load %arg9[%get3A_1339, %get3A_1340, %get3A_1341] {strides = array<i32>} : memref<20x64x32xf32, #tpu.memory_space<vmem>>, vector<16xf32>,
        %add3A_1343 = arith.addf %add3A_1331, %get3A_1342 : vector<16xf32>
        %get3A_1344 = arith.constant 13 : i32
        %get3A_1345 = arith.index_cast %get3A_1344 : i32 to index
        %get3A_1346 = arith.index_cast %scan3A_1183 : i32 to index
        %get3A_1347 = arith.constant 16 : index
        %get3A_1348 = tpu.vector_load %arg9[%get3A_1345, %get3A_1346, %get3A_1347] {strides = array<i32>} : memref<20x64x32xf32, #tpu.memory_space<vmem>>, vector<16xf32>,
        %add3A_1349 = arith.addf %add3A_1337, %get3A_1348 : vector<16xf32>
        %get3A_1350 = arith.constant 14 : i32
        %get3A_1351 = arith.index_cast %get3A_1350 : i32 to index
        %get3A_1352 = arith.index_cast %scan3A_1183 : i32 to index
        %get3A_1353 = arith.constant 0 : index
        %get3A_1354 = tpu.vector_load %arg9[%get3A_1351, %get3A_1352, %get3A_1353] {strides = array<i32>} : memref<20x64x32xf32, #tpu.memory_space<vmem>>, vector<16xf32>,
        %add3A_1355 = arith.addf %add3A_1343, %get3A_1354 : vector<16xf32>
        %get3A_1356 = arith.constant 14 : i32
        %get3A_1357 = arith.index_cast %get3A_1356 : i32 to index
        %get3A_1358 = arith.index_cast %scan3A_1183 : i32 to index
        %get3A_1359 = arith.constant 16 : index
        %get3A_1360 = tpu.vector_load %arg9[%get3A_1357, %get3A_1358, %get3A_1359] {strides = array<i32>} : memref<20x64x32xf32, #tpu.memory_space<vmem>>, vector<16xf32>,
        %add3A_1361 = arith.addf %add3A_1349, %get3A_1360 : vector<16xf32>
        %get3A_1362 = arith.constant 15 : i32
        %get3A_1363 = arith.index_cast %get3A_1362 : i32 to index
        %get3A_1364 = arith.index_cast %scan3A_1183 : i32 to index
        %get3A_1365 = arith.constant 0 : index
        %get3A_1366 = tpu.vector_load %arg9[%get3A_1363, %get3A_1364, %get3A_1365] {strides = array<i32>} : memref<20x64x32xf32, #tpu.memory_space<vmem>>, vector<16xf32>,
        %add3A_1367 = arith.addf %add3A_1355, %get3A_1366 : vector<16xf32>
        %get3A_1368 = arith.constant 15 : i32
        %get3A_1369 = arith.index_cast %get3A_1368 : i32 to index
        %get3A_1370 = arith.index_cast %scan3A_1183 : i32 to index
        %get3A_1371 = arith.constant 16 : index
        %get3A_1372 = tpu.vector_load %arg9[%get3A_1369, %get3A_1370, %get3A_1371] {strides = array<i32>} : memref<20x64x32xf32, #tpu.memory_space<vmem>>, vector<16xf32>,
        %add3A_1373 = arith.addf %add3A_1361, %get3A_1372 : vector<16xf32>
        %get3A_1374 = arith.constant 16 : i32
        %get3A_1375 = arith.index_cast %get3A_1374 : i32 to index
        %get3A_1376 = arith.index_cast %scan3A_1183 : i32 to index
        %get3A_1377 = arith.constant 0 : index
        %get3A_1378 = tpu.vector_load %arg9[%get3A_1375, %get3A_1376, %get3A_1377] {strides = array<i32>} : memref<20x64x32xf32, #tpu.memory_space<vmem>>, vector<16xf32>,
        %add3A_1379 = arith.addf %add3A_1367, %get3A_1378 : vector<16xf32>
        %get3A_1380 = arith.constant 16 : i32
        %get3A_1381 = arith.index_cast %get3A_1380 : i32 to index
        %get3A_1382 = arith.index_cast %scan3A_1183 : i32 to index
        %get3A_1383 = arith.constant 16 : index
        %get3A_1384 = tpu.vector_load %arg9[%get3A_1381, %get3A_1382, %get3A_1383] {strides = array<i32>} : memref<20x64x32xf32, #tpu.memory_space<vmem>>, vector<16xf32>,
        %add3A_1385 = arith.addf %add3A_1373, %get3A_1384 : vector<16xf32>
        %get3A_1386 = arith.constant 17 : i32
        %get3A_1387 = arith.index_cast %get3A_1386 : i32 to index
        %get3A_1388 = arith.index_cast %scan3A_1183 : i32 to index
        %get3A_1389 = arith.constant 0 : index
        %get3A_1390 = tpu.vector_load %arg9[%get3A_1387, %get3A_1388, %get3A_1389] {strides = array<i32>} : memref<20x64x32xf32, #tpu.memory_space<vmem>>, vector<16xf32>,
        %add3A_1391 = arith.addf %add3A_1379, %get3A_1390 : vector<16xf32>
        %get3A_1392 = arith.constant 17 : i32
        %get3A_1393 = arith.index_cast %get3A_1392 : i32 to index
        %get3A_1394 = arith.index_cast %scan3A_1183 : i32 to index
        %get3A_1395 = arith.constant 16 : index
        %get3A_1396 = tpu.vector_load %arg9[%get3A_1393, %get3A_1394, %get3A_1395] {strides = array<i32>} : memref<20x64x32xf32, #tpu.memory_space<vmem>>, vector<16xf32>,
        %add3A_1397 = arith.addf %add3A_1385, %get3A_1396 : vector<16xf32>
        %get3A_1398 = arith.constant 18 : i32
        %get3A_1399 = arith.index_cast %get3A_1398 : i32 to index
        %get3A_1400 = arith.index_cast %scan3A_1183 : i32 to index
        %get3A_1401 = arith.constant 0 : index
        %get3A_1402 = tpu.vector_load %arg9[%get3A_1399, %get3A_1400, %get3A_1401] {strides = array<i32>} : memref<20x64x32xf32, #tpu.memory_space<vmem>>, vector<16xf32>,
        %add3A_1403 = arith.addf %add3A_1391, %get3A_1402 : vector<16xf32>
        %get3A_1404 = arith.constant 18 : i32
        %get3A_1405 = arith.index_cast %get3A_1404 : i32 to index
        %get3A_1406 = arith.index_cast %scan3A_1183 : i32 to index
        %get3A_1407 = arith.constant 16 : index
        %get3A_1408 = tpu.vector_load %arg9[%get3A_1405, %get3A_1406, %get3A_1407] {strides = array<i32>} : memref<20x64x32xf32, #tpu.memory_space<vmem>>, vector<16xf32>,
        %add3A_1409 = arith.addf %add3A_1397, %get3A_1408 : vector<16xf32>
        %get3A_1410 = arith.constant 19 : i32
        %get3A_1411 = arith.index_cast %get3A_1410 : i32 to index
        %get3A_1412 = arith.index_cast %scan3A_1183 : i32 to index
        %get3A_1413 = arith.constant 0 : index
        %get3A_1414 = tpu.vector_load %arg9[%get3A_1411, %get3A_1412, %get3A_1413] {strides = array<i32>} : memref<20x64x32xf32, #tpu.memory_space<vmem>>, vector<16xf32>,
        %add3A_1415 = arith.addf %add3A_1403, %get3A_1414 : vector<16xf32>
        %get3A_1416 = arith.constant 19 : i32
        %get3A_1417 = arith.index_cast %get3A_1416 : i32 to index
        %get3A_1418 = arith.index_cast %scan3A_1183 : i32 to index
        %get3A_1419 = arith.constant 16 : index
        %get3A_1420 = tpu.vector_load %arg9[%get3A_1417, %get3A_1418, %get3A_1419] {strides = array<i32>} : memref<20x64x32xf32, #tpu.memory_space<vmem>>, vector<16xf32>,
        %add3A_1421 = arith.addf %add3A_1409, %get3A_1420 : vector<16xf32>
        %broadcast_in_dim3A_1422 = vector.broadcast %scan3A_1183 : i32 to vector<16xi32>
        tpu.vector_store_idx %arg10[%iota3A, %broadcast_in_dim3A_1422], %add3A_1415 : memref<32x65xf32, #tpu.memory_space<vmem>>[vector<16xi32>, vector<16xi32>], vector<16xf32>,
        %add3A_1423 = arith.constant 16 : i32
        %add3A_1424 = vector.broadcast %add3A_1423 : i32 to vector<16xi32>
        %add3A_1425 = arith.addi %iota3A, %add3A_1424 : vector<16xi32>
        tpu.vector_store_idx %arg10[%add3A_1425, %broadcast_in_dim3A_1422], %add3A_1421 : memref<32x65xf32, #tpu.memory_space<vmem>>[vector<16xi32>, vector<16xi32>], vector<16xf32>,
        %scan3A_1426 = arith.constant 0 : i32
        scf.yield %scan3A_1426 : i32
      }
      %scan3A_1181 = arith.constant 64 : i32
      "tpu.region"() ({
        %run_scoped3A = tpu.sem_alloc : memref<!tpu.dma_semaphore, #tpu.memory_space<semaphore_mem>>
        %dma_start3A_1183 = arith.constant 0 : i32
        %dma_start3A_1184 = arith.constant 0 : i32
        %dma_start3A_1185 = tpu.memref_slice %arg10[%dma_start3A_1183, %dma_start3A_1184] : memref<32x65xf32, #tpu.memory_space<vmem>> -> memref<32x64xf32, #tpu.memory_space<vmem>>
        %dma_start3A_1186 = arith.constant 0 : i32
        %dma_start3A_1187 = tpu.memref_slice %arg4[%select_n3A_916, %dma_start3A_1186, %mul3A_934] : memref<26x32x4096xf32, #tpu.memory_space<hbm>> -> memref<1x32x64xf32, #tpu.memory_space<hbm>>
        %dma_start3A_1188 = tpu.memref_squeeze %dma_start3A_1187 : memref<1x32x64xf32, #tpu.memory_space<hbm>> -> memref<32x64xf32, #tpu.memory_space<hbm>>
        %dma_start3A_1189 = arith.constant 0 : i32
        %dma_start3A_1190 = tpu.memref_slice %arg4[%select_n3A_916, %dma_start3A_1189, %mul3A_934] : memref<26x32x4096xf32, #tpu.memory_space<hbm>> -> memref<1x32x64xf32, #tpu.memory_space<hbm>>
        %dma_start3A_1191 = tpu.memref_squeeze %dma_start3A_1190 : memref<1x32x64xf32, #tpu.memory_space<hbm>> -> memref<32x64xf32, #tpu.memory_space<hbm>>
        %dma_start3A_1192 = arith.constant 0 : i32
        %dma_start3A_1193 = arith.constant 0 : i32
        %dma_start3A_1194 = tpu.memref_slice %arg10[%dma_start3A_1192, %dma_start3A_1193] : memref<32x65xf32, #tpu.memory_space<vmem>> -> memref<32x64xf32, #tpu.memory_space<vmem>>
        tpu.enqueue_dma source(%dma_start3A_1194 : memref<32x64xf32, #tpu.memory_space<vmem>>) target(%dma_start3A_1191 : memref<32x64xf32, #tpu.memory_space<hbm>>) target_semaphore(%run_scoped3A : memref<!tpu.dma_semaphore, #tpu.memory_space<semaphore_mem>>)
        %dma_wait3A_1195 = arith.constant 0 : i32
        %dma_wait3A_1196 = arith.constant 0 : i32
        %dma_wait3A_1197 = tpu.memref_slice %arg10[%dma_wait3A_1195, %dma_wait3A_1196] : memref<32x65xf32, #tpu.memory_space<vmem>> -> memref<32x64xf32, #tpu.memory_space<vmem>>
        %dma_wait3A_1198 = arith.constant 0 : i32
        %dma_wait3A_1199 = tpu.memref_slice %arg4[%select_n3A_916, %dma_wait3A_1198, %mul3A_934] : memref<26x32x4096xf32, #tpu.memory_space<hbm>> -> memref<1x32x64xf32, #tpu.memory_space<hbm>>
        %dma_wait3A_1200 = tpu.memref_squeeze %dma_wait3A_1199 : memref<1x32x64xf32, #tpu.memory_space<hbm>> -> memref<32x64xf32, #tpu.memory_space<hbm>>
        %dma_wait3A_1201 = arith.constant 0 : i32
        %dma_wait3A_1202 = tpu.memref_slice %arg4[%select_n3A_916, %dma_wait3A_1201, %mul3A_934] : memref<26x32x4096xf32, #tpu.memory_space<hbm>> -> memref<1x32x64xf32, #tpu.memory_space<hbm>>
        %dma_wait3A_1203 = tpu.memref_squeeze %dma_wait3A_1202 : memref<1x32x64xf32, #tpu.memory_space<hbm>> -> memref<32x64xf32, #tpu.memory_space<hbm>>
        %dma_wait3A_1204 = arith.constant 0 : i32
        %dma_wait3A_1205 = arith.constant 0 : i32
        %dma_wait3A_1206 = tpu.memref_slice %arg10[%dma_wait3A_1204, %dma_wait3A_1205] : memref<32x65xf32, #tpu.memory_space<vmem>> -> memref<32x64xf32, #tpu.memory_space<vmem>>
        tpu.wait_dma2 semaphore(%run_scoped3A : memref<!tpu.dma_semaphore, #tpu.memory_space<semaphore_mem>>) src(%dma_wait3A_1206 : memref<32x64xf32, #tpu.memory_space<vmem>>) dst(%dma_wait3A_1203 : memref<32x64xf32, #tpu.memory_space<hbm>>)
        tpu.yield
      }) : () -> ()
      %scan3A_1182 = arith.constant 0 : i32
      scf.yield %scan3A_1182 : i32
    }
    %scan3A_290 = arith.constant 26 : i32
    return
  }
}

</mosaic_0001>

<sc_bundles>
// kernel: kernel.3.cloned.1.call-start
scs
__scs_entry_jumppad:
0x0: {  	(pc) =	sbr.rel $0x88, $3  }
0x1: {  	(tag) =	ssettag $0x0;
	lr =	simm.s32 $0x1  }
0x2: {  	[smem:$0x3F9F] =	sst lr;
	_ =	strace $0xD0000000  }
0x3: {  	_ = 	snop  }
0x4: {  	_ = 	snop  }
0x5: {  	_ = 	snop  }
0x6: {  	_ = 	snop  }
0x7: {  	_ = 	snop  }
__scs_overlays_trampoline_lowered:
0x8: {  	[smem:$0x3FAE] =	sst s0  }
0x9: {  	[smem:$0x3FAF] =	sst s1  }
0xa: {  	[smem:$0x3FB0] =	sst s2  }
0xb: {  	[smem:$0x3FB1] =	sst s3  }
0xc: {  	[smem:$0x3FB2] =	sst s4  }
0xd: {  	[smem:$0x3FB3] =	sst s5  }
0xe: {  	[smem:$0x3FB4] =	sst s6  }
0xf: {  	[smem:$0x3FB5] =	sst s7  }
0x10: {  	[smem:$0x3FB6] =	sst s8  }
0x11: {  	[smem:$0x3FB7] =	sst s9;
	s0 =	simm.s32 @!p0 $0x0  }
0x12: {  	s1 =	sld [smem:$0x3F9D];
	s0 =	simm.s32 @p0 $0x1  }
0x13: {  	[smem:$0x3FB8] =	sst s0;
	s0 =	simm.s32 @!p1 $0x0  }
0x14: {  	s2 =	sld [smem:$0x3F9C];
	s0 =	simm.s32 @p1 $0x1  }
0x15: {  	[smem:$0x3FB9] =	sst s0;
	s0 =	simm.s32 @!p2 $0x0  }
0x16: {  	s3 =	sld [smem:$0x3FDB];
	s0 =	simm.s32 @p2 $0x1  }
0x17: {  	s4 =	simm.s32 $0x1BF5;
	[smem:$0x3FBB] =	sst s0  }
0x18: {  	s0 =	sld [smem:$0x3F9E];
	_ =	swait.ge [sflag:s4], $0x0  }
0x19: {  	s7 =	sld [smem:$0x3F9F]  }
0x1a: {  	s8 =	sadd.s32 $0xFFFFE003, lr  }
0x1b: {  	s9 =	sadd.s32 $0xFFFFFEF7, lr;
	s5 =	simm.s32 $0xFFFFFFFF;
	p2 =	slt.u32 s8, $0xFFFFF086  }
0x1c: {  	p1 =	slt.u32 s9, $0xF7A;
	s5 =	simm.s32 @!p2 $0x0  }
0x1d: {  	s5 =	simm.s32 @p1 $0x1;
	p0 =	seq.s32 s7, s2  }
0x1e: {  	s7 =	smul.u32 @!p0 $0xF7A, s2;
	p2 =	seq.s32 @!p0 s5, $0x0  }
0x1f: {  	s9 =	smul.u32 $0xF7A, s1;
	s8 =	simm.s32 @!p0 $0x1BF5;
	p2 =	por !p2, p0  }
0x20: {  	[sflag:s8] =	ssyncset.s32 @!p0 $0xFFFFF086;
	s6 =	sadd.s32 @!p0 s3, s7;
	s7 =	simm.s32 @!p0 $0x108  }
0x21: {  	s3 =	sadd.s32 s3, s9;
	s6 =	sadd.s32 @!p0 $0x88, s6;
	s7 =	simm.s32 @p2 $0x1082  }
0x22: {  	[simem:s7], [sflag:s8] =	dma.local @!p0 [hbm:s6], $0xF7A  }
0x23: {  	s9 =	sor.u32 $0xD0000000, s2;
	s6 =	simm.s32 $0x108;
	_ =	swait.ge @!p0 [sflag:s8], $0x0  }
0x24: {  	s3 =	sadd.s32 $0x88, s3;
	s6 =	simm.s32 @!p1 $0x1082;
	[sflag:s4] =	ssyncset.s32 $0xFFFFF086  }
0x25: {  	[simem:s6], [sflag:s4] =	dma.local [hbm:s3], $0xF7A  }
0x26: {  	[smem:$0x3F9F] =	sst s1;
	(tag) =	ssettag s2;
	_ =	strace s9  }
0x27: {  	s1 =	sld [smem:$0x3FAF]  }
0x28: {  	s2 =	sld [smem:$0x3FB0]  }
0x29: {  	s4 =	sld [smem:$0x3FB2]  }
0x2a: {  	p0 =	seq.s32 s5, $0x0;
	s5 =	sld [smem:$0x3FB3]  }
0x2b: {  	s6 =	sld [smem:$0x3FB4]  }
0x2c: {  	s7 =	sld [smem:$0x3FB5]  }
0x2d: {  	s3 =	simm.s32 $0x108;
	s8 =	sld [smem:$0x3FB6]  }
0x2e: {  	s3 =	simm.s32 @!p0 $0x1082;
	s9 =	sld [smem:$0x3FB7]  }
0x2f: {  	lr =	sadd.s32 s0, s3;
	s0 =	sld [smem:$0x3FAE]  }
0x30: {  	s3 =	sld [smem:$0x3FB1]  }
0x31: {  	[smem:$0x3FBA] =	sst s10  }
0x32: {  	s10 =	sld [smem:$0x3FB8];
	_ =	sdelay $0x3  }
0x33: {  	p0 =	seq.s32 s10, $0x1;
	s10 =	sld [smem:$0x3FBA];
	_ =	sdelay $0x3  }
0x34: {  	[smem:$0x3FBA] =	sst s10  }
0x35: {  	s10 =	sld [smem:$0x3FB9];
	_ =	sdelay $0x3  }
0x36: {  	p1 =	seq.s32 s10, $0x1;
	s10 =	sld [smem:$0x3FBA];
	_ =	sdelay $0x3  }
0x37: {  	[smem:$0x3FBA] =	sst s10  }
0x38: {  	s10 =	sld [smem:$0x3FBB]  }
0x39: {  	_ = 	snop;
	(pc) =	sbr.ind lr, $3  }
0x3a: {  	_ = 	snop  }
0x3b: {  	_ = 	snop  }
0x3c: {  	p2 =	seq.s32 s10, $0x1;
	s10 =	sld [smem:$0x3FBA]  }
0x3d: {  	_ =	shalt  }
0x3e: {  	_ =	shalt  }
0x3f: {  	_ =	shalt  }
0x40: {  	_ =	shalt  }
0x41: {  	_ =	shalt  }
0x42: {  	_ =	shalt  }
0x43: {  	_ =	shalt  }
0x44: {  	_ =	shalt  }
0x45: {  	_ =	shalt  }
0x46: {  	_ =	shalt  }
0x47: {  	_ =	shalt  }
0x48: {  	_ =	shalt  }
0x49: {  	_ =	shalt  }
0x4a: {  	_ =	shalt  }
0x4b: {  	_ =	shalt  }
0x4c: {  	_ =	shalt  }
0x4d: {  	_ =	shalt  }
0x4e: {  	_ =	shalt  }
0x4f: {  	_ =	shalt  }
0x50: {  	_ =	shalt  }
0x51: {  	_ =	shalt  }
0x52: {  	_ =	shalt  }
0x53: {  	_ =	shalt  }
0x54: {  	_ =	shalt  }
0x55: {  	_ =	shalt  }
0x56: {  	_ =	shalt  }
0x57: {  	_ =	shalt  }
0x58: {  	_ =	shalt  }
0x59: {  	_ =	shalt  }
0x5a: {  	_ =	shalt  }
0x5b: {  	_ =	shalt  }
0x5c: {  	_ =	shalt  }
0x5d: {  	_ =	shalt  }
0x5e: {  	_ =	shalt  }
0x5f: {  	_ =	shalt  }
0x60: {  	_ =	shalt  }
0x61: {  	_ =	shalt  }
0x62: {  	_ =	shalt  }
0x63: {  	_ =	shalt  }
0x64: {  	_ =	shalt  }
0x65: {  	_ =	shalt  }
0x66: {  	_ =	shalt  }
0x67: {  	_ =	shalt  }
0x68: {  	_ =	shalt  }
0x69: {  	_ =	shalt  }
0x6a: {  	_ =	shalt  }
0x6b: {  	_ =	shalt  }
0x6c: {  	_ =	shalt  }
0x6d: {  	_ =	shalt  }
0x6e: {  	_ =	shalt  }
0x6f: {  	_ =	shalt  }
0x70: {  	_ =	shalt  }
0x71: {  	_ =	shalt  }
0x72: {  	_ =	shalt  }
0x73: {  	_ =	shalt  }
0x74: {  	_ =	shalt  }
0x75: {  	_ =	shalt  }
0x76: {  	_ =	shalt  }
0x77: {  	_ =	shalt  }
0x78: {  	_ =	shalt  }
0x79: {  	_ =	shalt  }
0x7a: {  	_ =	shalt  }
0x7b: {  	_ =	shalt  }
0x7c: {  	_ =	shalt  }
0x7d: {  	_ =	shalt  }
0x7e: {  	_ =	shalt  }
0x7f: {  	_ =	shalt  }
0x80: {  	_ =	shalt  }
0x81: {  	_ =	shalt  }
0x82: {  	_ =	shalt  }
0x83: {  	_ =	shalt  }
0x84: {  	_ =	shalt  }
0x85: {  	_ =	shalt  }
0x86: {  	_ =	shalt  }
0x87: {  	_ =	shalt  }
.Lfunc_end0:
.L_simem_size_0:
called_computation_lowered:
.L_overlay_start_0:
0x88: {  	s2 =	sld [smem:$0x3FD9]  }
0x89: {  	s3 =	sld [smem:$0x3FFE];
	_ =	sdelay $0x1  }
0x8a: {  	s1 =	srdreg.scid  }
0x8b: {  	s0 =	sand.u32 $0x1, s1  }
0x8c: {  	s17 =	sshll.u32 s0, $0xA;
	s2 =	sadd.s32 s3, s2  }
0x8d: {  	s2 =	sadd.s32 s2, s17  }
0x8e: {  	[smem:$0x3FC6] =	sst s2  }
0x8f: {  	_ = 	snop  }
0x90: {  	s2 =	sld [smem:$0x3FD0];
	(tm) =	ssettm $0x1  }
0x91: {  	s18 =	sld [smem:$0x3FFB];
	_ =	sdelay $0x3  }
0x92: {  	_ =	strace s18  }
0x93: {  	s3 =	sld [smem:$0x3FFC];
	_ =	sdelay $0x3  }
0x94: {  	_ =	strace s3  }
0x95: {  	s3 =	sld [smem:$0x3FFD];
	_ =	sdelay $0x3  }
0x96: {  	_ =	strace s3  }
0x97: {  	_ =	strace $0x8FFFFFFF  }
0x98: {  	s19 =	sld [smem:$0x3FDB];
	_ =	sdelay $0x1  }
0x99: {  	s4 =	simm.s32 $_scs_section_size  }
0x9a: {  	s5 =	simm.s32 $_size__tile_overlayer_lowered;
	s6 =	simm.s32 $_tile_overlayer_lowered  }
0x9b: {  	s22 =	simm.s32 $0x1BFF;
	s21 =	sshll.u32 s6, $0x1;
	s3 =	sadd.s32 s4, s19  }
0x9c: {  	s7 =	simm.s32 $0x0;
	s20 =	sshll.u32 s5, $0x1;
	s5 =	sadd.s32 s21, s3  }
0x9d: {  	[timem:s7], [sflag:s22] =	dma.local [hbm:s5], s20  }
0x9e: {  	_ =	swait.ge [sflag:s22], s20  }
0x9f: {  	s4 =	ssub.s32 $0x0, s20;
	[sflag:s22] =	ssyncset.done $0x0  }
0xa0: {  	[sflag:s22] =	ssyncadd.s32 s4;
	_ =	sdelay $0x1  }
0xa1: {  	s23 =	simm.s32 $0x1B8B  }
0xa2: {  	_ =	swait.ge [sflag:s23], $0x1  }
0xa3: {  	[sflag:s23] =	ssyncset.done $0x0  }
0xa4: {  	s25 =	simm.s32 $0x1B8E;
	s24 =	sld [smem:$0x3FFE];
	[sflag:s23] =	ssyncadd.s32 $0xFFFFFFFF  }
0xa5: {  	s26 =	simm.s32 $execute0_lowered;
	[smem:$0x3FD2] =	sst s25  }
0xa6: {  	s5 =	sshll.u32 s26, $0x1;
	_ =	strace $0x80000046;
	[dreg:$0x1] =	wrdreg $0xFFFFFFFF  }
0xa7: {  	s28 =	simm.s32 $_size_execute0_lowered;
	s3 =	sadd.s32 s3, s5;
	[dreg:$0x0] =	wrdreg $0x0  }
0xa8: {  	s5 =	sshll.u32 s28, $0x1;
	[dreg:$0x2] =	wrdreg s3  }
0xa9: {  	[dreg:$0x3] =	wrdreg s5  }
0xaa: {  	[dreg:$0x4] =	wrdreg $0xC0  }
0xab: {  	_ =	task [dreg:s7], $0x5FFFF  }
0xac: {  	[dreg:$0x1] =	wrdreg $0xFFFFFFFF  }
0xad: {  	[dreg:$0x0] =	wrdreg $0x60  }
0xae: {  	[dreg:$0x2] =	wrdreg s2  }
0xaf: {  	[dreg:$0x3] =	wrdreg s24  }
0xb0: {  	[dreg:$0x4] =	wrdreg $0x9  }
0xb1: {  	_ =	task.clear_ibuf [dreg:s7], $0x5FFFF;
	_ =	strace $0x90000046  }
0xb2: {  	s29 =	simm.s32 $0x9;
	_ =	strace $0x80000048  }
0xb3: {  	_ =	swait.ge [sflag:s29], $0x1  }
0xb4: {  	[sflag:s29] =	ssyncadd.s32 $0xFFFFFFFF  }
0xb5: {  	_ =	strace $0x90000048  }
0xb6: {  	_ =	sfence  }
0xb7: {  	s30 =	sld [smem:$0x0];
	_ =	sdelay $0x2  }
0xb8: {  	s31 =	sshll.u32 s1, $0xD;
	s1 =	sshrl.u32 s1, $0x2  }
0xb9: {  	s3 =	sand.u32 $0x4000, s31;
	s1 =	sadd.s32 s1, s30  }
0xba: {  	s0 =	sor.u32 s3, s0;
	s1 =	sshll.u32 s1, $0x11  }
0xbb: {  	s0 =	sor.u32 s1, s0  }
0xbc: {  	s0 =	sadd.s32 $0x8F2B, s0  }
0xbd: {  	[sflag:s0] =	ssyncadd.remote.s32 $0x1  }
0xbe: {  	_ =	sfence.sel $0xFFFF  }
0xbf: {  	[dreg:$0x0] =	wrdreg $0xFFFFFFFF;
	(pc) =	sbr.abs _section_cstart, $3  }
0xc0: {  	[dreg:$0x1] =	wrdreg $0xFFFFFFFF  }
0xc1: {  	_ =	task.clear_ibuf [dreg:s7], $0x2FFFF;
	_ =	strace $0x9FFFFFFF  }
0xc2: {  	(tm) =	ssettm $0x7FFFFFFF  }
0xc3: {  	_ =	shalt  }
tec
execute0_lowered:
.L_overlay_start_1:
0x0: {  	(tag) =	ssettag $0x1  }
0x1: {  	s0 =	srdreg.scid;
	s1 =	stileid.u32  }
0x2: {  	s6 =	rddreg [dreg:$0x0];
	s0 =	sand.u32 $0x1, s0;
	s1 =	sshll.u32 s1, $0x1  }
0x3: {  	s2 =	rddreg [dreg:$0x1];
	s8 =	simm.s32 $0x0;
	s1 =	sor.u32 s0, s1  }
0x4: {  	v1 =	vimm.s32 $0xECA86420;
	[smem:$0x7FF] =	sst s8;
	s24 =	sadd.s32 $0x27ACA00, s2;
	s5 =	smul.u32 $0x34, s1  }
0x5: {  	vm0 =	vcmask $0xB08;
	vm1 =	vcmask $0x1310;
	s2 =	sadd.s32 $0x600, s2;
	_ =	strace $0x80000047;
	s0 =	ssub.s32 $0x2, s0  }
0x6: {  	vm2 =	vcmask $0x1B18;
	vm3 =	vcmask $0x300;
	vm4 =	vcmask $0x2320;
	[dreg:$0xd] =	wrdreg s24;
	s1 =	smul.u32 $0xD00, s1;
	s3 =	sshrl.u32 s5, $0x6  }
0x7: {  	vm5 =	vcmask $0x2B28;
	vm6 =	vcmask $0x3330;
	v3 =	vlaneseq.u32;
	[dreg:$0xe] =	wrdreg s2;
	s25 =	sshrl.u32 s0, $0x1;
	s4 =	smul.u32 $0x14000, s3  }
0x8: {  	vm7 =	vcmask $0x3B38;
	vm8 =	vmmov $0xff;
	vm9 =	vcmask $0x704;
	s26 =	ssub.s32 s0, s25;
	s1 =	sand.u32 $0xF00, s1;
	[dreg:$0xc] =	wrdreg s5  }
0x9: {  	vm10 =	vcmask $0xF0C;
	vm11 =	vcmask $0x1714;
	vm12 =	vcmask $0x1F1C;
	s30 =	sor.u32 $0x2, s5;
	s31 =	smax.u32 s26, $0x1;
	s1 =	sor.u32 s1, s4  }
0xa: {  	v1 =	vunpack.c.l.s4.s8 v1;
	v2 =	vmul.u32 $0x2, v3;
	v3 =	vmul.u32 $0x48, v3;
	s29 =	smul.u32 $0x186A0, s3;
	[dreg:$0x10] =	wrdreg s30;
	s1 =	sshrl.u32 s1, $0x3  }
0xb: {  	s10 =	simm.s32 $0x40;
	vm13 =	vcmask $0x2724;
	vm14 =	vcmask $0x2F2C;
	vm15 =	vcmask $0x3734;
	[dreg:$0x11] =	wrdreg s31;
	s28 =	sadd.s32 s6, s1  }
0xc: {  	v1 =	vunpack.c.0.s8.s32 v1;
	v4 =	vadd.s32 $0x480, v3;
	s4 =	simm.s32 $0x3;
	v0 =	vmov s29;
	s1 =	simm.s32 $0x0;
	[dreg:$0xf] =	wrdreg s28  }
.LBB2_1:
0xd: {  	[dreg:$0x12] =	wrdreg s1  }
0xe: {  	s0 =	rddreg [dreg:$0xf];
	s9 =	simm.s32 $0x1000  }
0xf: {  	[tilespmem:s8], [sflag:$0x3] =	stream.strided.gather [hbm4b:s0+s10], $0x500, s9, s10, $0x38;
	[tilespmem:$0x15800] =	vst v63  }
0x10: {  	_ =	swait.ge [sflag:s4], $0x500  }
0x11: {  	[sflag:s4] =	ssyncset.done $0x0  }
0x12: {  	s11 =	simm.s32 $0x0;
	[sflag:s4] =	ssyncadd.s32 $0xFFFFFB00  }
0x13: {  	v5 =	vld [tilespmem:s11+$0x0];
	_ =	sdelay $0x4  }
0x14: {  	(v2sf) =	vpush v5, $0x1;
	_ =	sdelay $0x1  }
0x15: {  	(v2sf) =	vpush v5, $0x0  }
0x16: {  	(v2sf) =	vpush v5, $0x7;
	_ =	sdelay $0x2  }
0x17: {  	(v2sf) =	vpush v5, $0x2  }
0x18: {  	(v2sf) =	vpush v5, $0xE  }
0x19: {  	(v2sf) =	vpush v5, $0x3  }
0x1a: {  	(v2sf) =	vpush v5, $0x4;
	_ =	sdelay $0x1  }
0x1b: {  	(v2sf) =	vpush v5, $0xC  }
0x1c: {  	(v2sf) =	vpush v5, $0x8;
	_ =	sdelay $0x1  }
0x1d: {  	(v2sf) =	vpush v5, $0x9  }
0x1e: {  	s13 =	spop (v2sf)  }
0x1f: {  	s3 =	smulhi.u32 $0x14F8B589, s13;
	s0 =	sshra.s32 s13, $0x1F  }
0x20: {  	s2 =	spop (v2sf);
	s0 =	smul.u32 $0x14F8B589, s0  }
0x21: {  	(v2sf) =	vpush v5, $0xD;
	s14 =	spop (v2sf);
	s18 =	sshra.s32 s2, $0x1F;
	s2 =	smulhi.u32 $0x14F8B589, s2  }
0x22: {  	s12 =	simm.s32 $0x0;
	s17 =	simm.s32 $0x80;
	s5 =	smulhi.u32 $0x14F8B589, s14  }
0x23: {  	[dreg:$0x6] =	wrdreg s12;
	s1 =	sshra.s32 s14, $0x1F;
	s18 =	smul.u32 $0x14F8B589, s18  }
0x24: {  	s28 =	simm.s32 $0x10;
	s15 =	spop (v2sf);
	s1 =	smul.u32 $0x14F8B589, s1  }
0x25: {  	(v2sf) =	vpush v5, $0xB;
	s6 =	spop (v2sf);
	s16 =	sshra.s32 s15, $0x1F;
	s4 =	smulhi.u32 $0x14F8B589, s15  }
0x26: {  	s0 =	sadd.s32 s0, s3;
	s7 =	smulhi.u32 $0x14F8B589, s6;
	s22 =	spop (v2sf)  }
0x27: {  	(v2sf) =	vpush v5, $0x5;
	s12 =	spop (v2sf);
	s1 =	sadd.s32 s1, s5;
	s5 =	smulhi.u32 $0x14F8B589, s22  }
0x28: {  	(v2sf) =	vpush v5, $0xA;
	s9 =	sshra.s32 s0, $0xD;
	[dreg:$0x9] =	wrdreg s7;
	s7 =	smul.u32 $0x14F8B589, s16  }
0x29: {  	s13 =	sshra.s32 s12, $0x1F;
	s23 =	spop (v2sf);
	s25 =	smulhi.u32 $0x14F8B589, s12  }
0x2a: {  	(v2sf) =	vpush v5, $0xF;
	s6 =	sshra.s32 s6, $0x1F;
	s14 =	spop (v2sf);
	s13 =	smul.u32 $0x14F8B589, s13  }
0x2b: {  	(v2sf) =	vpush v5, $0x6;
	s11 =	sshra.s32 s22, $0x1F;
	s20 =	smulhi.u32 $0x14F8B589, s23;
	s21 =	sshra.s32 s14, $0x1F  }
0x2c: {  	s24 =	spop (v2sf);
	s4 =	sadd.s32 s7, s4;
	s19 =	smulhi.u32 $0x14F8B589, s14  }
0x2d: {  	s26 =	sshrl.u32 s4, $0x1F;
	s31 =	sshra.s32 s4, $0xD;
	s14 =	smulhi.u32 $0x14F8B589, s24  }
0x2e: {  	s8 =	sadd.s32 s13, s25;
	s25 =	sshra.s32 s4, $0x1F;
	s4 =	smul.u32 $0x14F8B589, s11  }
0x2f: {  	s3 =	sshra.s32 s24, $0x1F;
	s13 =	sadd.s32 s18, s2;
	s2 =	smul.u32 $0x14F8B589, s6  }
0x30: {  	s30 =	sshrl.u32 s0, $0x1F;
	s12 =	spop (v2sf);
	s3 =	smul.u32 $0x14F8B589, s3  }
0x31: {  	s0 =	sshra.s32 s0, $0x1F;
	s24 =	sshra.s32 s12, $0x1F;
	s11 =	smulhi.u32 $0x14F8B589, s12  }
0x32: {  	s15 =	sshra.s32 s1, $0x1F;
	s16 =	sshra.s32 s23, $0x1F;
	s12 =	smul.u32 $0x14F8B589, s24  }
0x33: {  	s18 =	sadd.s32 s3, s14;
	s14 =	sadd.s32 s4, s5;
	s5 =	simm.s32 $0x10  }
0x34: {  	v7 =	vmov s15;
	s21 =	smul.u32 $0x14F8B589, s21;
	s15 =	sshra.s32 s8, $0xD;
	v6 =	vld [tilespmem:s5+$0x0];
	s22 =	spop (v2sf)  }
0x35: {  	s4 =	sshra.s32 s13, $0xD;
	s11 =	sadd.s32 s12, s11;
	s23 =	smulhi.u32 $0x14F8B589, s22  }
0x36: {  	v7 =	vsel vm3, s4, v7;
	s3 =	spop (v2sf);
	s7 =	sshra.s32 s22, $0x1F;
	s22 =	sshra.s32 s13, $0x1F  }
0x37: {  	s13 =	sshrl.u32 s13, $0x1F;
	s4 =	spop (v2sf);
	s24 =	smulhi.u32 $0x14F8B589, s3;
	v7 =	vsel vm9, s22, v7  }
0x38: {  	s12 =	sshra.s32 s3, $0x1F;
	s6 =	smul.u32 $0x14F8B589, s7;
	s22 =	sshra.s32 s14, $0xD;
	v7 =	vsel vm0, s9, v7  }
0x39: {  	v8 =	vmov s13;
	s13 =	sshrl.u32 s11, $0x1F;
	s7 =	spop (v2sf);
	s10 =	sshra.s32 s4, $0x1F;
	v7 =	vsel vm10, s0, v7;
	(v2sf) =	vpush v6, $0x1  }
0x3a: {  	v8 =	vnsel vm3, $0x0, v8;
	s3 =	smulhi.u32 $0x14F8B589, s7;
	s29 =	sshra.s32 s7, $0x1F;
	s0 =	spop (v2sf);
	v7 =	vsel vm1, s31, v7;
	(v2sf) =	vpush v6, $0x0  }
0x3b: {  	v8 =	vsel vm0, s30, v8;
	s30 =	sshra.s32 s8, $0x1F;
	s31 =	smul.u32 $0x14F8B589, s16;
	s16 =	sshra.s32 s11, $0xD;
	v9 =	vsel vm11, s25, v7;
	(v2sf) =	vpush v6, $0x7  }
0x3c: {  	s11 =	smulhi.u32 $0x14F8B589, s4;
	s25 =	sshra.s32 s14, $0x1F;
	v7 =	vsel vm1, s26, v8;
	s26 =	sshra.s32 s0, $0x1F;
	v8 =	vsel vm2, s22, v9;
	(v2sf) =	vpush v6, $0x2  }
.LBB2_2:
0x3d: {  	s4 =	smul.u32 $0x14F8B589, s29  }
0x3e: {  	s12 =	smul.u32 $0x14F8B589, s12  }
0x3f: {  	s22 =	rddreg [dreg:$0x6];
	s7 =	smov.u32 s28;
	s0 =	smulhi.u32 $0x14F8B589, s0  }
0x40: {  	s9 =	rddreg [dreg:$0x9];
	s26 =	smul.u32 $0x14F8B589, s26;
	s8 =	sshrl.u32 s8, $0x1F  }
0x41: {  	p0 =	sne.s32 s17, $0x13C0;
	s5 =	sadd.s32 s21, s19;
	s19 =	sadd.s32 s6, s23  }
0x42: {  	(v2sf) =	vpush v6, $0xE;
	s21 =	smov.u32 s17;
	s23 =	smov.u32 s22;
	[dreg:$0x6] =	wrdreg s7  }
0x43: {  	s7 =	sadd.s32 s2, s9;
	s20 =	sadd.s32 s31, s20;
	s22 =	sshrl.u32 s18, $0x1F  }
0x44: {  	(v2sf) =	vpush v6, $0x3;
	s18 =	sshra.s32 s18, $0xD;
	s9 =	sshrl.u32 s5, $0x1F;
	s2 =	sshrl.u32 s7, $0x1F  }
0x45: {  	s6 =	sshrl.u32 s19, $0x1F;
	s3 =	sadd.s32 s4, s3;
	s7 =	sshra.s32 s7, $0xD  }
0x46: {  	v8 =	vsel vm12, s25, v8;
	(v2sf) =	vpush v6, $0x4;
	s5 =	sshra.s32 s5, $0xD;
	s25 =	sshra.s32 s19, $0xD;
	s0 =	sadd.s32 s26, s0  }
0x47: {  	s26 =	sshra.s32 s20, $0xD;
	s19 =	sshrl.u32 s14, $0x1F;
	v9 =	vmov s9;
	s9 =	smul.u32 $0x14F8B589, s10  }
0x48: {  	v8 =	vsel vm4, s15, v8;
	(v2sf) =	vpush v6, $0xC;
	s10 =	sadd.s32 s12, s24;
	v11 =	vmov s26;
	s26 =	sshra.s32 s1, $0xD;
	s14 =	sshrl.u32 s3, $0x1F  }
0x49: {  	v10 =	vmov s5;
	v9 =	vsel vm0, s22, v9;
	(v2sf) =	vpush v6, $0x8;
	s5 =	sshrl.u32 s10, $0x1F;
	s22 =	sshra.s32 s10, $0xD;
	s4 =	sadd.s32 s9, s11  }
0x4a: {  	v8 =	vsel vm13, s30, v8;
	v7 =	vsel vm2, s19, v7;
	v10 =	vsel vm0, s18, v10;
	s18 =	sshrl.u32 s20, $0x1F;
	s20 =	sshra.s32 s0, $0xD;
	s24 =	sshra.s32 s4, $0xD  }
0x4b: {  	v7 =	vsel vm4, s8, v7;
	(v2sf) =	vpush v6, $0x9;
	s9 =	sshra.s32 s10, $0x1F;
	s11 =	sshra.s32 s3, $0xD;
	s4 =	sshrl.u32 s4, $0x1F;
	v10 =	vsel vm1, s24, v10  }
0x4c: {  	v8 =	vsel vm5, s22, v8;
	v7 =	vsel vm5, s5, v7;
	s24 =	sshra.s32 s0, $0x1F;
	s0 =	sshrl.u32 s0, $0x1F;
	v10 =	vsel vm2, s25, v10;
	s25 =	spop (v2sf)  }
0x4d: {  	v8 =	vsel vm14, s9, v8;
	(v2sf) =	vpush v6, $0xD;
	v9 =	vsel vm1, s4, v9;
	s8 =	spop (v2sf);
	s4 =	smulhi.u32 $0x14F8B589, s25;
	s15 =	sshra.s32 s25, $0x1F  }
0x4e: {  	s22 =	sadd.s32 $0x40, s17;
	v8 =	vsel vm6, s20, v8;
	v7 =	vsel vm6, s0, v7;
	s10 =	spop (v2sf);
	s0 =	smul.u32 $0x14F8B589, s15  }
0x4f: {  	v12 =	vmov s18;
	[dreg:$0xa] =	wrdreg s22;
	v8 =	vsel vm15, s24, v8;
	s18 =	sshra.s32 s10, $0x1F;
	s22 =	smulhi.u32 $0x14F8B589, s10  }
0x50: {  	v11 =	vsel vm0, s16, v11;
	s5 =	sshrl.u32 s1, $0x1F;
	v8 =	vsel vm7, s26, v8;
	s19 =	spop (v2sf);
	s26 =	smul.u32 $0x14F8B589, s18  }
0x51: {  	v11 =	vsel vm1, s7, v11;
	s7 =	sshra.s32 s8, $0x1F;
	s3 =	spop (v2sf);
	s16 =	smulhi.u32 $0x14F8B589, s19  }
0x52: {  	(v2sf) =	vpush v6, $0xB;
	s20 =	sshra.s32 s19, $0x1F;
	s0 =	sadd.s32 s0, s4;
	s24 =	smulhi.u32 $0x14F8B589, s3  }
0x53: {  	v12 =	vsel vm0, s13, v12;
	s25 =	spop (v2sf);
	s20 =	smul.u32 $0x14F8B589, s20;
	s10 =	sshra.s32 s0, $0xD  }
0x54: {  	v11 =	vsel vm2, s11, v11;
	v12 =	vsel vm1, s2, v12;
	s30 =	sshrl.u32 s0, $0x1F;
	s3 =	sshra.s32 s3, $0x1F;
	s0 =	sshra.s32 s0, $0x1F  }
0x55: {  	v9 =	vsel vm2, s6, v9;
	v12 =	vsel vm2, s14, v12;
	(v2sf) =	vpush v6, $0x5;
	s2 =	sshra.s32 s25, $0x1F;
	s9 =	spop (v2sf);
	s1 =	sadd.s32 s26, s22  }
0x56: {  	v7 =	vsel vm7, s5, v7;
	v10 =	vcombine.low v10, v11;
	v9 =	vcombine.low v9, v12;
	s6 =	smulhi.u32 $0x14F8B589, s25;
	[dreg:$0x9] =	wrdreg s24;
	s17 =	sshra.s32 s9, $0x1F  }
0x57: {  	v8 =	vperm.xlane v8, v2;
	v7 =	vperm.xlane v7, v2;
	(v2sf) =	vpush v6, $0xA;
	s15 =	spop (v2sf);
	s18 =	sshra.s32 s1, $0x1F;
	s24 =	smulhi.u32 $0x14F8B589, s8  }
0x58: {  	v10 =	vperm.xlane v10, v1;
	v9 =	vperm.xlane v9, v1;
	(v2sf) =	vpush v6, $0xF;
	s4 =	sadd.s32 s20, s16;
	s8 =	smulhi.u32 $0x14F8B589, s9;
	s19 =	spop (v2sf)  }
0x59: {  	s11 =	sshra.s32 s15, $0x1F;
	s14 =	smul.u32 $0x14F8B589, s17;
	s17 =	sshrl.u32 s4, $0x1F  }
0x5a: {  	v7 =	vsel vm8, v7, v9;
	v8 =	vsel vm8, v8, v10;
	s16 =	sshra.s32 s4, $0xD;
	s20 =	smulhi.u32 $0x14F8B589, s15;
	s22 =	spop (v2sf);
	(v2sf) =	vpush v6, $0x6  }
0x5b: {  	v7 =	vadd.s32 v7, v8;
	s5 =	sshra.s32 s4, $0x1F;
	s4 =	smul.u32 $0x14F8B589, s7;
	s13 =	sshra.s32 s19, $0x1F  }
0x5c: {  	v7 =	vmul.u32 $0x186A0, v7;
	s19 =	smulhi.u32 $0x14F8B589, s19;
	s25 =	sshra.s32 s22, $0x1F;
	s9 =	spop (v2sf)  }
0x5d: {  	s29 =	smulhi.u32 $0x14F8B589, s22;
	s8 =	sadd.s32 s14, s8;
	s22 =	sshra.s32 s21, $0x2  }
0x5e: {  	v7 =	vsub.s32 v5, v7;
	s4 =	sadd.s32 s4, s24;
	s26 =	sshra.s32 s9, $0x1F;
	s9 =	smulhi.u32 $0x14F8B589, s9  }
0x5f: {  	v5 =	vmov v6;
	v6 =	vadd.s32 v0, v7;
	v7 =	vmov s18;
	s15 =	sshra.s32 s8, $0xD;
	s24 =	smul.u32 $0x14F8B589, s26;
	s26 =	sshra.s32 s4, $0xD  }
0x60: {  	s28 =	smov.u32 s22;
	s25 =	smul.u32 $0x14F8B589, s25;
	s21 =	sshra.s32 s4, $0x1F;
	v7 =	vsel vm3, s26, v7  }
0x61: {  	[tilespmem:s23+$0x500] =	vst v6;
	s4 =	sshrl.u32 s4, $0x1F;
	v7 =	vsel vm9, s21, v7;
	s21 =	smul.u32 $0x14F8B589, s13;
	s14 =	spop (v2sf)  }
0x62: {  	v6 =	vld [tilespmem:s22+$0x0];
	s18 =	sadd.s32 s25, s29;
	v8 =	vmov s4;
	s9 =	sadd.s32 s24, s9;
	v7 =	vsel vm0, s10, v7;
	s23 =	smulhi.u32 $0x14F8B589, s14  }
0x63: {  	v8 =	vnsel vm3, $0x0, v8;
	s13 =	sshrl.u32 s9, $0x1F;
	v7 =	vsel vm10, s0, v7;
	s7 =	sshra.s32 s14, $0x1F;
	s14 =	smul.u32 $0x14F8B589, s2  }
0x64: {  	v8 =	vsel vm0, s30, v8;
	s30 =	sshra.s32 s8, $0x1F;
	s2 =	smul.u32 $0x14F8B589, s3;
	v7 =	vsel vm1, s16, v7;
	s31 =	spop (v2sf)  }
0x65: {  	s16 =	sshra.s32 s9, $0xD;
	v9 =	vsel vm11, s5, v7;
	v7 =	vsel vm1, s17, v8;
	s17 =	rddreg [dreg:$0xa];
	s24 =	smulhi.u32 $0x14F8B589, s31  }
.Ltmp0:
0x66: {  	s12 =	sshra.s32 s31, $0x1F;
	s22 =	spop (v2sf);
	(pc) =	sbr.rel @p0 .LBB2_2-.Ltmp0, $4  }
0x67: {  	s14 =	sadd.s32 s14, s6;
	s6 =	smul.u32 $0x14F8B589, s7;
	s26 =	spop (v2sf);
	(v2sf) =	vpush v6, $0x1  }
0x68: {  	s31 =	smul.u32 $0x14F8B589, s11;
	s7 =	sshra.s32 s14, $0xD;
	s25 =	sshra.s32 s14, $0x1F;
	(v2sf) =	vpush v6, $0x0  }
0x69: {  	s10 =	sshra.s32 s22, $0x1F;
	s11 =	smulhi.u32 $0x14F8B589, s22;
	s0 =	spop (v2sf);
	(v2sf) =	vpush v6, $0x7  }
0x6a: {  	v8 =	vsel vm2, s7, v9;
	s3 =	smulhi.u32 $0x14F8B589, s26;
	s29 =	sshra.s32 s26, $0x1F;
	s26 =	sshra.s32 s0, $0x1F;
	(v2sf) =	vpush v6, $0x2  }
0x6b: {  	_ =	sdelay $0x3  }
0x6c: {  	(v2sf) =	vpush v6, $0xE  }
0x6d: {  	(v2sf) =	vpush v6, $0x3;
	_ =	sdelay $0x1  }
0x6e: {  	(v2sf) =	vpush v6, $0x4  }
0x6f: {  	s4 =	smul.u32 $0x14F8B589, s12  }
0x70: {  	s7 =	smulhi.u32 $0x14F8B589, s0  }
0x71: {  	s22 =	smul.u32 $0x14F8B589, s10  }
0x72: {  	s26 =	smul.u32 $0x14F8B589, s26;
	s5 =	spop (v2sf)  }
0x73: {  	[smem:$0x7E7] =	sst s4;
	s10 =	spop (v2sf)  }
0x74: {  	[smem:$0x7E8] =	sst s22;
	(v2sf) =	vpush v6, $0xC;
	s17 =	spop (v2sf)  }
0x75: {  	s20 =	sadd.s32 s31, s20;
	[smem:$0x7E9] =	sst s26;
	(v2sf) =	vpush v6, $0x8;
	s4 =	smulhi.u32 $0x14F8B589, s17  }
0x76: {  	s31 =	sld [smem:$0x7E7];
	(v2sf) =	vpush v6, $0x9;
	s22 =	sshra.s32 s17, $0x1F;
	s17 =	smulhi.u32 $0x14F8B589, s5  }
0x77: {  	(v2sf) =	vpush v6, $0xD;
	s12 =	spop (v2sf);
	s5 =	sshra.s32 s5, $0x1F;
	s9 =	smul.u32 $0x14F8B589, s22  }
0x78: {  	s26 =	sshra.s32 s12, $0x1F;
	s5 =	smul.u32 $0x14F8B589, s5;
	[smem:$0x7EA] =	sst s4  }
0x79: {  	[smem:$0x7EC] =	sst s17;
	s26 =	smul.u32 $0x14F8B589, s26  }
0x7a: {  	s4 =	spop (v2sf);
	s17 =	smulhi.u32 $0x14F8B589, s10  }
0x7b: {  	[smem:$0x7EB] =	sst s9;
	s0 =	spop (v2sf)  }
0x7c: {  	s9 =	smulhi.u32 $0x14F8B589, s12;
	[smem:$0x7ED] =	sst s5  }
0x7d: {  	(v2sf) =	vpush v6, $0xB;
	s22 =	spop (v2sf);
	[smem:$0x7EF] =	sst s26  }
0x7e: {  	s24 =	sadd.s32 s31, s24;
	[smem:$0x7F2] =	sst s17;
	s26 =	smulhi.u32 $0x14F8B589, s0  }
0x7f: {  	s0 =	sshra.s32 s0, $0x1F;
	s31 =	sld [smem:$0x7ED];
	s5 =	smulhi.u32 $0x14F8B589, s22  }
0x80: {  	[smem:$0x7EE] =	sst s9;
	s9 =	sshra.s32 s22, $0x1F;
	s0 =	smul.u32 $0x14F8B589, s0  }
0x81: {  	s22 =	sshra.s32 s10, $0x1F;
	s12 =	smul.u32 $0x14F8B589, s9;
	[smem:$0x7F5] =	sst s26  }
0x82: {  	[smem:$0x7F1] =	sst s5;
	s5 =	smul.u32 $0x14F8B589, s22  }
0x83: {  	s9 =	spop (v2sf);
	[smem:$0x7F6] =	sst s0  }
0x84: {  	[smem:$0x7F3] =	sst s5;
	s5 =	spop (v2sf)  }
0x85: {  	[smem:$0x7F0] =	sst s12;
	s0 =	spop (v2sf)  }
0x86: {  	s17 =	spop (v2sf);
	s22 =	smulhi.u32 $0x14F8B589, s0;
	s10 =	sshra.s32 s0, $0x1F  }
0x87: {  	s26 =	smulhi.u32 $0x14F8B589, s17;
	s0 =	sshra.s32 s17, $0x1F;
	s17 =	rddreg [dreg:$0x9]  }
0x88: {  	s29 =	smul.u32 $0x14F8B589, s29;
	s21 =	sadd.s32 s21, s19;
	[smem:$0x7F4] =	sst s22  }
0x89: {  	s23 =	sadd.s32 s6, s23;
	s6 =	sadd.s32 s2, s17;
	s2 =	sld [smem:$0x7E8]  }
0x8a: {  	s19 =	smul.u32 $0x14F8B589, s10;
	s22 =	sadd.s32 s29, s3;
	s3 =	sld [smem:$0x7E9]  }
0x8b: {  	s29 =	smulhi.u32 $0x14F8B589, s4;
	[smem:$0x7F7] =	sst s26  }
0x8c: {  	s4 =	sshra.s32 s4, $0x1F;
	[smem:$0x7F8] =	sst s22;
	s26 =	spop (v2sf)  }
0x8d: {  	s22 =	smulhi.u32 $0x14F8B589, s26;
	s10 =	sshra.s32 s26, $0x1F;
	s26 =	sld [smem:$0x7EC]  }
0x8e: {  	s12 =	sadd.s32 s2, s11;
	s11 =	smul.u32 $0x14F8B589, s4;
	s4 =	sld [smem:$0x7EA]  }
0x8f: {  	s17 =	smul.u32 $0x14F8B589, s0;
	s0 =	sadd.s32 s3, s7;
	s7 =	sld [smem:$0x7EB]  }
0x90: {  	s3 =	sld [smem:$0x7EE]  }
0x91: {  	s26 =	sadd.s32 s31, s26;
	s31 =	sld [smem:$0x7F1]  }
0x92: {  	s2 =	sadd.s32 s7, s4;
	s7 =	sld [smem:$0x7EF]  }
0x93: {  	s4 =	smul.u32 $0x14F8B589, s10;
	s10 =	sld [smem:$0x7F0]  }
0x94: {  	_ =	sdelay $0x1  }
0x95: {  	(v2sf) =	vpush v6, $0x5;
	s7 =	sadd.s32 s7, s3;
	s3 =	sadd.s32 s10, s31;
	s10 =	sld [smem:$0x7F2]  }
0x96: {  	s31 =	sld [smem:$0x7F3];
	_ =	sdelay $0x2  }
0x97: {  	s11 =	sadd.s32 s11, s29;
	s10 =	sadd.s32 s31, s10;
	s31 =	sld [smem:$0x7F4]  }
0x98: {  	[dreg:$0x17] =	wrdreg s11  }
0x99: {  	[smem:$0x7F9] =	sst s2  }
0x9a: {  	v8 =	vsel vm12, s25, v8;
	s25 =	sshrl.u32 s14, $0x1F;
	s19 =	sadd.s32 s19, s31;
	s31 =	sld [smem:$0x7F6]  }
0x9b: {  	(v2sf) =	vpush v6, $0xA;
	s14 =	sshra.s32 s12, $0xD;
	s12 =	sshrl.u32 s12, $0x1F;
	[smem:$0x7FD] =	sst s19  }
0x9c: {  	(v2sf) =	vpush v6, $0xF;
	s29 =	sshra.s32 s6, $0xD;
	s2 =	smulhi.u32 $0x14F8B589, s5;
	s19 =	sld [smem:$0x7F5]  }
0x9d: {  	[smem:$0x7FA] =	sst s3;
	s3 =	smulhi.u32 $0x14F8B589, s9;
	s9 =	sshra.s32 s9, $0x1F  }
0x9e: {  	[smem:$0x7FC] =	sst s29;
	s29 =	sshrl.u32 s24, $0x1F;
	s9 =	smul.u32 $0x14F8B589, s9  }
0x9f: {  	s5 =	sshra.s32 s5, $0x1F;
	s19 =	sadd.s32 s31, s19;
	s31 =	sld [smem:$0x7F7]  }
0xa0: {  	v8 =	vsel vm4, s15, v8;
	s5 =	smul.u32 $0x14F8B589, s5;
	s15 =	sld [smem:$0x7FA];
	s11 =	sadd.s32 s9, s3  }
0xa1: {  	(v2sf) =	vpush v6, $0x6;
	s9 =	sshra.s32 s21, $0xD;
	s3 =	sshra.s32 s20, $0xD;
	s20 =	sshrl.u32 s20, $0x1F  }
0xa2: {  	v10 =	vmov s9;
	s9 =	spop (v2sf);
	v11 =	vmov s3;
	s3 =	sshra.s32 s7, $0xD;
	s17 =	sadd.s32 s17, s31  }
0xa3: {  	v11 =	vsel vm0, s16, v11;
	s16 =	smulhi.u32 $0x14F8B589, s9;
	s31 =	sshra.s32 s0, $0xD;
	[dreg:$0x1a] =	wrdreg s17  }
0xa4: {  	s17 =	sadd.s32 s5, s2;
	s5 =	sadd.s32 s4, s22;
	s22 =	sshrl.u32 s6, $0x1F  }
0xa5: {  	s6 =	sshrl.u32 s21, $0x1F;
	s21 =	sshrl.u32 s18, $0x1F;
	s2 =	sshra.s32 s24, $0xD  }
0xa6: {  	s24 =	sshra.s32 s24, $0x1F;
	s4 =	sshrl.u32 s8, $0x1F;
	[dreg:$0x1d] =	wrdreg s5  }
0xa7: {  	[smem:$0x7FB] =	sst s22;
	s22 =	sshra.s32 s18, $0xD;
	s18 =	sshrl.u32 s23, $0x1F  }
0xa8: {  	v7 =	vsel vm2, s25, v7;
	v8 =	vsel vm13, s30, v8;
	s23 =	sshra.s32 s23, $0xD;
	s5 =	sshra.s32 s0, $0x1F;
	v9 =	vmov s6;
	s0 =	sshrl.u32 s0, $0x1F  }
0xa9: {  	s6 =	sshra.s32 s1, $0xD;
	s1 =	sshrl.u32 s1, $0x1F;
	v8 =	vsel vm5, s2, v8;
	v7 =	vsel vm4, s4, v7;
	v10 =	vsel vm0, s22, v10;
	s22 =	sld [smem:$0x7F8]  }
0xaa: {  	v9 =	vsel vm0, s21, v9;
	v8 =	vsel vm14, s24, v8;
	s21 =	spop (v2sf);
	s24 =	sshra.s32 s26, $0xD;
	v7 =	vsel vm5, s29, v7;
	s29 =	sshra.s32 s26, $0x1F  }
0xab: {  	v10 =	vsel vm1, s14, v10;
	s14 =	sshrl.u32 s7, $0x1F;
	s7 =	sshra.s32 s7, $0x1F;
	s30 =	spop (v2sf)  }
0xac: {  	v13 =	vmov s20;
	v9 =	vsel vm1, s12, v9;
	s20 =	sshra.s32 s21, $0x1F;
	s12 =	sshra.s32 s17, $0xD;
	v10 =	vsel vm2, s23, v10;
	s23 =	sld [smem:$0x7F9]  }
0xad: {  	v8 =	vsel vm6, s31, v8;
	s4 =	smulhi.u32 $0x14F8B589, s30;
	s31 =	sshra.s32 s30, $0x1F;
	s30 =	sshra.s32 s9, $0x1F  }
0xae: {  	v8 =	vsel vm15, s5, v8;
	s9 =	sshra.s32 s15, $0x1F;
	s8 =	sshra.s32 s22, $0xD;
	s5 =	smul.u32 $0x14F8B589, s31  }
0xaf: {  	v13 =	vsel vm0, s13, v13;
	v7 =	vsel vm6, s0, v7;
	v8 =	vsel vm7, s6, v8;
	s6 =	sshrl.u32 s26, $0x1F;
	s31 =	sshrl.u32 s10, $0x1F;
	s26 =	sld [smem:$0x7FC]  }
0xb0: {  	v7 =	vsel vm7, s1, v7;
	v9 =	vsel vm2, s18, v9;
	s0 =	smul.u32 $0x14F8B589, s30;
	s30 =	spop (v2sf);
	v14 =	vmov s31;
	s25 =	sshra.s32 s23, $0x1F  }
0xb1: {  	v15 =	vmov s12;
	s2 =	sshrl.u32 s22, $0x1F;
	s22 =	sshra.s32 s10, $0xD;
	s31 =	sshra.s32 s30, $0x1F;
	v14 =	vnsel vm3, $0x0, v14;
	v12 =	vmov s25  }
0xb2: {  	s1 =	sadd.s32 s5, s4;
	s25 =	sshra.s32 s10, $0x1F;
	v11 =	vsel vm1, s26, v11;
	v14 =	vsel vm0, s6, v14;
	v12 =	vsel vm3, s22, v12;
	s22 =	sld [smem:$0x7FB]  }
0xb3: {  	s5 =	sadd.s32 s0, s16;
	s0 =	smulhi.u32 $0x14F8B589, s30;
	v11 =	vsel vm2, s8, v11;
	v14 =	vsel vm1, s14, v14;
	s14 =	sld [smem:$0x7FD];
	v12 =	vsel vm9, s25, v12  }
0xb4: {  	v7 =	vperm.xlane v7, v2;
	s30 =	rddreg [dreg:$0x1a];
	s10 =	smulhi.u32 $0x14F8B589, s21;
	s26 =	sshrl.u32 s19, $0x1F;
	v10 =	vcombine.low v10, v11;
	v12 =	vsel vm0, s24, v12  }
0xb5: {  	v8 =	vperm.xlane v8, v2;
	s21 =	sshra.s32 s15, $0xD;
	s4 =	sshrl.u32 s30, $0x1F;
	s25 =	smul.u32 $0x14F8B589, s20;
	v14 =	vsel vm2, s26, v14;
	v12 =	vsel vm10, s29, v12  }
0xb6: {  	s20 =	rddreg [dreg:$0x1d];
	s24 =	sshra.s32 s19, $0xD;
	v13 =	vsel vm1, s22, v13;
	s8 =	sshra.s32 s14, $0xD;
	v10 =	vperm.xlane v10, v1;
	v12 =	vsel vm1, s3, v12  }
0xb7: {  	v13 =	vsel vm2, s2, v13;
	s3 =	sadd.s32 s25, s10;
	s10 =	sshrl.u32 s17, $0x1F;
	v15 =	vsel vm0, s8, v15;
	s25 =	sshrl.u32 s11, $0x1F;
	v12 =	vsel vm11, s7, v12  }
0xb8: {  	s29 =	sshra.s32 s19, $0x1F;
	s16 =	sshrl.u32 s14, $0x1F;
	v16 =	vmov s10;
	s18 =	sshra.s32 s3, $0xD;
	v18 =	vmov s25;
	v9 =	vcombine.low v9, v13  }
0xb9: {  	s2 =	smul.u32 $0x14F8B589, s31;
	s8 =	rddreg [dreg:$0x17];
	s7 =	sshrl.u32 s15, $0x1F;
	v12 =	vsel vm2, s24, v12;
	v16 =	vsel vm0, s16, v16;
	v15 =	vsel vm1, s18, v15  }
0xba: {  	s10 =	sshrl.u32 s8, $0x1F;
	s3 =	sshrl.u32 s3, $0x1F;
	s24 =	sshra.s32 s11, $0xD;
	v14 =	vsel vm4, s7, v14;
	v18 =	vsel vm0, s4, v18;
	v12 =	vsel vm12, s29, v12  }
0xbb: {  	s12 =	sshrl.u32 s20, $0x1F;
	s14 =	sshrl.u32 s1, $0x1F;
	s15 =	sshrl.u32 s5, $0x1F;
	v17 =	vmov s24;
	v16 =	vsel vm1, s3, v16;
	v18 =	vsel vm1, s10, v18  }
0xbc: {  	s17 =	sshra.s32 s5, $0xD;
	s31 =	sshra.s32 s30, $0xD;
	s0 =	sadd.s32 s2, s0;
	v14 =	vsel vm5, s15, v14;
	v9 =	vperm.xlane v9, v1;
	v12 =	vsel vm4, s21, v12  }
0xbd: {  	s29 =	sshra.s32 s0, $0xD;
	s11 =	sshra.s32 s0, $0x1F;
	s0 =	sshrl.u32 s0, $0x1F;
	v17 =	vsel vm0, s31, v17;
	v16 =	vsel vm2, s12, v16;
	v12 =	vsel vm13, s9, v12  }
0xbe: {  	s22 =	sshra.s32 s5, $0x1F;
	s13 =	sshra.s32 s8, $0xD;
	s21 =	sshra.s32 s20, $0xD;
	v18 =	vsel vm2, s14, v18;
	v14 =	vsel vm6, s0, v14;
	v12 =	vsel vm5, s17, v12  }
0xbf: {  	s1 =	sshra.s32 s1, $0xD;
	v15 =	vsel vm2, s21, v15;
	v17 =	vsel vm1, s13, v17;
	v12 =	vsel vm14, s22, v12  }
0xc0: {  	v61 =	vcombine.low v16, v18;
	v17 =	vsel vm2, s1, v17;
	s17 =	sshrl.u32 s23, $0x1F;
	v12 =	vsel vm6, s29, v12  }
0xc1: {  	s16 =	sshra.s32 s23, $0xD;
	v60 =	vcombine.low v15, v17;
	v14 =	vsel vm7, s17, v14;
	v12 =	vsel vm15, s11, v12  }
0xc2: {  	v13 =	vperm.xlane v61, v1;
	v14 =	vperm.xlane v14, v2;
	v12 =	vsel vm7, s16, v12  }
0xc3: {  	v11 =	vperm.xlane v60, v1;
	v12 =	vperm.xlane v12, v2  }
0xc4: {  	v8 =	vsel vm8, v8, v10;
	v7 =	vsel vm8, v7, v9  }
0xc5: {  	v7 =	vadd.s32 v7, v8;
	v62 =	vsel vm8, v14, v13;
	v63 =	vsel vm8, v12, v11  }
0xc6: {  	v7 =	vmul.u32 $0x186A0, v7;
	v8 =	vadd.s32 v62, v63  }
0xc7: {  	v8 =	vmul.u32 $0x186A0, v8  }
0xc8: {  	v5 =	vsub.s32 v5, v7  }
0xc9: {  	s18 =	rddreg [dreg:$0x6];
	v5 =	vadd.s32 v0, v5;
	v6 =	vsub.s32 v6, v8  }
0xca: {  	s19 =	simm.s32 $0x500;
	[tilespmem:s18+$0x500] =	vst v5;
	v5 =	vadd.s32 v0, v6  }
0xcb: {  	s10 =	simm.s32 $0x40;
	s0 =	rddreg [dreg:$0xd];
	s20 =	simm.s32 $0xF00;
	[tilespmem:s28+$0x500] =	vst v5  }
0xcc: {  	[tilespmem:s20], [sflag:$0x1] =	stream.indirect.gather [hbm4b:s0+s10], $0x20, s19, s10, $0xb8;
	[tilespmem:$0x15800] =	vst v63  }
0xcd: {  	s21 =	simm.s32 $0x540;
	s22 =	simm.s32 $0x1700  }
0xce: {  	[tilespmem:s22], [sflag:$0x1] =	stream.indirect.gather [hbm4b:s0+s10], $0x20, s21, s10, $0xb8;
	[tilespmem:$0x15800] =	vst v63  }
0xcf: {  	s24 =	simm.s32 $0x1F00;
	s23 =	simm.s32 $0x580  }
0xd0: {  	[tilespmem:s24], [sflag:$0x1] =	stream.indirect.gather [hbm4b:s0+s10], $0x20, s23, s10, $0xb8;
	[tilespmem:$0x15800] =	vst v63  }
0xd1: {  	s26 =	simm.s32 $0x2700;
	s25 =	simm.s32 $0x5C0  }
0xd2: {  	[tilespmem:s26], [sflag:$0x1] =	stream.indirect.gather [hbm4b:s0+s10], $0x20, s25, s10, $0xb8;
	[tilespmem:$0x15800] =	vst v63  }
0xd3: {  	s29 =	simm.s32 $0x2F00;
	s28 =	simm.s32 $0x600  }
0xd4: {  	[tilespmem:s29], [sflag:$0x1] =	stream.indirect.gather [hbm4b:s0+s10], $0x20, s28, s10, $0xb8;
	[tilespmem:$0x15800] =	vst v63  }
0xd5: {  	s30 =	simm.s32 $0x640;
	s31 =	simm.s32 $0x3700  }
0xd6: {  	[tilespmem:s31], [sflag:$0x1] =	stream.indirect.gather [hbm4b:s0+s10], $0x20, s30, s10, $0xb8;
	[tilespmem:$0x15800] =	vst v63  }
0xd7: {  	s2 =	simm.s32 $0x680;
	s3 =	simm.s32 $0x3F00  }
0xd8: {  	[tilespmem:s3], [sflag:$0x1] =	stream.indirect.gather [hbm4b:s0+s10], $0x20, s2, s10, $0xb8;
	[tilespmem:$0x15800] =	vst v63  }
0xd9: {  	s5 =	simm.s32 $0x4700;
	s4 =	simm.s32 $0x6C0  }
0xda: {  	[tilespmem:s5], [sflag:$0x1] =	stream.indirect.gather [hbm4b:s0+s10], $0x20, s4, s10, $0xb8;
	[tilespmem:$0x15800] =	vst v63  }
0xdb: {  	s6 =	simm.s32 $0x700;
	s7 =	simm.s32 $0x4F00  }
0xdc: {  	[tilespmem:s7], [sflag:$0x1] =	stream.indirect.gather [hbm4b:s0+s10], $0x20, s6, s10, $0xb8;
	[tilespmem:$0x15800] =	vst v63  }
0xdd: {  	s8 =	simm.s32 $0x740;
	s9 =	simm.s32 $0x5700  }
0xde: {  	[tilespmem:s9], [sflag:$0x1] =	stream.indirect.gather [hbm4b:s0+s10], $0x20, s8, s10, $0xb8;
	[tilespmem:$0x15800] =	vst v63  }
0xdf: {  	s12 =	simm.s32 $0x5F00;
	s11 =	simm.s32 $0x780  }
0xe0: {  	[tilespmem:s12], [sflag:$0x1] =	stream.indirect.gather [hbm4b:s0+s10], $0x20, s11, s10, $0xb8;
	[tilespmem:$0x15800] =	vst v63  }
0xe1: {  	s14 =	simm.s32 $0x6700;
	s13 =	simm.s32 $0x7C0  }
0xe2: {  	[tilespmem:s14], [sflag:$0x1] =	stream.indirect.gather [hbm4b:s0+s10], $0x20, s13, s10, $0xb8;
	[tilespmem:$0x15800] =	vst v63  }
0xe3: {  	s15 =	simm.s32 $0x800;
	s16 =	simm.s32 $0x6F00  }
0xe4: {  	[tilespmem:s16], [sflag:$0x1] =	stream.indirect.gather [hbm4b:s0+s10], $0x20, s15, s10, $0xb8;
	[tilespmem:$0x15800] =	vst v63  }
0xe5: {  	s17 =	simm.s32 $0x840;
	s18 =	simm.s32 $0x7700  }
0xe6: {  	[tilespmem:s18], [sflag:$0x1] =	stream.indirect.gather [hbm4b:s0+s10], $0x20, s17, s10, $0xb8;
	[tilespmem:$0x15800] =	vst v63  }
0xe7: {  	s19 =	simm.s32 $0x880;
	s20 =	simm.s32 $0x7F00  }
0xe8: {  	[tilespmem:s20], [sflag:$0x1] =	stream.indirect.gather [hbm4b:s0+s10], $0x20, s19, s10, $0xb8;
	[tilespmem:$0x15800] =	vst v63  }
0xe9: {  	s21 =	simm.s32 $0x8C0;
	s22 =	simm.s32 $0x8700  }
0xea: {  	[tilespmem:s22], [sflag:$0x1] =	stream.indirect.gather [hbm4b:s0+s10], $0x20, s21, s10, $0xb8;
	[tilespmem:$0x15800] =	vst v63  }
0xeb: {  	s23 =	simm.s32 $0x900;
	s24 =	simm.s32 $0x8F00  }
0xec: {  	[tilespmem:s24], [sflag:$0x1] =	stream.indirect.gather [hbm4b:s0+s10], $0x20, s23, s10, $0xb8;
	[tilespmem:$0x15800] =	vst v63  }
0xed: {  	s25 =	simm.s32 $0x940;
	s26 =	simm.s32 $0x9700  }
0xee: {  	[tilespmem:s26], [sflag:$0x1] =	stream.indirect.gather [hbm4b:s0+s10], $0x20, s25, s10, $0xb8;
	[tilespmem:$0x15800] =	vst v63  }
0xef: {  	s28 =	simm.s32 $0x980;
	s29 =	simm.s32 $0x9F00;
	s30 =	simm.s32 $0x9C0  }
0xf0: {  	[tilespmem:s29], [sflag:$0x1] =	stream.indirect.gather [hbm4b:s0+s10], $0x20, s28, s10, $0xb8;
	[tilespmem:$0x15800] =	vst v63  }
0xf1: {  	s31 =	simm.s32 $0xA700;
	s5 =	simm.s32 $0x0;
	s4 =	simm.s32 $0x3  }
0xf2: {  	[tilespmem:s31], [sflag:$0x1] =	stream.indirect.gather [hbm4b:s0+s10], $0x20, s30, s10, $0xb8;
	[tilespmem:$0x15800] =	vst v63  }
.LBB2_4:
0xf3: {  	s1 =	sshll.u32 s5, $0x1;
	s0 =	rddreg [dreg:$0xc]  }
0xf4: {  	s0 =	sadd.s32 s1, s0  }
0xf5: {  	s0 =	sadd.s32 $0x1, s0  }
0xf6: {  	s3 =	sshrl.u32 s0, $0x6  }
0xf7: {  	s0 =	sshll.u32 s0, $0x6;
	s17 =	smul.u32 $0x14000, s3  }
0xf8: {  	[dreg:$0x13] =	wrdreg s5;
	s0 =	sand.u32 $0xFC0, s0  }
0xf9: {  	[dreg:$0x15] =	wrdreg s0;
	s0 =	sor.u32 s0, s17  }
0xfa: {  	s18 =	rddreg [dreg:$0x0];
	s19 =	simm.s32 $0x1000;
	s0 =	sshrl.u32 s0, $0x3  }
0xfb: {  	s2 =	simm.s32 $0x0;
	[dreg:$0x16] =	wrdreg s1;
	s0 =	sadd.s32 s18, s0  }
0xfc: {  	[tilespmem:s2], [sflag:$0x3] =	stream.strided.gather [hbm4b:s0+s10], $0x500, s19, s10, $0x38;
	[tilespmem:$0x15800] =	vst v63  }
0xfd: {  	_ =	swait.ge [sflag:s4], $0x500  }
0xfe: {  	[sflag:s4] =	ssyncset.done $0x0  }
0xff: {  	s20 =	simm.s32 $0x0;
	[sflag:s4] =	ssyncadd.s32 $0xFFFFFB00  }
0x100: {  	v5 =	vld [tilespmem:s20+$0x0];
	_ =	sdelay $0x4  }
0x101: {  	(v2sf) =	vpush v5, $0x1;
	_ =	sdelay $0x1  }
0x102: {  	(v2sf) =	vpush v5, $0x0  }
0x103: {  	(v2sf) =	vpush v5, $0x7;
	_ =	sdelay $0x1  }
0x104: {  	(v2sf) =	vpush v5, $0x2;
	_ =	sdelay $0x1  }
0x105: {  	(v2sf) =	vpush v5, $0xE  }
0x106: {  	(v2sf) =	vpush v5, $0x3;
	_ =	sdelay $0x1  }
0x107: {  	(v2sf) =	vpush v5, $0x4;
	_ =	sdelay $0x1  }
0x108: {  	(v2sf) =	vpush v5, $0xC  }
0x109: {  	(v2sf) =	vpush v5, $0x8;
	_ =	sdelay $0x1  }
0x10a: {  	s2 =	smul.u32 $0x186A0, s3;
	(v2sf) =	vpush v5, $0x9;
	s22 =	spop (v2sf)  }
0x10b: {  	s25 =	smulhi.u32 $0x14F8B589, s22;
	s0 =	sshra.s32 s22, $0x1F  }
0x10c: {  	s23 =	spop (v2sf);
	s0 =	smul.u32 $0x14F8B589, s0  }
0x10d: {  	(v2sf) =	vpush v5, $0xD;
	s24 =	spop (v2sf);
	s1 =	smulhi.u32 $0x14F8B589, s23  }
0x10e: {  	[dreg:$0x14] =	wrdreg s3;
	s6 =	smulhi.u32 $0x14F8B589, s24;
	s3 =	sshra.s32 s24, $0x1F  }
0x10f: {  	s21 =	simm.s32 $0x0;
	(v2sf) =	vpush v5, $0xB;
	s26 =	spop (v2sf);
	s3 =	smul.u32 $0x14F8B589, s3  }
0x110: {  	[dreg:$0x3] =	wrdreg s21;
	s14 =	sshra.s32 s23, $0x1F;
	s28 =	smulhi.u32 $0x14F8B589, s26  }
0x111: {  	s8 =	spop (v2sf);
	s0 =	sadd.s32 s0, s25;
	s25 =	smul.u32 $0x14F8B589, s14  }
0x112: {  	(v2sf) =	vpush v5, $0x5;
	s5 =	sshra.s32 s26, $0x1F;
	s7 =	smulhi.u32 $0x14F8B589, s8;
	s11 =	spop (v2sf)  }
0x113: {  	s5 =	smul.u32 $0x14F8B589, s5;
	s10 =	sshra.s32 s0, $0xD;
	s8 =	sshra.s32 s8, $0x1F  }
0x114: {  	s12 =	spop (v2sf);
	s13 =	smulhi.u32 $0x14F8B589, s11;
	s15 =	sshra.s32 s11, $0x1F  }
0x115: {  	(v2sf) =	vpush v5, $0xA;
	[dreg:$0x7] =	wrdreg s7;
	s9 =	sshra.s32 s12, $0x1F;
	s12 =	smulhi.u32 $0x14F8B589, s12  }
0x116: {  	(v2sf) =	vpush v5, $0xF;
	s16 =	spop (v2sf);
	s5 =	sadd.s32 s5, s28;
	s17 =	smul.u32 $0x14F8B589, s9  }
0x117: {  	s9 =	sadd.s32 s3, s6;
	s7 =	spop (v2sf);
	s22 =	smulhi.u32 $0x14F8B589, s16  }
0x118: {  	s20 =	sshra.s32 s16, $0x1F;
	s26 =	sshrl.u32 s5, $0x1F;
	s6 =	smul.u32 $0x14F8B589, s15  }
0x119: {  	(v2sf) =	vpush v5, $0x6;
	s16 =	sadd.s32 s25, s1;
	s21 =	smulhi.u32 $0x14F8B589, s7;
	s23 =	spop (v2sf)  }
0x11a: {  	s18 =	sshra.s32 s9, $0x1F;
	s3 =	sshra.s32 s7, $0x1F;
	s24 =	smulhi.u32 $0x14F8B589, s23  }
0x11b: {  	s11 =	sshra.s32 s23, $0x1F;
	s14 =	sadd.s32 s17, s12;
	s31 =	smul.u32 $0x14F8B589, s3  }
0x11c: {  	s12 =	sshra.s32 s5, $0xD;
	s11 =	smul.u32 $0x14F8B589, s11;
	s19 =	spop (v2sf)  }
0x11d: {  	s17 =	sadd.s32 s6, s13;
	s28 =	smulhi.u32 $0x14F8B589, s19;
	s7 =	sshra.s32 s19, $0x1F  }
0x11e: {  	s19 =	sadd.s32 s11, s24;
	s11 =	spop (v2sf);
	s15 =	smul.u32 $0x14F8B589, s7  }
0x11f: {  	s23 =	simm.s32 $0x10;
	s5 =	sshra.s32 s5, $0x1F;
	s25 =	smulhi.u32 $0x14F8B589, s11  }
0x120: {  	v7 =	vld [tilespmem:s23+$0x0];
	s24 =	simm.s32 $0x10;
	s4 =	sshra.s32 s11, $0x1F;
	s11 =	smul.u32 $0x14F8B589, s8  }
0x121: {  	s3 =	sshra.s32 s14, $0x1F;
	[dreg:$0x5] =	wrdreg s24;
	s1 =	spop (v2sf)  }
0x122: {  	v6 =	vmov s18;
	s8 =	smul.u32 $0x14F8B589, s20;
	s6 =	sadd.s32 s15, s28;
	s28 =	sshra.s32 s16, $0xD  }
0x123: {  	s7 =	sshra.s32 s16, $0x1F;
	s20 =	sshra.s32 s14, $0xD;
	s23 =	smul.u32 $0x14F8B589, s4;
	v6 =	vsel vm3, s28, v6  }
0x124: {  	s4 =	sshrl.u32 s0, $0x1F;
	s24 =	spop (v2sf);
	s30 =	smulhi.u32 $0x14F8B589, s1;
	v8 =	vsel vm9, s7, v6  }
0x125: {  	(v2sf) =	vpush v7, $0x1;
	s13 =	spop (v2sf);
	s15 =	sshra.s32 s0, $0x1F;
	s16 =	sshrl.u32 s16, $0x1F;
	v8 =	vsel vm0, s10, v8  }
0x126: {  	(v2sf) =	vpush v7, $0x0;
	s0 =	sshra.s32 s1, $0x1F;
	s1 =	smulhi.u32 $0x14F8B589, s13;
	s29 =	sshra.s32 s13, $0x1F;
	v9 =	vmov s16;
	v8 =	vsel vm10, s15, v8  }
0x127: {  	(v2sf) =	vpush v7, $0x7;
	s18 =	sshra.s32 s6, $0xD;
	s16 =	sshrl.u32 s6, $0x1F;
	s28 =	sshra.s32 s17, $0xD;
	v9 =	vnsel vm3, $0x0, v9;
	v8 =	vsel vm1, s12, v8  }
0x128: {  	v6 =	vmov s2;
	s2 =	sshra.s32 s17, $0x1F;
	s10 =	sshra.s32 s24, $0x1F;
	v9 =	vsel vm0, s4, v9;
	s4 =	spop (v2sf);
	v10 =	vsel vm11, s5, v8  }
0x129: {  	(v2sf) =	vpush v7, $0x2;
	s12 =	smulhi.u32 $0x14F8B589, s24;
	s24 =	simm.s32 $0x80;
	v8 =	vsel vm1, s26, v9;
	s26 =	sshra.s32 s4, $0x1F;
	v9 =	vsel vm2, s28, v10  }
.LBB2_5:
0x12a: {  	s7 =	rddreg [dreg:$0x3]  }
0x12b: {  	s5 =	smul.u32 $0x14F8B589, s29;
	s13 =	rddreg [dreg:$0x5]  }
0x12c: {  	s28 =	rddreg [dreg:$0x7];
	s4 =	smulhi.u32 $0x14F8B589, s4  }
0x12d: {  	s26 =	smul.u32 $0x14F8B589, s26;
	p0 =	sne.s32 s24, $0x13C0;
	s6 =	sadd.s32 s31, s21  }
0x12e: {  	s21 =	sadd.s32 s23, s25;
	s23 =	smov.u32 s24;
	s25 =	smov.u32 s7  }
0x12f: {  	s15 =	smov.u32 s13;
	s11 =	sadd.s32 s11, s28;
	s22 =	sadd.s32 s8, s22  }
0x130: {  	(v2sf) =	vpush v7, $0xE;
	s28 =	sshrl.u32 s19, $0x1F;
	[dreg:$0x3] =	wrdreg s15;
	s7 =	sshrl.u32 s6, $0x1F  }
0x131: {  	v9 =	vsel vm12, s2, v9;
	s15 =	smul.u32 $0x14F8B589, s0;
	s0 =	sshrl.u32 s11, $0x1F;
	s8 =	sshrl.u32 s21, $0x1F  }
0x132: {  	(v2sf) =	vpush v7, $0x3;
	v9 =	vsel vm4, s20, v9;
	s1 =	sadd.s32 s5, s1;
	s6 =	sshra.s32 s6, $0xD;
	s20 =	sadd.s32 s26, s4  }
0x133: {  	s26 =	sshrl.u32 s17, $0x1F;
	s17 =	sshrl.u32 s9, $0x1F;
	v10 =	vmov s7;
	s7 =	smul.u32 $0x14F8B589, s10  }
0x134: {  	(v2sf) =	vpush v7, $0x4;
	v9 =	vsel vm13, s3, v9;
	s10 =	sshra.s32 s11, $0xD;
	s3 =	sshrl.u32 s20, $0x1F;
	s11 =	sadd.s32 s15, s30  }
0x135: {  	(v2sf) =	vpush v7, $0xC;
	v10 =	vsel vm0, s28, v10;
	s28 =	sshra.s32 s19, $0xD;
	s15 =	sshra.s32 s21, $0xD;
	s21 =	sshra.s32 s22, $0xD  }
0x136: {  	v11 =	vmov s6;
	(v2sf) =	vpush v7, $0x8;
	s22 =	sshrl.u32 s22, $0x1F;
	s5 =	sadd.s32 s7, s12;
	s12 =	sshrl.u32 s11, $0x1F  }
0x137: {  	v11 =	vsel vm0, s28, v11;
	s7 =	sshra.s32 s11, $0xD;
	(v2sf) =	vpush v7, $0x9;
	s2 =	sshra.s32 s11, $0x1F;
	s28 =	sshra.s32 s20, $0xD;
	v13 =	vmov s22  }
0x138: {  	v12 =	vmov s21;
	s21 =	sshrl.u32 s1, $0x1F;
	v9 =	vsel vm5, s7, v9;
	s7 =	sshrl.u32 s14, $0x1F;
	v13 =	vsel vm0, s16, v13;
	s14 =	spop (v2sf)  }
0x139: {  	s13 =	sshra.s32 s5, $0xD;
	v12 =	vsel vm0, s18, v12;
	v13 =	vsel vm1, s0, v13;
	s18 =	smulhi.u32 $0x14F8B589, s14;
	s22 =	sshra.s32 s14, $0x1F  }
0x13a: {  	(v2sf) =	vpush v7, $0xD;
	v11 =	vsel vm1, s13, v11;
	s13 =	sshra.s32 s20, $0x1F;
	v13 =	vsel vm2, s21, v13;
	s11 =	spop (v2sf);
	s21 =	smul.u32 $0x14F8B589, s22  }
0x13b: {  	v12 =	vsel vm1, s10, v12;
	s20 =	spop (v2sf);
	s10 =	sshra.s32 s11, $0x1F;
	s11 =	smulhi.u32 $0x14F8B589, s11  }
0x13c: {  	s23 =	sshra.s32 s23, $0x2;
	v11 =	vsel vm2, s15, v11;
	s15 =	sshra.s32 s9, $0xD;
	s9 =	smulhi.u32 $0x14F8B589, s20  }
0x13d: {  	v8 =	vsel vm2, s26, v8;
	s19 =	sshra.s32 s1, $0xD;
	v9 =	vsel vm14, s2, v9;
	s26 =	sshra.s32 s20, $0x1F;
	s10 =	smul.u32 $0x14F8B589, s10  }
0x13e: {  	s5 =	sshrl.u32 s5, $0x1F;
	v9 =	vsel vm6, s28, v9;
	s28 =	spop (v2sf);
	s16 =	smul.u32 $0x14F8B589, s26  }
0x13f: {  	s6 =	sadd.s32 $0x40, s24;
	v8 =	vsel vm4, s7, v8;
	v10 =	vsel vm1, s5, v10;
	v12 =	vsel vm2, s19, v12;
	s1 =	spop (v2sf);
	s19 =	smulhi.u32 $0x14F8B589, s28  }
0x140: {  	[dreg:$0x5] =	wrdreg s23;
	v8 =	vsel vm5, s12, v8;
	v9 =	vsel vm15, s13, v9;
	(v2sf) =	vpush v7, $0xB;
	s7 =	sshra.s32 s28, $0x1F;
	s14 =	smulhi.u32 $0x14F8B589, s1  }
0x141: {  	v10 =	vsel vm2, s8, v10;
	v11 =	vcombine.low v11, v12;
	v9 =	vsel vm7, s15, v9;
	s4 =	sadd.s32 s21, s18;
	s15 =	spop (v2sf);
	s5 =	smul.u32 $0x14F8B589, s7  }
0x142: {  	v8 =	vsel vm6, s3, v8;
	v10 =	vcombine.low v10, v13;
	(v2sf) =	vpush v7, $0x5;
	s18 =	sshra.s32 s4, $0xD;
	s1 =	sshra.s32 s1, $0x1F;
	s10 =	sadd.s32 s10, s11  }
0x143: {  	v8 =	vsel vm7, s17, v8;
	v11 =	vperm.xlane v11, v1;
	v9 =	vperm.xlane v9, v2;
	s0 =	sshra.s32 s15, $0x1F;
	s17 =	spop (v2sf);
	s8 =	smulhi.u32 $0x14F8B589, s15  }
0x144: {  	v10 =	vperm.xlane v10, v1;
	v8 =	vperm.xlane v8, v2;
	(v2sf) =	vpush v7, $0xA;
	s9 =	sadd.s32 s16, s9;
	s16 =	sshrl.u32 s4, $0x1F;
	s11 =	smul.u32 $0x14F8B589, s1  }
0x145: {  	s4 =	sshra.s32 s4, $0x1F;
	[dreg:$0x7] =	wrdreg s14;
	s22 =	spop (v2sf);
	(v2sf) =	vpush v7, $0xF  }
0x146: {  	v8 =	vsel vm8, v8, v10;
	v9 =	vsel vm8, v9, v11;
	s20 =	sshra.s32 s17, $0x1F;
	s14 =	smulhi.u32 $0x14F8B589, s17;
	s28 =	spop (v2sf)  }
0x147: {  	v8 =	vadd.s32 v8, v9;
	s26 =	sshra.s32 s9, $0x1F;
	s13 =	smul.u32 $0x14F8B589, s20;
	s7 =	spop (v2sf);
	(v2sf) =	vpush v7, $0x6  }
0x148: {  	v8 =	vmul.u32 $0x186A0, v8;
	s5 =	sadd.s32 s5, s19;
	s3 =	sshra.s32 s22, $0x1F;
	s22 =	smulhi.u32 $0x14F8B589, s22  }
0x149: {  	s24 =	sshrl.u32 s5, $0x1F;
	s29 =	spop (v2sf);
	s31 =	smulhi.u32 $0x14F8B589, s7  }
0x14a: {  	v8 =	vsub.s32 v5, v8;
	s15 =	sshra.s32 s7, $0x1F;
	s30 =	sshra.s32 s29, $0x1F;
	s29 =	smulhi.u32 $0x14F8B589, s29  }
0x14b: {  	v5 =	vmov v7;
	s12 =	sshra.s32 s5, $0xD;
	s5 =	sshra.s32 s5, $0x1F;
	v7 =	vadd.s32 v6, v8;
	v8 =	vmov s26;
	s26 =	smul.u32 $0x14F8B589, s15  }
0x14c: {  	s14 =	sadd.s32 s13, s14;
	[tilespmem:s25+$0xA00] =	vst v7;
	s13 =	smul.u32 $0x14F8B589, s30;
	s30 =	sshra.s32 s10, $0xD  }
0x14d: {  	v7 =	vld [tilespmem:s23+$0x0];
	s23 =	sshra.s32 s10, $0x1F;
	s19 =	sadd.s32 s26, s31;
	v8 =	vsel vm3, s30, v8;
	s26 =	sshrl.u32 s10, $0x1F  }
0x14e: {  	s2 =	sshra.s32 s28, $0x1F;
	s21 =	smulhi.u32 $0x14F8B589, s28;
	s20 =	sshra.s32 s14, $0xD;
	v8 =	vsel vm9, s23, v8;
	v9 =	vmov s26  }
0x14f: {  	s31 =	smul.u32 $0x14F8B589, s2;
	s13 =	sadd.s32 s13, s29;
	v8 =	vsel vm0, s18, v8;
	v9 =	vnsel vm3, $0x0, v9;
	s17 =	spop (v2sf)  }
0x150: {  	s18 =	sshra.s32 s13, $0xD;
	v8 =	vsel vm10, s4, v8;
	v9 =	vsel vm0, s16, v9;
	s16 =	sshrl.u32 s13, $0x1F;
	s25 =	smulhi.u32 $0x14F8B589, s17  }
0x151: {  	s7 =	sshra.s32 s17, $0x1F;
	s17 =	smul.u32 $0x14F8B589, s0;
	v8 =	vsel vm1, s12, v8;
	s28 =	spop (v2sf)  }
0x152: {  	s23 =	smul.u32 $0x14F8B589, s7;
	v10 =	vsel vm11, s5, v8;
	v8 =	vsel vm1, s24, v9;
	s24 =	smov.u32 s6;
	s0 =	sshra.s32 s28, $0x1F  }
.Ltmp1:
0x153: {  	s17 =	sadd.s32 s17, s8;
	s15 =	spop (v2sf);
	(pc) =	sbr.rel @p0 .LBB2_5-.Ltmp1, $4  }
0x154: {  	s30 =	smulhi.u32 $0x14F8B589, s28;
	s28 =	sshra.s32 s17, $0xD;
	s8 =	spop (v2sf);
	(v2sf) =	vpush v7, $0x1  }
0x155: {  	s2 =	sshra.s32 s17, $0x1F;
	s10 =	sshra.s32 s15, $0x1F;
	s12 =	smulhi.u32 $0x14F8B589, s15;
	(v2sf) =	vpush v7, $0x0  }
0x156: {  	s1 =	smulhi.u32 $0x14F8B589, s8;
	s29 =	sshra.s32 s8, $0x1F;
	s4 =	spop (v2sf);
	(v2sf) =	vpush v7, $0x7  }
0x157: {  	v9 =	vsel vm2, s28, v10;
	s8 =	smul.u32 $0x14F8B589, s3;
	s3 =	sshra.s32 s14, $0x1F;
	s26 =	sshra.s32 s4, $0x1F;
	(v2sf) =	vpush v7, $0x2  }
0x158: {  	_ = 	snop  }
0x159: {  	(v2sf) =	vpush v7, $0xE;
	_ =	sdelay $0x1  }
0x15a: {  	(v2sf) =	vpush v7, $0x3;
	_ =	sdelay $0x1  }
0x15b: {  	(v2sf) =	vpush v7, $0x4  }
0x15c: {  	s5 =	smul.u32 $0x14F8B589, s29  }
0x15d: {  	s0 =	smul.u32 $0x14F8B589, s0  }
0x15e: {  	s7 =	smulhi.u32 $0x14F8B589, s4;
	s23 =	sadd.s32 s23, s25;
	s25 =	rddreg [dreg:$0x7]  }
0x15f: {  	s10 =	smul.u32 $0x14F8B589, s10;
	[smem:$0x7D1] =	sst s5  }
0x160: {  	s13 =	smul.u32 $0x14F8B589, s26;
	[smem:$0x7D2] =	sst s0  }
0x161: {  	[smem:$0x7D3] =	sst s10;
	(v2sf) =	vpush v7, $0xC;
	s6 =	spop (v2sf)  }
0x162: {  	[smem:$0x7D4] =	sst s13;
	s10 =	spop (v2sf)  }
0x163: {  	s11 =	sadd.s32 s11, s25;
	(v2sf) =	vpush v7, $0x8;
	s5 =	smulhi.u32 $0x14F8B589, s6;
	s15 =	spop (v2sf)  }
0x164: {  	s25 =	sld [smem:$0x7D4];
	(v2sf) =	vpush v7, $0x9;
	s24 =	sshra.s32 s15, $0x1F;
	s15 =	smulhi.u32 $0x14F8B589, s15  }
0x165: {  	(v2sf) =	vpush v7, $0xD;
	s28 =	spop (v2sf);
	[smem:$0x7D7] =	sst s5  }
0x166: {  	s26 =	smul.u32 $0x14F8B589, s24;
	s29 =	spop (v2sf)  }
0x167: {  	s13 =	smulhi.u32 $0x14F8B589, s28;
	[smem:$0x7D5] =	sst s15  }
0x168: {  	s6 =	sshra.s32 s6, $0x1F;
	s4 =	spop (v2sf);
	[smem:$0x7D6] =	sst s26  }
0x169: {  	s15 =	smul.u32 $0x14F8B589, s6;
	[smem:$0x7D9] =	sst s13  }
0x16a: {  	s26 =	sshra.s32 s28, $0x1F;
	s24 =	spop (v2sf);
	s13 =	smulhi.u32 $0x14F8B589, s10  }
0x16b: {  	[smem:$0x7D8] =	sst s15;
	s28 =	smul.u32 $0x14F8B589, s26  }
0x16c: {  	s0 =	smulhi.u32 $0x14F8B589, s24;
	[smem:$0x7DD] =	sst s13  }
0x16d: {  	s6 =	sshra.s32 s24, $0x1F;
	s24 =	smulhi.u32 $0x14F8B589, s4;
	[smem:$0x7DA] =	sst s28  }
0x16e: {  	s15 =	sshra.s32 s10, $0x1F;
	s5 =	smul.u32 $0x14F8B589, s6;
	[smem:$0x7DC] =	sst s0  }
0x16f: {  	s26 =	smul.u32 $0x14F8B589, s15;
	[smem:$0x7E0] =	sst s24  }
0x170: {  	(v2sf) =	vpush v7, $0xB;
	s4 =	sshra.s32 s4, $0x1F;
	s13 =	spop (v2sf);
	[smem:$0x7DB] =	sst s5  }
0x171: {  	s28 =	smul.u32 $0x14F8B589, s4;
	[smem:$0x7DE] =	sst s26  }
0x172: {  	s5 =	spop (v2sf);
	s26 =	sld [smem:$0x7D1]  }
0x173: {  	[smem:$0x7E1] =	sst s28;
	s0 =	spop (v2sf)  }
0x174: {  	s6 =	spop (v2sf);
	s15 =	smulhi.u32 $0x14F8B589, s0;
	s10 =	sshra.s32 s0, $0x1F  }
0x175: {  	s24 =	smulhi.u32 $0x14F8B589, s6;
	s0 =	sshra.s32 s6, $0x1F;
	s6 =	sld [smem:$0x7D2]  }
0x176: {  	s28 =	smul.u32 $0x14F8B589, s10;
	s10 =	sld [smem:$0x7DA]  }
0x177: {  	[smem:$0x7DF] =	sst s15  }
0x178: {  	s21 =	sadd.s32 s31, s21;
	s22 =	sadd.s32 s8, s22;
	s15 =	sld [smem:$0x7D3]  }
0x179: {  	s31 =	smul.u32 $0x14F8B589, s0;
	s0 =	sadd.s32 s26, s1;
	s26 =	sld [smem:$0x7D5]  }
0x17a: {  	s8 =	sshra.s32 s29, $0x1F;
	s1 =	smulhi.u32 $0x14F8B589, s29;
	s29 =	sld [smem:$0x7D6]  }
0x17b: {  	[smem:$0x7E2] =	sst s24  }
0x17c: {  	[smem:$0x7E4] =	sst s0  }
0x17d: {  	[smem:$0x7E3] =	sst s1  }
0x17e: {  	s30 =	sadd.s32 s6, s30;
	s6 =	sadd.s32 s25, s7;
	s7 =	sld [smem:$0x7D9]  }
0x17f: {  	s25 =	sld [smem:$0x7DB];
	s4 =	spop (v2sf);
	s15 =	sadd.s32 s15, s12  }
0x180: {  	s12 =	smul.u32 $0x14F8B589, s8;
	s0 =	sadd.s32 s29, s26;
	s29 =	sld [smem:$0x7DC]  }
0x181: {  	s24 =	smulhi.u32 $0x14F8B589, s4;
	s1 =	sshra.s32 s4, $0x1F;
	[smem:$0x7E5] =	sst s0  }
0x182: {  	s4 =	sld [smem:$0x7D8];
	s8 =	smul.u32 $0x14F8B589, s1  }
0x183: {  	s1 =	sld [smem:$0x7D7];
	s10 =	sadd.s32 s10, s7;
	s7 =	smulhi.u32 $0x14F8B589, s5  }
0x184: {  	s5 =	sshra.s32 s5, $0x1F;
	s29 =	sadd.s32 s25, s29;
	s25 =	sld [smem:$0x7DE]  }
0x185: {  	s0 =	smul.u32 $0x14F8B589, s5;
	s5 =	sld [smem:$0x7DF]  }
0x186: {  	s26 =	sadd.s32 s4, s1;
	s1 =	sld [smem:$0x7DD]  }
0x187: {  	v9 =	vsel vm12, s2, v9;
	s2 =	sshrl.u32 s17, $0x1F;
	s14 =	sshrl.u32 s14, $0x1F;
	s8 =	sadd.s32 s8, s24  }
0x188: {  	v9 =	vsel vm4, s20, v9;
	(v2sf) =	vpush v7, $0x5;
	s20 =	sshra.s32 s6, $0xD;
	s17 =	sshra.s32 s15, $0xD;
	[dreg:$0x1e] =	wrdreg s8  }
0x189: {  	(v2sf) =	vpush v7, $0xA;
	s25 =	sadd.s32 s25, s1;
	s1 =	sadd.s32 s28, s5;
	s5 =	sld [smem:$0x7E0]  }
0x18a: {  	s4 =	smulhi.u32 $0x14F8B589, s13;
	s13 =	sshra.s32 s13, $0x1F;
	s28 =	sld [smem:$0x7E1]  }
0x18b: {  	(v2sf) =	vpush v7, $0xF;
	s15 =	sshrl.u32 s15, $0x1F;
	[smem:$0x7E6] =	sst s1;
	s1 =	smul.u32 $0x14F8B589, s13  }
0x18c: {  	v8 =	vsel vm2, s2, v8;
	s24 =	sshra.s32 s19, $0xD;
	s7 =	sadd.s32 s0, s7;
	s13 =	sld [smem:$0x7E2]  }
0x18d: {  	v8 =	vsel vm4, s14, v8;
	(v2sf) =	vpush v7, $0x6;
	s14 =	sshrl.u32 s25, $0x1F;
	s28 =	sadd.s32 s28, s5;
	s8 =	sadd.s32 s1, s4  }
0x18e: {  	s4 =	sshrl.u32 s21, $0x1F;
	s1 =	sshra.s32 s22, $0xD;
	s22 =	sshrl.u32 s22, $0x1F  }
0x18f: {  	s5 =	sadd.s32 s31, s13;
	s13 =	sld [smem:$0x7E3];
	s31 =	sshrl.u32 s30, $0x1F  }
0x190: {  	v10 =	vmov s4;
	v12 =	vmov s1;
	s4 =	sshrl.u32 s10, $0x1F;
	s1 =	sshra.s32 s10, $0xD;
	s10 =	sshra.s32 s10, $0x1F  }
0x191: {  	v14 =	vmov s22;
	[dreg:$0x1b] =	wrdreg s5;
	s5 =	sshra.s32 s6, $0x1F;
	s6 =	sshrl.u32 s6, $0x1F  }
0x192: {  	v14 =	vsel vm0, s16, v14;
	s16 =	sld [smem:$0x7E6];
	s0 =	sadd.s32 s12, s13;
	s13 =	sshrl.u32 s11, $0x1F  }
0x193: {  	s11 =	sshra.s32 s11, $0xD;
	s12 =	sshra.s32 s21, $0xD;
	s21 =	sshrl.u32 s19, $0x1F  }
0x194: {  	s19 =	sshrl.u32 s23, $0x1F;
	s23 =	sshra.s32 s23, $0xD;
	[dreg:$0x18] =	wrdreg s0  }
0x195: {  	s0 =	sshra.s32 s30, $0xD;
	s30 =	sshra.s32 s30, $0x1F;
	v11 =	vmov s12;
	s12 =	sshra.s32 s9, $0xD  }
0x196: {  	v9 =	vsel vm13, s3, v9;
	v10 =	vsel vm0, s21, v10;
	s21 =	sld [smem:$0x7E4];
	v14 =	vsel vm1, s13, v14;
	s13 =	sshrl.u32 s7, $0x1F;
	s7 =	sshra.s32 s7, $0xD  }
0x197: {  	s9 =	sshrl.u32 s9, $0x1F;
	v11 =	vsel vm0, s24, v11;
	v9 =	vsel vm5, s0, v9;
	s0 =	spop (v2sf);
	v16 =	vmov s7;
	s7 =	sshra.s32 s16, $0xD  }
0x198: {  	v8 =	vsel vm5, s31, v8;
	v11 =	vsel vm1, s17, v11;
	s17 =	spop (v2sf);
	s31 =	smulhi.u32 $0x14F8B589, s0;
	s0 =	sshra.s32 s0, $0x1F  }
0x199: {  	v12 =	vsel vm0, s18, v12;
	v9 =	vsel vm14, s30, v9;
	s3 =	sshra.s32 s21, $0xD;
	s21 =	sshrl.u32 s21, $0x1F;
	v11 =	vsel vm2, s23, v11;
	s23 =	sld [smem:$0x7E5]  }
0x19a: {  	v15 =	vmov s14;
	v12 =	vsel vm1, s11, v12;
	v9 =	vsel vm6, s20, v9;
	s30 =	spop (v2sf);
	s20 =	sshra.s32 s26, $0xD;
	s0 =	smul.u32 $0x14F8B589, s0  }
0x19b: {  	v15 =	vnsel vm3, $0x0, v15;
	v8 =	vsel vm6, s6, v8;
	s22 =	sshra.s32 s17, $0x1F;
	s2 =	smulhi.u32 $0x14F8B589, s30;
	v12 =	vsel vm2, s3, v12;
	s3 =	rddreg [dreg:$0x18]  }
0x19c: {  	v10 =	vsel vm1, s15, v10;
	v8 =	vsel vm7, s9, v8;
	v17 =	vmov s13;
	s0 =	sadd.s32 s0, s31;
	s31 =	spop (v2sf);
	s24 =	sshra.s32 s23, $0x1F  }
0x19d: {  	v10 =	vsel vm2, s19, v10;
	v9 =	vsel vm15, s5, v9;
	s14 =	smulhi.u32 $0x14F8B589, s31;
	v13 =	vmov s24;
	s24 =	sshra.s32 s30, $0x1F;
	s30 =	sshra.s32 s25, $0xD  }
0x19e: {  	v16 =	vsel vm0, s7, v16;
	v9 =	vsel vm7, s12, v9;
	s12 =	sshrl.u32 s26, $0x1F;
	v13 =	vsel vm3, s30, v13;
	s18 =	smul.u32 $0x14F8B589, s24;
	s24 =	sshra.s32 s25, $0x1F  }
0x19f: {  	v8 =	vperm.xlane v8, v2;
	v14 =	vsel vm2, s21, v14;
	s30 =	sshra.s32 s26, $0x1F;
	s25 =	sshra.s32 s28, $0xD;
	s26 =	smul.u32 $0x14F8B589, s22;
	v13 =	vsel vm9, s24, v13  }
0x1a0: {  	v11 =	vcombine.low v11, v12;
	v10 =	vcombine.low v10, v14;
	s22 =	sshra.s32 s0, $0x1F;
	s24 =	sshra.s32 s29, $0xD;
	v13 =	vsel vm0, s20, v13;
	s20 =	smulhi.u32 $0x14F8B589, s17  }
0x1a1: {  	v15 =	vsel vm0, s12, v15;
	v9 =	vperm.xlane v9, v2;
	s2 =	sadd.s32 s18, s2;
	s17 =	sshrl.u32 s16, $0x1F;
	s18 =	sshra.s32 s0, $0xD;
	v13 =	vsel vm10, s30, v13  }
0x1a2: {  	v15 =	vsel vm1, s4, v15;
	v11 =	vperm.xlane v11, v1;
	s30 =	sshra.s32 s28, $0x1F;
	v13 =	vsel vm1, s1, v13;
	s5 =	sadd.s32 s26, s20;
	s20 =	rddreg [dreg:$0x1e]  }
0x1a3: {  	v10 =	vperm.xlane v10, v1;
	v17 =	vsel vm0, s17, v17;
	s26 =	sshrl.u32 s28, $0x1F;
	s28 =	rddreg [dreg:$0x1b];
	v13 =	vsel vm11, s10, v13;
	s19 =	sshra.s32 s5, $0xD  }
0x1a4: {  	s10 =	sshra.s32 s31, $0x1F;
	v15 =	vsel vm2, s26, v15;
	s31 =	sshrl.u32 s29, $0x1F;
	s5 =	sshrl.u32 s5, $0x1F;
	v13 =	vsel vm2, s25, v13;
	v16 =	vsel vm1, s19, v16  }
0x1a5: {  	s21 =	sshra.s32 s20, $0xD;
	s9 =	sshrl.u32 s20, $0x1F;
	s25 =	sshrl.u32 s8, $0x1F;
	v15 =	vsel vm4, s31, v15;
	v17 =	vsel vm1, s5, v17;
	v13 =	vsel vm12, s30, v13  }
0x1a6: {  	s0 =	sshrl.u32 s0, $0x1F;
	s4 =	sshrl.u32 s28, $0x1F;
	s1 =	smul.u32 $0x14F8B589, s10;
	v16 =	vsel vm2, s21, v16;
	v19 =	vmov s25;
	v17 =	vsel vm2, s9, v17  }
0x1a7: {  	s11 =	sshra.s32 s29, $0x1F;
	s7 =	sshrl.u32 s3, $0x1F;
	v15 =	vsel vm5, s0, v15;
	v13 =	vsel vm4, s24, v13;
	s24 =	sshra.s32 s8, $0xD;
	v19 =	vsel vm0, s4, v19  }
0x1a8: {  	s30 =	sshra.s32 s28, $0xD;
	s1 =	sadd.s32 s1, s14;
	v13 =	vsel vm13, s11, v13;
	v18 =	vmov s24;
	v19 =	vsel vm1, s7, v19;
	s11 =	sshrl.u32 s2, $0x1F  }
0x1a9: {  	s10 =	sshra.s32 s3, $0xD;
	s13 =	sshrl.u32 s1, $0x1F;
	v13 =	vsel vm5, s18, v13;
	v18 =	vsel vm0, s30, v18;
	v19 =	vsel vm2, s11, v19  }
0x1aa: {  	s6 =	sshra.s32 s1, $0xD;
	s2 =	sshra.s32 s2, $0xD;
	v15 =	vsel vm6, s13, v15;
	v13 =	vsel vm14, s22, v13;
	v18 =	vsel vm1, s10, v18  }
0x1ab: {  	s14 =	sshrl.u32 s23, $0x1F;
	s8 =	sshra.s32 s1, $0x1F;
	v36 =	vcombine.low v17, v19;
	v13 =	vsel vm6, s6, v13;
	v18 =	vsel vm2, s2, v18  }
0x1ac: {  	s12 =	sshra.s32 s23, $0xD;
	v15 =	vsel vm7, s14, v15;
	v13 =	vsel vm15, s8, v13;
	v35 =	vcombine.low v16, v18  }
0x1ad: {  	v15 =	vperm.xlane v15, v2;
	v14 =	vperm.xlane v36, v1;
	v13 =	vsel vm7, s12, v13  }
0x1ae: {  	v12 =	vperm.xlane v35, v1;
	v13 =	vperm.xlane v13, v2  }
0x1af: {  	v8 =	vsel vm8, v8, v10;
	v9 =	vsel vm8, v9, v11  }
0x1b0: {  	v8 =	vadd.s32 v8, v9;
	v37 =	vsel vm8, v15, v14;
	v38 =	vsel vm8, v13, v12  }
0x1b1: {  	v8 =	vmul.u32 $0x186A0, v8;
	v9 =	vadd.s32 v37, v38  }
0x1b2: {  	v9 =	vmul.u32 $0x186A0, v9  }
0x1b3: {  	v5 =	vsub.s32 v5, v8  }
0x1b4: {  	s15 =	rddreg [dreg:$0x3];
	v5 =	vadd.s32 v6, v5;
	v7 =	vsub.s32 v7, v9  }
0x1b5: {  	s16 =	rddreg [dreg:$0x5];
	s17 =	simm.s32 $0xA00;
	[tilespmem:s15+$0xA00] =	vst v5;
	v5 =	vadd.s32 v6, v7  }
0x1b6: {  	s0 =	rddreg [dreg:$0xd];
	s18 =	simm.s32 $0xAF00;
	s10 =	simm.s32 $0x40;
	[tilespmem:s16+$0xA00] =	vst v5  }
0x1b7: {  	[tilespmem:s18], [sflag:$0x2] =	stream.indirect.gather [hbm4b:s0+s10], $0x20, s17, s10, $0xb8;
	[tilespmem:$0x15800] =	vst v63  }
0x1b8: {  	s20 =	simm.s32 $0xB700;
	s19 =	simm.s32 $0xA40  }
0x1b9: {  	[tilespmem:s20], [sflag:$0x2] =	stream.indirect.gather [hbm4b:s0+s10], $0x20, s19, s10, $0xb8;
	[tilespmem:$0x15800] =	vst v63  }
0x1ba: {  	s21 =	simm.s32 $0xA80;
	s22 =	simm.s32 $0xBF00  }
0x1bb: {  	[tilespmem:s22], [sflag:$0x2] =	stream.indirect.gather [hbm4b:s0+s10], $0x20, s21, s10, $0xb8;
	[tilespmem:$0x15800] =	vst v63  }
0x1bc: {  	s23 =	simm.s32 $0xAC0;
	s24 =	simm.s32 $0xC700  }
0x1bd: {  	[tilespmem:s24], [sflag:$0x2] =	stream.indirect.gather [hbm4b:s0+s10], $0x20, s23, s10, $0xb8;
	[tilespmem:$0x15800] =	vst v63  }
0x1be: {  	s26 =	simm.s32 $0xCF00;
	s25 =	simm.s32 $0xB00  }
0x1bf: {  	[tilespmem:s26], [sflag:$0x2] =	stream.indirect.gather [hbm4b:s0+s10], $0x20, s25, s10, $0xb8;
	[tilespmem:$0x15800] =	vst v63  }
0x1c0: {  	s29 =	simm.s32 $0xD700;
	s28 =	simm.s32 $0xB40  }
0x1c1: {  	[tilespmem:s29], [sflag:$0x2] =	stream.indirect.gather [hbm4b:s0+s10], $0x20, s28, s10, $0xb8;
	[tilespmem:$0x15800] =	vst v63  }
0x1c2: {  	s31 =	simm.s32 $0xDF00;
	s30 =	simm.s32 $0xB80  }
0x1c3: {  	[tilespmem:s31], [sflag:$0x2] =	stream.indirect.gather [hbm4b:s0+s10], $0x20, s30, s10, $0xb8;
	[tilespmem:$0x15800] =	vst v63  }
0x1c4: {  	s3 =	simm.s32 $0xE700;
	s2 =	simm.s32 $0xBC0  }
0x1c5: {  	[tilespmem:s3], [sflag:$0x2] =	stream.indirect.gather [hbm4b:s0+s10], $0x20, s2, s10, $0xb8;
	[tilespmem:$0x15800] =	vst v63  }
0x1c6: {  	s5 =	simm.s32 $0xEF00;
	s4 =	simm.s32 $0xC00  }
0x1c7: {  	[tilespmem:s5], [sflag:$0x2] =	stream.indirect.gather [hbm4b:s0+s10], $0x20, s4, s10, $0xb8;
	[tilespmem:$0x15800] =	vst v63  }
0x1c8: {  	s7 =	simm.s32 $0xF700;
	s6 =	simm.s32 $0xC40  }
0x1c9: {  	[tilespmem:s7], [sflag:$0x2] =	stream.indirect.gather [hbm4b:s0+s10], $0x20, s6, s10, $0xb8;
	[tilespmem:$0x15800] =	vst v63  }
0x1ca: {  	s9 =	simm.s32 $0xFF00;
	s8 =	simm.s32 $0xC80  }
0x1cb: {  	[tilespmem:s9], [sflag:$0x2] =	stream.indirect.gather [hbm4b:s0+s10], $0x20, s8, s10, $0xb8;
	[tilespmem:$0x15800] =	vst v63  }
0x1cc: {  	s11 =	simm.s32 $0xCC0;
	s12 =	simm.s32 $0x10700  }
0x1cd: {  	[tilespmem:s12], [sflag:$0x2] =	stream.indirect.gather [hbm4b:s0+s10], $0x20, s11, s10, $0xb8;
	[tilespmem:$0x15800] =	vst v63  }
0x1ce: {  	s13 =	simm.s32 $0xD00;
	s14 =	simm.s32 $0x10F00  }
0x1cf: {  	[tilespmem:s14], [sflag:$0x2] =	stream.indirect.gather [hbm4b:s0+s10], $0x20, s13, s10, $0xb8;
	[tilespmem:$0x15800] =	vst v63  }
0x1d0: {  	s15 =	simm.s32 $0xD40;
	s16 =	simm.s32 $0x11700  }
0x1d1: {  	[tilespmem:s16], [sflag:$0x2] =	stream.indirect.gather [hbm4b:s0+s10], $0x20, s15, s10, $0xb8;
	[tilespmem:$0x15800] =	vst v63  }
0x1d2: {  	s17 =	simm.s32 $0xD80;
	s18 =	simm.s32 $0x11F00  }
0x1d3: {  	[tilespmem:s18], [sflag:$0x2] =	stream.indirect.gather [hbm4b:s0+s10], $0x20, s17, s10, $0xb8;
	[tilespmem:$0x15800] =	vst v63  }
0x1d4: {  	s19 =	simm.s32 $0xDC0;
	s20 =	simm.s32 $0x12700  }
0x1d5: {  	[tilespmem:s20], [sflag:$0x2] =	stream.indirect.gather [hbm4b:s0+s10], $0x20, s19, s10, $0xb8;
	[tilespmem:$0x15800] =	vst v63  }
0x1d6: {  	s21 =	simm.s32 $0xE00;
	s22 =	simm.s32 $0x12F00  }
0x1d7: {  	[tilespmem:s22], [sflag:$0x2] =	stream.indirect.gather [hbm4b:s0+s10], $0x20, s21, s10, $0xb8;
	[tilespmem:$0x15800] =	vst v63  }
0x1d8: {  	s23 =	simm.s32 $0xE40;
	s24 =	simm.s32 $0x13700  }
0x1d9: {  	[tilespmem:s24], [sflag:$0x2] =	stream.indirect.gather [hbm4b:s0+s10], $0x20, s23, s10, $0xb8;
	[tilespmem:$0x15800] =	vst v63  }
0x1da: {  	s25 =	simm.s32 $0xE80;
	s26 =	simm.s32 $0x13F00  }
0x1db: {  	[tilespmem:s26], [sflag:$0x2] =	stream.indirect.gather [hbm4b:s0+s10], $0x20, s25, s10, $0xb8;
	[tilespmem:$0x15800] =	vst v63  }
0x1dc: {  	s28 =	simm.s32 $0xEC0;
	s29 =	simm.s32 $0x14700;
	s30 =	simm.s32 $0x1  }
0x1dd: {  	[tilespmem:s29], [sflag:$0x2] =	stream.indirect.gather [hbm4b:s0+s10], $0x20, s28, s10, $0xb8;
	[tilespmem:$0x15800] =	vst v63  }
0x1de: {  	_ =	swait.ge [sflag:s30], $0x800  }
0x1df: {  	[sflag:s30] =	ssyncset.done $0x0  }
0x1e0: {  	[sflag:s30] =	ssyncadd.s32 $0xFFFFF800  }
0x1e1: {  	_ =	swait.ge [sflag:s30], $0x800  }
0x1e2: {  	[sflag:s30] =	ssyncset.done $0x0  }
0x1e3: {  	[sflag:s30] =	ssyncadd.s32 $0xFFFFF800  }
0x1e4: {  	_ =	swait.ge [sflag:s30], $0x800  }
0x1e5: {  	[sflag:s30] =	ssyncset.done $0x0  }
0x1e6: {  	[sflag:s30] =	ssyncadd.s32 $0xFFFFF800  }
0x1e7: {  	_ =	swait.ge [sflag:s30], $0x800  }
0x1e8: {  	[sflag:s30] =	ssyncset.done $0x0  }
0x1e9: {  	[sflag:s30] =	ssyncadd.s32 $0xFFFFF800  }
0x1ea: {  	_ =	swait.ge [sflag:s30], $0x800  }
0x1eb: {  	[sflag:s30] =	ssyncset.done $0x0  }
0x1ec: {  	[sflag:s30] =	ssyncadd.s32 $0xFFFFF800  }
0x1ed: {  	_ =	swait.ge [sflag:s30], $0x800  }
0x1ee: {  	[sflag:s30] =	ssyncset.done $0x0  }
0x1ef: {  	[sflag:s30] =	ssyncadd.s32 $0xFFFFF800  }
0x1f0: {  	_ =	swait.ge [sflag:s30], $0x800  }
0x1f1: {  	[sflag:s30] =	ssyncset.done $0x0  }
0x1f2: {  	[sflag:s30] =	ssyncadd.s32 $0xFFFFF800  }
0x1f3: {  	_ =	swait.ge [sflag:s30], $0x800  }
0x1f4: {  	[sflag:s30] =	ssyncset.done $0x0  }
0x1f5: {  	[sflag:s30] =	ssyncadd.s32 $0xFFFFF800  }
0x1f6: {  	_ =	swait.ge [sflag:s30], $0x800  }
0x1f7: {  	[sflag:s30] =	ssyncset.done $0x0  }
0x1f8: {  	[sflag:s30] =	ssyncadd.s32 $0xFFFFF800  }
0x1f9: {  	_ =	swait.ge [sflag:s30], $0x800  }
0x1fa: {  	[sflag:s30] =	ssyncset.done $0x0  }
0x1fb: {  	[sflag:s30] =	ssyncadd.s32 $0xFFFFF800  }
0x1fc: {  	_ =	swait.ge [sflag:s30], $0x800  }
0x1fd: {  	[sflag:s30] =	ssyncset.done $0x0  }
0x1fe: {  	[sflag:s30] =	ssyncadd.s32 $0xFFFFF800  }
0x1ff: {  	_ =	swait.ge [sflag:s30], $0x800  }
0x200: {  	[sflag:s30] =	ssyncset.done $0x0  }
0x201: {  	[sflag:s30] =	ssyncadd.s32 $0xFFFFF800  }
0x202: {  	_ =	swait.ge [sflag:s30], $0x800  }
0x203: {  	[sflag:s30] =	ssyncset.done $0x0  }
0x204: {  	[sflag:s30] =	ssyncadd.s32 $0xFFFFF800  }
0x205: {  	_ =	swait.ge [sflag:s30], $0x800  }
0x206: {  	[sflag:s30] =	ssyncset.done $0x0  }
0x207: {  	[sflag:s30] =	ssyncadd.s32 $0xFFFFF800  }
0x208: {  	_ =	swait.ge [sflag:s30], $0x800  }
0x209: {  	[sflag:s30] =	ssyncset.done $0x0  }
0x20a: {  	[sflag:s30] =	ssyncadd.s32 $0xFFFFF800  }
0x20b: {  	_ =	swait.ge [sflag:s30], $0x800  }
0x20c: {  	[sflag:s30] =	ssyncset.done $0x0  }
0x20d: {  	[sflag:s30] =	ssyncadd.s32 $0xFFFFF800  }
0x20e: {  	_ =	swait.ge [sflag:s30], $0x800  }
0x20f: {  	[sflag:s30] =	ssyncset.done $0x0  }
0x210: {  	[sflag:s30] =	ssyncadd.s32 $0xFFFFF800  }
0x211: {  	_ =	swait.ge [sflag:s30], $0x800  }
0x212: {  	[sflag:s30] =	ssyncset.done $0x0  }
0x213: {  	[sflag:s30] =	ssyncadd.s32 $0xFFFFF800  }
0x214: {  	_ =	swait.ge [sflag:s30], $0x800  }
0x215: {  	[sflag:s30] =	ssyncset.done $0x0  }
0x216: {  	[sflag:s30] =	ssyncadd.s32 $0xFFFFF800  }
0x217: {  	_ =	swait.ge [sflag:s30], $0x800  }
0x218: {  	[sflag:s30] =	ssyncset.done $0x0  }
0x219: {  	s31 =	simm.s32 $0x0;
	[sflag:s30] =	ssyncadd.s32 $0xFFFFF800  }
0x21a: {  	v5 =	vld [tilespmem:s31+$0x1710]  }
0x21b: {  	v6 =	vld [tilespmem:s31+$0x1700]  }
0x21c: {  	v7 =	vld [tilespmem:s31+$0xF00]  }
0x21d: {  	v8 =	vld [tilespmem:s31+$0xF10]  }
0x21e: {  	v39 =	vld [tilespmem:s31+$0x1F00]  }
0x21f: {  	v40 =	vld [tilespmem:s31+$0x1F10]  }
0x220: {  	v41 =	vld [tilespmem:s31+$0x2700]  }
0x221: {  	v6 =	vadd.f32 v6, v7;
	v7 =	vld [tilespmem:s31+$0x2710]  }
0x222: {  	v5 =	vadd.f32 v5, v8;
	v8 =	vld [tilespmem:s31+$0x2F00]  }
0x223: {  	v42 =	vld [tilespmem:s31+$0x2F10];
	v6 =	vadd.f32 v39, v6  }
0x224: {  	v43 =	vld [tilespmem:s31+$0x3700];
	v5 =	vadd.f32 v40, v5  }
0x225: {  	v44 =	vld [tilespmem:s31+$0x3710];
	v6 =	vadd.f32 v41, v6  }
0x226: {  	v5 =	vadd.f32 v7, v5;
	v7 =	vld [tilespmem:s31+$0x3F00]  }
0x227: {  	v6 =	vadd.f32 v8, v6;
	v8 =	vld [tilespmem:s31+$0x3F10]  }
0x228: {  	v45 =	vld [tilespmem:s31+$0x4700];
	v5 =	vadd.f32 v42, v5  }
0x229: {  	v46 =	vld [tilespmem:s31+$0x4710];
	v6 =	vadd.f32 v43, v6  }
0x22a: {  	v47 =	vld [tilespmem:s31+$0x4F00];
	v5 =	vadd.f32 v44, v5  }
0x22b: {  	v6 =	vadd.f32 v7, v6;
	v7 =	vld [tilespmem:s31+$0x4F10]  }
0x22c: {  	v5 =	vadd.f32 v8, v5;
	v8 =	vld [tilespmem:s31+$0x5700]  }
0x22d: {  	v48 =	vld [tilespmem:s31+$0x5710];
	v6 =	vadd.f32 v45, v6  }
0x22e: {  	v49 =	vld [tilespmem:s31+$0x5F00];
	v5 =	vadd.f32 v46, v5  }
0x22f: {  	v50 =	vld [tilespmem:s31+$0x5F10];
	v6 =	vadd.f32 v47, v6  }
0x230: {  	v5 =	vadd.f32 v7, v5;
	v7 =	vld [tilespmem:s31+$0x6700]  }
0x231: {  	v6 =	vadd.f32 v8, v6;
	v8 =	vld [tilespmem:s31+$0x6710]  }
0x232: {  	v51 =	vld [tilespmem:s31+$0x6F00];
	v5 =	vadd.f32 v48, v5  }
0x233: {  	v52 =	vld [tilespmem:s31+$0x6F10];
	v6 =	vadd.f32 v49, v6  }
0x234: {  	v53 =	vld [tilespmem:s31+$0x7700];
	v5 =	vadd.f32 v50, v5  }
0x235: {  	v6 =	vadd.f32 v7, v6;
	v7 =	vld [tilespmem:s31+$0x7710]  }
0x236: {  	v5 =	vadd.f32 v8, v5;
	v8 =	vld [tilespmem:s31+$0x7F00]  }
0x237: {  	v54 =	vld [tilespmem:s31+$0x7F10];
	v6 =	vadd.f32 v51, v6  }
0x238: {  	v55 =	vld [tilespmem:s31+$0x8700];
	v5 =	vadd.f32 v52, v5  }
0x239: {  	v56 =	vld [tilespmem:s31+$0x8710];
	v6 =	vadd.f32 v53, v6  }
0x23a: {  	v5 =	vadd.f32 v7, v5;
	v7 =	vld [tilespmem:s31+$0x8F00]  }
0x23b: {  	v6 =	vadd.f32 v8, v6;
	v8 =	vld [tilespmem:s31+$0x8F10]  }
0x23c: {  	v57 =	vld [tilespmem:s31+$0x9700];
	v5 =	vadd.f32 v54, v5  }
0x23d: {  	v58 =	vld [tilespmem:s31+$0x9710];
	v6 =	vadd.f32 v55, v6  }
0x23e: {  	v59 =	vld [tilespmem:s31+$0x9F00];
	v5 =	vadd.f32 v56, v5  }
0x23f: {  	s7 =	simm.s32 $0x0;
	v6 =	vadd.f32 v7, v6;
	v7 =	vld [tilespmem:s31+$0x9F10]  }
0x240: {  	v60 =	vmov s7;
	v5 =	vadd.f32 v8, v5;
	v8 =	vld [tilespmem:s31+$0xA700]  }
0x241: {  	v12 =	vand.u32 $0x3F, v60;
	v61 =	vld [tilespmem:s31+$0xA710];
	v6 =	vadd.f32 v57, v6  }
0x242: {  	v62 =	vadd.s32 v3, v12;
	v5 =	vadd.f32 v58, v5  }
0x243: {  	v63 =	vadd.s32 v4, v12;
	v6 =	vadd.f32 v59, v6  }
0x244: {  	v5 =	vadd.f32 v7, v5  }
0x245: {  	v6 =	vadd.f32 v8, v6  }
0x246: {  	s3 =	simm.s32 $0x14F00;
	v5 =	vadd.f32 v61, v5  }
0x247: {  	[tilespmem:v62+s3+$0x0] =	vst.idx.msk $0xffff, v6  }
0x248: {  	s9 =	simm.s32 $0x20;
	[tilespmem:v63+s3+$0x0] =	vst.idx.msk $0xffff, v5  }
0x249: {  	v5 =	vld [tilespmem:s9+$0x1710]  }
0x24a: {  	v6 =	vld [tilespmem:s9+$0x1700]  }
0x24b: {  	s2 =	simm.s32 $0x100;
	v7 =	vld [tilespmem:s9+$0xF00]  }
.LBB2_7:
0x24c: {  	p0 =	sne.s32 s2, $0x1F80;
	v8 =	vld [tilespmem:s9+$0xF10]  }
0x24d: {  	v9 =	vld [tilespmem:s9+$0x1F00]  }
0x24e: {  	v10 =	vld [tilespmem:s9+$0x1F10]  }
0x24f: {  	v11 =	vld [tilespmem:s9+$0x2700]  }
0x250: {  	v6 =	vadd.f32 v6, v7;
	v7 =	vld [tilespmem:s9+$0x2710]  }
0x251: {  	v5 =	vadd.f32 v5, v8;
	v8 =	vld [tilespmem:s9+$0x2F00]  }
0x252: {  	v6 =	vadd.f32 v9, v6;
	v9 =	vld [tilespmem:s9+$0x2F10]  }
0x253: {  	v5 =	vadd.f32 v10, v5;
	v10 =	vld [tilespmem:s9+$0x3700]  }
0x254: {  	v6 =	vadd.f32 v11, v6;
	v11 =	vld [tilespmem:s9+$0x3710]  }
0x255: {  	v5 =	vadd.f32 v7, v5;
	v7 =	vld [tilespmem:s9+$0x3F00]  }
0x256: {  	v6 =	vadd.f32 v8, v6;
	v8 =	vld [tilespmem:s9+$0x3F10]  }
0x257: {  	v5 =	vadd.f32 v9, v5;
	v9 =	vld [tilespmem:s9+$0x4700]  }
0x258: {  	v6 =	vadd.f32 v10, v6;
	v10 =	vld [tilespmem:s9+$0x4710]  }
0x259: {  	v5 =	vadd.f32 v11, v5;
	v11 =	vld [tilespmem:s9+$0x4F00]  }
0x25a: {  	v6 =	vadd.f32 v7, v6;
	v7 =	vld [tilespmem:s9+$0x4F10]  }
0x25b: {  	v5 =	vadd.f32 v8, v5;
	v8 =	vld [tilespmem:s9+$0x5700]  }
0x25c: {  	v6 =	vadd.f32 v9, v6;
	v9 =	vld [tilespmem:s9+$0x5710]  }
0x25d: {  	v5 =	vadd.f32 v10, v5;
	v10 =	vld [tilespmem:s9+$0x5F00]  }
0x25e: {  	v6 =	vadd.f32 v11, v6;
	v11 =	vld [tilespmem:s9+$0x5F10]  }
0x25f: {  	v5 =	vadd.f32 v7, v5;
	v7 =	vld [tilespmem:s9+$0x6700]  }
0x260: {  	v6 =	vadd.f32 v8, v6;
	v8 =	vld [tilespmem:s9+$0x6710]  }
0x261: {  	v5 =	vadd.f32 v9, v5;
	v9 =	vld [tilespmem:s9+$0x6F00]  }
0x262: {  	v6 =	vadd.f32 v10, v6;
	v10 =	vld [tilespmem:s9+$0x6F10]  }
0x263: {  	v5 =	vadd.f32 v11, v5;
	v11 =	vld [tilespmem:s9+$0x7700]  }
0x264: {  	v6 =	vadd.f32 v7, v6;
	v7 =	vld [tilespmem:s9+$0x7710]  }
0x265: {  	v5 =	vadd.f32 v8, v5;
	v8 =	vld [tilespmem:s9+$0x7F00]  }
0x266: {  	v6 =	vadd.f32 v9, v6;
	v9 =	vld [tilespmem:s9+$0x7F10]  }
0x267: {  	v5 =	vadd.f32 v10, v5;
	v10 =	vld [tilespmem:s9+$0x8700]  }
0x268: {  	v6 =	vadd.f32 v11, v6;
	v11 =	vld [tilespmem:s9+$0x8710]  }
0x269: {  	v5 =	vadd.f32 v7, v5;
	v7 =	vld [tilespmem:s9+$0x8F00]  }
0x26a: {  	v6 =	vadd.f32 v8, v6;
	v8 =	vld [tilespmem:s9+$0x8F10]  }
0x26b: {  	v5 =	vadd.f32 v9, v5;
	v9 =	vld [tilespmem:s9+$0x9700]  }
0x26c: {  	v6 =	vadd.f32 v10, v6;
	v10 =	vld [tilespmem:s9+$0x9710]  }
0x26d: {  	v5 =	vadd.f32 v11, v5;
	v11 =	vld [tilespmem:s9+$0x9F00]  }
0x26e: {  	s7 =	sadd.s32 $0x1, s7;
	v6 =	vadd.f32 v7, v6;
	v7 =	vld [tilespmem:s9+$0x9F10]  }
0x26f: {  	v12 =	vmov s7;
	v5 =	vadd.f32 v8, v5;
	v8 =	vld [tilespmem:s9+$0xA700]  }
0x270: {  	v12 =	vand.u32 $0x3F, v12;
	v6 =	vadd.f32 v9, v6;
	v9 =	vld [tilespmem:s9+$0xA710]  }
0x271: {  	v5 =	vadd.f32 v10, v5;
	v10 =	vadd.s32 v3, v12  }
0x272: {  	v6 =	vadd.f32 v11, v6;
	v11 =	vadd.s32 v4, v12  }
0x273: {  	v5 =	vadd.f32 v7, v5  }
0x274: {  	v6 =	vadd.f32 v8, v6  }
0x275: {  	v5 =	vadd.f32 v9, v5  }
.Ltmp2:
0x276: {  	[tilespmem:v10+s3+$0x0] =	vst.idx.msk $0xffff, v6;
	(pc) =	sbr.rel @p0 .LBB2_7-.Ltmp2, $4  }
0x277: {  	s9 =	sshra.s32 s2, $0x2;
	[tilespmem:v11+s3+$0x0] =	vst.idx.msk $0xffff, v5  }
0x278: {  	v5 =	vld [tilespmem:s9+$0x1710]  }
0x279: {  	v6 =	vld [tilespmem:s9+$0x1700]  }
0x27a: {  	s2 =	sadd.s32 $0x80, s2;
	v7 =	vld [tilespmem:s9+$0xF00]  }
0x27b: {  	v8 =	vld [tilespmem:s9+$0xF10]  }
0x27c: {  	v9 =	vld [tilespmem:s9+$0x1F00]  }
0x27d: {  	v10 =	vld [tilespmem:s9+$0x1F10]  }
0x27e: {  	v11 =	vld [tilespmem:s9+$0x2700]  }
0x27f: {  	v6 =	vadd.f32 v6, v7;
	v7 =	vld [tilespmem:s9+$0x2710]  }
0x280: {  	v36 =	vld [tilespmem:s9+$0x2F00];
	v5 =	vadd.f32 v5, v8  }
0x281: {  	v37 =	vld [tilespmem:s9+$0x2F10];
	v6 =	vadd.f32 v9, v6  }
0x282: {  	v38 =	vld [tilespmem:s9+$0x3700];
	v5 =	vadd.f32 v10, v5  }
0x283: {  	v39 =	vld [tilespmem:s9+$0x3710];
	v6 =	vadd.f32 v11, v6  }
0x284: {  	v5 =	vadd.f32 v7, v5;
	v7 =	vld [tilespmem:s9+$0x3F00]  }
0x285: {  	v40 =	vld [tilespmem:s9+$0x3F10];
	v6 =	vadd.f32 v36, v6  }
0x286: {  	v41 =	vld [tilespmem:s9+$0x4700];
	v5 =	vadd.f32 v37, v5  }
0x287: {  	v42 =	vld [tilespmem:s9+$0x4710];
	v6 =	vadd.f32 v38, v6  }
0x288: {  	v43 =	vld [tilespmem:s9+$0x4F00];
	v5 =	vadd.f32 v39, v5  }
0x289: {  	v6 =	vadd.f32 v7, v6;
	v7 =	vld [tilespmem:s9+$0x4F10]  }
0x28a: {  	v44 =	vld [tilespmem:s9+$0x5700];
	v5 =	vadd.f32 v40, v5  }
0x28b: {  	v45 =	vld [tilespmem:s9+$0x5710];
	v6 =	vadd.f32 v41, v6  }
0x28c: {  	v46 =	vld [tilespmem:s9+$0x5F00];
	v5 =	vadd.f32 v42, v5  }
0x28d: {  	v47 =	vld [tilespmem:s9+$0x5F10];
	v6 =	vadd.f32 v43, v6  }
0x28e: {  	v5 =	vadd.f32 v7, v5;
	v7 =	vld [tilespmem:s9+$0x6700]  }
0x28f: {  	v48 =	vld [tilespmem:s9+$0x6710];
	v6 =	vadd.f32 v44, v6  }
0x290: {  	v49 =	vld [tilespmem:s9+$0x6F00];
	v5 =	vadd.f32 v45, v5  }
0x291: {  	v50 =	vld [tilespmem:s9+$0x6F10];
	v6 =	vadd.f32 v46, v6  }
0x292: {  	v51 =	vld [tilespmem:s9+$0x7700];
	v5 =	vadd.f32 v47, v5  }
0x293: {  	v6 =	vadd.f32 v7, v6;
	v7 =	vld [tilespmem:s9+$0x7710]  }
0x294: {  	v52 =	vld [tilespmem:s9+$0x7F00];
	v5 =	vadd.f32 v48, v5  }
0x295: {  	v53 =	vld [tilespmem:s9+$0x7F10];
	v6 =	vadd.f32 v49, v6  }
0x296: {  	v54 =	vld [tilespmem:s9+$0x8700];
	v5 =	vadd.f32 v50, v5  }
0x297: {  	v55 =	vld [tilespmem:s9+$0x8710];
	v6 =	vadd.f32 v51, v6  }
0x298: {  	v5 =	vadd.f32 v7, v5;
	v7 =	vld [tilespmem:s9+$0x8F00]  }
0x299: {  	v56 =	vld [tilespmem:s9+$0x8F10];
	v6 =	vadd.f32 v52, v6  }
0x29a: {  	v57 =	vld [tilespmem:s9+$0x9700];
	v5 =	vadd.f32 v53, v5  }
0x29b: {  	v58 =	vld [tilespmem:s9+$0x9710];
	v6 =	vadd.f32 v54, v6  }
0x29c: {  	v59 =	vld [tilespmem:s9+$0x9F00];
	v5 =	vadd.f32 v55, v5  }
0x29d: {  	s0 =	sadd.s32 $0x1, s7;
	v6 =	vadd.f32 v7, v6;
	v7 =	vld [tilespmem:s9+$0x9F10]  }
0x29e: {  	v60 =	vld [tilespmem:s9+$0xA700];
	v12 =	vmov s0;
	v5 =	vadd.f32 v56, v5  }
0x29f: {  	v61 =	vld [tilespmem:s9+$0xA710];
	v12 =	vand.u32 $0x3F, v12;
	v6 =	vadd.f32 v57, v6  }
0x2a0: {  	s30 =	rddreg [dreg:$0xc];
	v62 =	vadd.s32 v3, v12;
	v5 =	vadd.f32 v58, v5  }
0x2a1: {  	s6 =	rddreg [dreg:$0x16];
	v63 =	vadd.s32 v4, v12;
	v6 =	vadd.f32 v59, v6  }
0x2a2: {  	s0 =	sadd.s32 s30, s6;
	v5 =	vadd.f32 v7, v5  }
0x2a3: {  	s2 =	rddreg [dreg:$0xe];
	s31 =	simm.s32 $0x14F00;
	s1 =	sshll.u32 s0, $0x3;
	v6 =	vadd.f32 v60, v6  }
0x2a4: {  	s8 =	simm.s32 $0x0;
	s0 =	sshll.u32 s0, $0x8;
	s1 =	sand.u32 $0x1F0, s1;
	v5 =	vadd.f32 v61, v5  }
0x2a5: {  	s4 =	simm.s32 $0x3;
	s0 =	sand.u32 $0xFFFC000, s0;
	s1 =	sadd.s32 s2, s1;
	[tilespmem:v62+s3+$0x0] =	vst.idx.msk $0xffff, v6  }
0x2a6: {  	s5 =	rddreg [dreg:$0x13];
	s0 =	sadd.s32 s0, s1;
	s1 =	simm.s32 $0x120;
	[tilespmem:v63+s3+$0x0] =	vst.idx.msk $0xffff, v5  }
0x2a7: {  	[hbm4b:s0+s8] =	stream.linear.scatter [tilespmem:s31], [sflag:$0x3], $0x40, $0x38;
	[tilespmem:$0x15800] =	vst v63  }
.LBB2_9:
0x2a8: {  	p0 =	sne.s32 s1, $0x22E0  }
.Ltmp3:
0x2a9: {  	_ = 	snop;
	(pc) =	sbr.rel @p0 .LBB2_9-.Ltmp3, $4  }
0x2aa: {  	_ = 	snop  }
0x2ab: {  	s2 =	sshra.s32 s1, $0x2;
	s1 =	sadd.s32 $0x120, s1  }
0x2ac: {  	s0 =	sadd.s32 $0x200, s0;
	s2 =	sadd.s32 $0x14F00, s2  }
0x2ad: {  	[hbm4b:s0+s8] =	stream.linear.scatter [tilespmem:s2], [sflag:$0x3], $0x40, $0x38;
	[tilespmem:$0x15800] =	vst v63  }
0x2ae: {  	p0 =	seq.s32 s5, $0x19  }
.Ltmp4:
0x2af: {  	_ = 	snop;
	(pc) =	sbr.rel @p0 .LBB2_14-.Ltmp4, $4  }
0x2b0: {  	_ = 	snop  }
0x2b1: {  	_ =	swait.ge [sflag:s4], $0x800  }
0x2b2: {  	[sflag:s4] =	ssyncset.done $0x0  }
0x2b3: {  	[sflag:s4] =	ssyncadd.s32 $0xFFFFF800  }
0x2b4: {  	s0 =	rddreg [dreg:$0x10]  }
0x2b5: {  	s0 =	sadd.s32 s6, s0  }
0x2b6: {  	s1 =	sshrl.u32 s0, $0x6  }
0x2b7: {  	s0 =	sshll.u32 s0, $0x6;
	s2 =	smul.u32 $0x14000, s1  }
0x2b8: {  	s0 =	sand.u32 $0xF80, s0  }
0x2b9: {  	s0 =	sor.u32 s0, s2  }
0x2ba: {  	s15 =	rddreg [dreg:$0x0];
	s0 =	sshrl.u32 s0, $0x3  }
0x2bb: {  	s16 =	simm.s32 $0x0;
	s3 =	simm.s32 $0x1000;
	s0 =	sadd.s32 s15, s0  }
0x2bc: {  	[tilespmem:s16], [sflag:$0x3] =	stream.strided.gather [hbm4b:s0+s10], $0x500, s3, s10, $0x38;
	[tilespmem:$0x15800] =	vst v63  }
0x2bd: {  	_ =	swait.ge [sflag:s4], $0x500  }
0x2be: {  	[sflag:s4] =	ssyncset.done $0x0  }
0x2bf: {  	s17 =	simm.s32 $0x0;
	[sflag:s4] =	ssyncadd.s32 $0xFFFFFB00  }
0x2c0: {  	v5 =	vld [tilespmem:s17+$0x0];
	_ =	sdelay $0x4  }
0x2c1: {  	(v2sf) =	vpush v5, $0x1;
	_ =	sdelay $0x1  }
0x2c2: {  	(v2sf) =	vpush v5, $0x0  }
0x2c3: {  	(v2sf) =	vpush v5, $0x7;
	_ =	sdelay $0x2  }
0x2c4: {  	(v2sf) =	vpush v5, $0x2  }
0x2c5: {  	(v2sf) =	vpush v5, $0xE;
	_ =	sdelay $0x1  }
0x2c6: {  	(v2sf) =	vpush v5, $0x3;
	_ =	sdelay $0x1  }
0x2c7: {  	(v2sf) =	vpush v5, $0x4;
	_ =	sdelay $0x1  }
0x2c8: {  	(v2sf) =	vpush v5, $0xC;
	_ =	sdelay $0x1  }
0x2c9: {  	s1 =	smul.u32 $0x186A0, s1;
	(v2sf) =	vpush v5, $0x8;
	s19 =	spop (v2sf)  }
0x2ca: {  	s5 =	smulhi.u32 $0x14F8B589, s19;
	s2 =	sshra.s32 s19, $0x1F  }
0x2cb: {  	s20 =	spop (v2sf);
	s2 =	smul.u32 $0x14F8B589, s2  }
0x2cc: {  	(v2sf) =	vpush v5, $0x9;
	s21 =	spop (v2sf);
	s4 =	smulhi.u32 $0x14F8B589, s20  }
0x2cd: {  	s24 =	sshra.s32 s20, $0x1F;
	s7 =	smulhi.u32 $0x14F8B589, s21  }
0x2ce: {  	s3 =	sshra.s32 s21, $0x1F;
	s10 =	smul.u32 $0x14F8B589, s24  }
0x2cf: {  	(v2sf) =	vpush v5, $0xD;
	s22 =	spop (v2sf);
	s3 =	smul.u32 $0x14F8B589, s3  }
0x2d0: {  	s18 =	simm.s32 $0x0;
	(v2sf) =	vpush v5, $0xB;
	s8 =	spop (v2sf);
	s6 =	smulhi.u32 $0x14F8B589, s22  }
0x2d1: {  	[dreg:$0x4] =	wrdreg s18;
	(v2sf) =	vpush v5, $0x5;
	s9 =	sshra.s32 s22, $0x1F;
	s23 =	smulhi.u32 $0x14F8B589, s8  }
0x2d2: {  	s2 =	sadd.s32 s2, s5;
	s11 =	spop (v2sf);
	s9 =	smul.u32 $0x14F8B589, s9  }
0x2d3: {  	s22 =	sshra.s32 s2, $0xD;
	s4 =	sadd.s32 s10, s4;
	s10 =	sshra.s32 s8, $0x1F  }
0x2d4: {  	s12 =	sshra.s32 s11, $0x1F;
	s13 =	spop (v2sf);
	s11 =	smulhi.u32 $0x14F8B589, s11  }
0x2d5: {  	(v2sf) =	vpush v5, $0xA;
	s7 =	sadd.s32 s3, s7;
	[dreg:$0x8] =	wrdreg s23;
	s15 =	sshra.s32 s13, $0x1F  }
0x2d6: {  	(v2sf) =	vpush v5, $0xF;
	s16 =	spop (v2sf);
	s17 =	sshra.s32 s7, $0x1F;
	s13 =	smulhi.u32 $0x14F8B589, s13  }
0x2d7: {  	s6 =	sadd.s32 s9, s6;
	s9 =	simm.s32 $0x10;
	s15 =	smul.u32 $0x14F8B589, s15  }
0x2d8: {  	(v2sf) =	vpush v5, $0x6;
	s18 =	spop (v2sf);
	s3 =	sshra.s32 s16, $0x1F;
	s21 =	smulhi.u32 $0x14F8B589, s16  }
0x2d9: {  	s0 =	sshrl.u32 s6, $0x1F;
	s26 =	sshra.s32 s6, $0xD;
	s16 =	smul.u32 $0x14F8B589, s12  }
0x2da: {  	s29 =	sshra.s32 s6, $0x1F;
	v6 =	vmov s17;
	s17 =	sshra.s32 s4, $0xD;
	s20 =	smulhi.u32 $0x14F8B589, s18  }
0x2db: {  	s5 =	sshra.s32 s18, $0x1F;
	s28 =	spop (v2sf);
	s31 =	smul.u32 $0x14F8B589, s3  }
0x2dc: {  	s19 =	smulhi.u32 $0x14F8B589, s28;
	s23 =	sshra.s32 s28, $0x1F;
	s13 =	sadd.s32 s15, s13  }
0x2dd: {  	s15 =	sshrl.u32 s2, $0x1F;
	s16 =	sadd.s32 s16, s11;
	s23 =	smul.u32 $0x14F8B589, s23  }
0x2de: {  	v6 =	vsel vm3, s17, v6;
	s17 =	sshra.s32 s13, $0xD;
	s3 =	sshra.s32 s16, $0x1F;
	s25 =	spop (v2sf)  }
0x2df: {  	v7 =	vld [tilespmem:s9+$0x0];
	s14 =	spop (v2sf);
	s28 =	sshra.s32 s25, $0x1F;
	s25 =	smulhi.u32 $0x14F8B589, s25  }
0x2e0: {  	s19 =	sadd.s32 s23, s19;
	s24 =	smulhi.u32 $0x14F8B589, s14;
	s23 =	spop (v2sf)  }
0x2e1: {  	s11 =	smul.u32 $0x14F8B589, s28;
	s18 =	sshra.s32 s14, $0x1F;
	s28 =	sshra.s32 s2, $0x1F  }
0x2e2: {  	s14 =	sshra.s32 s4, $0x1F;
	s2 =	simm.s32 $0x80;
	s6 =	smul.u32 $0x14F8B589, s18  }
0x2e3: {  	s4 =	sshrl.u32 s4, $0x1F;
	v8 =	vsel vm9, s14, v6;
	s12 =	sadd.s32 s11, s25;
	s11 =	smul.u32 $0x14F8B589, s10  }
0x2e4: {  	(v2sf) =	vpush v7, $0x1;
	s8 =	sshra.s32 s23, $0x1F;
	s30 =	spop (v2sf);
	s25 =	smulhi.u32 $0x14F8B589, s23;
	v8 =	vsel vm0, s22, v8  }
0x2e5: {  	(v2sf) =	vpush v7, $0x0;
	v9 =	vmov s4;
	s23 =	spop (v2sf);
	s22 =	smul.u32 $0x14F8B589, s5;
	s10 =	sshra.s32 s30, $0x1F;
	v8 =	vsel vm10, s28, v8  }
0x2e6: {  	v6 =	vmov s1;
	v9 =	vnsel vm3, $0x0, v9;
	s1 =	smulhi.u32 $0x14F8B589, s23;
	s4 =	sshra.s32 s23, $0x1F;
	s28 =	sshra.s32 s16, $0xD;
	v8 =	vsel vm1, s26, v8  }
0x2e7: {  	(v2sf) =	vpush v7, $0x7;
	s18 =	sshra.s32 s12, $0xD;
	v9 =	vsel vm0, s15, v9;
	s15 =	sshrl.u32 s12, $0x1F;
	v10 =	vsel vm11, s29, v8;
	s29 =	spop (v2sf)  }
0x2e8: {  	(v2sf) =	vpush v7, $0x2;
	s12 =	smulhi.u32 $0x14F8B589, s30;
	s30 =	sshra.s32 s13, $0x1F;
	v8 =	vsel vm1, s0, v9;
	v9 =	vsel vm2, s28, v10;
	s26 =	sshra.s32 s29, $0x1F  }
.LBB2_12:
0x2e9: {  	s0 =	rddreg [dreg:$0x4]  }
0x2ea: {  	s4 =	smul.u32 $0x14F8B589, s4;
	s14 =	rddreg [dreg:$0x8];
	s28 =	sshrl.u32 s19, $0x1F  }
0x2eb: {  	s13 =	sshrl.u32 s13, $0x1F;
	s5 =	sadd.s32 s22, s20;
	s20 =	sadd.s32 s6, s24  }
0x2ec: {  	s6 =	smov.u32 s9;
	s9 =	sadd.s32 s11, s14;
	s14 =	smul.u32 $0x14F8B589, s8  }
0x2ed: {  	p0 =	sne.s32 s2, $0x13C0;
	s22 =	smov.u32 s2;
	s11 =	smulhi.u32 $0x14F8B589, s29  }
0x2ee: {  	(v2sf) =	vpush v7, $0xE;
	v9 =	vsel vm12, s3, v9;
	s24 =	smov.u32 s0;
	s21 =	sadd.s32 s31, s21;
	s0 =	smul.u32 $0x14F8B589, s10  }
0x2ef: {  	v9 =	vsel vm4, s17, v9;
	s17 =	sshrl.u32 s7, $0x1F;
	[dreg:$0x4] =	wrdreg s6;
	s23 =	sshrl.u32 s5, $0x1F  }
0x2f0: {  	(v2sf) =	vpush v7, $0x3;
	s6 =	sshrl.u32 s9, $0x1F;
	s8 =	sshrl.u32 s20, $0x1F;
	s1 =	sadd.s32 s4, s1  }
0x2f1: {  	(v2sf) =	vpush v7, $0x4;
	s9 =	sshra.s32 s9, $0xD;
	s5 =	sshra.s32 s5, $0xD;
	s10 =	sadd.s32 s14, s25  }
0x2f2: {  	v10 =	vmov s23;
	s23 =	smul.u32 $0x14F8B589, s26;
	s25 =	sshra.s32 s19, $0xD;
	s4 =	sadd.s32 s0, s12  }
0x2f3: {  	s0 =	sshra.s32 s20, $0xD;
	s19 =	sshra.s32 s21, $0xD;
	s12 =	sshra.s32 s1, $0xD  }
0x2f4: {  	(v2sf) =	vpush v7, $0xC;
	v11 =	vmov s5;
	s20 =	sshrl.u32 s21, $0x1F;
	s21 =	sshrl.u32 s16, $0x1F;
	s5 =	sshrl.u32 s10, $0x1F  }
0x2f5: {  	v10 =	vsel vm0, s28, v10;
	(v2sf) =	vpush v7, $0x8;
	v11 =	vsel vm0, s25, v11;
	s26 =	sshra.s32 s10, $0xD;
	s28 =	sshra.s32 s4, $0xD;
	s3 =	sshra.s32 s10, $0x1F  }
0x2f6: {  	v12 =	vmov s19;
	s25 =	sadd.s32 $0x40, s2;
	s4 =	sshrl.u32 s4, $0x1F;
	(v2sf) =	vpush v7, $0x9;
	v11 =	vsel vm1, s28, v11;
	s28 =	spop (v2sf)  }
0x2f7: {  	v8 =	vsel vm2, s21, v8;
	[dreg:$0xb] =	wrdreg s25;
	v12 =	vsel vm0, s18, v12;
	s18 =	smulhi.u32 $0x14F8B589, s28;
	s21 =	sshra.s32 s28, $0x1F  }
0x2f8: {  	v9 =	vsel vm13, s30, v9;
	s10 =	sadd.s32 s23, s11;
	v10 =	vsel vm1, s4, v10;
	(v2sf) =	vpush v7, $0xD;
	s11 =	spop (v2sf);
	s4 =	smul.u32 $0x14F8B589, s21  }
0x2f9: {  	v9 =	vsel vm5, s26, v9;
	v10 =	vsel vm2, s8, v10;
	s19 =	spop (v2sf);
	s8 =	sshra.s32 s11, $0x1F;
	s11 =	smulhi.u32 $0x14F8B589, s11  }
0x2fa: {  	v13 =	vmov s20;
	v9 =	vsel vm14, s3, v9;
	v11 =	vsel vm2, s0, v11;
	s23 =	sshra.s32 s10, $0xD;
	s0 =	sshra.s32 s7, $0xD;
	s7 =	smulhi.u32 $0x14F8B589, s19  }
0x2fb: {  	v13 =	vsel vm0, s15, v13;
	s26 =	sshra.s32 s10, $0x1F;
	v9 =	vsel vm6, s23, v9;
	s25 =	sshra.s32 s19, $0x1F;
	s8 =	smul.u32 $0x14F8B589, s8  }
0x2fc: {  	s20 =	sshrl.u32 s1, $0x1F;
	v13 =	vsel vm1, s6, v13;
	v9 =	vsel vm15, s26, v9;
	s26 =	spop (v2sf);
	s15 =	smul.u32 $0x14F8B589, s25  }
0x2fd: {  	v8 =	vsel vm4, s13, v8;
	s16 =	sshrl.u32 s10, $0x1F;
	v13 =	vsel vm2, s20, v13;
	s1 =	spop (v2sf);
	s20 =	smulhi.u32 $0x14F8B589, s26  }
0x2fe: {  	v8 =	vsel vm5, s5, v8;
	v12 =	vsel vm1, s9, v12;
	(v2sf) =	vpush v7, $0xB;
	s28 =	sshra.s32 s26, $0x1F;
	s4 =	sadd.s32 s4, s18;
	s9 =	smulhi.u32 $0x14F8B589, s1  }
0x2ff: {  	v8 =	vsel vm6, s16, v8;
	s14 =	spop (v2sf);
	s5 =	smul.u32 $0x14F8B589, s28;
	s18 =	sshra.s32 s4, $0xD  }
0x300: {  	v12 =	vsel vm2, s12, v12;
	v8 =	vsel vm7, s17, v8;
	(v2sf) =	vpush v7, $0x5;
	s1 =	sshra.s32 s1, $0x1F;
	s6 =	sshra.s32 s14, $0x1F;
	s17 =	spop (v2sf)  }
0x301: {  	v11 =	vcombine.low v11, v12;
	s7 =	sadd.s32 s15, s7;
	s10 =	smulhi.u32 $0x14F8B589, s14;
	s15 =	sshrl.u32 s4, $0x1F  }
0x302: {  	v10 =	vcombine.low v10, v13;
	v9 =	vsel vm7, s0, v9;
	(v2sf) =	vpush v7, $0xA;
	[dreg:$0x8] =	wrdreg s9;
	s23 =	sshra.s32 s17, $0x1F;
	s26 =	smulhi.u32 $0x14F8B589, s17  }
0x303: {  	v8 =	vperm.xlane v8, v2;
	v11 =	vperm.xlane v11, v1;
	s25 =	spop (v2sf);
	s9 =	sshra.s32 s7, $0x1F;
	(v2sf) =	vpush v7, $0xF;
	s6 =	smul.u32 $0x14F8B589, s6  }
0x304: {  	v9 =	vperm.xlane v9, v2;
	v10 =	vperm.xlane v10, v1;
	s5 =	sadd.s32 s5, s20;
	s0 =	spop (v2sf);
	s14 =	smul.u32 $0x14F8B589, s23  }
0x305: {  	s2 =	sshra.s32 s25, $0x1F;
	s21 =	spop (v2sf);
	(v2sf) =	vpush v7, $0x6;
	s20 =	smulhi.u32 $0x14F8B589, s0  }
0x306: {  	v8 =	vsel vm8, v8, v10;
	v9 =	vsel vm8, v9, v11;
	s30 =	sshrl.u32 s5, $0x1F;
	s3 =	sshra.s32 s0, $0x1F;
	s16 =	smulhi.u32 $0x14F8B589, s21  }
0x307: {  	v8 =	vadd.s32 v8, v9;
	s23 =	sshra.s32 s21, $0x1F;
	s0 =	spop (v2sf);
	s21 =	smulhi.u32 $0x14F8B589, s25  }
0x308: {  	v8 =	vmul.u32 $0x186A0, v8;
	s12 =	sshra.s32 s5, $0xD;
	s13 =	sadd.s32 s14, s26;
	s26 =	smulhi.u32 $0x14F8B589, s0  }
0x309: {  	s5 =	sshra.s32 s5, $0x1F;
	s28 =	sshra.s32 s0, $0x1F;
	s19 =	smul.u32 $0x14F8B589, s23  }
0x30a: {  	v8 =	vsub.s32 v5, v8;
	s0 =	sshra.s32 s4, $0x1F;
	s4 =	sadd.s32 s8, s11;
	s11 =	smul.u32 $0x14F8B589, s1  }
0x30b: {  	v5 =	vmov v7;
	v7 =	vadd.s32 v6, v8;
	v8 =	vmov s9;
	s9 =	sshra.s32 s22, $0x2;
	s17 =	sshra.s32 s13, $0xD;
	s25 =	smul.u32 $0x14F8B589, s28  }
0x30c: {  	[tilespmem:s24+$0x500] =	vst v7;
	s22 =	sshra.s32 s4, $0x1F;
	s23 =	sshra.s32 s4, $0xD;
	s19 =	sadd.s32 s19, s16  }
0x30d: {  	v7 =	vld [tilespmem:s9+$0x0];
	s16 =	sadd.s32 s6, s10;
	v8 =	vsel vm3, s23, v8;
	s28 =	sadd.s32 s25, s26;
	s14 =	spop (v2sf)  }
0x30e: {  	v8 =	vsel vm9, s22, v8;
	s26 =	sshrl.u32 s4, $0x1F;
	s24 =	smulhi.u32 $0x14F8B589, s14;
	s31 =	sshra.s32 s14, $0x1F  }
0x30f: {  	s23 =	sshra.s32 s16, $0xD;
	v8 =	vsel vm0, s18, v8;
	v9 =	vmov s26;
	s29 =	spop (v2sf);
	s6 =	smul.u32 $0x14F8B589, s31  }
0x310: {  	s18 =	sshra.s32 s28, $0xD;
	v8 =	vsel vm10, s0, v8;
	v9 =	vnsel vm3, $0x0, v9;
	s31 =	smul.u32 $0x14F8B589, s2;
	s2 =	rddreg [dreg:$0xb]  }
.Ltmp5:
0x311: {  	v8 =	vsel vm1, s12, v8;
	v9 =	vsel vm0, s15, v9;
	s15 =	sshrl.u32 s28, $0x1F;
	s14 =	spop (v2sf);
	(pc) =	sbr.rel @p0 .LBB2_12-.Ltmp5, $4  }
0x312: {  	v10 =	vsel vm11, s5, v8;
	v8 =	vsel vm1, s30, v9;
	s30 =	sshra.s32 s13, $0x1F;
	s25 =	smulhi.u32 $0x14F8B589, s29;
	s22 =	spop (v2sf);
	(v2sf) =	vpush v7, $0x1  }
0x313: {  	s8 =	sshra.s32 s29, $0x1F;
	s10 =	sshra.s32 s14, $0x1F;
	s12 =	smulhi.u32 $0x14F8B589, s14;
	(v2sf) =	vpush v7, $0x0  }
0x314: {  	s1 =	smulhi.u32 $0x14F8B589, s22;
	s4 =	sshra.s32 s22, $0x1F;
	s29 =	spop (v2sf);
	(v2sf) =	vpush v7, $0x7  }
0x315: {  	v9 =	vsel vm2, s23, v10;
	s22 =	smul.u32 $0x14F8B589, s3;
	s3 =	sshra.s32 s16, $0x1F;
	s26 =	sshra.s32 s29, $0x1F;
	(v2sf) =	vpush v7, $0x2  }
0x316: {  	_ =	sdelay $0x2  }
0x317: {  	(v2sf) =	vpush v7, $0xE  }
0x318: {  	(v2sf) =	vpush v7, $0x3  }
0x319: {  	(v2sf) =	vpush v7, $0x4  }
0x31a: {  	s0 =	smul.u32 $0x14F8B589, s4  }
0x31b: {  	s28 =	smul.u32 $0x14F8B589, s8  }
0x31c: {  	s8 =	smulhi.u32 $0x14F8B589, s29  }
0x31d: {  	s2 =	smul.u32 $0x14F8B589, s10  }
0x31e: {  	s4 =	smul.u32 $0x14F8B589, s26;
	[smem:$0x7BC] =	sst s0  }
0x31f: {  	[smem:$0x7BD] =	sst s28;
	s5 =	spop (v2sf)  }
0x320: {  	s20 =	sadd.s32 s22, s20;
	[smem:$0x7BE] =	sst s2;
	(v2sf) =	vpush v7, $0xC;
	s10 =	spop (v2sf)  }
0x321: {  	s22 =	sadd.s32 s31, s21;
	[smem:$0x7BF] =	sst s4;
	s23 =	spop (v2sf)  }
0x322: {  	s31 =	sld [smem:$0x7BC];
	(v2sf) =	vpush v7, $0x8;
	s26 =	smulhi.u32 $0x14F8B589, s5;
	s14 =	sshra.s32 s23, $0x1F  }
0x323: {  	s24 =	sadd.s32 s6, s24;
	s6 =	sld [smem:$0x7BD];
	(v2sf) =	vpush v7, $0x9;
	s28 =	smul.u32 $0x14F8B589, s14  }
0x324: {  	s21 =	sld [smem:$0x7BE];
	(v2sf) =	vpush v7, $0xD;
	s23 =	smulhi.u32 $0x14F8B589, s23  }
0x325: {  	s5 =	sshra.s32 s5, $0x1F;
	[smem:$0x7C1] =	sst s28;
	s28 =	spop (v2sf)  }
0x326: {  	s14 =	smul.u32 $0x14F8B589, s5;
	s2 =	spop (v2sf)  }
0x327: {  	[smem:$0x7C0] =	sst s23;
	s0 =	spop (v2sf)  }
0x328: {  	(v2sf) =	vpush v7, $0xB;
	s29 =	smulhi.u32 $0x14F8B589, s28;
	s28 =	sshra.s32 s28, $0x1F;
	s23 =	spop (v2sf)  }
0x329: {  	[smem:$0x7C2] =	sst s14;
	s28 =	smul.u32 $0x14F8B589, s28;
	s14 =	sshra.s32 s23, $0x1F  }
0x32a: {  	[smem:$0x7C3] =	sst s29;
	s29 =	smul.u32 $0x14F8B589, s14  }
0x32b: {  	[smem:$0x7C4] =	sst s28;
	s14 =	smulhi.u32 $0x14F8B589, s23  }
0x32c: {  	s23 =	smulhi.u32 $0x14F8B589, s10;
	[smem:$0x7C5] =	sst s29  }
0x32d: {  	s28 =	sshra.s32 s10, $0x1F;
	[smem:$0x7C6] =	sst s14  }
0x32e: {  	s10 =	smul.u32 $0x14F8B589, s28;
	[smem:$0x7C7] =	sst s23  }
0x32f: {  	s14 =	spop (v2sf);
	s29 =	smulhi.u32 $0x14F8B589, s0;
	s0 =	sshra.s32 s0, $0x1F  }
0x330: {  	[smem:$0x7C8] =	sst s10;
	s0 =	smul.u32 $0x14F8B589, s0  }
0x331: {  	s5 =	spop (v2sf);
	[smem:$0x7CA] =	sst s29  }
0x332: {  	s23 =	spop (v2sf);
	[smem:$0x7CB] =	sst s0  }
0x333: {  	s28 =	spop (v2sf);
	s29 =	smulhi.u32 $0x14F8B589, s23;
	s10 =	sshra.s32 s23, $0x1F  }
0x334: {  	s23 =	smulhi.u32 $0x14F8B589, s28;
	s0 =	sshra.s32 s28, $0x1F;
	s28 =	rddreg [dreg:$0x8]  }
0x335: {  	[smem:$0x7C9] =	sst s29;
	s11 =	sadd.s32 s11, s28;
	s28 =	smul.u32 $0x14F8B589, s0  }
0x336: {  	s0 =	sadd.s32 s31, s1;
	s1 =	sadd.s32 s6, s25;
	s25 =	sld [smem:$0x7BF]  }
0x337: {  	s4 =	spop (v2sf);
	s6 =	sld [smem:$0x7C1]  }
0x338: {  	s21 =	sadd.s32 s21, s12;
	s29 =	smul.u32 $0x14F8B589, s10;
	[smem:$0x7CC] =	sst s23  }
0x339: {  	s31 =	smulhi.u32 $0x14F8B589, s2;
	s2 =	sshra.s32 s2, $0x1F;
	[smem:$0x7CD] =	sst s0  }
0x33a: {  	s10 =	sshra.s32 s4, $0x1F;
	s12 =	smul.u32 $0x14F8B589, s2;
	s2 =	sld [smem:$0x7C0]  }
0x33b: {  	s23 =	smulhi.u32 $0x14F8B589, s4;
	s4 =	sadd.s32 s25, s8;
	s8 =	sld [smem:$0x7C2]  }
0x33c: {  	s25 =	sld [smem:$0x7C4]  }
0x33d: {  	s0 =	sadd.s32 s6, s2;
	s6 =	smul.u32 $0x14F8B589, s10;
	s10 =	sld [smem:$0x7C3]  }
0x33e: {  	_ = 	snop  }
0x33f: {  	s2 =	sld [smem:$0x7C5]  }
0x340: {  	s26 =	sadd.s32 s8, s26;
	s8 =	sadd.s32 s25, s10;
	s10 =	sld [smem:$0x7C6]  }
0x341: {  	_ = 	snop  }
0x342: {  	[smem:$0x7CE] =	sst s0  }
0x343: {  	s0 =	sadd.s32 s2, s10;
	s10 =	sld [smem:$0x7C8]  }
0x344: {  	[smem:$0x7CF] =	sst s0  }
0x345: {  	s0 =	sld [smem:$0x7C7];
	_ =	sdelay $0x1  }
0x346: {  	s2 =	smulhi.u32 $0x14F8B589, s14  }
0x347: {  	s10 =	sadd.s32 s10, s0;
	s0 =	sshra.s32 s14, $0x1F;
	s14 =	sld [smem:$0x7C9]  }
0x348: {  	s12 =	sadd.s32 s12, s31  }
0x349: {  	v9 =	vsel vm12, s3, v9;
	s3 =	sshrl.u32 s16, $0x1F;
	[dreg:$0x19] =	wrdreg s12  }
0x34a: {  	s16 =	sshrl.u32 s13, $0x1F;
	s14 =	sadd.s32 s29, s14;
	s29 =	sld [smem:$0x7CB]  }
0x34b: {  	v9 =	vsel vm4, s17, v9;
	s13 =	sshra.s32 s21, $0xD;
	s17 =	sshrl.u32 s21, $0x1F;
	(v2sf) =	vpush v7, $0x5;
	[smem:$0x7D0] =	sst s14  }
0x34c: {  	(v2sf) =	vpush v7, $0xA;
	s31 =	sshra.s32 s1, $0xD;
	s6 =	sadd.s32 s6, s23;
	s14 =	sld [smem:$0x7CA]  }
0x34d: {  	v8 =	vsel vm2, s3, v8;
	(v2sf) =	vpush v7, $0xF;
	s12 =	sshrl.u32 s19, $0x1F;
	s25 =	smulhi.u32 $0x14F8B589, s5;
	[dreg:$0x1f] =	wrdreg s6  }
0x34e: {  	v8 =	vsel vm4, s16, v8;
	s5 =	sshra.s32 s5, $0x1F;
	s6 =	sshrl.u32 s20, $0x1F;
	s16 =	sld [smem:$0x7D0]  }
0x34f: {  	v10 =	vmov s6;
	s14 =	sadd.s32 s29, s14;
	s29 =	smul.u32 $0x14F8B589, s0;
	s0 =	sld [smem:$0x7CC]  }
0x350: {  	s21 =	sshra.s32 s4, $0xD;
	s23 =	sshra.s32 s24, $0xD;
	s5 =	smul.u32 $0x14F8B589, s5;
	v10 =	vsel vm0, s12, v10  }
0x351: {  	(v2sf) =	vpush v7, $0x6;
	s6 =	sshra.s32 s7, $0xD;
	v10 =	vsel vm1, s17, v10;
	s17 =	sshrl.u32 s16, $0x1F;
	s29 =	sadd.s32 s29, s2  }
0x352: {  	s2 =	sshra.s32 s4, $0x1F;
	s4 =	sshrl.u32 s4, $0x1F;
	s0 =	sadd.s32 s28, s0  }
0x353: {  	s28 =	sadd.s32 s5, s25;
	s5 =	sshrl.u32 s11, $0x1F;
	s25 =	sshra.s32 s11, $0xD  }
0x354: {  	v9 =	vsel vm13, s30, v9;
	s11 =	sshra.s32 s20, $0xD;
	s20 =	sshra.s32 s19, $0xD;
	s19 =	sshrl.u32 s24, $0x1F  }
0x355: {  	v9 =	vsel vm5, s31, v9;
	s24 =	sshrl.u32 s1, $0x1F;
	s1 =	sshra.s32 s1, $0x1F;
	[dreg:$0x1c] =	wrdreg s0  }
0x356: {  	s0 =	sshra.s32 s22, $0xD;
	s22 =	sshrl.u32 s22, $0x1F;
	v11 =	vmov s11;
	s11 =	sshrl.u32 s7, $0x1F;
	v9 =	vsel vm14, s1, v9;
	v8 =	vsel vm5, s24, v8  }
0x357: {  	s24 =	sshra.s32 s14, $0xD;
	v11 =	vsel vm0, s20, v11;
	s20 =	sld [smem:$0x7CD];
	v12 =	vmov s0;
	s0 =	sshra.s32 s8, $0xD;
	v14 =	vmov s22  }
0x358: {  	v9 =	vsel vm6, s21, v9;
	s21 =	sshra.s32 s10, $0x1F;
	v11 =	vsel vm1, s13, v11;
	s13 =	sshrl.u32 s8, $0x1F;
	v14 =	vsel vm0, s15, v14;
	s15 =	sld [smem:$0x7CF]  }
0x359: {  	s8 =	sshra.s32 s8, $0x1F;
	v12 =	vsel vm0, s18, v12;
	s18 =	sshra.s32 s26, $0xD;
	v11 =	vsel vm2, s23, v11;
	s23 =	sld [smem:$0x7CE]  }
0x35a: {  	v9 =	vsel vm15, s2, v9;
	s7 =	sshra.s32 s20, $0xD;
	s12 =	sshrl.u32 s20, $0x1F;
	s20 =	spop (v2sf)  }
0x35b: {  	v9 =	vsel vm7, s6, v9;
	s6 =	sshrl.u32 s26, $0x1F;
	v12 =	vsel vm1, s25, v12;
	s25 =	sshra.s32 s14, $0x1F;
	s1 =	spop (v2sf)  }
0x35c: {  	v14 =	vsel vm1, s5, v14;
	s22 =	sshra.s32 s15, $0xD;
	s30 =	sshra.s32 s23, $0x1F;
	s31 =	spop (v2sf)  }
0x35d: {  	v8 =	vsel vm6, s4, v8;
	v14 =	vsel vm2, s12, v14;
	s12 =	sshra.s32 s28, $0xD;
	v13 =	vmov s30;
	s3 =	smulhi.u32 $0x14F8B589, s31;
	s30 =	sshra.s32 s31, $0x1F  }
0x35e: {  	v8 =	vsel vm7, s11, v8;
	v12 =	vsel vm2, s7, v12;
	s7 =	sshra.s32 s16, $0xD;
	s31 =	sshra.s32 s10, $0xD;
	s2 =	smul.u32 $0x14F8B589, s30  }
0x35f: {  	v10 =	vsel vm2, s19, v10;
	v8 =	vperm.xlane v8, v2;
	s10 =	sshrl.u32 s10, $0x1F;
	v13 =	vsel vm3, s31, v13;
	s30 =	sshra.s32 s26, $0x1F;
	s31 =	smulhi.u32 $0x14F8B589, s20  }
0x360: {  	v9 =	vperm.xlane v9, v2;
	v16 =	vmov s12;
	s20 =	sshra.s32 s20, $0x1F;
	s26 =	spop (v2sf);
	v13 =	vsel vm9, s21, v13;
	s21 =	smulhi.u32 $0x14F8B589, s1  }
0x361: {  	v11 =	vcombine.low v11, v12;
	v10 =	vcombine.low v10, v14;
	v15 =	vmov s10;
	s10 =	sshrl.u32 s28, $0x1F;
	s1 =	sshra.s32 s1, $0x1F;
	s4 =	smul.u32 $0x14F8B589, s20  }
0x362: {  	v16 =	vsel vm0, s7, v16;
	v15 =	vnsel vm3, $0x0, v15;
	s20 =	rddreg [dreg:$0x1f];
	v13 =	vsel vm0, s18, v13;
	s3 =	sadd.s32 s2, s3;
	s1 =	smul.u32 $0x14F8B589, s1  }
0x363: {  	v11 =	vperm.xlane v11, v1;
	v15 =	vsel vm0, s6, v15;
	s2 =	rddreg [dreg:$0x19];
	v13 =	vsel vm10, s30, v13;
	s5 =	sadd.s32 s4, s31;
	s30 =	sshra.s32 s26, $0x1F  }
0x364: {  	v17 =	vmov s10;
	s4 =	smulhi.u32 $0x14F8B589, s26;
	v15 =	vsel vm1, s13, v15;
	s26 =	sshrl.u32 s14, $0x1F;
	v13 =	vsel vm1, s0, v13;
	s1 =	sadd.s32 s1, s21  }
0x365: {  	v17 =	vsel vm0, s17, v17;
	s11 =	sshrl.u32 s20, $0x1F;
	v15 =	vsel vm2, s26, v15;
	v13 =	vsel vm11, s8, v13;
	s19 =	sshra.s32 s1, $0xD;
	s1 =	sshrl.u32 s1, $0x1F  }
0x366: {  	s0 =	smul.u32 $0x14F8B589, s30;
	s21 =	sshra.s32 s20, $0xD;
	v13 =	vsel vm2, s24, v13;
	v16 =	vsel vm1, s19, v16;
	s24 =	sshra.s32 s29, $0xD;
	v17 =	vsel vm1, s1, v17  }
0x367: {  	s31 =	sshra.s32 s15, $0x1F;
	v13 =	vsel vm12, s25, v13;
	v18 =	vmov s24;
	s25 =	sshrl.u32 s29, $0x1F;
	v16 =	vsel vm2, s21, v16;
	s29 =	rddreg [dreg:$0x1c]  }
0x368: {  	s0 =	sadd.s32 s0, s4;
	v17 =	vsel vm2, s11, v17;
	v13 =	vsel vm4, s22, v13;
	v19 =	vmov s25;
	s30 =	sshra.s32 s29, $0xD;
	s4 =	sshrl.u32 s29, $0x1F  }
0x369: {  	s7 =	sshrl.u32 s2, $0x1F;
	s18 =	sshra.s32 s5, $0xD;
	v13 =	vsel vm13, s31, v13;
	s31 =	sshrl.u32 s15, $0x1F;
	v18 =	vsel vm0, s30, v18;
	v19 =	vsel vm0, s4, v19  }
0x36a: {  	s12 =	sshra.s32 s2, $0xD;
	s13 =	sshrl.u32 s3, $0x1F;
	s22 =	sshra.s32 s5, $0x1F;
	v13 =	vsel vm5, s18, v13;
	v15 =	vsel vm4, s31, v15;
	v19 =	vsel vm1, s7, v19  }
0x36b: {  	s14 =	sshra.s32 s3, $0xD;
	s28 =	sshra.s32 s0, $0xD;
	s15 =	sshrl.u32 s5, $0x1F;
	v18 =	vsel vm1, s12, v18;
	v13 =	vsel vm14, s22, v13;
	v19 =	vsel vm2, s13, v19  }
0x36c: {  	s8 =	sshra.s32 s0, $0x1F;
	s0 =	sshrl.u32 s0, $0x1F;
	v18 =	vsel vm2, s14, v18;
	v15 =	vsel vm5, s15, v15;
	v13 =	vsel vm6, s28, v13  }
0x36d: {  	s17 =	sshrl.u32 s23, $0x1F;
	v60 =	vcombine.low v16, v18;
	v61 =	vcombine.low v17, v19;
	v15 =	vsel vm6, s0, v15  }
0x36e: {  	s16 =	sshra.s32 s23, $0xD;
	v10 =	vperm.xlane v10, v1;
	v13 =	vsel vm15, s8, v13;
	v15 =	vsel vm7, s17, v15  }
0x36f: {  	v13 =	vsel vm7, s16, v13;
	v12 =	vperm.xlane v60, v1;
	v14 =	vperm.xlane v61, v1  }
0x370: {  	v15 =	vperm.xlane v15, v2;
	v13 =	vperm.xlane v13, v2  }
0x371: {  	v8 =	vsel vm8, v8, v10;
	v9 =	vsel vm8, v9, v11  }
0x372: {  	v8 =	vadd.s32 v8, v9;
	v62 =	vsel vm8, v15, v14;
	v63 =	vsel vm8, v13, v12  }
0x373: {  	v8 =	vmul.u32 $0x186A0, v8;
	v9 =	vadd.s32 v62, v63  }
0x374: {  	v9 =	vmul.u32 $0x186A0, v9  }
0x375: {  	v5 =	vsub.s32 v5, v8  }
0x376: {  	v5 =	vadd.s32 v6, v5;
	s18 =	rddreg [dreg:$0x4];
	v7 =	vsub.s32 v7, v9  }
0x377: {  	s10 =	simm.s32 $0x40;
	[tilespmem:s18+$0x500] =	vst v5;
	v5 =	vadd.s32 v6, v7  }
0x378: {  	s20 =	simm.s32 $0xF00;
	s19 =	simm.s32 $0x500;
	s0 =	rddreg [dreg:$0xd];
	[tilespmem:s9+$0x500] =	vst v5  }
0x379: {  	[tilespmem:s20], [sflag:$0x1] =	stream.indirect.gather [hbm4b:s0+s10], $0x20, s19, s10, $0xb8;
	[tilespmem:$0x15800] =	vst v63  }
0x37a: {  	s21 =	simm.s32 $0x540;
	s22 =	simm.s32 $0x1700  }
0x37b: {  	[tilespmem:s22], [sflag:$0x1] =	stream.indirect.gather [hbm4b:s0+s10], $0x20, s21, s10, $0xb8;
	[tilespmem:$0x15800] =	vst v63  }
0x37c: {  	s23 =	simm.s32 $0x580;
	s24 =	simm.s32 $0x1F00  }
0x37d: {  	[tilespmem:s24], [sflag:$0x1] =	stream.indirect.gather [hbm4b:s0+s10], $0x20, s23, s10, $0xb8;
	[tilespmem:$0x15800] =	vst v63  }
0x37e: {  	s26 =	simm.s32 $0x2700;
	s25 =	simm.s32 $0x5C0  }
0x37f: {  	[tilespmem:s26], [sflag:$0x1] =	stream.indirect.gather [hbm4b:s0+s10], $0x20, s25, s10, $0xb8;
	[tilespmem:$0x15800] =	vst v63  }
0x380: {  	s29 =	simm.s32 $0x2F00;
	s28 =	simm.s32 $0x600  }
0x381: {  	[tilespmem:s29], [sflag:$0x1] =	stream.indirect.gather [hbm4b:s0+s10], $0x20, s28, s10, $0xb8;
	[tilespmem:$0x15800] =	vst v63  }
0x382: {  	s30 =	simm.s32 $0x640;
	s31 =	simm.s32 $0x3700  }
0x383: {  	[tilespmem:s31], [sflag:$0x1] =	stream.indirect.gather [hbm4b:s0+s10], $0x20, s30, s10, $0xb8;
	[tilespmem:$0x15800] =	vst v63  }
0x384: {  	s2 =	simm.s32 $0x680;
	s3 =	simm.s32 $0x3F00  }
0x385: {  	[tilespmem:s3], [sflag:$0x1] =	stream.indirect.gather [hbm4b:s0+s10], $0x20, s2, s10, $0xb8;
	[tilespmem:$0x15800] =	vst v63  }
0x386: {  	s4 =	simm.s32 $0x6C0;
	s5 =	simm.s32 $0x4700  }
0x387: {  	[tilespmem:s5], [sflag:$0x1] =	stream.indirect.gather [hbm4b:s0+s10], $0x20, s4, s10, $0xb8;
	[tilespmem:$0x15800] =	vst v63  }
0x388: {  	s6 =	simm.s32 $0x700;
	s7 =	simm.s32 $0x4F00  }
0x389: {  	[tilespmem:s7], [sflag:$0x1] =	stream.indirect.gather [hbm4b:s0+s10], $0x20, s6, s10, $0xb8;
	[tilespmem:$0x15800] =	vst v63  }
0x38a: {  	s8 =	simm.s32 $0x740;
	s9 =	simm.s32 $0x5700  }
0x38b: {  	[tilespmem:s9], [sflag:$0x1] =	stream.indirect.gather [hbm4b:s0+s10], $0x20, s8, s10, $0xb8;
	[tilespmem:$0x15800] =	vst v63  }
0x38c: {  	s11 =	simm.s32 $0x780;
	s12 =	simm.s32 $0x5F00  }
0x38d: {  	[tilespmem:s12], [sflag:$0x1] =	stream.indirect.gather [hbm4b:s0+s10], $0x20, s11, s10, $0xb8;
	[tilespmem:$0x15800] =	vst v63  }
0x38e: {  	s13 =	simm.s32 $0x7C0;
	s14 =	simm.s32 $0x6700  }
0x38f: {  	[tilespmem:s14], [sflag:$0x1] =	stream.indirect.gather [hbm4b:s0+s10], $0x20, s13, s10, $0xb8;
	[tilespmem:$0x15800] =	vst v63  }
0x390: {  	s15 =	simm.s32 $0x800;
	s16 =	simm.s32 $0x6F00  }
0x391: {  	[tilespmem:s16], [sflag:$0x1] =	stream.indirect.gather [hbm4b:s0+s10], $0x20, s15, s10, $0xb8;
	[tilespmem:$0x15800] =	vst v63  }
0x392: {  	s18 =	simm.s32 $0x7700;
	s17 =	simm.s32 $0x840  }
0x393: {  	[tilespmem:s18], [sflag:$0x1] =	stream.indirect.gather [hbm4b:s0+s10], $0x20, s17, s10, $0xb8;
	[tilespmem:$0x15800] =	vst v63  }
0x394: {  	s19 =	simm.s32 $0x880;
	s20 =	simm.s32 $0x7F00  }
0x395: {  	[tilespmem:s20], [sflag:$0x1] =	stream.indirect.gather [hbm4b:s0+s10], $0x20, s19, s10, $0xb8;
	[tilespmem:$0x15800] =	vst v63  }
0x396: {  	s21 =	simm.s32 $0x8C0;
	s22 =	simm.s32 $0x8700  }
0x397: {  	[tilespmem:s22], [sflag:$0x1] =	stream.indirect.gather [hbm4b:s0+s10], $0x20, s21, s10, $0xb8;
	[tilespmem:$0x15800] =	vst v63  }
0x398: {  	s23 =	simm.s32 $0x900;
	s24 =	simm.s32 $0x8F00;
	s25 =	simm.s32 $0x940  }
0x399: {  	[tilespmem:s24], [sflag:$0x1] =	stream.indirect.gather [hbm4b:s0+s10], $0x20, s23, s10, $0xb8;
	[tilespmem:$0x15800] =	vst v63  }
0x39a: {  	s26 =	simm.s32 $0x9700;
	s28 =	simm.s32 $0x980;
	s29 =	simm.s32 $0x9F00  }
0x39b: {  	[tilespmem:s26], [sflag:$0x1] =	stream.indirect.gather [hbm4b:s0+s10], $0x20, s25, s10, $0xb8;
	[tilespmem:$0x15800] =	vst v63  }
0x39c: {  	s30 =	simm.s32 $0x9C0;
	s31 =	simm.s32 $0xA700;
	s3 =	simm.s32 $0x14F00  }
0x39d: {  	[tilespmem:s29], [sflag:$0x1] =	stream.indirect.gather [hbm4b:s0+s10], $0x20, s28, s10, $0xb8;
	[tilespmem:$0x15800] =	vst v63  }
0x39e: {  	s4 =	simm.s32 $0x3;
	s5 =	rddreg [dreg:$0x13];
	s8 =	simm.s32 $0x0  }
0x39f: {  	[tilespmem:s31], [sflag:$0x1] =	stream.indirect.gather [hbm4b:s0+s10], $0x20, s30, s10, $0xb8;
	[tilespmem:$0x15800] =	vst v63  }
.LBB2_14:
0x3a0: {  	s0 =	simm.s32 $0x2  }
0x3a1: {  	_ =	swait.ge [sflag:s0], $0x800  }
0x3a2: {  	[sflag:s0] =	ssyncset.done $0x0  }
0x3a3: {  	[sflag:s0] =	ssyncadd.s32 $0xFFFFF800  }
0x3a4: {  	_ =	swait.ge [sflag:s0], $0x800  }
0x3a5: {  	[sflag:s0] =	ssyncset.done $0x0  }
0x3a6: {  	[sflag:s0] =	ssyncadd.s32 $0xFFFFF800  }
0x3a7: {  	_ =	swait.ge [sflag:s0], $0x800  }
0x3a8: {  	[sflag:s0] =	ssyncset.done $0x0  }
0x3a9: {  	[sflag:s0] =	ssyncadd.s32 $0xFFFFF800  }
0x3aa: {  	_ =	swait.ge [sflag:s0], $0x800  }
0x3ab: {  	[sflag:s0] =	ssyncset.done $0x0  }
0x3ac: {  	[sflag:s0] =	ssyncadd.s32 $0xFFFFF800  }
0x3ad: {  	_ =	swait.ge [sflag:s0], $0x800  }
0x3ae: {  	[sflag:s0] =	ssyncset.done $0x0  }
0x3af: {  	[sflag:s0] =	ssyncadd.s32 $0xFFFFF800  }
0x3b0: {  	_ =	swait.ge [sflag:s0], $0x800  }
0x3b1: {  	[sflag:s0] =	ssyncset.done $0x0  }
0x3b2: {  	[sflag:s0] =	ssyncadd.s32 $0xFFFFF800  }
0x3b3: {  	_ =	swait.ge [sflag:s0], $0x800  }
0x3b4: {  	[sflag:s0] =	ssyncset.done $0x0  }
0x3b5: {  	[sflag:s0] =	ssyncadd.s32 $0xFFFFF800  }
0x3b6: {  	_ =	swait.ge [sflag:s0], $0x800  }
0x3b7: {  	[sflag:s0] =	ssyncset.done $0x0  }
0x3b8: {  	[sflag:s0] =	ssyncadd.s32 $0xFFFFF800  }
0x3b9: {  	_ =	swait.ge [sflag:s0], $0x800  }
0x3ba: {  	[sflag:s0] =	ssyncset.done $0x0  }
0x3bb: {  	[sflag:s0] =	ssyncadd.s32 $0xFFFFF800  }
0x3bc: {  	_ =	swait.ge [sflag:s0], $0x800  }
0x3bd: {  	[sflag:s0] =	ssyncset.done $0x0  }
0x3be: {  	[sflag:s0] =	ssyncadd.s32 $0xFFFFF800  }
0x3bf: {  	_ =	swait.ge [sflag:s0], $0x800  }
0x3c0: {  	[sflag:s0] =	ssyncset.done $0x0  }
0x3c1: {  	[sflag:s0] =	ssyncadd.s32 $0xFFFFF800  }
0x3c2: {  	_ =	swait.ge [sflag:s0], $0x800  }
0x3c3: {  	[sflag:s0] =	ssyncset.done $0x0  }
0x3c4: {  	[sflag:s0] =	ssyncadd.s32 $0xFFFFF800  }
0x3c5: {  	_ =	swait.ge [sflag:s0], $0x800  }
0x3c6: {  	[sflag:s0] =	ssyncset.done $0x0  }
0x3c7: {  	[sflag:s0] =	ssyncadd.s32 $0xFFFFF800  }
0x3c8: {  	_ =	swait.ge [sflag:s0], $0x800  }
0x3c9: {  	[sflag:s0] =	ssyncset.done $0x0  }
0x3ca: {  	[sflag:s0] =	ssyncadd.s32 $0xFFFFF800  }
0x3cb: {  	_ =	swait.ge [sflag:s0], $0x800  }
0x3cc: {  	[sflag:s0] =	ssyncset.done $0x0  }
0x3cd: {  	[sflag:s0] =	ssyncadd.s32 $0xFFFFF800  }
0x3ce: {  	_ =	swait.ge [sflag:s0], $0x800  }
0x3cf: {  	[sflag:s0] =	ssyncset.done $0x0  }
0x3d0: {  	[sflag:s0] =	ssyncadd.s32 $0xFFFFF800  }
0x3d1: {  	_ =	swait.ge [sflag:s0], $0x800  }
0x3d2: {  	[sflag:s0] =	ssyncset.done $0x0  }
0x3d3: {  	[sflag:s0] =	ssyncadd.s32 $0xFFFFF800  }
0x3d4: {  	_ =	swait.ge [sflag:s0], $0x800  }
0x3d5: {  	[sflag:s0] =	ssyncset.done $0x0  }
0x3d6: {  	[sflag:s0] =	ssyncadd.s32 $0xFFFFF800  }
0x3d7: {  	_ =	swait.ge [sflag:s0], $0x800  }
0x3d8: {  	[sflag:s0] =	ssyncset.done $0x0  }
0x3d9: {  	[sflag:s0] =	ssyncadd.s32 $0xFFFFF800  }
0x3da: {  	_ =	swait.ge [sflag:s0], $0x800  }
0x3db: {  	[sflag:s0] =	ssyncset.done $0x0  }
0x3dc: {  	s1 =	simm.s32 $0x0;
	[sflag:s0] =	ssyncadd.s32 $0xFFFFF800  }
0x3dd: {  	v5 =	vld [tilespmem:s1+$0xB710]  }
0x3de: {  	v6 =	vld [tilespmem:s1+$0xB700]  }
0x3df: {  	v7 =	vld [tilespmem:s1+$0xAF00]  }
0x3e0: {  	v8 =	vld [tilespmem:s1+$0xAF10]  }
0x3e1: {  	v9 =	vld [tilespmem:s1+$0xBF00]  }
0x3e2: {  	v10 =	vld [tilespmem:s1+$0xBF10]  }
0x3e3: {  	v11 =	vld [tilespmem:s1+$0xC700]  }
0x3e4: {  	v6 =	vadd.f32 v6, v7;
	v7 =	vld [tilespmem:s1+$0xC710]  }
0x3e5: {  	v5 =	vadd.f32 v5, v8;
	v8 =	vld [tilespmem:s1+$0xCF00]  }
0x3e6: {  	v43 =	vld [tilespmem:s1+$0xCF10];
	v6 =	vadd.f32 v9, v6  }
0x3e7: {  	v44 =	vld [tilespmem:s1+$0xD700];
	v5 =	vadd.f32 v10, v5  }
0x3e8: {  	v45 =	vld [tilespmem:s1+$0xD710];
	v6 =	vadd.f32 v11, v6  }
0x3e9: {  	v5 =	vadd.f32 v7, v5;
	v7 =	vld [tilespmem:s1+$0xDF00]  }
0x3ea: {  	v6 =	vadd.f32 v8, v6;
	v8 =	vld [tilespmem:s1+$0xDF10]  }
0x3eb: {  	v46 =	vld [tilespmem:s1+$0xE700];
	v5 =	vadd.f32 v43, v5  }
0x3ec: {  	v47 =	vld [tilespmem:s1+$0xE710];
	v6 =	vadd.f32 v44, v6  }
0x3ed: {  	v48 =	vld [tilespmem:s1+$0xEF00];
	v5 =	vadd.f32 v45, v5  }
0x3ee: {  	v6 =	vadd.f32 v7, v6;
	v7 =	vld [tilespmem:s1+$0xEF10]  }
0x3ef: {  	v5 =	vadd.f32 v8, v5;
	v8 =	vld [tilespmem:s1+$0xF700]  }
0x3f0: {  	v49 =	vld [tilespmem:s1+$0xF710];
	v6 =	vadd.f32 v46, v6  }
0x3f1: {  	v50 =	vld [tilespmem:s1+$0xFF00];
	v5 =	vadd.f32 v47, v5  }
0x3f2: {  	v51 =	vld [tilespmem:s1+$0xFF10];
	v6 =	vadd.f32 v48, v6  }
0x3f3: {  	v5 =	vadd.f32 v7, v5;
	v7 =	vld [tilespmem:s1+$0x10700]  }
0x3f4: {  	v6 =	vadd.f32 v8, v6;
	v8 =	vld [tilespmem:s1+$0x10710]  }
0x3f5: {  	v52 =	vld [tilespmem:s1+$0x10F00];
	v5 =	vadd.f32 v49, v5  }
0x3f6: {  	v53 =	vld [tilespmem:s1+$0x10F10];
	v6 =	vadd.f32 v50, v6  }
0x3f7: {  	v54 =	vld [tilespmem:s1+$0x11700];
	v5 =	vadd.f32 v51, v5  }
0x3f8: {  	v6 =	vadd.f32 v7, v6;
	v7 =	vld [tilespmem:s1+$0x11710]  }
0x3f9: {  	v5 =	vadd.f32 v8, v5;
	v8 =	vld [tilespmem:s1+$0x11F00]  }
0x3fa: {  	v55 =	vld [tilespmem:s1+$0x11F10];
	v6 =	vadd.f32 v52, v6  }
0x3fb: {  	v56 =	vld [tilespmem:s1+$0x12700];
	v5 =	vadd.f32 v53, v5  }
0x3fc: {  	v57 =	vld [tilespmem:s1+$0x12710];
	v6 =	vadd.f32 v54, v6  }
0x3fd: {  	v5 =	vadd.f32 v7, v5;
	v7 =	vld [tilespmem:s1+$0x12F00]  }
0x3fe: {  	v6 =	vadd.f32 v8, v6;
	v8 =	vld [tilespmem:s1+$0x12F10]  }
0x3ff: {  	v58 =	vld [tilespmem:s1+$0x13700];
	v5 =	vadd.f32 v55, v5  }
0x400: {  	v59 =	vld [tilespmem:s1+$0x13710];
	v6 =	vadd.f32 v56, v6  }
0x401: {  	v60 =	vld [tilespmem:s1+$0x13F00];
	v5 =	vadd.f32 v57, v5  }
0x402: {  	s0 =	simm.s32 $0x0;
	v6 =	vadd.f32 v7, v6;
	v7 =	vld [tilespmem:s1+$0x13F10]  }
0x403: {  	v12 =	vmov s0;
	v5 =	vadd.f32 v8, v5;
	v8 =	vld [tilespmem:s1+$0x14700]  }
0x404: {  	v61 =	vld [tilespmem:s1+$0x14710];
	v12 =	vand.u32 $0x3F, v12;
	v6 =	vadd.f32 v58, v6  }
0x405: {  	v62 =	vadd.s32 v3, v12;
	v5 =	vadd.f32 v59, v5  }
0x406: {  	v63 =	vadd.s32 v4, v12;
	v6 =	vadd.f32 v60, v6  }
0x407: {  	v5 =	vadd.f32 v7, v5  }
0x408: {  	v6 =	vadd.f32 v8, v6  }
0x409: {  	v5 =	vadd.f32 v61, v5  }
0x40a: {  	[tilespmem:v62+s3+$0x0] =	vst.idx.msk $0xffff, v6  }
0x40b: {  	s7 =	simm.s32 $0x20;
	[tilespmem:v63+s3+$0x0] =	vst.idx.msk $0xffff, v5  }
0x40c: {  	v5 =	vld [tilespmem:s7+$0xB710]  }
0x40d: {  	v6 =	vld [tilespmem:s7+$0xB700]  }
0x40e: {  	s2 =	simm.s32 $0x100;
	v7 =	vld [tilespmem:s7+$0xAF00]  }
.LBB2_15:
0x40f: {  	p0 =	sne.s32 s2, $0x1F80;
	v8 =	vld [tilespmem:s7+$0xAF10]  }
0x410: {  	v9 =	vld [tilespmem:s7+$0xBF00]  }
0x411: {  	v10 =	vld [tilespmem:s7+$0xBF10]  }
0x412: {  	v11 =	vld [tilespmem:s7+$0xC700]  }
0x413: {  	v6 =	vadd.f32 v6, v7;
	v7 =	vld [tilespmem:s7+$0xC710]  }
0x414: {  	v5 =	vadd.f32 v5, v8;
	v8 =	vld [tilespmem:s7+$0xCF00]  }
0x415: {  	v6 =	vadd.f32 v9, v6;
	v9 =	vld [tilespmem:s7+$0xCF10]  }
0x416: {  	v5 =	vadd.f32 v10, v5;
	v10 =	vld [tilespmem:s7+$0xD700]  }
0x417: {  	v6 =	vadd.f32 v11, v6;
	v11 =	vld [tilespmem:s7+$0xD710]  }
0x418: {  	v5 =	vadd.f32 v7, v5;
	v7 =	vld [tilespmem:s7+$0xDF00]  }
0x419: {  	v6 =	vadd.f32 v8, v6;
	v8 =	vld [tilespmem:s7+$0xDF10]  }
0x41a: {  	v5 =	vadd.f32 v9, v5;
	v9 =	vld [tilespmem:s7+$0xE700]  }
0x41b: {  	v6 =	vadd.f32 v10, v6;
	v10 =	vld [tilespmem:s7+$0xE710]  }
0x41c: {  	v5 =	vadd.f32 v11, v5;
	v11 =	vld [tilespmem:s7+$0xEF00]  }
0x41d: {  	v6 =	vadd.f32 v7, v6;
	v7 =	vld [tilespmem:s7+$0xEF10]  }
0x41e: {  	v5 =	vadd.f32 v8, v5;
	v8 =	vld [tilespmem:s7+$0xF700]  }
0x41f: {  	v6 =	vadd.f32 v9, v6;
	v9 =	vld [tilespmem:s7+$0xF710]  }
0x420: {  	v5 =	vadd.f32 v10, v5;
	v10 =	vld [tilespmem:s7+$0xFF00]  }
0x421: {  	v6 =	vadd.f32 v11, v6;
	v11 =	vld [tilespmem:s7+$0xFF10]  }
0x422: {  	v5 =	vadd.f32 v7, v5;
	v7 =	vld [tilespmem:s7+$0x10700]  }
0x423: {  	v6 =	vadd.f32 v8, v6;
	v8 =	vld [tilespmem:s7+$0x10710]  }
0x424: {  	v5 =	vadd.f32 v9, v5;
	v9 =	vld [tilespmem:s7+$0x10F00]  }
0x425: {  	v6 =	vadd.f32 v10, v6;
	v10 =	vld [tilespmem:s7+$0x10F10]  }
0x426: {  	v5 =	vadd.f32 v11, v5;
	v11 =	vld [tilespmem:s7+$0x11700]  }
0x427: {  	v6 =	vadd.f32 v7, v6;
	v7 =	vld [tilespmem:s7+$0x11710]  }
0x428: {  	v5 =	vadd.f32 v8, v5;
	v8 =	vld [tilespmem:s7+$0x11F00]  }
0x429: {  	v6 =	vadd.f32 v9, v6;
	v9 =	vld [tilespmem:s7+$0x11F10]  }
0x42a: {  	v5 =	vadd.f32 v10, v5;
	v10 =	vld [tilespmem:s7+$0x12700]  }
0x42b: {  	v6 =	vadd.f32 v11, v6;
	v11 =	vld [tilespmem:s7+$0x12710]  }
0x42c: {  	v5 =	vadd.f32 v7, v5;
	v7 =	vld [tilespmem:s7+$0x12F00]  }
0x42d: {  	v6 =	vadd.f32 v8, v6;
	v8 =	vld [tilespmem:s7+$0x12F10]  }
0x42e: {  	v5 =	vadd.f32 v9, v5;
	v9 =	vld [tilespmem:s7+$0x13700]  }
0x42f: {  	v6 =	vadd.f32 v10, v6;
	v10 =	vld [tilespmem:s7+$0x13710]  }
0x430: {  	v5 =	vadd.f32 v11, v5;
	v11 =	vld [tilespmem:s7+$0x13F00]  }
0x431: {  	s0 =	sadd.s32 $0x1, s0;
	v6 =	vadd.f32 v7, v6;
	v7 =	vld [tilespmem:s7+$0x13F10]  }
0x432: {  	v12 =	vmov s0;
	v5 =	vadd.f32 v8, v5;
	v8 =	vld [tilespmem:s7+$0x14700]  }
0x433: {  	v12 =	vand.u32 $0x3F, v12;
	v6 =	vadd.f32 v9, v6;
	v9 =	vld [tilespmem:s7+$0x14710]  }
0x434: {  	v5 =	vadd.f32 v10, v5;
	v10 =	vadd.s32 v3, v12  }
0x435: {  	v6 =	vadd.f32 v11, v6;
	v11 =	vadd.s32 v4, v12  }
0x436: {  	v5 =	vadd.f32 v7, v5  }
0x437: {  	v6 =	vadd.f32 v8, v6  }
0x438: {  	v5 =	vadd.f32 v9, v5  }
.Ltmp6:
0x439: {  	[tilespmem:v10+s3+$0x0] =	vst.idx.msk $0xffff, v6;
	(pc) =	sbr.rel @p0 .LBB2_15-.Ltmp6, $4  }
0x43a: {  	s7 =	sshra.s32 s2, $0x2;
	[tilespmem:v11+s3+$0x0] =	vst.idx.msk $0xffff, v5  }
0x43b: {  	v5 =	vld [tilespmem:s7+$0xB710]  }
0x43c: {  	v6 =	vld [tilespmem:s7+$0xB700]  }
0x43d: {  	s2 =	sadd.s32 $0x80, s2;
	v7 =	vld [tilespmem:s7+$0xAF00]  }
0x43e: {  	v8 =	vld [tilespmem:s7+$0xAF10]  }
0x43f: {  	v9 =	vld [tilespmem:s7+$0xBF00]  }
0x440: {  	v10 =	vld [tilespmem:s7+$0xBF10]  }
0x441: {  	v11 =	vld [tilespmem:s7+$0xC700]  }
0x442: {  	v6 =	vadd.f32 v6, v7;
	v7 =	vld [tilespmem:s7+$0xC710]  }
0x443: {  	v36 =	vld [tilespmem:s7+$0xCF00];
	v5 =	vadd.f32 v5, v8  }
0x444: {  	v37 =	vld [tilespmem:s7+$0xCF10];
	v6 =	vadd.f32 v9, v6  }
0x445: {  	v38 =	vld [tilespmem:s7+$0xD700];
	v5 =	vadd.f32 v10, v5  }
0x446: {  	v39 =	vld [tilespmem:s7+$0xD710];
	v6 =	vadd.f32 v11, v6  }
0x447: {  	v5 =	vadd.f32 v7, v5;
	v7 =	vld [tilespmem:s7+$0xDF00]  }
0x448: {  	v40 =	vld [tilespmem:s7+$0xDF10];
	v6 =	vadd.f32 v36, v6  }
0x449: {  	v41 =	vld [tilespmem:s7+$0xE700];
	v5 =	vadd.f32 v37, v5  }
0x44a: {  	v42 =	vld [tilespmem:s7+$0xE710];
	v6 =	vadd.f32 v38, v6  }
0x44b: {  	v43 =	vld [tilespmem:s7+$0xEF00];
	v5 =	vadd.f32 v39, v5  }
0x44c: {  	v6 =	vadd.f32 v7, v6;
	v7 =	vld [tilespmem:s7+$0xEF10]  }
0x44d: {  	v44 =	vld [tilespmem:s7+$0xF700];
	v5 =	vadd.f32 v40, v5  }
0x44e: {  	v45 =	vld [tilespmem:s7+$0xF710];
	v6 =	vadd.f32 v41, v6  }
0x44f: {  	v46 =	vld [tilespmem:s7+$0xFF00];
	v5 =	vadd.f32 v42, v5  }
0x450: {  	v47 =	vld [tilespmem:s7+$0xFF10];
	v6 =	vadd.f32 v43, v6  }
0x451: {  	v5 =	vadd.f32 v7, v5;
	v7 =	vld [tilespmem:s7+$0x10700]  }
0x452: {  	v48 =	vld [tilespmem:s7+$0x10710];
	v6 =	vadd.f32 v44, v6  }
0x453: {  	v49 =	vld [tilespmem:s7+$0x10F00];
	v5 =	vadd.f32 v45, v5  }
0x454: {  	v50 =	vld [tilespmem:s7+$0x10F10];
	v6 =	vadd.f32 v46, v6  }
0x455: {  	v51 =	vld [tilespmem:s7+$0x11700];
	v5 =	vadd.f32 v47, v5  }
0x456: {  	v6 =	vadd.f32 v7, v6;
	v7 =	vld [tilespmem:s7+$0x11710]  }
0x457: {  	v52 =	vld [tilespmem:s7+$0x11F00];
	v5 =	vadd.f32 v48, v5  }
0x458: {  	v53 =	vld [tilespmem:s7+$0x11F10];
	v6 =	vadd.f32 v49, v6  }
0x459: {  	v54 =	vld [tilespmem:s7+$0x12700];
	v5 =	vadd.f32 v50, v5  }
0x45a: {  	v55 =	vld [tilespmem:s7+$0x12710];
	v6 =	vadd.f32 v51, v6  }
0x45b: {  	v5 =	vadd.f32 v7, v5;
	v7 =	vld [tilespmem:s7+$0x12F00]  }
0x45c: {  	v56 =	vld [tilespmem:s7+$0x12F10];
	v6 =	vadd.f32 v52, v6  }
0x45d: {  	v57 =	vld [tilespmem:s7+$0x13700];
	v5 =	vadd.f32 v53, v5  }
0x45e: {  	v58 =	vld [tilespmem:s7+$0x13710];
	v6 =	vadd.f32 v54, v6  }
0x45f: {  	v59 =	vld [tilespmem:s7+$0x13F00];
	v5 =	vadd.f32 v55, v5  }
0x460: {  	s0 =	sadd.s32 $0x1, s0;
	v6 =	vadd.f32 v7, v6;
	v7 =	vld [tilespmem:s7+$0x13F10]  }
0x461: {  	v60 =	vld [tilespmem:s7+$0x14700];
	v12 =	vmov s0;
	v5 =	vadd.f32 v56, v5  }
0x462: {  	v61 =	vld [tilespmem:s7+$0x14710];
	v12 =	vand.u32 $0x3F, v12;
	v6 =	vadd.f32 v57, v6  }
0x463: {  	v62 =	vadd.s32 v3, v12;
	v5 =	vadd.f32 v58, v5  }
0x464: {  	v63 =	vadd.s32 v4, v12;
	v6 =	vadd.f32 v59, v6  }
0x465: {  	s29 =	rddreg [dreg:$0x14];
	v5 =	vadd.f32 v7, v5  }
0x466: {  	s1 =	rddreg [dreg:$0x15];
	s0 =	sshll.u32 s29, $0x11;
	v6 =	vadd.f32 v60, v6  }
0x467: {  	s0 =	sor.u32 s1, s0;
	v5 =	vadd.f32 v61, v5  }
0x468: {  	s30 =	rddreg [dreg:$0xe];
	s0 =	sshrl.u32 s0, $0x3;
	[tilespmem:v62+s3+$0x0] =	vst.idx.msk $0xffff, v6  }
0x469: {  	s31 =	simm.s32 $0x14F00;
	s1 =	simm.s32 $0x120;
	s0 =	sadd.s32 s30, s0;
	[tilespmem:v63+s3+$0x0] =	vst.idx.msk $0xffff, v5  }
0x46a: {  	[hbm4b:s0+s8] =	stream.linear.scatter [tilespmem:s31], [sflag:$0x3], $0x40, $0x38;
	[tilespmem:$0x15800] =	vst v63  }
.LBB2_17:
0x46b: {  	p0 =	sne.s32 s1, $0x22E0  }
.Ltmp7:
0x46c: {  	_ = 	snop;
	(pc) =	sbr.rel @p0 .LBB2_17-.Ltmp7, $4  }
0x46d: {  	_ = 	snop  }
0x46e: {  	s2 =	sshra.s32 s1, $0x2;
	s1 =	sadd.s32 $0x120, s1  }
0x46f: {  	s0 =	sadd.s32 $0x200, s0;
	s2 =	sadd.s32 $0x14F00, s2  }
0x470: {  	[hbm4b:s0+s8] =	stream.linear.scatter [tilespmem:s2], [sflag:$0x3], $0x40, $0x38;
	[tilespmem:$0x15800] =	vst v63  }
0x471: {  	s5 =	sadd.s32 $0x1, s5  }
0x472: {  	p0 =	sne.s32 s5, $0x1A  }
.Ltmp8:
0x473: {  	_ = 	snop;
	(pc) =	sbr.rel @p0 .LBB2_4-.Ltmp8, $4  }
0x474: {  	_ = 	snop  }
0x475: {  	_ =	swait.ge [sflag:s4], $0x800  }
0x476: {  	[sflag:s4] =	ssyncset.done $0x0  }
0x477: {  	[sflag:s4] =	ssyncadd.s32 $0xFFFFF800  }
0x478: {  	s1 =	rddreg [dreg:$0x12]  }
0x479: {  	s0 =	rddreg [dreg:$0x11];
	s1 =	sadd.s32 $0x1, s1  }
0x47a: {  	p0 =	sne.s32 s1, s0  }
.Ltmp9:
0x47b: {  	_ = 	snop;
	(pc) =	sbr.rel @p0 .LBB2_1-.Ltmp9, $1  }
0x47c: {  	_ =	sdelay $0x3  }
0x47d: {  	_ =	sfence.sel $0x180000  }
0x47e: {  	[bflag:$0x0] =	sbarrier.arrive $0xFFFF  }
0x47f: {  	_ =	strace $0x90000047  }
0x480: {  	s0 =	stileid.u32;
	[bflag:$0x2] =	sbarrier.arrive $0xFFFF  }
0x481: {  	p0 =	sne.s32 s0, $0x0;
	s0 =	rddreg [dreg:$0x2]  }
0x482: {  	s0 =	sadd.s32 @!p0 $0x100000, s0  }
0x483: {  	[sflag:s0] =	ssyncadd.tile.s32 @!p0 $0x1;
	_ =	shalt  }
.Lfunc_end2:
_tile_overlayer_lowered:
.L_overlay_start_2:
0x484: {  	(tag) =	ssettag $0x2  }
0x485: {  	s0 =	rddreg [dreg:$0x0];
	s2 =	stileid.u32  }
0x486: {  	s1 =	rddreg [dreg:$0x1];
	p0 =	sne.s32 s2, $0x0  }
0x487: {  	s3 =	rddreg [dreg:$0x2];
	[bflag:$0x3] =	sbarrier.arrive $0xFFFF;
	s2 =	simm.s32 @!p0 $0x1C03  }
0x488: {  	[timem:s3], [sflag:s2] =	dma.local @!p0 [hbm:s0], s1  }
0x489: {  	s0 =	simm.s32 @!p0 $0x3  }
0x48a: {  	_ =	swait.ge @!p0 [sflag:s0], s1  }
0x48b: {  	s1 =	ssub.s32 @!p0 $0x0, s1;
	[sflag:s0] =	ssyncset.done @!p0 $0x0  }
0x48c: {  	[sflag:s0] =	ssyncadd.s32 @!p0 s1  }
0x48d: {  	[bflag:$0x3] =	sbarrier.arrive $0xFFFF  }
0x48e: {  	_ =	shalt  }

</sc_bundles>
